<compile_context>
chip_gen: v7x
topology: tpu7x:2x2x1
jax: 0.10.2.dev20260603
libtpu: 0.0.44.dev20260713+nightly
codegen_flags: <defaults>
</compile_context>

<pallas_src>
import functools

import jax
import jax.numpy as jnp
from jax import lax
from jax.experimental import pallas as pl
from jax.experimental.pallas import tpu as pltpu
from jax.experimental.pallas import tpu_sc as plsc

N = 10000
E = 320000
D = 128
G = 128
OUT = 10

NC = 2
NS = 16
NW = NC * NS
CHUNK = 64
PCH = 16
NCH = 160
TOTC = NW * NCH
EPAD = TOTC * CHUNK
NPAD = 10112
STRIPE = NPAD // NS


def _seg_sum_sc(h, src_t, dst_t):
  mesh = plsc.VectorSubcoreMesh(core_axis_name="c", subcore_axis_name="s")

  @functools.partial(
      pl.kernel,
      mesh=mesh,
      out_type=jax.ShapeDtypeStruct((NC, NPAD, D), jnp.float32),
      scratch_types=[
          pltpu.VMEM((2, PCH, CHUNK), jnp.int32),
          pltpu.VMEM((2, PCH, CHUNK), jnp.int32),
          pltpu.VMEM((CHUNK, D), jnp.float32),
          pltpu.VMEM((CHUNK, D), jnp.float32),
          pltpu.VMEM((CHUNK, D), jnp.float32),
          pltpu.VMEM((CHUNK, D), jnp.float32),
          pltpu.VMEM_SHARED((NPAD, D), jnp.float32),
          pltpu.SemaphoreType.DMA,
          pltpu.SemaphoreType.DMA,
          pltpu.SemaphoreType.DMA,
          pltpu.SemaphoreType.DMA,
          pltpu.SemaphoreType.DMA,
      ],
  )
  def k(h_hbm, src_hbm, dst_hbm, out_hbm, src_v, dst_v, rows0, rows1,
        rows2, rows3, acc_sh, sem0, sem1, sem2, sem3, semi):
    c = lax.axis_index("c")
    s = lax.axis_index("s")
    rows = (rows0, rows1, rows2, rows3)
    sems = (sem0, sem1, sem2, sem3)

    @pl.loop(0, CHUNK)
    def _(r):
      @pl.loop(0, D // 16)
      def _(k16):
        rows0.at[r, pl.ds(k16 * 16, 16)][...] = jnp.zeros((16,), jnp.float32)

    z0 = s * STRIPE
    for j in range(STRIPE // CHUNK):
      pltpu.sync_copy(rows0, acc_sh.at[pl.ds(z0 + j * CHUNK, CHUNK)])
    rem_rows = STRIPE % CHUNK
    if rem_rows:
      pltpu.sync_copy(rows0.at[pl.ds(0, rem_rows)],
                      acc_sh.at[pl.ds(z0 + STRIPE - rem_rows, rem_rows)])

    plsc.subcore_barrier()

    wid = s * NC + c
    base = wid * NCH

    def gth(sidx, j, r):
      pltpu.async_copy(h_hbm.at[sidx.at[j]], rows[r], sems[r])

    def gwait(sidx, j, r):
      pltpu.make_async_copy(h_hbm.at[sidx.at[j]], rows[r], sems[r]).wait()

    def sadd(didx, j, r):
      pltpu.sync_copy(rows[r], acc_sh.at[didx.at[j]], add=True)

    pltpu.sync_copy(src_hbm.at[pl.ds(base, PCH)], src_v.at[0])
    pltpu.sync_copy(dst_hbm.at[pl.ds(base, PCH)], dst_v.at[0])

    @pl.loop(0, NCH // PCH)
    def _(q):
      qb = lax.rem(q, 2)
      nqb = lax.rem(q + 1, 2)

      @pl.when(q > 0)
      def _():
        pltpu.make_async_copy(
            src_hbm.at[pl.ds(base + q * PCH, PCH)], src_v.at[qb], semi
        ).wait()
        pltpu.make_async_copy(
            dst_hbm.at[pl.ds(base + q * PCH, PCH)], dst_v.at[qb], semi
        ).wait()

      @pl.when(q + 1 < NCH // PCH)
      def _():
        pltpu.async_copy(
            src_hbm.at[pl.ds(base + (q + 1) * PCH, PCH)], src_v.at[nqb],
            semi)
        pltpu.async_copy(
            dst_hbm.at[pl.ds(base + (q + 1) * PCH, PCH)], dst_v.at[nqb],
            semi)

      sidx = src_v.at[qb]
      didx = dst_v.at[qb]
      gth(sidx, 0, 0)
      gth(sidx, 1, 1)
      gth(sidx, 2, 2)

      @pl.loop(0, PCH // 4)
      def _(i):
        j = i * 4
        gth(sidx, j + 3, 3)
        gwait(sidx, j, 0)
        sadd(didx, j, 0)

        @pl.when(j + 4 < PCH)
        def _():
          gth(sidx, j + 4, 0)

        gwait(sidx, j + 1, 1)
        sadd(didx, j + 1, 1)

        @pl.when(j + 5 < PCH)
        def _():
          gth(sidx, j + 5, 1)

        gwait(sidx, j + 2, 2)
        sadd(didx, j + 2, 2)

        @pl.when(j + 6 < PCH)
        def _():
          gth(sidx, j + 6, 2)

        gwait(sidx, j + 3, 3)
        sadd(didx, j + 3, 3)

    plsc.subcore_barrier()

    pltpu.sync_copy(acc_sh.at[pl.ds(z0, STRIPE)],
                    out_hbm.at[c].at[pl.ds(z0, STRIPE)])

  return k(h, src_t, dst_t)


_PREC = lax.Precision.HIGHEST


def _gin_ln_body(t_ref, p0_ref, p1_ref, w1_ref, b1_ref, w2_ref, b2_ref,
                 g_ref, bb_ref, o_ref):
  h = t_ref[...] + p0_ref[0] + p1_ref[0]
  a = jnp.maximum(
      jnp.dot(h, w1_ref[...], precision=_PREC,
              preferred_element_type=jnp.float32) + b1_ref[...], 0.0)
  hp = jnp.dot(a, w2_ref[...], precision=_PREC,
               preferred_element_type=jnp.float32) + b2_ref[...]
  r = jnp.maximum(hp, 0.0)
  mu = jnp.mean(r, axis=-1, keepdims=True)
  var = jnp.mean((r - mu) ** 2, axis=-1, keepdims=True)
  o_ref[...] = (r - mu) * lax.rsqrt(var + 1e-5) * g_ref[...] + bb_ref[...]


BLK = 400
NBLK = N // BLK


def _gin_ln_tc(t, parts, w1, b1, w2, b2, g, bb):
  return pl.pallas_call(
      _gin_ln_body,
      grid=(NBLK,),
      in_specs=[
          pl.BlockSpec((BLK, D), lambda i: (i, 0)),
          pl.BlockSpec((1, BLK, D), lambda i: (0, i, 0)),
          pl.BlockSpec((1, BLK, D), lambda i: (1, i, 0)),
          pl.BlockSpec((D, D), lambda i: (0, 0)),
          pl.BlockSpec((1, D), lambda i: (0, 0)),
          pl.BlockSpec((D, D), lambda i: (0, 0)),
          pl.BlockSpec((1, D), lambda i: (0, 0)),
          pl.BlockSpec((1, D), lambda i: (0, 0)),
          pl.BlockSpec((1, D), lambda i: (0, 0)),
      ],
      out_specs=pl.BlockSpec((BLK, D), lambda i: (i, 0)),
      out_shape=jax.ShapeDtypeStruct((N, D), jnp.float32),
  )(t, parts, parts, w1, b1, w2, b2, g, bb)


def _final_body(t_ref, p0_ref, p1_ref, w1_ref, b1_ref, w2_ref, b2_ref,
                batch_ref, wp1_ref, bp1_ref, wp2_ref, bp2_ref,
                emb_ref, logp_ref, pooled_acc, cnt_acc):
  i = pl.program_id(0)

  h = t_ref[...] + p0_ref[0] + p1_ref[0]
  a = jnp.maximum(
      jnp.dot(h, w1_ref[...], precision=_PREC,
              preferred_element_type=jnp.float32) + b1_ref[...], 0.0)
  hp = jnp.dot(a, w2_ref[...], precision=_PREC,
               preferred_element_type=jnp.float32) + b2_ref[...]
  emb_ref[...] = hp
  r = jnp.maximum(hp, 0.0)

  gid = lax.broadcasted_iota(jnp.int32, (BLK, G), 1)
  onehot = (batch_ref[...] == gid).astype(jnp.float32)
  dn = (((0,), (0,)), ((), ()))
  psum = lax.dot_general(onehot, r, dn, precision=_PREC,
                         preferred_element_type=jnp.float32)
  csum = lax.dot_general(onehot, jnp.ones((BLK, 1), jnp.float32), dn,
                         precision=_PREC, preferred_element_type=jnp.float32)

  @pl.when(i == 0)
  def _():
    pooled_acc[...] = jnp.zeros_like(pooled_acc)
    cnt_acc[...] = jnp.zeros_like(cnt_acc)

  pooled_acc[...] += psum
  cnt_acc[...] += csum

  @pl.when(i == NBLK - 1)
  def _():
    pooled = pooled_acc[...] / jnp.maximum(cnt_acc[...], 1.0)
    o1 = jnp.dot(pooled, wp1_ref[...], precision=_PREC,
                 preferred_element_type=jnp.float32) + bp1_ref[...]
    o2 = jnp.dot(o1, wp2_ref[...], precision=_PREC,
                 preferred_element_type=jnp.float32) + bp2_ref[...]
    m = jnp.max(o2, axis=1, keepdims=True)
    lse = jnp.log(jnp.sum(jnp.exp(o2 - m), axis=1, keepdims=True)) + m
    logp_ref[...] = o2 - lse


def _final_tc(t, parts, w1, b1, w2, b2, batch2d, wp1, bp1, wp2, bp2):
  return pl.pallas_call(
      _final_body,
      grid=(NBLK,),
      in_specs=[
          pl.BlockSpec((BLK, D), lambda i: (i, 0)),
          pl.BlockSpec((1, BLK, D), lambda i: (0, i, 0)),
          pl.BlockSpec((1, BLK, D), lambda i: (1, i, 0)),
          pl.BlockSpec((D, D), lambda i: (0, 0)),
          pl.BlockSpec((1, D), lambda i: (0, 0)),
          pl.BlockSpec((D, D), lambda i: (0, 0)),
          pl.BlockSpec((1, D), lambda i: (0, 0)),
          pl.BlockSpec((BLK, 1), lambda i: (i, 0)),
          pl.BlockSpec((D, D), lambda i: (0, 0)),
          pl.BlockSpec((1, D), lambda i: (0, 0)),
          pl.BlockSpec((D, OUT), lambda i: (0, 0)),
          pl.BlockSpec((1, OUT), lambda i: (0, 0)),
      ],
      out_specs=[
          pl.BlockSpec((BLK, D), lambda i: (i, 0)),
          pl.BlockSpec((G, OUT), lambda i: (0, 0)),
      ],
      out_shape=[
          jax.ShapeDtypeStruct((N, D), jnp.float32),
          jax.ShapeDtypeStruct((G, OUT), jnp.float32),
      ],
      scratch_shapes=[
          pltpu.VMEM((G, D), jnp.float32),
          pltpu.VMEM((G, 1), jnp.float32),
      ],
  )(t, parts, parts, w1, b1, w2, b2, batch2d, wp1, bp1, wp2, bp2)


def kernel(x, edge_index, batch,
           W1_0, b1_0, W2_0, b2_0,
           W1_1, b1_1, W2_1, b2_1,
           W1_2, b1_2, W2_2, b2_2,
           ln0_g, ln0_b, ln1_g, ln1_b,
           Wp1, bp1, Wp2, bp2):
  src = edge_index[0]
  dst = edge_index[1]
  pad = EPAD - E
  ar = jnp.arange(pad, dtype=jnp.int32)
  pad_src = (ar * 997) % N
  pad_dst = N + ar % (NPAD - N)
  src_t = jnp.concatenate([src, pad_src]).reshape(TOTC, CHUNK)
  dst_t = jnp.concatenate([dst, pad_dst]).reshape(TOTC, CHUNK)
  batch2d = batch.reshape(N, 1)
  row = lambda v: v.reshape(1, -1)

  parts0 = _seg_sum_sc(x, src_t, dst_t)
  t1 = _gin_ln_tc(x, parts0, W1_0, row(b1_0), W2_0, row(b2_0),
                  row(ln0_g), row(ln0_b))
  parts1 = _seg_sum_sc(t1, src_t, dst_t)
  t2 = _gin_ln_tc(t1, parts1, W1_1, row(b1_1), W2_1, row(b2_1),
                  row(ln1_g), row(ln1_b))
  parts2 = _seg_sum_sc(t2, src_t, dst_t)
  emb, logp = _final_tc(t2, parts2, W1_2, row(b1_2), W2_2, row(b2_2),
                        batch2d, Wp1, row(bp1), Wp2, row(bp2))
  return (emb, logp)

# --- scband reference (transcript-rebuilt; emitter-appended) ---
"""Pipeline reference for scband-gnnstack-7481833029688 (READ-ONLY COPY).

The authoritative reference and input builder live on the scoring server;
editing this copy changes nothing except your own understanding.
"""

import jax, jax.numpy as jnp
import numpy as np

N = 10000
E = 320000
D = 128
H = 128
OUT = 10
G = 128


def setup_inputs(seed: int = 0) -> dict:
    key = jax.random.key(seed)
    ks = jax.random.split(key, 24)
    scale = 0.05
    inp = {}
    inp["x"] = jax.random.normal(ks[0], (N, D), dtype=jnp.float32)
    inp["edge_index"] = jax.random.randint(ks[1], (2, E), 0, N, dtype=jnp.int32)
    inp["batch"] = jnp.sort(jax.random.randint(ks[2], (N,), 0, G, dtype=jnp.int32))
    # GINConv MLP params for 3 layers (Linear -> ReLU -> Linear), all 128->128
    for i in range(3):
        inp[f"W1_{i}"] = jax.random.normal(ks[3 + 4 * i], (D if i == 0 else H, H), dtype=jnp.float32) * scale
        inp[f"b1_{i}"] = jnp.zeros((H,), dtype=jnp.float32)
        inp[f"W2_{i}"] = jax.random.normal(ks[4 + 4 * i], (H, H), dtype=jnp.float32) * scale
        inp[f"b2_{i}"] = jnp.zeros((H,), dtype=jnp.float32)
    # LayerNorm params (applied after layers 0 and 1)
    inp["ln0_g"] = jnp.ones((H,), dtype=jnp.float32)
    inp["ln0_b"] = jnp.zeros((H,), dtype=jnp.float32)
    inp["ln1_g"] = jnp.ones((H,), dtype=jnp.float32)
    inp["ln1_b"] = jnp.zeros((H,), dtype=jnp.float32)
    # post_mp: Linear(H,H) -> Dropout(eval: identity) -> Linear(H,OUT)
    inp["Wp1"] = jax.random.normal(ks[16], (H, H), dtype=jnp.float32) * scale
    inp["bp1"] = jnp.zeros((H,), dtype=jnp.float32)
    inp["Wp2"] = jax.random.normal(ks[17], (H, OUT), dtype=jnp.float32) * scale
    inp["bp2"] = jnp.zeros((OUT,), dtype=jnp.float32)
    return inp


def _gin(x, src, dst, W1, b1, W2, b2):
    # GINConv with eps=0: nn((1+eps)*x_i + sum_{j->i} x_j)
    agg = jax.ops.segment_sum(x[src], dst, num_segments=N)
    h = x + agg
    h = jnp.maximum(jnp.dot(h, W1) + b1, 0.0)
    return jnp.dot(h, W2) + b2


def _ln(x, g, b):
    mu = jnp.mean(x, axis=-1, keepdims=True)
    var = jnp.mean((x - mu) ** 2, axis=-1, keepdims=True)
    return (x - mu) / jnp.sqrt(var + 1e-5) * g + b


def reference(x, edge_index, batch,
              W1_0, b1_0, W2_0, b2_0,
              W1_1, b1_1, W2_1, b2_1,
              W1_2, b1_2, W2_2, b2_2,
              ln0_g, ln0_b, ln1_g, ln1_b,
              Wp1, bp1, Wp2, bp2):
    src, dst = edge_index[0], edge_index[1]
    # layer 0
    h = _gin(x, src, dst, W1_0, b1_0, W2_0, b2_0)
    emb = h
    h = jnp.maximum(h, 0.0)  # dropout p=0.25 is identity in eval mode
    h = _ln(h, ln0_g, ln0_b)
    # layer 1
    h = _gin(h, src, dst, W1_1, b1_1, W2_1, b2_1)
    emb = h
    h = jnp.maximum(h, 0.0)
    h = _ln(h, ln1_g, ln1_b)
    # layer 2
    h = _gin(h, src, dst, W1_2, b1_2, W2_2, b2_2)
    emb = h
    h = jnp.maximum(h, 0.0)
    # global mean pool over graphs
    sums = jax.ops.segment_sum(h, batch, num_segments=G)
    cnt = jax.ops.segment_sum(jnp.ones((N, 1), dtype=h.dtype), batch, num_segments=G)
    pooled = sums / jnp.maximum(cnt, 1.0)
    # post_mp
    o = jnp.dot(pooled, Wp1) + bp1
    o = jnp.dot(o, Wp2) + bp2
    logp = jax.nn.log_softmax(o, axis=1)
    return (emb, logp)

if __name__ == "__main__":
    import jax
    _d = setup_inputs()
    print(jax.jit(kernel)(*tuple(_d.values())))

</pallas_src>

<mosaic_0001>
#map = affine_map<(d0, d1) -> (0, 0)>
#map1 = affine_map<(d0, d1) -> (0, 0, 0)>
module attributes {stable_mosaic.version = 14 : i64} {
  func.func @k(%arg0: i32, %arg1: i32, %arg2: memref<10000x128xf32, #tpu.memory_space<hbm>>, %arg3: memref<5120x64xi32, #tpu.memory_space<hbm>>, %arg4: memref<5120x64xi32, #tpu.memory_space<hbm>>, %arg5: memref<2x10112x128xf32, #tpu.memory_space<hbm>>, %arg6: memref<2x16x64xi32, #tpu.memory_space<vmem>>, %arg7: memref<2x16x64xi32, #tpu.memory_space<vmem>>, %arg8: memref<64x128xf32, #tpu.memory_space<vmem>>, %arg9: memref<64x128xf32, #tpu.memory_space<vmem>>, %arg10: memref<64x128xf32, #tpu.memory_space<vmem>>, %arg11: memref<64x128xf32, #tpu.memory_space<vmem>>, %arg12: memref<10112x128xf32, #tpu.memory_space<vmem_shared>>, %arg13: memref<!tpu.dma_semaphore, #tpu.memory_space<semaphore_mem>>, %arg14: memref<!tpu.dma_semaphore, #tpu.memory_space<semaphore_mem>>, %arg15: memref<!tpu.dma_semaphore, #tpu.memory_space<semaphore_mem>>, %arg16: memref<!tpu.dma_semaphore, #tpu.memory_space<semaphore_mem>>, %arg17: memref<!tpu.dma_semaphore, #tpu.memory_space<semaphore_mem>>) attributes {dimension_semantics = [#tpu.dimension_semantics<core_parallel>, #tpu.dimension_semantics<subcore_parallel>], iteration_bounds = array<i64: 2, 16>, scalar_prefetch = 0 : i64, scratch_operands = 12 : i64, tpu.core_type = #tpu.core_type<sc_vector_subcore>, window_params = [{transform_indices = #map}, {transform_indices = #map}, {transform_indices = #map}, {transform_indices = #map1}]} {
    %scan3A = arith.constant 0 : i32
    %scan3A_0 = arith.constant 64 : i32
    %scan3A_1 = arith.addi %scan3A, %scan3A_0 : i32
    %scan3A_2 = arith.constant 1 : i32
    scf.for %scan3A_37 = %scan3A to %scan3A_1 step %scan3A_2  : i32 {
      %mul3A_38 = arith.constant 1 : i32
      %mul3A_39 = arith.muli %scan3A_37, %mul3A_38 : i32
      %add3A_40 = arith.constant 0 : i32
      %add3A_41 = arith.addi %add3A_40, %mul3A_39 : i32
      %scan3A_42 = arith.constant 0 : i32
      %scan3A_43 = arith.constant 8 : i32
      %scan3A_44 = arith.addi %scan3A_42, %scan3A_43 : i32
      %scan3A_45 = arith.constant 1 : i32
      scf.for %scan3A_47 = %scan3A_42 to %scan3A_44 step %scan3A_45  : i32 {
        %mul3A_48 = arith.constant 1 : i32
        %mul3A_49 = arith.muli %scan3A_47, %mul3A_48 : i32
        %add3A_50 = arith.constant 0 : i32
        %add3A_51 = arith.addi %add3A_50, %mul3A_49 : i32
        %broadcast_in_dim3A = arith.constant 0.000000e+00 : f32
        %broadcast_in_dim3A_52 = vector.broadcast %broadcast_in_dim3A : f32 to vector<16xf32>
        %mul3A_53 = arith.constant 16 : i32
        %mul3A_54 = arith.muli %add3A_51, %mul3A_53 : i32
        %swap3A = arith.index_cast %add3A_41 : i32 to index
        %swap3A_55 = arith.index_cast %mul3A_54 : i32 to index
        %swap3A_56 = tpu.vector_load %arg8[%swap3A, %swap3A_55] {strides = array<i32>} : memref<64x128xf32, #tpu.memory_space<vmem>>, vector<1x16xf32>,
        %swap3A_57 = vector.shape_cast %swap3A_56 : vector<1x16xf32> to vector<16xf32>
        %swap3A_58 = vector.shape_cast %broadcast_in_dim3A_52 : vector<16xf32> to vector<1x16xf32>
        tpu.vector_store %arg8[%swap3A, %swap3A_55], %swap3A_58 {strides = array<i32>} : memref<64x128xf32, #tpu.memory_space<vmem>>, vector<1x16xf32>,
      }
      %scan3A_46 = arith.constant 8 : i32
    }
    %scan3A_3 = arith.constant 64 : i32
    %mul3A = arith.constant 632 : i32
    %mul3A_4 = arith.muli %arg1, %mul3A : i32
    %add3A = arith.constant 0 : i32
    %add3A_5 = arith.addi %mul3A_4, %add3A : i32
    "tpu.region"() ({
      %run_scoped3A_37 = tpu.sem_alloc : memref<!tpu.dma_semaphore, #tpu.memory_space<semaphore_mem>>
      %dma_start3A = arith.constant 0 : i32
      %dma_start3A_38 = tpu.memref_slice %arg12[%add3A_5, %dma_start3A] : memref<10112x128xf32, #tpu.memory_space<vmem_shared>> -> memref<64x128xf32, #tpu.memory_space<vmem_shared>>
      %dma_start3A_39 = arith.constant 0 : i32
      %dma_start3A_40 = tpu.memref_slice %arg12[%add3A_5, %dma_start3A_39] : memref<10112x128xf32, #tpu.memory_space<vmem_shared>> -> memref<64x128xf32, #tpu.memory_space<vmem_shared>>
      tpu.enqueue_dma source(%arg8 : memref<64x128xf32, #tpu.memory_space<vmem>>) target(%dma_start3A_40 : memref<64x128xf32, #tpu.memory_space<vmem_shared>>) target_semaphore(%run_scoped3A_37 : memref<!tpu.dma_semaphore, #tpu.memory_space<semaphore_mem>>)
      %dma_wait3A = arith.constant 0 : i32
      %dma_wait3A_41 = tpu.memref_slice %arg12[%add3A_5, %dma_wait3A] : memref<10112x128xf32, #tpu.memory_space<vmem_shared>> -> memref<64x128xf32, #tpu.memory_space<vmem_shared>>
      %dma_wait3A_42 = arith.constant 0 : i32
      %dma_wait3A_43 = tpu.memref_slice %arg12[%add3A_5, %dma_wait3A_42] : memref<10112x128xf32, #tpu.memory_space<vmem_shared>> -> memref<64x128xf32, #tpu.memory_space<vmem_shared>>
      tpu.wait_dma2 semaphore(%run_scoped3A_37 : memref<!tpu.dma_semaphore, #tpu.memory_space<semaphore_mem>>) src(%arg8 : memref<64x128xf32, #tpu.memory_space<vmem>>) dst(%dma_wait3A_43 : memref<64x128xf32, #tpu.memory_space<vmem_shared>>)
      tpu.yield
    }) : () -> ()
    %add3A_6 = arith.constant 64 : i32
    %add3A_7 = arith.addi %mul3A_4, %add3A_6 : i32
    "tpu.region"() ({
      %run_scoped3A_37 = tpu.sem_alloc : memref<!tpu.dma_semaphore, #tpu.memory_space<semaphore_mem>>
      %dma_start3A = arith.constant 0 : i32
      %dma_start3A_38 = tpu.memref_slice %arg12[%add3A_7, %dma_start3A] : memref<10112x128xf32, #tpu.memory_space<vmem_shared>> -> memref<64x128xf32, #tpu.memory_space<vmem_shared>>
      %dma_start3A_39 = arith.constant 0 : i32
      %dma_start3A_40 = tpu.memref_slice %arg12[%add3A_7, %dma_start3A_39] : memref<10112x128xf32, #tpu.memory_space<vmem_shared>> -> memref<64x128xf32, #tpu.memory_space<vmem_shared>>
      tpu.enqueue_dma source(%arg8 : memref<64x128xf32, #tpu.memory_space<vmem>>) target(%dma_start3A_40 : memref<64x128xf32, #tpu.memory_space<vmem_shared>>) target_semaphore(%run_scoped3A_37 : memref<!tpu.dma_semaphore, #tpu.memory_space<semaphore_mem>>)
      %dma_wait3A = arith.constant 0 : i32
      %dma_wait3A_41 = tpu.memref_slice %arg12[%add3A_7, %dma_wait3A] : memref<10112x128xf32, #tpu.memory_space<vmem_shared>> -> memref<64x128xf32, #tpu.memory_space<vmem_shared>>
      %dma_wait3A_42 = arith.constant 0 : i32
      %dma_wait3A_43 = tpu.memref_slice %arg12[%add3A_7, %dma_wait3A_42] : memref<10112x128xf32, #tpu.memory_space<vmem_shared>> -> memref<64x128xf32, #tpu.memory_space<vmem_shared>>
      tpu.wait_dma2 semaphore(%run_scoped3A_37 : memref<!tpu.dma_semaphore, #tpu.memory_space<semaphore_mem>>) src(%arg8 : memref<64x128xf32, #tpu.memory_space<vmem>>) dst(%dma_wait3A_43 : memref<64x128xf32, #tpu.memory_space<vmem_shared>>)
      tpu.yield
    }) : () -> ()
    %add3A_8 = arith.constant 128 : i32
    %add3A_9 = arith.addi %mul3A_4, %add3A_8 : i32
    "tpu.region"() ({
      %run_scoped3A_37 = tpu.sem_alloc : memref<!tpu.dma_semaphore, #tpu.memory_space<semaphore_mem>>
      %dma_start3A = arith.constant 0 : i32
      %dma_start3A_38 = tpu.memref_slice %arg12[%add3A_9, %dma_start3A] : memref<10112x128xf32, #tpu.memory_space<vmem_shared>> -> memref<64x128xf32, #tpu.memory_space<vmem_shared>>
      %dma_start3A_39 = arith.constant 0 : i32
      %dma_start3A_40 = tpu.memref_slice %arg12[%add3A_9, %dma_start3A_39] : memref<10112x128xf32, #tpu.memory_space<vmem_shared>> -> memref<64x128xf32, #tpu.memory_space<vmem_shared>>
      tpu.enqueue_dma source(%arg8 : memref<64x128xf32, #tpu.memory_space<vmem>>) target(%dma_start3A_40 : memref<64x128xf32, #tpu.memory_space<vmem_shared>>) target_semaphore(%run_scoped3A_37 : memref<!tpu.dma_semaphore, #tpu.memory_space<semaphore_mem>>)
      %dma_wait3A = arith.constant 0 : i32
      %dma_wait3A_41 = tpu.memref_slice %arg12[%add3A_9, %dma_wait3A] : memref<10112x128xf32, #tpu.memory_space<vmem_shared>> -> memref<64x128xf32, #tpu.memory_space<vmem_shared>>
      %dma_wait3A_42 = arith.constant 0 : i32
      %dma_wait3A_43 = tpu.memref_slice %arg12[%add3A_9, %dma_wait3A_42] : memref<10112x128xf32, #tpu.memory_space<vmem_shared>> -> memref<64x128xf32, #tpu.memory_space<vmem_shared>>
      tpu.wait_dma2 semaphore(%run_scoped3A_37 : memref<!tpu.dma_semaphore, #tpu.memory_space<semaphore_mem>>) src(%arg8 : memref<64x128xf32, #tpu.memory_space<vmem>>) dst(%dma_wait3A_43 : memref<64x128xf32, #tpu.memory_space<vmem_shared>>)
      tpu.yield
    }) : () -> ()
    %add3A_10 = arith.constant 192 : i32
    %add3A_11 = arith.addi %mul3A_4, %add3A_10 : i32
    "tpu.region"() ({
      %run_scoped3A_37 = tpu.sem_alloc : memref<!tpu.dma_semaphore, #tpu.memory_space<semaphore_mem>>
      %dma_start3A = arith.constant 0 : i32
      %dma_start3A_38 = tpu.memref_slice %arg12[%add3A_11, %dma_start3A] : memref<10112x128xf32, #tpu.memory_space<vmem_shared>> -> memref<64x128xf32, #tpu.memory_space<vmem_shared>>
      %dma_start3A_39 = arith.constant 0 : i32
      %dma_start3A_40 = tpu.memref_slice %arg12[%add3A_11, %dma_start3A_39] : memref<10112x128xf32, #tpu.memory_space<vmem_shared>> -> memref<64x128xf32, #tpu.memory_space<vmem_shared>>
      tpu.enqueue_dma source(%arg8 : memref<64x128xf32, #tpu.memory_space<vmem>>) target(%dma_start3A_40 : memref<64x128xf32, #tpu.memory_space<vmem_shared>>) target_semaphore(%run_scoped3A_37 : memref<!tpu.dma_semaphore, #tpu.memory_space<semaphore_mem>>)
      %dma_wait3A = arith.constant 0 : i32
      %dma_wait3A_41 = tpu.memref_slice %arg12[%add3A_11, %dma_wait3A] : memref<10112x128xf32, #tpu.memory_space<vmem_shared>> -> memref<64x128xf32, #tpu.memory_space<vmem_shared>>
      %dma_wait3A_42 = arith.constant 0 : i32
      %dma_wait3A_43 = tpu.memref_slice %arg12[%add3A_11, %dma_wait3A_42] : memref<10112x128xf32, #tpu.memory_space<vmem_shared>> -> memref<64x128xf32, #tpu.memory_space<vmem_shared>>
      tpu.wait_dma2 semaphore(%run_scoped3A_37 : memref<!tpu.dma_semaphore, #tpu.memory_space<semaphore_mem>>) src(%arg8 : memref<64x128xf32, #tpu.memory_space<vmem>>) dst(%dma_wait3A_43 : memref<64x128xf32, #tpu.memory_space<vmem_shared>>)
      tpu.yield
    }) : () -> ()
    %add3A_12 = arith.constant 256 : i32
    %add3A_13 = arith.addi %mul3A_4, %add3A_12 : i32
    "tpu.region"() ({
      %run_scoped3A_37 = tpu.sem_alloc : memref<!tpu.dma_semaphore, #tpu.memory_space<semaphore_mem>>
      %dma_start3A = arith.constant 0 : i32
      %dma_start3A_38 = tpu.memref_slice %arg12[%add3A_13, %dma_start3A] : memref<10112x128xf32, #tpu.memory_space<vmem_shared>> -> memref<64x128xf32, #tpu.memory_space<vmem_shared>>
      %dma_start3A_39 = arith.constant 0 : i32
      %dma_start3A_40 = tpu.memref_slice %arg12[%add3A_13, %dma_start3A_39] : memref<10112x128xf32, #tpu.memory_space<vmem_shared>> -> memref<64x128xf32, #tpu.memory_space<vmem_shared>>
      tpu.enqueue_dma source(%arg8 : memref<64x128xf32, #tpu.memory_space<vmem>>) target(%dma_start3A_40 : memref<64x128xf32, #tpu.memory_space<vmem_shared>>) target_semaphore(%run_scoped3A_37 : memref<!tpu.dma_semaphore, #tpu.memory_space<semaphore_mem>>)
      %dma_wait3A = arith.constant 0 : i32
      %dma_wait3A_41 = tpu.memref_slice %arg12[%add3A_13, %dma_wait3A] : memref<10112x128xf32, #tpu.memory_space<vmem_shared>> -> memref<64x128xf32, #tpu.memory_space<vmem_shared>>
      %dma_wait3A_42 = arith.constant 0 : i32
      %dma_wait3A_43 = tpu.memref_slice %arg12[%add3A_13, %dma_wait3A_42] : memref<10112x128xf32, #tpu.memory_space<vmem_shared>> -> memref<64x128xf32, #tpu.memory_space<vmem_shared>>
      tpu.wait_dma2 semaphore(%run_scoped3A_37 : memref<!tpu.dma_semaphore, #tpu.memory_space<semaphore_mem>>) src(%arg8 : memref<64x128xf32, #tpu.memory_space<vmem>>) dst(%dma_wait3A_43 : memref<64x128xf32, #tpu.memory_space<vmem_shared>>)
      tpu.yield
    }) : () -> ()
    %add3A_14 = arith.constant 320 : i32
    %add3A_15 = arith.addi %mul3A_4, %add3A_14 : i32
    "tpu.region"() ({
      %run_scoped3A_37 = tpu.sem_alloc : memref<!tpu.dma_semaphore, #tpu.memory_space<semaphore_mem>>
      %dma_start3A = arith.constant 0 : i32
      %dma_start3A_38 = tpu.memref_slice %arg12[%add3A_15, %dma_start3A] : memref<10112x128xf32, #tpu.memory_space<vmem_shared>> -> memref<64x128xf32, #tpu.memory_space<vmem_shared>>
      %dma_start3A_39 = arith.constant 0 : i32
      %dma_start3A_40 = tpu.memref_slice %arg12[%add3A_15, %dma_start3A_39] : memref<10112x128xf32, #tpu.memory_space<vmem_shared>> -> memref<64x128xf32, #tpu.memory_space<vmem_shared>>
      tpu.enqueue_dma source(%arg8 : memref<64x128xf32, #tpu.memory_space<vmem>>) target(%dma_start3A_40 : memref<64x128xf32, #tpu.memory_space<vmem_shared>>) target_semaphore(%run_scoped3A_37 : memref<!tpu.dma_semaphore, #tpu.memory_space<semaphore_mem>>)
      %dma_wait3A = arith.constant 0 : i32
      %dma_wait3A_41 = tpu.memref_slice %arg12[%add3A_15, %dma_wait3A] : memref<10112x128xf32, #tpu.memory_space<vmem_shared>> -> memref<64x128xf32, #tpu.memory_space<vmem_shared>>
      %dma_wait3A_42 = arith.constant 0 : i32
      %dma_wait3A_43 = tpu.memref_slice %arg12[%add3A_15, %dma_wait3A_42] : memref<10112x128xf32, #tpu.memory_space<vmem_shared>> -> memref<64x128xf32, #tpu.memory_space<vmem_shared>>
      tpu.wait_dma2 semaphore(%run_scoped3A_37 : memref<!tpu.dma_semaphore, #tpu.memory_space<semaphore_mem>>) src(%arg8 : memref<64x128xf32, #tpu.memory_space<vmem>>) dst(%dma_wait3A_43 : memref<64x128xf32, #tpu.memory_space<vmem_shared>>)
      tpu.yield
    }) : () -> ()
    %add3A_16 = arith.constant 384 : i32
    %add3A_17 = arith.addi %mul3A_4, %add3A_16 : i32
    "tpu.region"() ({
      %run_scoped3A_37 = tpu.sem_alloc : memref<!tpu.dma_semaphore, #tpu.memory_space<semaphore_mem>>
      %dma_start3A = arith.constant 0 : i32
      %dma_start3A_38 = tpu.memref_slice %arg12[%add3A_17, %dma_start3A] : memref<10112x128xf32, #tpu.memory_space<vmem_shared>> -> memref<64x128xf32, #tpu.memory_space<vmem_shared>>
      %dma_start3A_39 = arith.constant 0 : i32
      %dma_start3A_40 = tpu.memref_slice %arg12[%add3A_17, %dma_start3A_39] : memref<10112x128xf32, #tpu.memory_space<vmem_shared>> -> memref<64x128xf32, #tpu.memory_space<vmem_shared>>
      tpu.enqueue_dma source(%arg8 : memref<64x128xf32, #tpu.memory_space<vmem>>) target(%dma_start3A_40 : memref<64x128xf32, #tpu.memory_space<vmem_shared>>) target_semaphore(%run_scoped3A_37 : memref<!tpu.dma_semaphore, #tpu.memory_space<semaphore_mem>>)
      %dma_wait3A = arith.constant 0 : i32
      %dma_wait3A_41 = tpu.memref_slice %arg12[%add3A_17, %dma_wait3A] : memref<10112x128xf32, #tpu.memory_space<vmem_shared>> -> memref<64x128xf32, #tpu.memory_space<vmem_shared>>
      %dma_wait3A_42 = arith.constant 0 : i32
      %dma_wait3A_43 = tpu.memref_slice %arg12[%add3A_17, %dma_wait3A_42] : memref<10112x128xf32, #tpu.memory_space<vmem_shared>> -> memref<64x128xf32, #tpu.memory_space<vmem_shared>>
      tpu.wait_dma2 semaphore(%run_scoped3A_37 : memref<!tpu.dma_semaphore, #tpu.memory_space<semaphore_mem>>) src(%arg8 : memref<64x128xf32, #tpu.memory_space<vmem>>) dst(%dma_wait3A_43 : memref<64x128xf32, #tpu.memory_space<vmem_shared>>)
      tpu.yield
    }) : () -> ()
    %add3A_18 = arith.constant 448 : i32
    %add3A_19 = arith.addi %mul3A_4, %add3A_18 : i32
    "tpu.region"() ({
      %run_scoped3A_37 = tpu.sem_alloc : memref<!tpu.dma_semaphore, #tpu.memory_space<semaphore_mem>>
      %dma_start3A = arith.constant 0 : i32
      %dma_start3A_38 = tpu.memref_slice %arg12[%add3A_19, %dma_start3A] : memref<10112x128xf32, #tpu.memory_space<vmem_shared>> -> memref<64x128xf32, #tpu.memory_space<vmem_shared>>
      %dma_start3A_39 = arith.constant 0 : i32
      %dma_start3A_40 = tpu.memref_slice %arg12[%add3A_19, %dma_start3A_39] : memref<10112x128xf32, #tpu.memory_space<vmem_shared>> -> memref<64x128xf32, #tpu.memory_space<vmem_shared>>
      tpu.enqueue_dma source(%arg8 : memref<64x128xf32, #tpu.memory_space<vmem>>) target(%dma_start3A_40 : memref<64x128xf32, #tpu.memory_space<vmem_shared>>) target_semaphore(%run_scoped3A_37 : memref<!tpu.dma_semaphore, #tpu.memory_space<semaphore_mem>>)
      %dma_wait3A = arith.constant 0 : i32
      %dma_wait3A_41 = tpu.memref_slice %arg12[%add3A_19, %dma_wait3A] : memref<10112x128xf32, #tpu.memory_space<vmem_shared>> -> memref<64x128xf32, #tpu.memory_space<vmem_shared>>
      %dma_wait3A_42 = arith.constant 0 : i32
      %dma_wait3A_43 = tpu.memref_slice %arg12[%add3A_19, %dma_wait3A_42] : memref<10112x128xf32, #tpu.memory_space<vmem_shared>> -> memref<64x128xf32, #tpu.memory_space<vmem_shared>>
      tpu.wait_dma2 semaphore(%run_scoped3A_37 : memref<!tpu.dma_semaphore, #tpu.memory_space<semaphore_mem>>) src(%arg8 : memref<64x128xf32, #tpu.memory_space<vmem>>) dst(%dma_wait3A_43 : memref<64x128xf32, #tpu.memory_space<vmem_shared>>)
      tpu.yield
    }) : () -> ()
    %add3A_20 = arith.constant 512 : i32
    %add3A_21 = arith.addi %mul3A_4, %add3A_20 : i32
    "tpu.region"() ({
      %run_scoped3A_37 = tpu.sem_alloc : memref<!tpu.dma_semaphore, #tpu.memory_space<semaphore_mem>>
      %dma_start3A = arith.constant 0 : i32
      %dma_start3A_38 = tpu.memref_slice %arg12[%add3A_21, %dma_start3A] : memref<10112x128xf32, #tpu.memory_space<vmem_shared>> -> memref<64x128xf32, #tpu.memory_space<vmem_shared>>
      %dma_start3A_39 = arith.constant 0 : i32
      %dma_start3A_40 = tpu.memref_slice %arg12[%add3A_21, %dma_start3A_39] : memref<10112x128xf32, #tpu.memory_space<vmem_shared>> -> memref<64x128xf32, #tpu.memory_space<vmem_shared>>
      tpu.enqueue_dma source(%arg8 : memref<64x128xf32, #tpu.memory_space<vmem>>) target(%dma_start3A_40 : memref<64x128xf32, #tpu.memory_space<vmem_shared>>) target_semaphore(%run_scoped3A_37 : memref<!tpu.dma_semaphore, #tpu.memory_space<semaphore_mem>>)
      %dma_wait3A = arith.constant 0 : i32
      %dma_wait3A_41 = tpu.memref_slice %arg12[%add3A_21, %dma_wait3A] : memref<10112x128xf32, #tpu.memory_space<vmem_shared>> -> memref<64x128xf32, #tpu.memory_space<vmem_shared>>
      %dma_wait3A_42 = arith.constant 0 : i32
      %dma_wait3A_43 = tpu.memref_slice %arg12[%add3A_21, %dma_wait3A_42] : memref<10112x128xf32, #tpu.memory_space<vmem_shared>> -> memref<64x128xf32, #tpu.memory_space<vmem_shared>>
      tpu.wait_dma2 semaphore(%run_scoped3A_37 : memref<!tpu.dma_semaphore, #tpu.memory_space<semaphore_mem>>) src(%arg8 : memref<64x128xf32, #tpu.memory_space<vmem>>) dst(%dma_wait3A_43 : memref<64x128xf32, #tpu.memory_space<vmem_shared>>)
      tpu.yield
    }) : () -> ()
    %add3A_22 = arith.constant 632 : i32
    %add3A_23 = arith.addi %mul3A_4, %add3A_22 : i32
    %sub3A = arith.constant 56 : i32
    %sub3A_24 = arith.subi %add3A_23, %sub3A : i32
    "tpu.region"() ({
      %run_scoped3A_37 = tpu.sem_alloc : memref<!tpu.dma_semaphore, #tpu.memory_space<semaphore_mem>>
      %dma_start3A = arith.constant 0 : i32
      %dma_start3A_38 = arith.constant 0 : i32
      %dma_start3A_39 = tpu.memref_slice %arg8[%dma_start3A, %dma_start3A_38] : memref<64x128xf32, #tpu.memory_space<vmem>> -> memref<56x128xf32, #tpu.memory_space<vmem>>
      %dma_start3A_40 = arith.constant 0 : i32
      %dma_start3A_41 = tpu.memref_slice %arg12[%sub3A_24, %dma_start3A_40] : memref<10112x128xf32, #tpu.memory_space<vmem_shared>> -> memref<56x128xf32, #tpu.memory_space<vmem_shared>>
      %dma_start3A_42 = arith.constant 0 : i32
      %dma_start3A_43 = tpu.memref_slice %arg12[%sub3A_24, %dma_start3A_42] : memref<10112x128xf32, #tpu.memory_space<vmem_shared>> -> memref<56x128xf32, #tpu.memory_space<vmem_shared>>
      %dma_start3A_44 = arith.constant 0 : i32
      %dma_start3A_45 = arith.constant 0 : i32
      %dma_start3A_46 = tpu.memref_slice %arg8[%dma_start3A_44, %dma_start3A_45] : memref<64x128xf32, #tpu.memory_space<vmem>> -> memref<56x128xf32, #tpu.memory_space<vmem>>
      tpu.enqueue_dma source(%dma_start3A_46 : memref<56x128xf32, #tpu.memory_space<vmem>>) target(%dma_start3A_43 : memref<56x128xf32, #tpu.memory_space<vmem_shared>>) target_semaphore(%run_scoped3A_37 : memref<!tpu.dma_semaphore, #tpu.memory_space<semaphore_mem>>)
      %dma_wait3A = arith.constant 0 : i32
      %dma_wait3A_47 = arith.constant 0 : i32
      %dma_wait3A_48 = tpu.memref_slice %arg8[%dma_wait3A, %dma_wait3A_47] : memref<64x128xf32, #tpu.memory_space<vmem>> -> memref<56x128xf32, #tpu.memory_space<vmem>>
      %dma_wait3A_49 = arith.constant 0 : i32
      %dma_wait3A_50 = tpu.memref_slice %arg12[%sub3A_24, %dma_wait3A_49] : memref<10112x128xf32, #tpu.memory_space<vmem_shared>> -> memref<56x128xf32, #tpu.memory_space<vmem_shared>>
      %dma_wait3A_51 = arith.constant 0 : i32
      %dma_wait3A_52 = tpu.memref_slice %arg12[%sub3A_24, %dma_wait3A_51] : memref<10112x128xf32, #tpu.memory_space<vmem_shared>> -> memref<56x128xf32, #tpu.memory_space<vmem_shared>>
      %dma_wait3A_53 = arith.constant 0 : i32
      %dma_wait3A_54 = arith.constant 0 : i32
      %dma_wait3A_55 = tpu.memref_slice %arg8[%dma_wait3A_53, %dma_wait3A_54] : memref<64x128xf32, #tpu.memory_space<vmem>> -> memref<56x128xf32, #tpu.memory_space<vmem>>
      tpu.wait_dma2 semaphore(%run_scoped3A_37 : memref<!tpu.dma_semaphore, #tpu.memory_space<semaphore_mem>>) src(%dma_wait3A_55 : memref<56x128xf32, #tpu.memory_space<vmem>>) dst(%dma_wait3A_52 : memref<56x128xf32, #tpu.memory_space<vmem_shared>>)
      tpu.yield
    }) : () -> ()
    %barrier3A = arith.constant 0 : index
    tpu.barrier barrier_id(%barrier3A)
    %mul3A_25 = arith.constant 2 : i32
    %mul3A_26 = arith.muli %arg1, %mul3A_25 : i32
    %add3A_27 = arith.addi %mul3A_26, %arg0 : i32
    %mul3A_28 = arith.constant 160 : i32
    %mul3A_29 = arith.muli %add3A_27, %mul3A_28 : i32
    %run_scoped3A = arith.constant 0 : i32
    "tpu.region"() ({
      %run_scoped3A_37 = tpu.sem_alloc : memref<!tpu.dma_semaphore, #tpu.memory_space<semaphore_mem>>
      %dma_start3A = arith.constant 0 : i32
      %dma_start3A_38 = arith.constant 0 : i32
      %dma_start3A_39 = tpu.memref_slice %arg6[%run_scoped3A, %dma_start3A, %dma_start3A_38] : memref<2x16x64xi32, #tpu.memory_space<vmem>> -> memref<1x16x64xi32, #tpu.memory_space<vmem>>
      %dma_start3A_40 = tpu.memref_squeeze %dma_start3A_39 : memref<1x16x64xi32, #tpu.memory_space<vmem>> -> memref<16x64xi32, #tpu.memory_space<vmem>>
      %dma_start3A_41 = arith.constant 0 : i32
      %dma_start3A_42 = tpu.memref_slice %arg3[%mul3A_29, %dma_start3A_41] : memref<5120x64xi32, #tpu.memory_space<hbm>> -> memref<16x64xi32, #tpu.memory_space<hbm>>
      %dma_start3A_43 = arith.constant 0 : i32
      %dma_start3A_44 = arith.constant 0 : i32
      %dma_start3A_45 = tpu.memref_slice %arg6[%run_scoped3A, %dma_start3A_43, %dma_start3A_44] : memref<2x16x64xi32, #tpu.memory_space<vmem>> -> memref<1x16x64xi32, #tpu.memory_space<vmem>>
      %dma_start3A_46 = tpu.memref_squeeze %dma_start3A_45 : memref<1x16x64xi32, #tpu.memory_space<vmem>> -> memref<16x64xi32, #tpu.memory_space<vmem>>
      %dma_start3A_47 = arith.constant 0 : i32
      %dma_start3A_48 = tpu.memref_slice %arg3[%mul3A_29, %dma_start3A_47] : memref<5120x64xi32, #tpu.memory_space<hbm>> -> memref<16x64xi32, #tpu.memory_space<hbm>>
      tpu.enqueue_dma source(%dma_start3A_48 : memref<16x64xi32, #tpu.memory_space<hbm>>) target(%dma_start3A_46 : memref<16x64xi32, #tpu.memory_space<vmem>>) target_semaphore(%run_scoped3A_37 : memref<!tpu.dma_semaphore, #tpu.memory_space<semaphore_mem>>)
      %dma_wait3A = arith.constant 0 : i32
      %dma_wait3A_49 = arith.constant 0 : i32
      %dma_wait3A_50 = tpu.memref_slice %arg6[%run_scoped3A, %dma_wait3A, %dma_wait3A_49] : memref<2x16x64xi32, #tpu.memory_space<vmem>> -> memref<1x16x64xi32, #tpu.memory_space<vmem>>
      %dma_wait3A_51 = tpu.memref_squeeze %dma_wait3A_50 : memref<1x16x64xi32, #tpu.memory_space<vmem>> -> memref<16x64xi32, #tpu.memory_space<vmem>>
      %dma_wait3A_52 = arith.constant 0 : i32
      %dma_wait3A_53 = tpu.memref_slice %arg3[%mul3A_29, %dma_wait3A_52] : memref<5120x64xi32, #tpu.memory_space<hbm>> -> memref<16x64xi32, #tpu.memory_space<hbm>>
      %dma_wait3A_54 = arith.constant 0 : i32
      %dma_wait3A_55 = arith.constant 0 : i32
      %dma_wait3A_56 = tpu.memref_slice %arg6[%run_scoped3A, %dma_wait3A_54, %dma_wait3A_55] : memref<2x16x64xi32, #tpu.memory_space<vmem>> -> memref<1x16x64xi32, #tpu.memory_space<vmem>>
      %dma_wait3A_57 = tpu.memref_squeeze %dma_wait3A_56 : memref<1x16x64xi32, #tpu.memory_space<vmem>> -> memref<16x64xi32, #tpu.memory_space<vmem>>
      %dma_wait3A_58 = arith.constant 0 : i32
      %dma_wait3A_59 = tpu.memref_slice %arg3[%mul3A_29, %dma_wait3A_58] : memref<5120x64xi32, #tpu.memory_space<hbm>> -> memref<16x64xi32, #tpu.memory_space<hbm>>
      tpu.wait_dma2 semaphore(%run_scoped3A_37 : memref<!tpu.dma_semaphore, #tpu.memory_space<semaphore_mem>>) src(%dma_wait3A_59 : memref<16x64xi32, #tpu.memory_space<hbm>>) dst(%dma_wait3A_57 : memref<16x64xi32, #tpu.memory_space<vmem>>)
      tpu.yield
    }) : () -> ()
    %run_scoped3A_30 = arith.constant 0 : i32
    "tpu.region"() ({
      %run_scoped3A_37 = tpu.sem_alloc : memref<!tpu.dma_semaphore, #tpu.memory_space<semaphore_mem>>
      %dma_start3A = arith.constant 0 : i32
      %dma_start3A_38 = arith.constant 0 : i32
      %dma_start3A_39 = tpu.memref_slice %arg7[%run_scoped3A_30, %dma_start3A, %dma_start3A_38] : memref<2x16x64xi32, #tpu.memory_space<vmem>> -> memref<1x16x64xi32, #tpu.memory_space<vmem>>
      %dma_start3A_40 = tpu.memref_squeeze %dma_start3A_39 : memref<1x16x64xi32, #tpu.memory_space<vmem>> -> memref<16x64xi32, #tpu.memory_space<vmem>>
      %dma_start3A_41 = arith.constant 0 : i32
      %dma_start3A_42 = tpu.memref_slice %arg4[%mul3A_29, %dma_start3A_41] : memref<5120x64xi32, #tpu.memory_space<hbm>> -> memref<16x64xi32, #tpu.memory_space<hbm>>
      %dma_start3A_43 = arith.constant 0 : i32
      %dma_start3A_44 = arith.constant 0 : i32
      %dma_start3A_45 = tpu.memref_slice %arg7[%run_scoped3A_30, %dma_start3A_43, %dma_start3A_44] : memref<2x16x64xi32, #tpu.memory_space<vmem>> -> memref<1x16x64xi32, #tpu.memory_space<vmem>>
      %dma_start3A_46 = tpu.memref_squeeze %dma_start3A_45 : memref<1x16x64xi32, #tpu.memory_space<vmem>> -> memref<16x64xi32, #tpu.memory_space<vmem>>
      %dma_start3A_47 = arith.constant 0 : i32
      %dma_start3A_48 = tpu.memref_slice %arg4[%mul3A_29, %dma_start3A_47] : memref<5120x64xi32, #tpu.memory_space<hbm>> -> memref<16x64xi32, #tpu.memory_space<hbm>>
      tpu.enqueue_dma source(%dma_start3A_48 : memref<16x64xi32, #tpu.memory_space<hbm>>) target(%dma_start3A_46 : memref<16x64xi32, #tpu.memory_space<vmem>>) target_semaphore(%run_scoped3A_37 : memref<!tpu.dma_semaphore, #tpu.memory_space<semaphore_mem>>)
      %dma_wait3A = arith.constant 0 : i32
      %dma_wait3A_49 = arith.constant 0 : i32
      %dma_wait3A_50 = tpu.memref_slice %arg7[%run_scoped3A_30, %dma_wait3A, %dma_wait3A_49] : memref<2x16x64xi32, #tpu.memory_space<vmem>> -> memref<1x16x64xi32, #tpu.memory_space<vmem>>
      %dma_wait3A_51 = tpu.memref_squeeze %dma_wait3A_50 : memref<1x16x64xi32, #tpu.memory_space<vmem>> -> memref<16x64xi32, #tpu.memory_space<vmem>>
      %dma_wait3A_52 = arith.constant 0 : i32
      %dma_wait3A_53 = tpu.memref_slice %arg4[%mul3A_29, %dma_wait3A_52] : memref<5120x64xi32, #tpu.memory_space<hbm>> -> memref<16x64xi32, #tpu.memory_space<hbm>>
      %dma_wait3A_54 = arith.constant 0 : i32
      %dma_wait3A_55 = arith.constant 0 : i32
      %dma_wait3A_56 = tpu.memref_slice %arg7[%run_scoped3A_30, %dma_wait3A_54, %dma_wait3A_55] : memref<2x16x64xi32, #tpu.memory_space<vmem>> -> memref<1x16x64xi32, #tpu.memory_space<vmem>>
      %dma_wait3A_57 = tpu.memref_squeeze %dma_wait3A_56 : memref<1x16x64xi32, #tpu.memory_space<vmem>> -> memref<16x64xi32, #tpu.memory_space<vmem>>
      %dma_wait3A_58 = arith.constant 0 : i32
      %dma_wait3A_59 = tpu.memref_slice %arg4[%mul3A_29, %dma_wait3A_58] : memref<5120x64xi32, #tpu.memory_space<hbm>> -> memref<16x64xi32, #tpu.memory_space<hbm>>
      tpu.wait_dma2 semaphore(%run_scoped3A_37 : memref<!tpu.dma_semaphore, #tpu.memory_space<semaphore_mem>>) src(%dma_wait3A_59 : memref<16x64xi32, #tpu.memory_space<hbm>>) dst(%dma_wait3A_57 : memref<16x64xi32, #tpu.memory_space<vmem>>)
      tpu.yield
    }) : () -> ()
    %scan3A_31 = arith.constant 0 : i32
    %scan3A_32 = arith.constant 10 : i32
    %scan3A_33 = arith.addi %scan3A_31, %scan3A_32 : i32
    %scan3A_34 = arith.constant 1 : i32
    scf.for %scan3A_37 = %scan3A_31 to %scan3A_33 step %scan3A_34  : i32 {
      %mul3A_38 = arith.constant 1 : i32
      %mul3A_39 = arith.muli %scan3A_37, %mul3A_38 : i32
      %add3A_40 = arith.constant 0 : i32
      %add3A_41 = arith.addi %add3A_40, %mul3A_39 : i32
      %rem3A = arith.constant 2 : i32
      %rem3A_42 = arith.remsi %add3A_41, %rem3A : i32
      %add3A_43 = arith.constant 1 : i32
      %add3A_44 = arith.addi %add3A_41, %add3A_43 : i32
      %rem3A_45 = arith.constant 2 : i32
      %rem3A_46 = arith.remsi %add3A_44, %rem3A_45 : i32
      %gt3A = arith.constant 0 : i32
      %gt3A_47 = arith.cmpi sgt, %add3A_41, %gt3A : i32
      %convert_element_type3A = arith.extui %gt3A_47 : i1 to i32
      %cond3A = arith.constant 0 : i32
      %cond3A_48 = arith.cmpi ne, %convert_element_type3A, %cond3A : i32
      scf.if %cond3A_48 {
        %mul3A_92 = arith.constant 16 : i32
        %mul3A_93 = arith.muli %add3A_41, %mul3A_92 : i32
        %add3A_94 = arith.addi %mul3A_29, %mul3A_93 : i32
        %dma_wait3A = arith.constant 0 : i32
        %dma_wait3A_95 = arith.constant 0 : i32
        %dma_wait3A_96 = tpu.memref_slice %arg6[%rem3A_42, %dma_wait3A, %dma_wait3A_95] : memref<2x16x64xi32, #tpu.memory_space<vmem>> -> memref<1x16x64xi32, #tpu.memory_space<vmem>>
        %dma_wait3A_97 = tpu.memref_squeeze %dma_wait3A_96 : memref<1x16x64xi32, #tpu.memory_space<vmem>> -> memref<16x64xi32, #tpu.memory_space<vmem>>
        %dma_wait3A_98 = arith.constant 0 : i32
        %dma_wait3A_99 = tpu.memref_slice %arg3[%add3A_94, %dma_wait3A_98] : memref<5120x64xi32, #tpu.memory_space<hbm>> -> memref<16x64xi32, #tpu.memory_space<hbm>>
        %dma_wait3A_100 = arith.constant 0 : i32
        %dma_wait3A_101 = arith.constant 0 : i32
        %dma_wait3A_102 = tpu.memref_slice %arg6[%rem3A_42, %dma_wait3A_100, %dma_wait3A_101] : memref<2x16x64xi32, #tpu.memory_space<vmem>> -> memref<1x16x64xi32, #tpu.memory_space<vmem>>
        %dma_wait3A_103 = tpu.memref_squeeze %dma_wait3A_102 : memref<1x16x64xi32, #tpu.memory_space<vmem>> -> memref<16x64xi32, #tpu.memory_space<vmem>>
        %dma_wait3A_104 = arith.constant 0 : i32
        %dma_wait3A_105 = tpu.memref_slice %arg3[%add3A_94, %dma_wait3A_104] : memref<5120x64xi32, #tpu.memory_space<hbm>> -> memref<16x64xi32, #tpu.memory_space<hbm>>
        tpu.wait_dma2 semaphore(%arg17 : memref<!tpu.dma_semaphore, #tpu.memory_space<semaphore_mem>>) src(%dma_wait3A_105 : memref<16x64xi32, #tpu.memory_space<hbm>>) dst(%dma_wait3A_103 : memref<16x64xi32, #tpu.memory_space<vmem>>)
        %mul3A_106 = arith.constant 16 : i32
        %mul3A_107 = arith.muli %add3A_41, %mul3A_106 : i32
        %add3A_108 = arith.addi %mul3A_29, %mul3A_107 : i32
        %dma_wait3A_109 = arith.constant 0 : i32
        %dma_wait3A_110 = arith.constant 0 : i32
        %dma_wait3A_111 = tpu.memref_slice %arg7[%rem3A_42, %dma_wait3A_109, %dma_wait3A_110] : memref<2x16x64xi32, #tpu.memory_space<vmem>> -> memref<1x16x64xi32, #tpu.memory_space<vmem>>
        %dma_wait3A_112 = tpu.memref_squeeze %dma_wait3A_111 : memref<1x16x64xi32, #tpu.memory_space<vmem>> -> memref<16x64xi32, #tpu.memory_space<vmem>>
        %dma_wait3A_113 = arith.constant 0 : i32
        %dma_wait3A_114 = tpu.memref_slice %arg4[%add3A_108, %dma_wait3A_113] : memref<5120x64xi32, #tpu.memory_space<hbm>> -> memref<16x64xi32, #tpu.memory_space<hbm>>
        %dma_wait3A_115 = arith.constant 0 : i32
        %dma_wait3A_116 = arith.constant 0 : i32
        %dma_wait3A_117 = tpu.memref_slice %arg7[%rem3A_42, %dma_wait3A_115, %dma_wait3A_116] : memref<2x16x64xi32, #tpu.memory_space<vmem>> -> memref<1x16x64xi32, #tpu.memory_space<vmem>>
        %dma_wait3A_118 = tpu.memref_squeeze %dma_wait3A_117 : memref<1x16x64xi32, #tpu.memory_space<vmem>> -> memref<16x64xi32, #tpu.memory_space<vmem>>
        %dma_wait3A_119 = arith.constant 0 : i32
        %dma_wait3A_120 = tpu.memref_slice %arg4[%add3A_108, %dma_wait3A_119] : memref<5120x64xi32, #tpu.memory_space<hbm>> -> memref<16x64xi32, #tpu.memory_space<hbm>>
        tpu.wait_dma2 semaphore(%arg17 : memref<!tpu.dma_semaphore, #tpu.memory_space<semaphore_mem>>) src(%dma_wait3A_120 : memref<16x64xi32, #tpu.memory_space<hbm>>) dst(%dma_wait3A_118 : memref<16x64xi32, #tpu.memory_space<vmem>>)
      } else {
      }
      %add3A_49 = arith.constant 1 : i32
      %add3A_50 = arith.addi %add3A_41, %add3A_49 : i32
      %lt3A = arith.constant 10 : i32
      %lt3A_51 = arith.cmpi slt, %add3A_50, %lt3A : i32
      %convert_element_type3A_52 = arith.extui %lt3A_51 : i1 to i32
      %cond3A_53 = arith.constant 0 : i32
      %cond3A_54 = arith.cmpi ne, %convert_element_type3A_52, %cond3A_53 : i32
      scf.if %cond3A_54 {
        %add3A_92 = arith.constant 1 : i32
        %add3A_93 = arith.addi %add3A_41, %add3A_92 : i32
        %mul3A_94 = arith.constant 16 : i32
        %mul3A_95 = arith.muli %add3A_93, %mul3A_94 : i32
        %add3A_96 = arith.addi %mul3A_29, %mul3A_95 : i32
        %dma_start3A_97 = arith.constant 0 : i32
        %dma_start3A_98 = arith.constant 0 : i32
        %dma_start3A_99 = tpu.memref_slice %arg6[%rem3A_46, %dma_start3A_97, %dma_start3A_98] : memref<2x16x64xi32, #tpu.memory_space<vmem>> -> memref<1x16x64xi32, #tpu.memory_space<vmem>>
        %dma_start3A_100 = tpu.memref_squeeze %dma_start3A_99 : memref<1x16x64xi32, #tpu.memory_space<vmem>> -> memref<16x64xi32, #tpu.memory_space<vmem>>
        %dma_start3A_101 = arith.constant 0 : i32
        %dma_start3A_102 = tpu.memref_slice %arg3[%add3A_96, %dma_start3A_101] : memref<5120x64xi32, #tpu.memory_space<hbm>> -> memref<16x64xi32, #tpu.memory_space<hbm>>
        %dma_start3A_103 = arith.constant 0 : i32
        %dma_start3A_104 = arith.constant 0 : i32
        %dma_start3A_105 = tpu.memref_slice %arg6[%rem3A_46, %dma_start3A_103, %dma_start3A_104] : memref<2x16x64xi32, #tpu.memory_space<vmem>> -> memref<1x16x64xi32, #tpu.memory_space<vmem>>
        %dma_start3A_106 = tpu.memref_squeeze %dma_start3A_105 : memref<1x16x64xi32, #tpu.memory_space<vmem>> -> memref<16x64xi32, #tpu.memory_space<vmem>>
        %dma_start3A_107 = arith.constant 0 : i32
        %dma_start3A_108 = tpu.memref_slice %arg3[%add3A_96, %dma_start3A_107] : memref<5120x64xi32, #tpu.memory_space<hbm>> -> memref<16x64xi32, #tpu.memory_space<hbm>>
        tpu.enqueue_dma source(%dma_start3A_108 : memref<16x64xi32, #tpu.memory_space<hbm>>) target(%dma_start3A_106 : memref<16x64xi32, #tpu.memory_space<vmem>>) target_semaphore(%arg17 : memref<!tpu.dma_semaphore, #tpu.memory_space<semaphore_mem>>)
        %add3A_109 = arith.constant 1 : i32
        %add3A_110 = arith.addi %add3A_41, %add3A_109 : i32
        %mul3A_111 = arith.constant 16 : i32
        %mul3A_112 = arith.muli %add3A_110, %mul3A_111 : i32
        %add3A_113 = arith.addi %mul3A_29, %mul3A_112 : i32
        %dma_start3A_114 = arith.constant 0 : i32
        %dma_start3A_115 = arith.constant 0 : i32
        %dma_start3A_116 = tpu.memref_slice %arg7[%rem3A_46, %dma_start3A_114, %dma_start3A_115] : memref<2x16x64xi32, #tpu.memory_space<vmem>> -> memref<1x16x64xi32, #tpu.memory_space<vmem>>
        %dma_start3A_117 = tpu.memref_squeeze %dma_start3A_116 : memref<1x16x64xi32, #tpu.memory_space<vmem>> -> memref<16x64xi32, #tpu.memory_space<vmem>>
        %dma_start3A_118 = arith.constant 0 : i32
        %dma_start3A_119 = tpu.memref_slice %arg4[%add3A_113, %dma_start3A_118] : memref<5120x64xi32, #tpu.memory_space<hbm>> -> memref<16x64xi32, #tpu.memory_space<hbm>>
        %dma_start3A_120 = arith.constant 0 : i32
        %dma_start3A_121 = arith.constant 0 : i32
        %dma_start3A_122 = tpu.memref_slice %arg7[%rem3A_46, %dma_start3A_120, %dma_start3A_121] : memref<2x16x64xi32, #tpu.memory_space<vmem>> -> memref<1x16x64xi32, #tpu.memory_space<vmem>>
        %dma_start3A_123 = tpu.memref_squeeze %dma_start3A_122 : memref<1x16x64xi32, #tpu.memory_space<vmem>> -> memref<16x64xi32, #tpu.memory_space<vmem>>
        %dma_start3A_124 = arith.constant 0 : i32
        %dma_start3A_125 = tpu.memref_slice %arg4[%add3A_113, %dma_start3A_124] : memref<5120x64xi32, #tpu.memory_space<hbm>> -> memref<16x64xi32, #tpu.memory_space<hbm>>
        tpu.enqueue_dma source(%dma_start3A_125 : memref<16x64xi32, #tpu.memory_space<hbm>>) target(%dma_start3A_123 : memref<16x64xi32, #tpu.memory_space<vmem>>) target_semaphore(%arg17 : memref<!tpu.dma_semaphore, #tpu.memory_space<semaphore_mem>>)
      } else {
      }
      %dma_start3A = arith.constant 0 : i32
      %dma_start3A_55 = arith.constant 0 : i32
      %dma_start3A_56 = arith.constant 0 : i32
      %dma_start3A_57 = tpu.memref_slice %arg6[%rem3A_42, %dma_start3A_55, %dma_start3A_56] : memref<2x16x64xi32, #tpu.memory_space<vmem>> -> memref<1x16x64xi32, #tpu.memory_space<vmem>>
      %dma_start3A_58 = tpu.memref_squeeze %dma_start3A_57 : memref<1x16x64xi32, #tpu.memory_space<vmem>> -> memref<16x64xi32, #tpu.memory_space<vmem>>
      %dma_start3A_59 = arith.constant 0 : i32
      %dma_start3A_60 = tpu.memref_slice %dma_start3A_58[%dma_start3A, %dma_start3A_59] : memref<16x64xi32, #tpu.memory_space<vmem>> -> memref<1x64xi32, #tpu.memory_space<vmem>>
      %dma_start3A_61 = tpu.memref_squeeze %dma_start3A_60 : memref<1x64xi32, #tpu.memory_space<vmem>> -> memref<64xi32, #tpu.memory_space<vmem>>
      %dma_start3A_62 = arith.constant 0 : i32
      %dma_start3A_63 = arith.constant 0 : i32
      %dma_start3A_64 = tpu.memref_slice %arg2[%dma_start3A_62, %dma_start3A_63] : memref<10000x128xf32, #tpu.memory_space<hbm>> -> memref<10000x128xf32, #tpu.memory_space<hbm>>
      tpu.enqueue_indirect_dma source(%dma_start3A_64 : memref<10000x128xf32, #tpu.memory_space<hbm>>) target(%arg8 : memref<64x128xf32, #tpu.memory_space<vmem>>) offsets(%dma_start3A_61 : memref<64xi32, #tpu.memory_space<vmem>>) semaphore(%arg13 : memref<!tpu.dma_semaphore, #tpu.memory_space<semaphore_mem>>)
      %dma_start3A_65 = arith.constant 1 : i32
      %dma_start3A_66 = arith.constant 0 : i32
      %dma_start3A_67 = arith.constant 0 : i32
      %dma_start3A_68 = tpu.memref_slice %arg6[%rem3A_42, %dma_start3A_66, %dma_start3A_67] : memref<2x16x64xi32, #tpu.memory_space<vmem>> -> memref<1x16x64xi32, #tpu.memory_space<vmem>>
      %dma_start3A_69 = tpu.memref_squeeze %dma_start3A_68 : memref<1x16x64xi32, #tpu.memory_space<vmem>> -> memref<16x64xi32, #tpu.memory_space<vmem>>
      %dma_start3A_70 = arith.constant 0 : i32
      %dma_start3A_71 = tpu.memref_slice %dma_start3A_69[%dma_start3A_65, %dma_start3A_70] : memref<16x64xi32, #tpu.memory_space<vmem>> -> memref<1x64xi32, #tpu.memory_space<vmem>>
      %dma_start3A_72 = tpu.memref_squeeze %dma_start3A_71 : memref<1x64xi32, #tpu.memory_space<vmem>> -> memref<64xi32, #tpu.memory_space<vmem>>
      %dma_start3A_73 = arith.constant 0 : i32
      %dma_start3A_74 = arith.constant 0 : i32
      %dma_start3A_75 = tpu.memref_slice %arg2[%dma_start3A_73, %dma_start3A_74] : memref<10000x128xf32, #tpu.memory_space<hbm>> -> memref<10000x128xf32, #tpu.memory_space<hbm>>
      tpu.enqueue_indirect_dma source(%dma_start3A_75 : memref<10000x128xf32, #tpu.memory_space<hbm>>) target(%arg9 : memref<64x128xf32, #tpu.memory_space<vmem>>) offsets(%dma_start3A_72 : memref<64xi32, #tpu.memory_space<vmem>>) semaphore(%arg14 : memref<!tpu.dma_semaphore, #tpu.memory_space<semaphore_mem>>)
      %dma_start3A_76 = arith.constant 2 : i32
      %dma_start3A_77 = arith.constant 0 : i32
      %dma_start3A_78 = arith.constant 0 : i32
      %dma_start3A_79 = tpu.memref_slice %arg6[%rem3A_42, %dma_start3A_77, %dma_start3A_78] : memref<2x16x64xi32, #tpu.memory_space<vmem>> -> memref<1x16x64xi32, #tpu.memory_space<vmem>>
      %dma_start3A_80 = tpu.memref_squeeze %dma_start3A_79 : memref<1x16x64xi32, #tpu.memory_space<vmem>> -> memref<16x64xi32, #tpu.memory_space<vmem>>
      %dma_start3A_81 = arith.constant 0 : i32
      %dma_start3A_82 = tpu.memref_slice %dma_start3A_80[%dma_start3A_76, %dma_start3A_81] : memref<16x64xi32, #tpu.memory_space<vmem>> -> memref<1x64xi32, #tpu.memory_space<vmem>>
      %dma_start3A_83 = tpu.memref_squeeze %dma_start3A_82 : memref<1x64xi32, #tpu.memory_space<vmem>> -> memref<64xi32, #tpu.memory_space<vmem>>
      %dma_start3A_84 = arith.constant 0 : i32
      %dma_start3A_85 = arith.constant 0 : i32
      %dma_start3A_86 = tpu.memref_slice %arg2[%dma_start3A_84, %dma_start3A_85] : memref<10000x128xf32, #tpu.memory_space<hbm>> -> memref<10000x128xf32, #tpu.memory_space<hbm>>
      tpu.enqueue_indirect_dma source(%dma_start3A_86 : memref<10000x128xf32, #tpu.memory_space<hbm>>) target(%arg10 : memref<64x128xf32, #tpu.memory_space<vmem>>) offsets(%dma_start3A_83 : memref<64xi32, #tpu.memory_space<vmem>>) semaphore(%arg15 : memref<!tpu.dma_semaphore, #tpu.memory_space<semaphore_mem>>)
      %scan3A_87 = arith.constant 0 : i32
      %scan3A_88 = arith.constant 4 : i32
      %scan3A_89 = arith.addi %scan3A_87, %scan3A_88 : i32
      %scan3A_90 = arith.constant 1 : i32
      scf.for %scan3A_92 = %scan3A_87 to %scan3A_89 step %scan3A_90  : i32 {
        %mul3A_93 = arith.constant 1 : i32
        %mul3A_94 = arith.muli %scan3A_92, %mul3A_93 : i32
        %add3A_95 = arith.constant 0 : i32
        %add3A_96 = arith.addi %add3A_95, %mul3A_94 : i32
        %mul3A_97 = arith.constant 4 : i32
        %mul3A_98 = arith.muli %add3A_96, %mul3A_97 : i32
        %add3A_99 = arith.constant 3 : i32
        %add3A_100 = arith.addi %mul3A_98, %add3A_99 : i32
        %dma_start3A_101 = arith.constant 0 : i32
        %dma_start3A_102 = arith.constant 0 : i32
        %dma_start3A_103 = tpu.memref_slice %arg6[%rem3A_42, %dma_start3A_101, %dma_start3A_102] : memref<2x16x64xi32, #tpu.memory_space<vmem>> -> memref<1x16x64xi32, #tpu.memory_space<vmem>>
        %dma_start3A_104 = tpu.memref_squeeze %dma_start3A_103 : memref<1x16x64xi32, #tpu.memory_space<vmem>> -> memref<16x64xi32, #tpu.memory_space<vmem>>
        %dma_start3A_105 = arith.constant 0 : i32
        %dma_start3A_106 = tpu.memref_slice %dma_start3A_104[%add3A_100, %dma_start3A_105] : memref<16x64xi32, #tpu.memory_space<vmem>> -> memref<1x64xi32, #tpu.memory_space<vmem>>
        %dma_start3A_107 = tpu.memref_squeeze %dma_start3A_106 : memref<1x64xi32, #tpu.memory_space<vmem>> -> memref<64xi32, #tpu.memory_space<vmem>>
        %dma_start3A_108 = arith.constant 0 : i32
        %dma_start3A_109 = arith.constant 0 : i32
        %dma_start3A_110 = tpu.memref_slice %arg2[%dma_start3A_108, %dma_start3A_109] : memref<10000x128xf32, #tpu.memory_space<hbm>> -> memref<10000x128xf32, #tpu.memory_space<hbm>>
        tpu.enqueue_indirect_dma source(%dma_start3A_110 : memref<10000x128xf32, #tpu.memory_space<hbm>>) target(%arg11 : memref<64x128xf32, #tpu.memory_space<vmem>>) offsets(%dma_start3A_107 : memref<64xi32, #tpu.memory_space<vmem>>) semaphore(%arg16 : memref<!tpu.dma_semaphore, #tpu.memory_space<semaphore_mem>>)
        %dma_wait3A = arith.constant 0 : i32
        %dma_wait3A_111 = arith.constant 0 : i32
        %dma_wait3A_112 = tpu.memref_slice %arg6[%rem3A_42, %dma_wait3A, %dma_wait3A_111] : memref<2x16x64xi32, #tpu.memory_space<vmem>> -> memref<1x16x64xi32, #tpu.memory_space<vmem>>
        %dma_wait3A_113 = tpu.memref_squeeze %dma_wait3A_112 : memref<1x16x64xi32, #tpu.memory_space<vmem>> -> memref<16x64xi32, #tpu.memory_space<vmem>>
        %dma_wait3A_114 = arith.constant 0 : i32
        %dma_wait3A_115 = tpu.memref_slice %dma_wait3A_113[%mul3A_98, %dma_wait3A_114] : memref<16x64xi32, #tpu.memory_space<vmem>> -> memref<1x64xi32, #tpu.memory_space<vmem>>
        %dma_wait3A_116 = tpu.memref_squeeze %dma_wait3A_115 : memref<1x64xi32, #tpu.memory_space<vmem>> -> memref<64xi32, #tpu.memory_space<vmem>>
        %dma_wait3A_117 = arith.constant 0 : i32
        %dma_wait3A_118 = arith.constant 0 : i32
        %dma_wait3A_119 = tpu.memref_slice %arg2[%dma_wait3A_117, %dma_wait3A_118] : memref<10000x128xf32, #tpu.memory_space<hbm>> -> memref<10000x128xf32, #tpu.memory_space<hbm>>
        tpu.wait_indirect_dma semaphore(%arg13 : memref<!tpu.dma_semaphore, #tpu.memory_space<semaphore_mem>>) src(%dma_wait3A_119 : memref<10000x128xf32, #tpu.memory_space<hbm>>) dst(%arg8 : memref<64x128xf32, #tpu.memory_space<vmem>>)
        "tpu.region"() ({
          %run_scoped3A_183 = tpu.sem_alloc : memref<!tpu.dma_semaphore, #tpu.memory_space<semaphore_mem>>
          %dma_start3A_184 = arith.constant 0 : i32
          %dma_start3A_185 = arith.constant 0 : i32
          %dma_start3A_186 = tpu.memref_slice %arg7[%rem3A_42, %dma_start3A_184, %dma_start3A_185] : memref<2x16x64xi32, #tpu.memory_space<vmem>> -> memref<1x16x64xi32, #tpu.memory_space<vmem>>
          %dma_start3A_187 = tpu.memref_squeeze %dma_start3A_186 : memref<1x16x64xi32, #tpu.memory_space<vmem>> -> memref<16x64xi32, #tpu.memory_space<vmem>>
          %dma_start3A_188 = arith.constant 0 : i32
          %dma_start3A_189 = tpu.memref_slice %dma_start3A_187[%mul3A_98, %dma_start3A_188] : memref<16x64xi32, #tpu.memory_space<vmem>> -> memref<1x64xi32, #tpu.memory_space<vmem>>
          %dma_start3A_190 = tpu.memref_squeeze %dma_start3A_189 : memref<1x64xi32, #tpu.memory_space<vmem>> -> memref<64xi32, #tpu.memory_space<vmem>>
          %dma_start3A_191 = arith.constant 0 : i32
          %dma_start3A_192 = arith.constant 0 : i32
          %dma_start3A_193 = tpu.memref_slice %arg12[%dma_start3A_191, %dma_start3A_192] : memref<10112x128xf32, #tpu.memory_space<vmem_shared>> -> memref<10112x128xf32, #tpu.memory_space<vmem_shared>>
          tpu.enqueue_indirect_dma source(%arg8 : memref<64x128xf32, #tpu.memory_space<vmem>>) target(%dma_start3A_193 : memref<10112x128xf32, #tpu.memory_space<vmem_shared>>) offsets(%dma_start3A_190 : memref<64xi32, #tpu.memory_space<vmem>>) semaphore(%run_scoped3A_183 : memref<!tpu.dma_semaphore, #tpu.memory_space<semaphore_mem>>) {add = true}
          %dma_wait3A_194 = arith.constant 0 : i32
          %dma_wait3A_195 = arith.constant 0 : i32
          %dma_wait3A_196 = tpu.memref_slice %arg7[%rem3A_42, %dma_wait3A_194, %dma_wait3A_195] : memref<2x16x64xi32, #tpu.memory_space<vmem>> -> memref<1x16x64xi32, #tpu.memory_space<vmem>>
          %dma_wait3A_197 = tpu.memref_squeeze %dma_wait3A_196 : memref<1x16x64xi32, #tpu.memory_space<vmem>> -> memref<16x64xi32, #tpu.memory_space<vmem>>
          %dma_wait3A_198 = arith.constant 0 : i32
          %dma_wait3A_199 = tpu.memref_slice %dma_wait3A_197[%mul3A_98, %dma_wait3A_198] : memref<16x64xi32, #tpu.memory_space<vmem>> -> memref<1x64xi32, #tpu.memory_space<vmem>>
          %dma_wait3A_200 = tpu.memref_squeeze %dma_wait3A_199 : memref<1x64xi32, #tpu.memory_space<vmem>> -> memref<64xi32, #tpu.memory_space<vmem>>
          %dma_wait3A_201 = arith.constant 0 : i32
          %dma_wait3A_202 = arith.constant 0 : i32
          %dma_wait3A_203 = tpu.memref_slice %arg12[%dma_wait3A_201, %dma_wait3A_202] : memref<10112x128xf32, #tpu.memory_space<vmem_shared>> -> memref<10112x128xf32, #tpu.memory_space<vmem_shared>>
          tpu.wait_indirect_dma semaphore(%run_scoped3A_183 : memref<!tpu.dma_semaphore, #tpu.memory_space<semaphore_mem>>) src(%arg8 : memref<64x128xf32, #tpu.memory_space<vmem>>) dst(%dma_wait3A_203 : memref<10112x128xf32, #tpu.memory_space<vmem_shared>>)
          tpu.yield
        }) : () -> ()
        %add3A_120 = arith.constant 4 : i32
        %add3A_121 = arith.addi %mul3A_98, %add3A_120 : i32
        %lt3A_122 = arith.constant 16 : i32
        %lt3A_123 = arith.cmpi slt, %add3A_121, %lt3A_122 : i32
        %convert_element_type3A_124 = arith.extui %lt3A_123 : i1 to i32
        %cond3A_125 = arith.constant 0 : i32
        %cond3A_126 = arith.cmpi ne, %convert_element_type3A_124, %cond3A_125 : i32
        scf.if %cond3A_126 {
          %add3A_183 = arith.constant 4 : i32
          %add3A_184 = arith.addi %mul3A_98, %add3A_183 : i32
          %dma_start3A_185 = arith.constant 0 : i32
          %dma_start3A_186 = arith.constant 0 : i32
          %dma_start3A_187 = tpu.memref_slice %arg6[%rem3A_42, %dma_start3A_185, %dma_start3A_186] : memref<2x16x64xi32, #tpu.memory_space<vmem>> -> memref<1x16x64xi32, #tpu.memory_space<vmem>>
          %dma_start3A_188 = tpu.memref_squeeze %dma_start3A_187 : memref<1x16x64xi32, #tpu.memory_space<vmem>> -> memref<16x64xi32, #tpu.memory_space<vmem>>
          %dma_start3A_189 = arith.constant 0 : i32
          %dma_start3A_190 = tpu.memref_slice %dma_start3A_188[%add3A_184, %dma_start3A_189] : memref<16x64xi32, #tpu.memory_space<vmem>> -> memref<1x64xi32, #tpu.memory_space<vmem>>
          %dma_start3A_191 = tpu.memref_squeeze %dma_start3A_190 : memref<1x64xi32, #tpu.memory_space<vmem>> -> memref<64xi32, #tpu.memory_space<vmem>>
          %dma_start3A_192 = arith.constant 0 : i32
          %dma_start3A_193 = arith.constant 0 : i32
          %dma_start3A_194 = tpu.memref_slice %arg2[%dma_start3A_192, %dma_start3A_193] : memref<10000x128xf32, #tpu.memory_space<hbm>> -> memref<10000x128xf32, #tpu.memory_space<hbm>>
          tpu.enqueue_indirect_dma source(%dma_start3A_194 : memref<10000x128xf32, #tpu.memory_space<hbm>>) target(%arg8 : memref<64x128xf32, #tpu.memory_space<vmem>>) offsets(%dma_start3A_191 : memref<64xi32, #tpu.memory_space<vmem>>) semaphore(%arg13 : memref<!tpu.dma_semaphore, #tpu.memory_space<semaphore_mem>>)
        } else {
        }
        %add3A_127 = arith.constant 1 : i32
        %add3A_128 = arith.addi %mul3A_98, %add3A_127 : i32
        %dma_wait3A_129 = arith.constant 0 : i32
        %dma_wait3A_130 = arith.constant 0 : i32
        %dma_wait3A_131 = tpu.memref_slice %arg6[%rem3A_42, %dma_wait3A_129, %dma_wait3A_130] : memref<2x16x64xi32, #tpu.memory_space<vmem>> -> memref<1x16x64xi32, #tpu.memory_space<vmem>>
        %dma_wait3A_132 = tpu.memref_squeeze %dma_wait3A_131 : memref<1x16x64xi32, #tpu.memory_space<vmem>> -> memref<16x64xi32, #tpu.memory_space<vmem>>
        %dma_wait3A_133 = arith.constant 0 : i32
        %dma_wait3A_134 = tpu.memref_slice %dma_wait3A_132[%add3A_128, %dma_wait3A_133] : memref<16x64xi32, #tpu.memory_space<vmem>> -> memref<1x64xi32, #tpu.memory_space<vmem>>
        %dma_wait3A_135 = tpu.memref_squeeze %dma_wait3A_134 : memref<1x64xi32, #tpu.memory_space<vmem>> -> memref<64xi32, #tpu.memory_space<vmem>>
        %dma_wait3A_136 = arith.constant 0 : i32
        %dma_wait3A_137 = arith.constant 0 : i32
        %dma_wait3A_138 = tpu.memref_slice %arg2[%dma_wait3A_136, %dma_wait3A_137] : memref<10000x128xf32, #tpu.memory_space<hbm>> -> memref<10000x128xf32, #tpu.memory_space<hbm>>
        tpu.wait_indirect_dma semaphore(%arg14 : memref<!tpu.dma_semaphore, #tpu.memory_space<semaphore_mem>>) src(%dma_wait3A_138 : memref<10000x128xf32, #tpu.memory_space<hbm>>) dst(%arg9 : memref<64x128xf32, #tpu.memory_space<vmem>>)
        %add3A_139 = arith.constant 1 : i32
        %add3A_140 = arith.addi %mul3A_98, %add3A_139 : i32
        "tpu.region"() ({
          %run_scoped3A_183 = tpu.sem_alloc : memref<!tpu.dma_semaphore, #tpu.memory_space<semaphore_mem>>
          %dma_start3A_184 = arith.constant 0 : i32
          %dma_start3A_185 = arith.constant 0 : i32
          %dma_start3A_186 = tpu.memref_slice %arg7[%rem3A_42, %dma_start3A_184, %dma_start3A_185] : memref<2x16x64xi32, #tpu.memory_space<vmem>> -> memref<1x16x64xi32, #tpu.memory_space<vmem>>
          %dma_start3A_187 = tpu.memref_squeeze %dma_start3A_186 : memref<1x16x64xi32, #tpu.memory_space<vmem>> -> memref<16x64xi32, #tpu.memory_space<vmem>>
          %dma_start3A_188 = arith.constant 0 : i32
          %dma_start3A_189 = tpu.memref_slice %dma_start3A_187[%add3A_140, %dma_start3A_188] : memref<16x64xi32, #tpu.memory_space<vmem>> -> memref<1x64xi32, #tpu.memory_space<vmem>>
          %dma_start3A_190 = tpu.memref_squeeze %dma_start3A_189 : memref<1x64xi32, #tpu.memory_space<vmem>> -> memref<64xi32, #tpu.memory_space<vmem>>
          %dma_start3A_191 = arith.constant 0 : i32
          %dma_start3A_192 = arith.constant 0 : i32
          %dma_start3A_193 = tpu.memref_slice %arg12[%dma_start3A_191, %dma_start3A_192] : memref<10112x128xf32, #tpu.memory_space<vmem_shared>> -> memref<10112x128xf32, #tpu.memory_space<vmem_shared>>
          tpu.enqueue_indirect_dma source(%arg9 : memref<64x128xf32, #tpu.memory_space<vmem>>) target(%dma_start3A_193 : memref<10112x128xf32, #tpu.memory_space<vmem_shared>>) offsets(%dma_start3A_190 : memref<64xi32, #tpu.memory_space<vmem>>) semaphore(%run_scoped3A_183 : memref<!tpu.dma_semaphore, #tpu.memory_space<semaphore_mem>>) {add = true}
          %dma_wait3A_194 = arith.constant 0 : i32
          %dma_wait3A_195 = arith.constant 0 : i32
          %dma_wait3A_196 = tpu.memref_slice %arg7[%rem3A_42, %dma_wait3A_194, %dma_wait3A_195] : memref<2x16x64xi32, #tpu.memory_space<vmem>> -> memref<1x16x64xi32, #tpu.memory_space<vmem>>
          %dma_wait3A_197 = tpu.memref_squeeze %dma_wait3A_196 : memref<1x16x64xi32, #tpu.memory_space<vmem>> -> memref<16x64xi32, #tpu.memory_space<vmem>>
          %dma_wait3A_198 = arith.constant 0 : i32
          %dma_wait3A_199 = tpu.memref_slice %dma_wait3A_197[%add3A_140, %dma_wait3A_198] : memref<16x64xi32, #tpu.memory_space<vmem>> -> memref<1x64xi32, #tpu.memory_space<vmem>>
          %dma_wait3A_200 = tpu.memref_squeeze %dma_wait3A_199 : memref<1x64xi32, #tpu.memory_space<vmem>> -> memref<64xi32, #tpu.memory_space<vmem>>
          %dma_wait3A_201 = arith.constant 0 : i32
          %dma_wait3A_202 = arith.constant 0 : i32
          %dma_wait3A_203 = tpu.memref_slice %arg12[%dma_wait3A_201, %dma_wait3A_202] : memref<10112x128xf32, #tpu.memory_space<vmem_shared>> -> memref<10112x128xf32, #tpu.memory_space<vmem_shared>>
          tpu.wait_indirect_dma semaphore(%run_scoped3A_183 : memref<!tpu.dma_semaphore, #tpu.memory_space<semaphore_mem>>) src(%arg9 : memref<64x128xf32, #tpu.memory_space<vmem>>) dst(%dma_wait3A_203 : memref<10112x128xf32, #tpu.memory_space<vmem_shared>>)
          tpu.yield
        }) : () -> ()
        %add3A_141 = arith.constant 5 : i32
        %add3A_142 = arith.addi %mul3A_98, %add3A_141 : i32
        %lt3A_143 = arith.constant 16 : i32
        %lt3A_144 = arith.cmpi slt, %add3A_142, %lt3A_143 : i32
        %convert_element_type3A_145 = arith.extui %lt3A_144 : i1 to i32
        %cond3A_146 = arith.constant 0 : i32
        %cond3A_147 = arith.cmpi ne, %convert_element_type3A_145, %cond3A_146 : i32
        scf.if %cond3A_147 {
          %add3A_183 = arith.constant 5 : i32
          %add3A_184 = arith.addi %mul3A_98, %add3A_183 : i32
          %dma_start3A_185 = arith.constant 0 : i32
          %dma_start3A_186 = arith.constant 0 : i32
          %dma_start3A_187 = tpu.memref_slice %arg6[%rem3A_42, %dma_start3A_185, %dma_start3A_186] : memref<2x16x64xi32, #tpu.memory_space<vmem>> -> memref<1x16x64xi32, #tpu.memory_space<vmem>>
          %dma_start3A_188 = tpu.memref_squeeze %dma_start3A_187 : memref<1x16x64xi32, #tpu.memory_space<vmem>> -> memref<16x64xi32, #tpu.memory_space<vmem>>
          %dma_start3A_189 = arith.constant 0 : i32
          %dma_start3A_190 = tpu.memref_slice %dma_start3A_188[%add3A_184, %dma_start3A_189] : memref<16x64xi32, #tpu.memory_space<vmem>> -> memref<1x64xi32, #tpu.memory_space<vmem>>
          %dma_start3A_191 = tpu.memref_squeeze %dma_start3A_190 : memref<1x64xi32, #tpu.memory_space<vmem>> -> memref<64xi32, #tpu.memory_space<vmem>>
          %dma_start3A_192 = arith.constant 0 : i32
          %dma_start3A_193 = arith.constant 0 : i32
          %dma_start3A_194 = tpu.memref_slice %arg2[%dma_start3A_192, %dma_start3A_193] : memref<10000x128xf32, #tpu.memory_space<hbm>> -> memref<10000x128xf32, #tpu.memory_space<hbm>>
          tpu.enqueue_indirect_dma source(%dma_start3A_194 : memref<10000x128xf32, #tpu.memory_space<hbm>>) target(%arg9 : memref<64x128xf32, #tpu.memory_space<vmem>>) offsets(%dma_start3A_191 : memref<64xi32, #tpu.memory_space<vmem>>) semaphore(%arg14 : memref<!tpu.dma_semaphore, #tpu.memory_space<semaphore_mem>>)
        } else {
        }
        %add3A_148 = arith.constant 2 : i32
        %add3A_149 = arith.addi %mul3A_98, %add3A_148 : i32
        %dma_wait3A_150 = arith.constant 0 : i32
        %dma_wait3A_151 = arith.constant 0 : i32
        %dma_wait3A_152 = tpu.memref_slice %arg6[%rem3A_42, %dma_wait3A_150, %dma_wait3A_151] : memref<2x16x64xi32, #tpu.memory_space<vmem>> -> memref<1x16x64xi32, #tpu.memory_space<vmem>>
        %dma_wait3A_153 = tpu.memref_squeeze %dma_wait3A_152 : memref<1x16x64xi32, #tpu.memory_space<vmem>> -> memref<16x64xi32, #tpu.memory_space<vmem>>
        %dma_wait3A_154 = arith.constant 0 : i32
        %dma_wait3A_155 = tpu.memref_slice %dma_wait3A_153[%add3A_149, %dma_wait3A_154] : memref<16x64xi32, #tpu.memory_space<vmem>> -> memref<1x64xi32, #tpu.memory_space<vmem>>
        %dma_wait3A_156 = tpu.memref_squeeze %dma_wait3A_155 : memref<1x64xi32, #tpu.memory_space<vmem>> -> memref<64xi32, #tpu.memory_space<vmem>>
        %dma_wait3A_157 = arith.constant 0 : i32
        %dma_wait3A_158 = arith.constant 0 : i32
        %dma_wait3A_159 = tpu.memref_slice %arg2[%dma_wait3A_157, %dma_wait3A_158] : memref<10000x128xf32, #tpu.memory_space<hbm>> -> memref<10000x128xf32, #tpu.memory_space<hbm>>
        tpu.wait_indirect_dma semaphore(%arg15 : memref<!tpu.dma_semaphore, #tpu.memory_space<semaphore_mem>>) src(%dma_wait3A_159 : memref<10000x128xf32, #tpu.memory_space<hbm>>) dst(%arg10 : memref<64x128xf32, #tpu.memory_space<vmem>>)
        %add3A_160 = arith.constant 2 : i32
        %add3A_161 = arith.addi %mul3A_98, %add3A_160 : i32
        "tpu.region"() ({
          %run_scoped3A_183 = tpu.sem_alloc : memref<!tpu.dma_semaphore, #tpu.memory_space<semaphore_mem>>
          %dma_start3A_184 = arith.constant 0 : i32
          %dma_start3A_185 = arith.constant 0 : i32
          %dma_start3A_186 = tpu.memref_slice %arg7[%rem3A_42, %dma_start3A_184, %dma_start3A_185] : memref<2x16x64xi32, #tpu.memory_space<vmem>> -> memref<1x16x64xi32, #tpu.memory_space<vmem>>
          %dma_start3A_187 = tpu.memref_squeeze %dma_start3A_186 : memref<1x16x64xi32, #tpu.memory_space<vmem>> -> memref<16x64xi32, #tpu.memory_space<vmem>>
          %dma_start3A_188 = arith.constant 0 : i32
          %dma_start3A_189 = tpu.memref_slice %dma_start3A_187[%add3A_161, %dma_start3A_188] : memref<16x64xi32, #tpu.memory_space<vmem>> -> memref<1x64xi32, #tpu.memory_space<vmem>>
          %dma_start3A_190 = tpu.memref_squeeze %dma_start3A_189 : memref<1x64xi32, #tpu.memory_space<vmem>> -> memref<64xi32, #tpu.memory_space<vmem>>
          %dma_start3A_191 = arith.constant 0 : i32
          %dma_start3A_192 = arith.constant 0 : i32
          %dma_start3A_193 = tpu.memref_slice %arg12[%dma_start3A_191, %dma_start3A_192] : memref<10112x128xf32, #tpu.memory_space<vmem_shared>> -> memref<10112x128xf32, #tpu.memory_space<vmem_shared>>
          tpu.enqueue_indirect_dma source(%arg10 : memref<64x128xf32, #tpu.memory_space<vmem>>) target(%dma_start3A_193 : memref<10112x128xf32, #tpu.memory_space<vmem_shared>>) offsets(%dma_start3A_190 : memref<64xi32, #tpu.memory_space<vmem>>) semaphore(%run_scoped3A_183 : memref<!tpu.dma_semaphore, #tpu.memory_space<semaphore_mem>>) {add = true}
          %dma_wait3A_194 = arith.constant 0 : i32
          %dma_wait3A_195 = arith.constant 0 : i32
          %dma_wait3A_196 = tpu.memref_slice %arg7[%rem3A_42, %dma_wait3A_194, %dma_wait3A_195] : memref<2x16x64xi32, #tpu.memory_space<vmem>> -> memref<1x16x64xi32, #tpu.memory_space<vmem>>
          %dma_wait3A_197 = tpu.memref_squeeze %dma_wait3A_196 : memref<1x16x64xi32, #tpu.memory_space<vmem>> -> memref<16x64xi32, #tpu.memory_space<vmem>>
          %dma_wait3A_198 = arith.constant 0 : i32
          %dma_wait3A_199 = tpu.memref_slice %dma_wait3A_197[%add3A_161, %dma_wait3A_198] : memref<16x64xi32, #tpu.memory_space<vmem>> -> memref<1x64xi32, #tpu.memory_space<vmem>>
          %dma_wait3A_200 = tpu.memref_squeeze %dma_wait3A_199 : memref<1x64xi32, #tpu.memory_space<vmem>> -> memref<64xi32, #tpu.memory_space<vmem>>
          %dma_wait3A_201 = arith.constant 0 : i32
          %dma_wait3A_202 = arith.constant 0 : i32
          %dma_wait3A_203 = tpu.memref_slice %arg12[%dma_wait3A_201, %dma_wait3A_202] : memref<10112x128xf32, #tpu.memory_space<vmem_shared>> -> memref<10112x128xf32, #tpu.memory_space<vmem_shared>>
          tpu.wait_indirect_dma semaphore(%run_scoped3A_183 : memref<!tpu.dma_semaphore, #tpu.memory_space<semaphore_mem>>) src(%arg10 : memref<64x128xf32, #tpu.memory_space<vmem>>) dst(%dma_wait3A_203 : memref<10112x128xf32, #tpu.memory_space<vmem_shared>>)
          tpu.yield
        }) : () -> ()
        %add3A_162 = arith.constant 6 : i32
        %add3A_163 = arith.addi %mul3A_98, %add3A_162 : i32
        %lt3A_164 = arith.constant 16 : i32
        %lt3A_165 = arith.cmpi slt, %add3A_163, %lt3A_164 : i32
        %convert_element_type3A_166 = arith.extui %lt3A_165 : i1 to i32
        %cond3A_167 = arith.constant 0 : i32
        %cond3A_168 = arith.cmpi ne, %convert_element_type3A_166, %cond3A_167 : i32
        scf.if %cond3A_168 {
          %add3A_183 = arith.constant 6 : i32
          %add3A_184 = arith.addi %mul3A_98, %add3A_183 : i32
          %dma_start3A_185 = arith.constant 0 : i32
          %dma_start3A_186 = arith.constant 0 : i32
          %dma_start3A_187 = tpu.memref_slice %arg6[%rem3A_42, %dma_start3A_185, %dma_start3A_186] : memref<2x16x64xi32, #tpu.memory_space<vmem>> -> memref<1x16x64xi32, #tpu.memory_space<vmem>>
          %dma_start3A_188 = tpu.memref_squeeze %dma_start3A_187 : memref<1x16x64xi32, #tpu.memory_space<vmem>> -> memref<16x64xi32, #tpu.memory_space<vmem>>
          %dma_start3A_189 = arith.constant 0 : i32
          %dma_start3A_190 = tpu.memref_slice %dma_start3A_188[%add3A_184, %dma_start3A_189] : memref<16x64xi32, #tpu.memory_space<vmem>> -> memref<1x64xi32, #tpu.memory_space<vmem>>
          %dma_start3A_191 = tpu.memref_squeeze %dma_start3A_190 : memref<1x64xi32, #tpu.memory_space<vmem>> -> memref<64xi32, #tpu.memory_space<vmem>>
          %dma_start3A_192 = arith.constant 0 : i32
          %dma_start3A_193 = arith.constant 0 : i32
          %dma_start3A_194 = tpu.memref_slice %arg2[%dma_start3A_192, %dma_start3A_193] : memref<10000x128xf32, #tpu.memory_space<hbm>> -> memref<10000x128xf32, #tpu.memory_space<hbm>>
          tpu.enqueue_indirect_dma source(%dma_start3A_194 : memref<10000x128xf32, #tpu.memory_space<hbm>>) target(%arg10 : memref<64x128xf32, #tpu.memory_space<vmem>>) offsets(%dma_start3A_191 : memref<64xi32, #tpu.memory_space<vmem>>) semaphore(%arg15 : memref<!tpu.dma_semaphore, #tpu.memory_space<semaphore_mem>>)
        } else {
        }
        %add3A_169 = arith.constant 3 : i32
        %add3A_170 = arith.addi %mul3A_98, %add3A_169 : i32
        %dma_wait3A_171 = arith.constant 0 : i32
        %dma_wait3A_172 = arith.constant 0 : i32
        %dma_wait3A_173 = tpu.memref_slice %arg6[%rem3A_42, %dma_wait3A_171, %dma_wait3A_172] : memref<2x16x64xi32, #tpu.memory_space<vmem>> -> memref<1x16x64xi32, #tpu.memory_space<vmem>>
        %dma_wait3A_174 = tpu.memref_squeeze %dma_wait3A_173 : memref<1x16x64xi32, #tpu.memory_space<vmem>> -> memref<16x64xi32, #tpu.memory_space<vmem>>
        %dma_wait3A_175 = arith.constant 0 : i32
        %dma_wait3A_176 = tpu.memref_slice %dma_wait3A_174[%add3A_170, %dma_wait3A_175] : memref<16x64xi32, #tpu.memory_space<vmem>> -> memref<1x64xi32, #tpu.memory_space<vmem>>
        %dma_wait3A_177 = tpu.memref_squeeze %dma_wait3A_176 : memref<1x64xi32, #tpu.memory_space<vmem>> -> memref<64xi32, #tpu.memory_space<vmem>>
        %dma_wait3A_178 = arith.constant 0 : i32
        %dma_wait3A_179 = arith.constant 0 : i32
        %dma_wait3A_180 = tpu.memref_slice %arg2[%dma_wait3A_178, %dma_wait3A_179] : memref<10000x128xf32, #tpu.memory_space<hbm>> -> memref<10000x128xf32, #tpu.memory_space<hbm>>
        tpu.wait_indirect_dma semaphore(%arg16 : memref<!tpu.dma_semaphore, #tpu.memory_space<semaphore_mem>>) src(%dma_wait3A_180 : memref<10000x128xf32, #tpu.memory_space<hbm>>) dst(%arg11 : memref<64x128xf32, #tpu.memory_space<vmem>>)
        %add3A_181 = arith.constant 3 : i32
        %add3A_182 = arith.addi %mul3A_98, %add3A_181 : i32
        "tpu.region"() ({
          %run_scoped3A_183 = tpu.sem_alloc : memref<!tpu.dma_semaphore, #tpu.memory_space<semaphore_mem>>
          %dma_start3A_184 = arith.constant 0 : i32
          %dma_start3A_185 = arith.constant 0 : i32
          %dma_start3A_186 = tpu.memref_slice %arg7[%rem3A_42, %dma_start3A_184, %dma_start3A_185] : memref<2x16x64xi32, #tpu.memory_space<vmem>> -> memref<1x16x64xi32, #tpu.memory_space<vmem>>
          %dma_start3A_187 = tpu.memref_squeeze %dma_start3A_186 : memref<1x16x64xi32, #tpu.memory_space<vmem>> -> memref<16x64xi32, #tpu.memory_space<vmem>>
          %dma_start3A_188 = arith.constant 0 : i32
          %dma_start3A_189 = tpu.memref_slice %dma_start3A_187[%add3A_182, %dma_start3A_188] : memref<16x64xi32, #tpu.memory_space<vmem>> -> memref<1x64xi32, #tpu.memory_space<vmem>>
          %dma_start3A_190 = tpu.memref_squeeze %dma_start3A_189 : memref<1x64xi32, #tpu.memory_space<vmem>> -> memref<64xi32, #tpu.memory_space<vmem>>
          %dma_start3A_191 = arith.constant 0 : i32
          %dma_start3A_192 = arith.constant 0 : i32
          %dma_start3A_193 = tpu.memref_slice %arg12[%dma_start3A_191, %dma_start3A_192] : memref<10112x128xf32, #tpu.memory_space<vmem_shared>> -> memref<10112x128xf32, #tpu.memory_space<vmem_shared>>
          tpu.enqueue_indirect_dma source(%arg11 : memref<64x128xf32, #tpu.memory_space<vmem>>) target(%dma_start3A_193 : memref<10112x128xf32, #tpu.memory_space<vmem_shared>>) offsets(%dma_start3A_190 : memref<64xi32, #tpu.memory_space<vmem>>) semaphore(%run_scoped3A_183 : memref<!tpu.dma_semaphore, #tpu.memory_space<semaphore_mem>>) {add = true}
          %dma_wait3A_194 = arith.constant 0 : i32
          %dma_wait3A_195 = arith.constant 0 : i32
          %dma_wait3A_196 = tpu.memref_slice %arg7[%rem3A_42, %dma_wait3A_194, %dma_wait3A_195] : memref<2x16x64xi32, #tpu.memory_space<vmem>> -> memref<1x16x64xi32, #tpu.memory_space<vmem>>
          %dma_wait3A_197 = tpu.memref_squeeze %dma_wait3A_196 : memref<1x16x64xi32, #tpu.memory_space<vmem>> -> memref<16x64xi32, #tpu.memory_space<vmem>>
          %dma_wait3A_198 = arith.constant 0 : i32
          %dma_wait3A_199 = tpu.memref_slice %dma_wait3A_197[%add3A_182, %dma_wait3A_198] : memref<16x64xi32, #tpu.memory_space<vmem>> -> memref<1x64xi32, #tpu.memory_space<vmem>>
          %dma_wait3A_200 = tpu.memref_squeeze %dma_wait3A_199 : memref<1x64xi32, #tpu.memory_space<vmem>> -> memref<64xi32, #tpu.memory_space<vmem>>
          %dma_wait3A_201 = arith.constant 0 : i32
          %dma_wait3A_202 = arith.constant 0 : i32
          %dma_wait3A_203 = tpu.memref_slice %arg12[%dma_wait3A_201, %dma_wait3A_202] : memref<10112x128xf32, #tpu.memory_space<vmem_shared>> -> memref<10112x128xf32, #tpu.memory_space<vmem_shared>>
          tpu.wait_indirect_dma semaphore(%run_scoped3A_183 : memref<!tpu.dma_semaphore, #tpu.memory_space<semaphore_mem>>) src(%arg11 : memref<64x128xf32, #tpu.memory_space<vmem>>) dst(%dma_wait3A_203 : memref<10112x128xf32, #tpu.memory_space<vmem_shared>>)
          tpu.yield
        }) : () -> ()
      }
      %scan3A_91 = arith.constant 4 : i32
    }
    %scan3A_35 = arith.constant 10 : i32
    %barrier3A_36 = arith.constant 0 : index
    tpu.barrier barrier_id(%barrier3A_36)
    "tpu.region"() ({
      %run_scoped3A_37 = tpu.sem_alloc : memref<!tpu.dma_semaphore, #tpu.memory_space<semaphore_mem>>
      %dma_start3A = arith.constant 0 : i32
      %dma_start3A_38 = arith.constant 0 : i32
      %dma_start3A_39 = tpu.memref_slice %arg5[%arg0, %dma_start3A, %dma_start3A_38] : memref<2x10112x128xf32, #tpu.memory_space<hbm>> -> memref<1x10112x128xf32, #tpu.memory_space<hbm>>
      %dma_start3A_40 = tpu.memref_squeeze %dma_start3A_39 : memref<1x10112x128xf32, #tpu.memory_space<hbm>> -> memref<10112x128xf32, #tpu.memory_space<hbm>>
      %dma_start3A_41 = arith.constant 0 : i32
      %dma_start3A_42 = tpu.memref_slice %dma_start3A_40[%mul3A_4, %dma_start3A_41] : memref<10112x128xf32, #tpu.memory_space<hbm>> -> memref<632x128xf32, #tpu.memory_space<hbm>>
      %dma_start3A_43 = arith.constant 0 : i32
      %dma_start3A_44 = tpu.memref_slice %arg12[%mul3A_4, %dma_start3A_43] : memref<10112x128xf32, #tpu.memory_space<vmem_shared>> -> memref<632x128xf32, #tpu.memory_space<vmem_shared>>
      tpu.enqueue_dma source(%dma_start3A_44 : memref<632x128xf32, #tpu.memory_space<vmem_shared>>) target(%dma_start3A_42 : memref<632x128xf32, #tpu.memory_space<hbm>>) target_semaphore(%run_scoped3A_37 : memref<!tpu.dma_semaphore, #tpu.memory_space<semaphore_mem>>)
      %dma_wait3A = arith.constant 0 : i32
      %dma_wait3A_45 = arith.constant 0 : i32
      %dma_wait3A_46 = tpu.memref_slice %arg5[%arg0, %dma_wait3A, %dma_wait3A_45] : memref<2x10112x128xf32, #tpu.memory_space<hbm>> -> memref<1x10112x128xf32, #tpu.memory_space<hbm>>
      %dma_wait3A_47 = tpu.memref_squeeze %dma_wait3A_46 : memref<1x10112x128xf32, #tpu.memory_space<hbm>> -> memref<10112x128xf32, #tpu.memory_space<hbm>>
      %dma_wait3A_48 = arith.constant 0 : i32
      %dma_wait3A_49 = tpu.memref_slice %dma_wait3A_47[%mul3A_4, %dma_wait3A_48] : memref<10112x128xf32, #tpu.memory_space<hbm>> -> memref<632x128xf32, #tpu.memory_space<hbm>>
      %dma_wait3A_50 = arith.constant 0 : i32
      %dma_wait3A_51 = tpu.memref_slice %arg12[%mul3A_4, %dma_wait3A_50] : memref<10112x128xf32, #tpu.memory_space<vmem_shared>> -> memref<632x128xf32, #tpu.memory_space<vmem_shared>>
      tpu.wait_dma2 semaphore(%run_scoped3A_37 : memref<!tpu.dma_semaphore, #tpu.memory_space<semaphore_mem>>) src(%dma_wait3A_51 : memref<632x128xf32, #tpu.memory_space<vmem_shared>>) dst(%dma_wait3A_49 : memref<632x128xf32, #tpu.memory_space<hbm>>)
      tpu.yield
    }) : () -> ()
    return
  }
}

#map = affine_map<(d0, d1) -> (0, 0)>
#map1 = affine_map<(d0, d1) -> (0, 0, 0)>
module attributes {stable_mosaic.version = 14 : i64} {
  func.func @k(%arg0: i32, %arg1: i32, %arg2: memref<10000x128xf32, #tpu.memory_space<hbm>>, %arg3: memref<5120x64xi32, #tpu.memory_space<hbm>>, %arg4: memref<5120x64xi32, #tpu.memory_space<hbm>>, %arg5: memref<2x10112x128xf32, #tpu.memory_space<hbm>>, %arg6: memref<2x16x64xi32, #tpu.memory_space<vmem>>, %arg7: memref<2x16x64xi32, #tpu.memory_space<vmem>>, %arg8: memref<64x128xf32, #tpu.memory_space<vmem>>, %arg9: memref<64x128xf32, #tpu.memory_space<vmem>>, %arg10: memref<64x128xf32, #tpu.memory_space<vmem>>, %arg11: memref<64x128xf32, #tpu.memory_space<vmem>>, %arg12: memref<10112x128xf32, #tpu.memory_space<vmem_shared>>, %arg13: memref<!tpu.dma_semaphore, #tpu.memory_space<semaphore_mem>>, %arg14: memref<!tpu.dma_semaphore, #tpu.memory_space<semaphore_mem>>, %arg15: memref<!tpu.dma_semaphore, #tpu.memory_space<semaphore_mem>>, %arg16: memref<!tpu.dma_semaphore, #tpu.memory_space<semaphore_mem>>, %arg17: memref<!tpu.dma_semaphore, #tpu.memory_space<semaphore_mem>>) attributes {dimension_semantics = [#tpu.dimension_semantics<core_parallel>, #tpu.dimension_semantics<subcore_parallel>], iteration_bounds = array<i64: 2, 16>, scalar_prefetch = 0 : i64, scratch_operands = 12 : i64, tpu.core_type = #tpu.core_type<sc_vector_subcore>, window_params = [{transform_indices = #map}, {transform_indices = #map}, {transform_indices = #map}, {transform_indices = #map1}]} {
    %scan3A = arith.constant 0 : i32
    %scan3A_0 = arith.constant 64 : i32
    %scan3A_1 = arith.addi %scan3A, %scan3A_0 : i32
    %scan3A_2 = arith.constant 1 : i32
    scf.for %scan3A_37 = %scan3A to %scan3A_1 step %scan3A_2  : i32 {
      %mul3A_38 = arith.constant 1 : i32
      %mul3A_39 = arith.muli %scan3A_37, %mul3A_38 : i32
      %add3A_40 = arith.constant 0 : i32
      %add3A_41 = arith.addi %add3A_40, %mul3A_39 : i32
      %scan3A_42 = arith.constant 0 : i32
      %scan3A_43 = arith.constant 8 : i32
      %scan3A_44 = arith.addi %scan3A_42, %scan3A_43 : i32
      %scan3A_45 = arith.constant 1 : i32
      scf.for %scan3A_47 = %scan3A_42 to %scan3A_44 step %scan3A_45  : i32 {
        %mul3A_48 = arith.constant 1 : i32
        %mul3A_49 = arith.muli %scan3A_47, %mul3A_48 : i32
        %add3A_50 = arith.constant 0 : i32
        %add3A_51 = arith.addi %add3A_50, %mul3A_49 : i32
        %broadcast_in_dim3A = arith.constant 0.000000e+00 : f32
        %broadcast_in_dim3A_52 = vector.broadcast %broadcast_in_dim3A : f32 to vector<16xf32>
        %mul3A_53 = arith.constant 16 : i32
        %mul3A_54 = arith.muli %add3A_51, %mul3A_53 : i32
        %swap3A = arith.index_cast %add3A_41 : i32 to index
        %swap3A_55 = arith.index_cast %mul3A_54 : i32 to index
        %swap3A_56 = tpu.vector_load %arg8[%swap3A, %swap3A_55] {strides = array<i32>} : memref<64x128xf32, #tpu.memory_space<vmem>>, vector<1x16xf32>,
        %swap3A_57 = vector.shape_cast %swap3A_56 : vector<1x16xf32> to vector<16xf32>
        %swap3A_58 = vector.shape_cast %broadcast_in_dim3A_52 : vector<16xf32> to vector<1x16xf32>
        tpu.vector_store %arg8[%swap3A, %swap3A_55], %swap3A_58 {strides = array<i32>} : memref<64x128xf32, #tpu.memory_space<vmem>>, vector<1x16xf32>,
      }
      %scan3A_46 = arith.constant 8 : i32
    }
    %scan3A_3 = arith.constant 64 : i32
    %mul3A = arith.constant 632 : i32
    %mul3A_4 = arith.muli %arg1, %mul3A : i32
    %add3A = arith.constant 0 : i32
    %add3A_5 = arith.addi %mul3A_4, %add3A : i32
    "tpu.region"() ({
      %run_scoped3A_37 = tpu.sem_alloc : memref<!tpu.dma_semaphore, #tpu.memory_space<semaphore_mem>>
      %dma_start3A = arith.constant 0 : i32
      %dma_start3A_38 = tpu.memref_slice %arg12[%add3A_5, %dma_start3A] : memref<10112x128xf32, #tpu.memory_space<vmem_shared>> -> memref<64x128xf32, #tpu.memory_space<vmem_shared>>
      %dma_start3A_39 = arith.constant 0 : i32
      %dma_start3A_40 = tpu.memref_slice %arg12[%add3A_5, %dma_start3A_39] : memref<10112x128xf32, #tpu.memory_space<vmem_shared>> -> memref<64x128xf32, #tpu.memory_space<vmem_shared>>
      tpu.enqueue_dma source(%arg8 : memref<64x128xf32, #tpu.memory_space<vmem>>) target(%dma_start3A_40 : memref<64x128xf32, #tpu.memory_space<vmem_shared>>) target_semaphore(%run_scoped3A_37 : memref<!tpu.dma_semaphore, #tpu.memory_space<semaphore_mem>>)
      %dma_wait3A = arith.constant 0 : i32
      %dma_wait3A_41 = tpu.memref_slice %arg12[%add3A_5, %dma_wait3A] : memref<10112x128xf32, #tpu.memory_space<vmem_shared>> -> memref<64x128xf32, #tpu.memory_space<vmem_shared>>
      %dma_wait3A_42 = arith.constant 0 : i32
      %dma_wait3A_43 = tpu.memref_slice %arg12[%add3A_5, %dma_wait3A_42] : memref<10112x128xf32, #tpu.memory_space<vmem_shared>> -> memref<64x128xf32, #tpu.memory_space<vmem_shared>>
      tpu.wait_dma2 semaphore(%run_scoped3A_37 : memref<!tpu.dma_semaphore, #tpu.memory_space<semaphore_mem>>) src(%arg8 : memref<64x128xf32, #tpu.memory_space<vmem>>) dst(%dma_wait3A_43 : memref<64x128xf32, #tpu.memory_space<vmem_shared>>)
      tpu.yield
    }) : () -> ()
    %add3A_6 = arith.constant 64 : i32
    %add3A_7 = arith.addi %mul3A_4, %add3A_6 : i32
    "tpu.region"() ({
      %run_scoped3A_37 = tpu.sem_alloc : memref<!tpu.dma_semaphore, #tpu.memory_space<semaphore_mem>>
      %dma_start3A = arith.constant 0 : i32
      %dma_start3A_38 = tpu.memref_slice %arg12[%add3A_7, %dma_start3A] : memref<10112x128xf32, #tpu.memory_space<vmem_shared>> -> memref<64x128xf32, #tpu.memory_space<vmem_shared>>
      %dma_start3A_39 = arith.constant 0 : i32
      %dma_start3A_40 = tpu.memref_slice %arg12[%add3A_7, %dma_start3A_39] : memref<10112x128xf32, #tpu.memory_space<vmem_shared>> -> memref<64x128xf32, #tpu.memory_space<vmem_shared>>
      tpu.enqueue_dma source(%arg8 : memref<64x128xf32, #tpu.memory_space<vmem>>) target(%dma_start3A_40 : memref<64x128xf32, #tpu.memory_space<vmem_shared>>) target_semaphore(%run_scoped3A_37 : memref<!tpu.dma_semaphore, #tpu.memory_space<semaphore_mem>>)
      %dma_wait3A = arith.constant 0 : i32
      %dma_wait3A_41 = tpu.memref_slice %arg12[%add3A_7, %dma_wait3A] : memref<10112x128xf32, #tpu.memory_space<vmem_shared>> -> memref<64x128xf32, #tpu.memory_space<vmem_shared>>
      %dma_wait3A_42 = arith.constant 0 : i32
      %dma_wait3A_43 = tpu.memref_slice %arg12[%add3A_7, %dma_wait3A_42] : memref<10112x128xf32, #tpu.memory_space<vmem_shared>> -> memref<64x128xf32, #tpu.memory_space<vmem_shared>>
      tpu.wait_dma2 semaphore(%run_scoped3A_37 : memref<!tpu.dma_semaphore, #tpu.memory_space<semaphore_mem>>) src(%arg8 : memref<64x128xf32, #tpu.memory_space<vmem>>) dst(%dma_wait3A_43 : memref<64x128xf32, #tpu.memory_space<vmem_shared>>)
      tpu.yield
    }) : () -> ()
    %add3A_8 = arith.constant 128 : i32
    %add3A_9 = arith.addi %mul3A_4, %add3A_8 : i32
    "tpu.region"() ({
      %run_scoped3A_37 = tpu.sem_alloc : memref<!tpu.dma_semaphore, #tpu.memory_space<semaphore_mem>>
      %dma_start3A = arith.constant 0 : i32
      %dma_start3A_38 = tpu.memref_slice %arg12[%add3A_9, %dma_start3A] : memref<10112x128xf32, #tpu.memory_space<vmem_shared>> -> memref<64x128xf32, #tpu.memory_space<vmem_shared>>
      %dma_start3A_39 = arith.constant 0 : i32
      %dma_start3A_40 = tpu.memref_slice %arg12[%add3A_9, %dma_start3A_39] : memref<10112x128xf32, #tpu.memory_space<vmem_shared>> -> memref<64x128xf32, #tpu.memory_space<vmem_shared>>
      tpu.enqueue_dma source(%arg8 : memref<64x128xf32, #tpu.memory_space<vmem>>) target(%dma_start3A_40 : memref<64x128xf32, #tpu.memory_space<vmem_shared>>) target_semaphore(%run_scoped3A_37 : memref<!tpu.dma_semaphore, #tpu.memory_space<semaphore_mem>>)
      %dma_wait3A = arith.constant 0 : i32
      %dma_wait3A_41 = tpu.memref_slice %arg12[%add3A_9, %dma_wait3A] : memref<10112x128xf32, #tpu.memory_space<vmem_shared>> -> memref<64x128xf32, #tpu.memory_space<vmem_shared>>
      %dma_wait3A_42 = arith.constant 0 : i32
      %dma_wait3A_43 = tpu.memref_slice %arg12[%add3A_9, %dma_wait3A_42] : memref<10112x128xf32, #tpu.memory_space<vmem_shared>> -> memref<64x128xf32, #tpu.memory_space<vmem_shared>>
      tpu.wait_dma2 semaphore(%run_scoped3A_37 : memref<!tpu.dma_semaphore, #tpu.memory_space<semaphore_mem>>) src(%arg8 : memref<64x128xf32, #tpu.memory_space<vmem>>) dst(%dma_wait3A_43 : memref<64x128xf32, #tpu.memory_space<vmem_shared>>)
      tpu.yield
    }) : () -> ()
    %add3A_10 = arith.constant 192 : i32
    %add3A_11 = arith.addi %mul3A_4, %add3A_10 : i32
    "tpu.region"() ({
      %run_scoped3A_37 = tpu.sem_alloc : memref<!tpu.dma_semaphore, #tpu.memory_space<semaphore_mem>>
      %dma_start3A = arith.constant 0 : i32
      %dma_start3A_38 = tpu.memref_slice %arg12[%add3A_11, %dma_start3A] : memref<10112x128xf32, #tpu.memory_space<vmem_shared>> -> memref<64x128xf32, #tpu.memory_space<vmem_shared>>
      %dma_start3A_39 = arith.constant 0 : i32
      %dma_start3A_40 = tpu.memref_slice %arg12[%add3A_11, %dma_start3A_39] : memref<10112x128xf32, #tpu.memory_space<vmem_shared>> -> memref<64x128xf32, #tpu.memory_space<vmem_shared>>
      tpu.enqueue_dma source(%arg8 : memref<64x128xf32, #tpu.memory_space<vmem>>) target(%dma_start3A_40 : memref<64x128xf32, #tpu.memory_space<vmem_shared>>) target_semaphore(%run_scoped3A_37 : memref<!tpu.dma_semaphore, #tpu.memory_space<semaphore_mem>>)
      %dma_wait3A = arith.constant 0 : i32
      %dma_wait3A_41 = tpu.memref_slice %arg12[%add3A_11, %dma_wait3A] : memref<10112x128xf32, #tpu.memory_space<vmem_shared>> -> memref<64x128xf32, #tpu.memory_space<vmem_shared>>
      %dma_wait3A_42 = arith.constant 0 : i32
      %dma_wait3A_43 = tpu.memref_slice %arg12[%add3A_11, %dma_wait3A_42] : memref<10112x128xf32, #tpu.memory_space<vmem_shared>> -> memref<64x128xf32, #tpu.memory_space<vmem_shared>>
      tpu.wait_dma2 semaphore(%run_scoped3A_37 : memref<!tpu.dma_semaphore, #tpu.memory_space<semaphore_mem>>) src(%arg8 : memref<64x128xf32, #tpu.memory_space<vmem>>) dst(%dma_wait3A_43 : memref<64x128xf32, #tpu.memory_space<vmem_shared>>)
      tpu.yield
    }) : () -> ()
    %add3A_12 = arith.constant 256 : i32
    %add3A_13 = arith.addi %mul3A_4, %add3A_12 : i32
    "tpu.region"() ({
      %run_scoped3A_37 = tpu.sem_alloc : memref<!tpu.dma_semaphore, #tpu.memory_space<semaphore_mem>>
      %dma_start3A = arith.constant 0 : i32
      %dma_start3A_38 = tpu.memref_slice %arg12[%add3A_13, %dma_start3A] : memref<10112x128xf32, #tpu.memory_space<vmem_shared>> -> memref<64x128xf32, #tpu.memory_space<vmem_shared>>
      %dma_start3A_39 = arith.constant 0 : i32
      %dma_start3A_40 = tpu.memref_slice %arg12[%add3A_13, %dma_start3A_39] : memref<10112x128xf32, #tpu.memory_space<vmem_shared>> -> memref<64x128xf32, #tpu.memory_space<vmem_shared>>
      tpu.enqueue_dma source(%arg8 : memref<64x128xf32, #tpu.memory_space<vmem>>) target(%dma_start3A_40 : memref<64x128xf32, #tpu.memory_space<vmem_shared>>) target_semaphore(%run_scoped3A_37 : memref<!tpu.dma_semaphore, #tpu.memory_space<semaphore_mem>>)
      %dma_wait3A = arith.constant 0 : i32
      %dma_wait3A_41 = tpu.memref_slice %arg12[%add3A_13, %dma_wait3A] : memref<10112x128xf32, #tpu.memory_space<vmem_shared>> -> memref<64x128xf32, #tpu.memory_space<vmem_shared>>
      %dma_wait3A_42 = arith.constant 0 : i32
      %dma_wait3A_43 = tpu.memref_slice %arg12[%add3A_13, %dma_wait3A_42] : memref<10112x128xf32, #tpu.memory_space<vmem_shared>> -> memref<64x128xf32, #tpu.memory_space<vmem_shared>>
      tpu.wait_dma2 semaphore(%run_scoped3A_37 : memref<!tpu.dma_semaphore, #tpu.memory_space<semaphore_mem>>) src(%arg8 : memref<64x128xf32, #tpu.memory_space<vmem>>) dst(%dma_wait3A_43 : memref<64x128xf32, #tpu.memory_space<vmem_shared>>)
      tpu.yield
    }) : () -> ()
    %add3A_14 = arith.constant 320 : i32
    %add3A_15 = arith.addi %mul3A_4, %add3A_14 : i32
    "tpu.region"() ({
      %run_scoped3A_37 = tpu.sem_alloc : memref<!tpu.dma_semaphore, #tpu.memory_space<semaphore_mem>>
      %dma_start3A = arith.constant 0 : i32
      %dma_start3A_38 = tpu.memref_slice %arg12[%add3A_15, %dma_start3A] : memref<10112x128xf32, #tpu.memory_space<vmem_shared>> -> memref<64x128xf32, #tpu.memory_space<vmem_shared>>
      %dma_start3A_39 = arith.constant 0 : i32
      %dma_start3A_40 = tpu.memref_slice %arg12[%add3A_15, %dma_start3A_39] : memref<10112x128xf32, #tpu.memory_space<vmem_shared>> -> memref<64x128xf32, #tpu.memory_space<vmem_shared>>
      tpu.enqueue_dma source(%arg8 : memref<64x128xf32, #tpu.memory_space<vmem>>) target(%dma_start3A_40 : memref<64x128xf32, #tpu.memory_space<vmem_shared>>) target_semaphore(%run_scoped3A_37 : memref<!tpu.dma_semaphore, #tpu.memory_space<semaphore_mem>>)
      %dma_wait3A = arith.constant 0 : i32
      %dma_wait3A_41 = tpu.memref_slice %arg12[%add3A_15, %dma_wait3A] : memref<10112x128xf32, #tpu.memory_space<vmem_shared>> -> memref<64x128xf32, #tpu.memory_space<vmem_shared>>
      %dma_wait3A_42 = arith.constant 0 : i32
      %dma_wait3A_43 = tpu.memref_slice %arg12[%add3A_15, %dma_wait3A_42] : memref<10112x128xf32, #tpu.memory_space<vmem_shared>> -> memref<64x128xf32, #tpu.memory_space<vmem_shared>>
      tpu.wait_dma2 semaphore(%run_scoped3A_37 : memref<!tpu.dma_semaphore, #tpu.memory_space<semaphore_mem>>) src(%arg8 : memref<64x128xf32, #tpu.memory_space<vmem>>) dst(%dma_wait3A_43 : memref<64x128xf32, #tpu.memory_space<vmem_shared>>)
      tpu.yield
    }) : () -> ()
    %add3A_16 = arith.constant 384 : i32
    %add3A_17 = arith.addi %mul3A_4, %add3A_16 : i32
    "tpu.region"() ({
      %run_scoped3A_37 = tpu.sem_alloc : memref<!tpu.dma_semaphore, #tpu.memory_space<semaphore_mem>>
      %dma_start3A = arith.constant 0 : i32
      %dma_start3A_38 = tpu.memref_slice %arg12[%add3A_17, %dma_start3A] : memref<10112x128xf32, #tpu.memory_space<vmem_shared>> -> memref<64x128xf32, #tpu.memory_space<vmem_shared>>
      %dma_start3A_39 = arith.constant 0 : i32
      %dma_start3A_40 = tpu.memref_slice %arg12[%add3A_17, %dma_start3A_39] : memref<10112x128xf32, #tpu.memory_space<vmem_shared>> -> memref<64x128xf32, #tpu.memory_space<vmem_shared>>
      tpu.enqueue_dma source(%arg8 : memref<64x128xf32, #tpu.memory_space<vmem>>) target(%dma_start3A_40 : memref<64x128xf32, #tpu.memory_space<vmem_shared>>) target_semaphore(%run_scoped3A_37 : memref<!tpu.dma_semaphore, #tpu.memory_space<semaphore_mem>>)
      %dma_wait3A = arith.constant 0 : i32
      %dma_wait3A_41 = tpu.memref_slice %arg12[%add3A_17, %dma_wait3A] : memref<10112x128xf32, #tpu.memory_space<vmem_shared>> -> memref<64x128xf32, #tpu.memory_space<vmem_shared>>
      %dma_wait3A_42 = arith.constant 0 : i32
      %dma_wait3A_43 = tpu.memref_slice %arg12[%add3A_17, %dma_wait3A_42] : memref<10112x128xf32, #tpu.memory_space<vmem_shared>> -> memref<64x128xf32, #tpu.memory_space<vmem_shared>>
      tpu.wait_dma2 semaphore(%run_scoped3A_37 : memref<!tpu.dma_semaphore, #tpu.memory_space<semaphore_mem>>) src(%arg8 : memref<64x128xf32, #tpu.memory_space<vmem>>) dst(%dma_wait3A_43 : memref<64x128xf32, #tpu.memory_space<vmem_shared>>)
      tpu.yield
    }) : () -> ()
    %add3A_18 = arith.constant 448 : i32
    %add3A_19 = arith.addi %mul3A_4, %add3A_18 : i32
    "tpu.region"() ({
      %run_scoped3A_37 = tpu.sem_alloc : memref<!tpu.dma_semaphore, #tpu.memory_space<semaphore_mem>>
      %dma_start3A = arith.constant 0 : i32
      %dma_start3A_38 = tpu.memref_slice %arg12[%add3A_19, %dma_start3A] : memref<10112x128xf32, #tpu.memory_space<vmem_shared>> -> memref<64x128xf32, #tpu.memory_space<vmem_shared>>
      %dma_start3A_39 = arith.constant 0 : i32
      %dma_start3A_40 = tpu.memref_slice %arg12[%add3A_19, %dma_start3A_39] : memref<10112x128xf32, #tpu.memory_space<vmem_shared>> -> memref<64x128xf32, #tpu.memory_space<vmem_shared>>
      tpu.enqueue_dma source(%arg8 : memref<64x128xf32, #tpu.memory_space<vmem>>) target(%dma_start3A_40 : memref<64x128xf32, #tpu.memory_space<vmem_shared>>) target_semaphore(%run_scoped3A_37 : memref<!tpu.dma_semaphore, #tpu.memory_space<semaphore_mem>>)
      %dma_wait3A = arith.constant 0 : i32
      %dma_wait3A_41 = tpu.memref_slice %arg12[%add3A_19, %dma_wait3A] : memref<10112x128xf32, #tpu.memory_space<vmem_shared>> -> memref<64x128xf32, #tpu.memory_space<vmem_shared>>
      %dma_wait3A_42 = arith.constant 0 : i32
      %dma_wait3A_43 = tpu.memref_slice %arg12[%add3A_19, %dma_wait3A_42] : memref<10112x128xf32, #tpu.memory_space<vmem_shared>> -> memref<64x128xf32, #tpu.memory_space<vmem_shared>>
      tpu.wait_dma2 semaphore(%run_scoped3A_37 : memref<!tpu.dma_semaphore, #tpu.memory_space<semaphore_mem>>) src(%arg8 : memref<64x128xf32, #tpu.memory_space<vmem>>) dst(%dma_wait3A_43 : memref<64x128xf32, #tpu.memory_space<vmem_shared>>)
      tpu.yield
    }) : () -> ()
    %add3A_20 = arith.constant 512 : i32
    %add3A_21 = arith.addi %mul3A_4, %add3A_20 : i32
    "tpu.region"() ({
      %run_scoped3A_37 = tpu.sem_alloc : memref<!tpu.dma_semaphore, #tpu.memory_space<semaphore_mem>>
      %dma_start3A = arith.constant 0 : i32
      %dma_start3A_38 = tpu.memref_slice %arg12[%add3A_21, %dma_start3A] : memref<10112x128xf32, #tpu.memory_space<vmem_shared>> -> memref<64x128xf32, #tpu.memory_space<vmem_shared>>
      %dma_start3A_39 = arith.constant 0 : i32
      %dma_start3A_40 = tpu.memref_slice %arg12[%add3A_21, %dma_start3A_39] : memref<10112x128xf32, #tpu.memory_space<vmem_shared>> -> memref<64x128xf32, #tpu.memory_space<vmem_shared>>
      tpu.enqueue_dma source(%arg8 : memref<64x128xf32, #tpu.memory_space<vmem>>) target(%dma_start3A_40 : memref<64x128xf32, #tpu.memory_space<vmem_shared>>) target_semaphore(%run_scoped3A_37 : memref<!tpu.dma_semaphore, #tpu.memory_space<semaphore_mem>>)
      %dma_wait3A = arith.constant 0 : i32
      %dma_wait3A_41 = tpu.memref_slice %arg12[%add3A_21, %dma_wait3A] : memref<10112x128xf32, #tpu.memory_space<vmem_shared>> -> memref<64x128xf32, #tpu.memory_space<vmem_shared>>
      %dma_wait3A_42 = arith.constant 0 : i32
      %dma_wait3A_43 = tpu.memref_slice %arg12[%add3A_21, %dma_wait3A_42] : memref<10112x128xf32, #tpu.memory_space<vmem_shared>> -> memref<64x128xf32, #tpu.memory_space<vmem_shared>>
      tpu.wait_dma2 semaphore(%run_scoped3A_37 : memref<!tpu.dma_semaphore, #tpu.memory_space<semaphore_mem>>) src(%arg8 : memref<64x128xf32, #tpu.memory_space<vmem>>) dst(%dma_wait3A_43 : memref<64x128xf32, #tpu.memory_space<vmem_shared>>)
      tpu.yield
    }) : () -> ()
    %add3A_22 = arith.constant 632 : i32
    %add3A_23 = arith.addi %mul3A_4, %add3A_22 : i32
    %sub3A = arith.constant 56 : i32
    %sub3A_24 = arith.subi %add3A_23, %sub3A : i32
    "tpu.region"() ({
      %run_scoped3A_37 = tpu.sem_alloc : memref<!tpu.dma_semaphore, #tpu.memory_space<semaphore_mem>>
      %dma_start3A = arith.constant 0 : i32
      %dma_start3A_38 = arith.constant 0 : i32
      %dma_start3A_39 = tpu.memref_slice %arg8[%dma_start3A, %dma_start3A_38] : memref<64x128xf32, #tpu.memory_space<vmem>> -> memref<56x128xf32, #tpu.memory_space<vmem>>
      %dma_start3A_40 = arith.constant 0 : i32
      %dma_start3A_41 = tpu.memref_slice %arg12[%sub3A_24, %dma_start3A_40] : memref<10112x128xf32, #tpu.memory_space<vmem_shared>> -> memref<56x128xf32, #tpu.memory_space<vmem_shared>>
      %dma_start3A_42 = arith.constant 0 : i32
      %dma_start3A_43 = tpu.memref_slice %arg12[%sub3A_24, %dma_start3A_42] : memref<10112x128xf32, #tpu.memory_space<vmem_shared>> -> memref<56x128xf32, #tpu.memory_space<vmem_shared>>
      %dma_start3A_44 = arith.constant 0 : i32
      %dma_start3A_45 = arith.constant 0 : i32
      %dma_start3A_46 = tpu.memref_slice %arg8[%dma_start3A_44, %dma_start3A_45] : memref<64x128xf32, #tpu.memory_space<vmem>> -> memref<56x128xf32, #tpu.memory_space<vmem>>
      tpu.enqueue_dma source(%dma_start3A_46 : memref<56x128xf32, #tpu.memory_space<vmem>>) target(%dma_start3A_43 : memref<56x128xf32, #tpu.memory_space<vmem_shared>>) target_semaphore(%run_scoped3A_37 : memref<!tpu.dma_semaphore, #tpu.memory_space<semaphore_mem>>)
      %dma_wait3A = arith.constant 0 : i32
      %dma_wait3A_47 = arith.constant 0 : i32
      %dma_wait3A_48 = tpu.memref_slice %arg8[%dma_wait3A, %dma_wait3A_47] : memref<64x128xf32, #tpu.memory_space<vmem>> -> memref<56x128xf32, #tpu.memory_space<vmem>>
      %dma_wait3A_49 = arith.constant 0 : i32
      %dma_wait3A_50 = tpu.memref_slice %arg12[%sub3A_24, %dma_wait3A_49] : memref<10112x128xf32, #tpu.memory_space<vmem_shared>> -> memref<56x128xf32, #tpu.memory_space<vmem_shared>>
      %dma_wait3A_51 = arith.constant 0 : i32
      %dma_wait3A_52 = tpu.memref_slice %arg12[%sub3A_24, %dma_wait3A_51] : memref<10112x128xf32, #tpu.memory_space<vmem_shared>> -> memref<56x128xf32, #tpu.memory_space<vmem_shared>>
      %dma_wait3A_53 = arith.constant 0 : i32
      %dma_wait3A_54 = arith.constant 0 : i32
      %dma_wait3A_55 = tpu.memref_slice %arg8[%dma_wait3A_53, %dma_wait3A_54] : memref<64x128xf32, #tpu.memory_space<vmem>> -> memref<56x128xf32, #tpu.memory_space<vmem>>
      tpu.wait_dma2 semaphore(%run_scoped3A_37 : memref<!tpu.dma_semaphore, #tpu.memory_space<semaphore_mem>>) src(%dma_wait3A_55 : memref<56x128xf32, #tpu.memory_space<vmem>>) dst(%dma_wait3A_52 : memref<56x128xf32, #tpu.memory_space<vmem_shared>>)
      tpu.yield
    }) : () -> ()
    %barrier3A = arith.constant 0 : index
    tpu.barrier barrier_id(%barrier3A)
    %mul3A_25 = arith.constant 2 : i32
    %mul3A_26 = arith.muli %arg1, %mul3A_25 : i32
    %add3A_27 = arith.addi %mul3A_26, %arg0 : i32
    %mul3A_28 = arith.constant 160 : i32
    %mul3A_29 = arith.muli %add3A_27, %mul3A_28 : i32
    %run_scoped3A = arith.constant 0 : i32
    "tpu.region"() ({
      %run_scoped3A_37 = tpu.sem_alloc : memref<!tpu.dma_semaphore, #tpu.memory_space<semaphore_mem>>
      %dma_start3A = arith.constant 0 : i32
      %dma_start3A_38 = arith.constant 0 : i32
      %dma_start3A_39 = tpu.memref_slice %arg6[%run_scoped3A, %dma_start3A, %dma_start3A_38] : memref<2x16x64xi32, #tpu.memory_space<vmem>> -> memref<1x16x64xi32, #tpu.memory_space<vmem>>
      %dma_start3A_40 = tpu.memref_squeeze %dma_start3A_39 : memref<1x16x64xi32, #tpu.memory_space<vmem>> -> memref<16x64xi32, #tpu.memory_space<vmem>>
      %dma_start3A_41 = arith.constant 0 : i32
      %dma_start3A_42 = tpu.memref_slice %arg3[%mul3A_29, %dma_start3A_41] : memref<5120x64xi32, #tpu.memory_space<hbm>> -> memref<16x64xi32, #tpu.memory_space<hbm>>
      %dma_start3A_43 = arith.constant 0 : i32
      %dma_start3A_44 = arith.constant 0 : i32
      %dma_start3A_45 = tpu.memref_slice %arg6[%run_scoped3A, %dma_start3A_43, %dma_start3A_44] : memref<2x16x64xi32, #tpu.memory_space<vmem>> -> memref<1x16x64xi32, #tpu.memory_space<vmem>>
      %dma_start3A_46 = tpu.memref_squeeze %dma_start3A_45 : memref<1x16x64xi32, #tpu.memory_space<vmem>> -> memref<16x64xi32, #tpu.memory_space<vmem>>
      %dma_start3A_47 = arith.constant 0 : i32
      %dma_start3A_48 = tpu.memref_slice %arg3[%mul3A_29, %dma_start3A_47] : memref<5120x64xi32, #tpu.memory_space<hbm>> -> memref<16x64xi32, #tpu.memory_space<hbm>>
      tpu.enqueue_dma source(%dma_start3A_48 : memref<16x64xi32, #tpu.memory_space<hbm>>) target(%dma_start3A_46 : memref<16x64xi32, #tpu.memory_space<vmem>>) target_semaphore(%run_scoped3A_37 : memref<!tpu.dma_semaphore, #tpu.memory_space<semaphore_mem>>)
      %dma_wait3A = arith.constant 0 : i32
      %dma_wait3A_49 = arith.constant 0 : i32
      %dma_wait3A_50 = tpu.memref_slice %arg6[%run_scoped3A, %dma_wait3A, %dma_wait3A_49] : memref<2x16x64xi32, #tpu.memory_space<vmem>> -> memref<1x16x64xi32, #tpu.memory_space<vmem>>
      %dma_wait3A_51 = tpu.memref_squeeze %dma_wait3A_50 : memref<1x16x64xi32, #tpu.memory_space<vmem>> -> memref<16x64xi32, #tpu.memory_space<vmem>>
      %dma_wait3A_52 = arith.constant 0 : i32
      %dma_wait3A_53 = tpu.memref_slice %arg3[%mul3A_29, %dma_wait3A_52] : memref<5120x64xi32, #tpu.memory_space<hbm>> -> memref<16x64xi32, #tpu.memory_space<hbm>>
      %dma_wait3A_54 = arith.constant 0 : i32
      %dma_wait3A_55 = arith.constant 0 : i32
      %dma_wait3A_56 = tpu.memref_slice %arg6[%run_scoped3A, %dma_wait3A_54, %dma_wait3A_55] : memref<2x16x64xi32, #tpu.memory_space<vmem>> -> memref<1x16x64xi32, #tpu.memory_space<vmem>>
      %dma_wait3A_57 = tpu.memref_squeeze %dma_wait3A_56 : memref<1x16x64xi32, #tpu.memory_space<vmem>> -> memref<16x64xi32, #tpu.memory_space<vmem>>
      %dma_wait3A_58 = arith.constant 0 : i32
      %dma_wait3A_59 = tpu.memref_slice %arg3[%mul3A_29, %dma_wait3A_58] : memref<5120x64xi32, #tpu.memory_space<hbm>> -> memref<16x64xi32, #tpu.memory_space<hbm>>
      tpu.wait_dma2 semaphore(%run_scoped3A_37 : memref<!tpu.dma_semaphore, #tpu.memory_space<semaphore_mem>>) src(%dma_wait3A_59 : memref<16x64xi32, #tpu.memory_space<hbm>>) dst(%dma_wait3A_57 : memref<16x64xi32, #tpu.memory_space<vmem>>)
      tpu.yield
    }) : () -> ()
    %run_scoped3A_30 = arith.constant 0 : i32
    "tpu.region"() ({
      %run_scoped3A_37 = tpu.sem_alloc : memref<!tpu.dma_semaphore, #tpu.memory_space<semaphore_mem>>
      %dma_start3A = arith.constant 0 : i32
      %dma_start3A_38 = arith.constant 0 : i32
      %dma_start3A_39 = tpu.memref_slice %arg7[%run_scoped3A_30, %dma_start3A, %dma_start3A_38] : memref<2x16x64xi32, #tpu.memory_space<vmem>> -> memref<1x16x64xi32, #tpu.memory_space<vmem>>
      %dma_start3A_40 = tpu.memref_squeeze %dma_start3A_39 : memref<1x16x64xi32, #tpu.memory_space<vmem>> -> memref<16x64xi32, #tpu.memory_space<vmem>>
      %dma_start3A_41 = arith.constant 0 : i32
      %dma_start3A_42 = tpu.memref_slice %arg4[%mul3A_29, %dma_start3A_41] : memref<5120x64xi32, #tpu.memory_space<hbm>> -> memref<16x64xi32, #tpu.memory_space<hbm>>
      %dma_start3A_43 = arith.constant 0 : i32
      %dma_start3A_44 = arith.constant 0 : i32
      %dma_start3A_45 = tpu.memref_slice %arg7[%run_scoped3A_30, %dma_start3A_43, %dma_start3A_44] : memref<2x16x64xi32, #tpu.memory_space<vmem>> -> memref<1x16x64xi32, #tpu.memory_space<vmem>>
      %dma_start3A_46 = tpu.memref_squeeze %dma_start3A_45 : memref<1x16x64xi32, #tpu.memory_space<vmem>> -> memref<16x64xi32, #tpu.memory_space<vmem>>
      %dma_start3A_47 = arith.constant 0 : i32
      %dma_start3A_48 = tpu.memref_slice %arg4[%mul3A_29, %dma_start3A_47] : memref<5120x64xi32, #tpu.memory_space<hbm>> -> memref<16x64xi32, #tpu.memory_space<hbm>>
      tpu.enqueue_dma source(%dma_start3A_48 : memref<16x64xi32, #tpu.memory_space<hbm>>) target(%dma_start3A_46 : memref<16x64xi32, #tpu.memory_space<vmem>>) target_semaphore(%run_scoped3A_37 : memref<!tpu.dma_semaphore, #tpu.memory_space<semaphore_mem>>)
      %dma_wait3A = arith.constant 0 : i32
      %dma_wait3A_49 = arith.constant 0 : i32
      %dma_wait3A_50 = tpu.memref_slice %arg7[%run_scoped3A_30, %dma_wait3A, %dma_wait3A_49] : memref<2x16x64xi32, #tpu.memory_space<vmem>> -> memref<1x16x64xi32, #tpu.memory_space<vmem>>
      %dma_wait3A_51 = tpu.memref_squeeze %dma_wait3A_50 : memref<1x16x64xi32, #tpu.memory_space<vmem>> -> memref<16x64xi32, #tpu.memory_space<vmem>>
      %dma_wait3A_52 = arith.constant 0 : i32
      %dma_wait3A_53 = tpu.memref_slice %arg4[%mul3A_29, %dma_wait3A_52] : memref<5120x64xi32, #tpu.memory_space<hbm>> -> memref<16x64xi32, #tpu.memory_space<hbm>>
      %dma_wait3A_54 = arith.constant 0 : i32
      %dma_wait3A_55 = arith.constant 0 : i32
      %dma_wait3A_56 = tpu.memref_slice %arg7[%run_scoped3A_30, %dma_wait3A_54, %dma_wait3A_55] : memref<2x16x64xi32, #tpu.memory_space<vmem>> -> memref<1x16x64xi32, #tpu.memory_space<vmem>>
      %dma_wait3A_57 = tpu.memref_squeeze %dma_wait3A_56 : memref<1x16x64xi32, #tpu.memory_space<vmem>> -> memref<16x64xi32, #tpu.memory_space<vmem>>
      %dma_wait3A_58 = arith.constant 0 : i32
      %dma_wait3A_59 = tpu.memref_slice %arg4[%mul3A_29, %dma_wait3A_58] : memref<5120x64xi32, #tpu.memory_space<hbm>> -> memref<16x64xi32, #tpu.memory_space<hbm>>
      tpu.wait_dma2 semaphore(%run_scoped3A_37 : memref<!tpu.dma_semaphore, #tpu.memory_space<semaphore_mem>>) src(%dma_wait3A_59 : memref<16x64xi32, #tpu.memory_space<hbm>>) dst(%dma_wait3A_57 : memref<16x64xi32, #tpu.memory_space<vmem>>)
      tpu.yield
    }) : () -> ()
    %scan3A_31 = arith.constant 0 : i32
    %scan3A_32 = arith.constant 10 : i32
    %scan3A_33 = arith.addi %scan3A_31, %scan3A_32 : i32
    %scan3A_34 = arith.constant 1 : i32
    scf.for %scan3A_37 = %scan3A_31 to %scan3A_33 step %scan3A_34  : i32 {
      %mul3A_38 = arith.constant 1 : i32
      %mul3A_39 = arith.muli %scan3A_37, %mul3A_38 : i32
      %add3A_40 = arith.constant 0 : i32
      %add3A_41 = arith.addi %add3A_40, %mul3A_39 : i32
      %rem3A = arith.constant 2 : i32
      %rem3A_42 = arith.remsi %add3A_41, %rem3A : i32
      %add3A_43 = arith.constant 1 : i32
      %add3A_44 = arith.addi %add3A_41, %add3A_43 : i32
      %rem3A_45 = arith.constant 2 : i32
      %rem3A_46 = arith.remsi %add3A_44, %rem3A_45 : i32
      %gt3A = arith.constant 0 : i32
      %gt3A_47 = arith.cmpi sgt, %add3A_41, %gt3A : i32
      %convert_element_type3A = arith.extui %gt3A_47 : i1 to i32
      %cond3A = arith.constant 0 : i32
      %cond3A_48 = arith.cmpi ne, %convert_element_type3A, %cond3A : i32
      scf.if %cond3A_48 {
        %mul3A_92 = arith.constant 16 : i32
        %mul3A_93 = arith.muli %add3A_41, %mul3A_92 : i32
        %add3A_94 = arith.addi %mul3A_29, %mul3A_93 : i32
        %dma_wait3A = arith.constant 0 : i32
        %dma_wait3A_95 = arith.constant 0 : i32
        %dma_wait3A_96 = tpu.memref_slice %arg6[%rem3A_42, %dma_wait3A, %dma_wait3A_95] : memref<2x16x64xi32, #tpu.memory_space<vmem>> -> memref<1x16x64xi32, #tpu.memory_space<vmem>>
        %dma_wait3A_97 = tpu.memref_squeeze %dma_wait3A_96 : memref<1x16x64xi32, #tpu.memory_space<vmem>> -> memref<16x64xi32, #tpu.memory_space<vmem>>
        %dma_wait3A_98 = arith.constant 0 : i32
        %dma_wait3A_99 = tpu.memref_slice %arg3[%add3A_94, %dma_wait3A_98] : memref<5120x64xi32, #tpu.memory_space<hbm>> -> memref<16x64xi32, #tpu.memory_space<hbm>>
        %dma_wait3A_100 = arith.constant 0 : i32
        %dma_wait3A_101 = arith.constant 0 : i32
        %dma_wait3A_102 = tpu.memref_slice %arg6[%rem3A_42, %dma_wait3A_100, %dma_wait3A_101] : memref<2x16x64xi32, #tpu.memory_space<vmem>> -> memref<1x16x64xi32, #tpu.memory_space<vmem>>
        %dma_wait3A_103 = tpu.memref_squeeze %dma_wait3A_102 : memref<1x16x64xi32, #tpu.memory_space<vmem>> -> memref<16x64xi32, #tpu.memory_space<vmem>>
        %dma_wait3A_104 = arith.constant 0 : i32
        %dma_wait3A_105 = tpu.memref_slice %arg3[%add3A_94, %dma_wait3A_104] : memref<5120x64xi32, #tpu.memory_space<hbm>> -> memref<16x64xi32, #tpu.memory_space<hbm>>
        tpu.wait_dma2 semaphore(%arg17 : memref<!tpu.dma_semaphore, #tpu.memory_space<semaphore_mem>>) src(%dma_wait3A_105 : memref<16x64xi32, #tpu.memory_space<hbm>>) dst(%dma_wait3A_103 : memref<16x64xi32, #tpu.memory_space<vmem>>)
        %mul3A_106 = arith.constant 16 : i32
        %mul3A_107 = arith.muli %add3A_41, %mul3A_106 : i32
        %add3A_108 = arith.addi %mul3A_29, %mul3A_107 : i32
        %dma_wait3A_109 = arith.constant 0 : i32
        %dma_wait3A_110 = arith.constant 0 : i32
        %dma_wait3A_111 = tpu.memref_slice %arg7[%rem3A_42, %dma_wait3A_109, %dma_wait3A_110] : memref<2x16x64xi32, #tpu.memory_space<vmem>> -> memref<1x16x64xi32, #tpu.memory_space<vmem>>
        %dma_wait3A_112 = tpu.memref_squeeze %dma_wait3A_111 : memref<1x16x64xi32, #tpu.memory_space<vmem>> -> memref<16x64xi32, #tpu.memory_space<vmem>>
        %dma_wait3A_113 = arith.constant 0 : i32
        %dma_wait3A_114 = tpu.memref_slice %arg4[%add3A_108, %dma_wait3A_113] : memref<5120x64xi32, #tpu.memory_space<hbm>> -> memref<16x64xi32, #tpu.memory_space<hbm>>
        %dma_wait3A_115 = arith.constant 0 : i32
        %dma_wait3A_116 = arith.constant 0 : i32
        %dma_wait3A_117 = tpu.memref_slice %arg7[%rem3A_42, %dma_wait3A_115, %dma_wait3A_116] : memref<2x16x64xi32, #tpu.memory_space<vmem>> -> memref<1x16x64xi32, #tpu.memory_space<vmem>>
        %dma_wait3A_118 = tpu.memref_squeeze %dma_wait3A_117 : memref<1x16x64xi32, #tpu.memory_space<vmem>> -> memref<16x64xi32, #tpu.memory_space<vmem>>
        %dma_wait3A_119 = arith.constant 0 : i32
        %dma_wait3A_120 = tpu.memref_slice %arg4[%add3A_108, %dma_wait3A_119] : memref<5120x64xi32, #tpu.memory_space<hbm>> -> memref<16x64xi32, #tpu.memory_space<hbm>>
        tpu.wait_dma2 semaphore(%arg17 : memref<!tpu.dma_semaphore, #tpu.memory_space<semaphore_mem>>) src(%dma_wait3A_120 : memref<16x64xi32, #tpu.memory_space<hbm>>) dst(%dma_wait3A_118 : memref<16x64xi32, #tpu.memory_space<vmem>>)
      } else {
      }
      %add3A_49 = arith.constant 1 : i32
      %add3A_50 = arith.addi %add3A_41, %add3A_49 : i32
      %lt3A = arith.constant 10 : i32
      %lt3A_51 = arith.cmpi slt, %add3A_50, %lt3A : i32
      %convert_element_type3A_52 = arith.extui %lt3A_51 : i1 to i32
      %cond3A_53 = arith.constant 0 : i32
      %cond3A_54 = arith.cmpi ne, %convert_element_type3A_52, %cond3A_53 : i32
      scf.if %cond3A_54 {
        %add3A_92 = arith.constant 1 : i32
        %add3A_93 = arith.addi %add3A_41, %add3A_92 : i32
        %mul3A_94 = arith.constant 16 : i32
        %mul3A_95 = arith.muli %add3A_93, %mul3A_94 : i32
        %add3A_96 = arith.addi %mul3A_29, %mul3A_95 : i32
        %dma_start3A_97 = arith.constant 0 : i32
        %dma_start3A_98 = arith.constant 0 : i32
        %dma_start3A_99 = tpu.memref_slice %arg6[%rem3A_46, %dma_start3A_97, %dma_start3A_98] : memref<2x16x64xi32, #tpu.memory_space<vmem>> -> memref<1x16x64xi32, #tpu.memory_space<vmem>>
        %dma_start3A_100 = tpu.memref_squeeze %dma_start3A_99 : memref<1x16x64xi32, #tpu.memory_space<vmem>> -> memref<16x64xi32, #tpu.memory_space<vmem>>
        %dma_start3A_101 = arith.constant 0 : i32
        %dma_start3A_102 = tpu.memref_slice %arg3[%add3A_96, %dma_start3A_101] : memref<5120x64xi32, #tpu.memory_space<hbm>> -> memref<16x64xi32, #tpu.memory_space<hbm>>
        %dma_start3A_103 = arith.constant 0 : i32
        %dma_start3A_104 = arith.constant 0 : i32
        %dma_start3A_105 = tpu.memref_slice %arg6[%rem3A_46, %dma_start3A_103, %dma_start3A_104] : memref<2x16x64xi32, #tpu.memory_space<vmem>> -> memref<1x16x64xi32, #tpu.memory_space<vmem>>
        %dma_start3A_106 = tpu.memref_squeeze %dma_start3A_105 : memref<1x16x64xi32, #tpu.memory_space<vmem>> -> memref<16x64xi32, #tpu.memory_space<vmem>>
        %dma_start3A_107 = arith.constant 0 : i32
        %dma_start3A_108 = tpu.memref_slice %arg3[%add3A_96, %dma_start3A_107] : memref<5120x64xi32, #tpu.memory_space<hbm>> -> memref<16x64xi32, #tpu.memory_space<hbm>>
        tpu.enqueue_dma source(%dma_start3A_108 : memref<16x64xi32, #tpu.memory_space<hbm>>) target(%dma_start3A_106 : memref<16x64xi32, #tpu.memory_space<vmem>>) target_semaphore(%arg17 : memref<!tpu.dma_semaphore, #tpu.memory_space<semaphore_mem>>)
        %add3A_109 = arith.constant 1 : i32
        %add3A_110 = arith.addi %add3A_41, %add3A_109 : i32
        %mul3A_111 = arith.constant 16 : i32
        %mul3A_112 = arith.muli %add3A_110, %mul3A_111 : i32
        %add3A_113 = arith.addi %mul3A_29, %mul3A_112 : i32
        %dma_start3A_114 = arith.constant 0 : i32
        %dma_start3A_115 = arith.constant 0 : i32
        %dma_start3A_116 = tpu.memref_slice %arg7[%rem3A_46, %dma_start3A_114, %dma_start3A_115] : memref<2x16x64xi32, #tpu.memory_space<vmem>> -> memref<1x16x64xi32, #tpu.memory_space<vmem>>
        %dma_start3A_117 = tpu.memref_squeeze %dma_start3A_116 : memref<1x16x64xi32, #tpu.memory_space<vmem>> -> memref<16x64xi32, #tpu.memory_space<vmem>>
        %dma_start3A_118 = arith.constant 0 : i32
        %dma_start3A_119 = tpu.memref_slice %arg4[%add3A_113, %dma_start3A_118] : memref<5120x64xi32, #tpu.memory_space<hbm>> -> memref<16x64xi32, #tpu.memory_space<hbm>>
        %dma_start3A_120 = arith.constant 0 : i32
        %dma_start3A_121 = arith.constant 0 : i32
        %dma_start3A_122 = tpu.memref_slice %arg7[%rem3A_46, %dma_start3A_120, %dma_start3A_121] : memref<2x16x64xi32, #tpu.memory_space<vmem>> -> memref<1x16x64xi32, #tpu.memory_space<vmem>>
        %dma_start3A_123 = tpu.memref_squeeze %dma_start3A_122 : memref<1x16x64xi32, #tpu.memory_space<vmem>> -> memref<16x64xi32, #tpu.memory_space<vmem>>
        %dma_start3A_124 = arith.constant 0 : i32
        %dma_start3A_125 = tpu.memref_slice %arg4[%add3A_113, %dma_start3A_124] : memref<5120x64xi32, #tpu.memory_space<hbm>> -> memref<16x64xi32, #tpu.memory_space<hbm>>
        tpu.enqueue_dma source(%dma_start3A_125 : memref<16x64xi32, #tpu.memory_space<hbm>>) target(%dma_start3A_123 : memref<16x64xi32, #tpu.memory_space<vmem>>) target_semaphore(%arg17 : memref<!tpu.dma_semaphore, #tpu.memory_space<semaphore_mem>>)
      } else {
      }
      %dma_start3A = arith.constant 0 : i32
      %dma_start3A_55 = arith.constant 0 : i32
      %dma_start3A_56 = arith.constant 0 : i32
      %dma_start3A_57 = tpu.memref_slice %arg6[%rem3A_42, %dma_start3A_55, %dma_start3A_56] : memref<2x16x64xi32, #tpu.memory_space<vmem>> -> memref<1x16x64xi32, #tpu.memory_space<vmem>>
      %dma_start3A_58 = tpu.memref_squeeze %dma_start3A_57 : memref<1x16x64xi32, #tpu.memory_space<vmem>> -> memref<16x64xi32, #tpu.memory_space<vmem>>
      %dma_start3A_59 = arith.constant 0 : i32
      %dma_start3A_60 = tpu.memref_slice %dma_start3A_58[%dma_start3A, %dma_start3A_59] : memref<16x64xi32, #tpu.memory_space<vmem>> -> memref<1x64xi32, #tpu.memory_space<vmem>>
      %dma_start3A_61 = tpu.memref_squeeze %dma_start3A_60 : memref<1x64xi32, #tpu.memory_space<vmem>> -> memref<64xi32, #tpu.memory_space<vmem>>
      %dma_start3A_62 = arith.constant 0 : i32
      %dma_start3A_63 = arith.constant 0 : i32
      %dma_start3A_64 = tpu.memref_slice %arg2[%dma_start3A_62, %dma_start3A_63] : memref<10000x128xf32, #tpu.memory_space<hbm>> -> memref<10000x128xf32, #tpu.memory_space<hbm>>
      tpu.enqueue_indirect_dma source(%dma_start3A_64 : memref<10000x128xf32, #tpu.memory_space<hbm>>) target(%arg8 : memref<64x128xf32, #tpu.memory_space<vmem>>) offsets(%dma_start3A_61 : memref<64xi32, #tpu.memory_space<vmem>>) semaphore(%arg13 : memref<!tpu.dma_semaphore, #tpu.memory_space<semaphore_mem>>)
      %dma_start3A_65 = arith.constant 1 : i32
      %dma_start3A_66 = arith.constant 0 : i32
      %dma_start3A_67 = arith.constant 0 : i32
      %dma_start3A_68 = tpu.memref_slice %arg6[%rem3A_42, %dma_start3A_66, %dma_start3A_67] : memref<2x16x64xi32, #tpu.memory_space<vmem>> -> memref<1x16x64xi32, #tpu.memory_space<vmem>>
      %dma_start3A_69 = tpu.memref_squeeze %dma_start3A_68 : memref<1x16x64xi32, #tpu.memory_space<vmem>> -> memref<16x64xi32, #tpu.memory_space<vmem>>
      %dma_start3A_70 = arith.constant 0 : i32
      %dma_start3A_71 = tpu.memref_slice %dma_start3A_69[%dma_start3A_65, %dma_start3A_70] : memref<16x64xi32, #tpu.memory_space<vmem>> -> memref<1x64xi32, #tpu.memory_space<vmem>>
      %dma_start3A_72 = tpu.memref_squeeze %dma_start3A_71 : memref<1x64xi32, #tpu.memory_space<vmem>> -> memref<64xi32, #tpu.memory_space<vmem>>
      %dma_start3A_73 = arith.constant 0 : i32
      %dma_start3A_74 = arith.constant 0 : i32
      %dma_start3A_75 = tpu.memref_slice %arg2[%dma_start3A_73, %dma_start3A_74] : memref<10000x128xf32, #tpu.memory_space<hbm>> -> memref<10000x128xf32, #tpu.memory_space<hbm>>
      tpu.enqueue_indirect_dma source(%dma_start3A_75 : memref<10000x128xf32, #tpu.memory_space<hbm>>) target(%arg9 : memref<64x128xf32, #tpu.memory_space<vmem>>) offsets(%dma_start3A_72 : memref<64xi32, #tpu.memory_space<vmem>>) semaphore(%arg14 : memref<!tpu.dma_semaphore, #tpu.memory_space<semaphore_mem>>)
      %dma_start3A_76 = arith.constant 2 : i32
      %dma_start3A_77 = arith.constant 0 : i32
      %dma_start3A_78 = arith.constant 0 : i32
      %dma_start3A_79 = tpu.memref_slice %arg6[%rem3A_42, %dma_start3A_77, %dma_start3A_78] : memref<2x16x64xi32, #tpu.memory_space<vmem>> -> memref<1x16x64xi32, #tpu.memory_space<vmem>>
      %dma_start3A_80 = tpu.memref_squeeze %dma_start3A_79 : memref<1x16x64xi32, #tpu.memory_space<vmem>> -> memref<16x64xi32, #tpu.memory_space<vmem>>
      %dma_start3A_81 = arith.constant 0 : i32
      %dma_start3A_82 = tpu.memref_slice %dma_start3A_80[%dma_start3A_76, %dma_start3A_81] : memref<16x64xi32, #tpu.memory_space<vmem>> -> memref<1x64xi32, #tpu.memory_space<vmem>>
      %dma_start3A_83 = tpu.memref_squeeze %dma_start3A_82 : memref<1x64xi32, #tpu.memory_space<vmem>> -> memref<64xi32, #tpu.memory_space<vmem>>
      %dma_start3A_84 = arith.constant 0 : i32
      %dma_start3A_85 = arith.constant 0 : i32
      %dma_start3A_86 = tpu.memref_slice %arg2[%dma_start3A_84, %dma_start3A_85] : memref<10000x128xf32, #tpu.memory_space<hbm>> -> memref<10000x128xf32, #tpu.memory_space<hbm>>
      tpu.enqueue_indirect_dma source(%dma_start3A_86 : memref<10000x128xf32, #tpu.memory_space<hbm>>) target(%arg10 : memref<64x128xf32, #tpu.memory_space<vmem>>) offsets(%dma_start3A_83 : memref<64xi32, #tpu.memory_space<vmem>>) semaphore(%arg15 : memref<!tpu.dma_semaphore, #tpu.memory_space<semaphore_mem>>)
      %scan3A_87 = arith.constant 0 : i32
      %scan3A_88 = arith.constant 4 : i32
      %scan3A_89 = arith.addi %scan3A_87, %scan3A_88 : i32
      %scan3A_90 = arith.constant 1 : i32
      scf.for %scan3A_92 = %scan3A_87 to %scan3A_89 step %scan3A_90  : i32 {
        %mul3A_93 = arith.constant 1 : i32
        %mul3A_94 = arith.muli %scan3A_92, %mul3A_93 : i32
        %add3A_95 = arith.constant 0 : i32
        %add3A_96 = arith.addi %add3A_95, %mul3A_94 : i32
        %mul3A_97 = arith.constant 4 : i32
        %mul3A_98 = arith.muli %add3A_96, %mul3A_97 : i32
        %add3A_99 = arith.constant 3 : i32
        %add3A_100 = arith.addi %mul3A_98, %add3A_99 : i32
        %dma_start3A_101 = arith.constant 0 : i32
        %dma_start3A_102 = arith.constant 0 : i32
        %dma_start3A_103 = tpu.memref_slice %arg6[%rem3A_42, %dma_start3A_101, %dma_start3A_102] : memref<2x16x64xi32, #tpu.memory_space<vmem>> -> memref<1x16x64xi32, #tpu.memory_space<vmem>>
        %dma_start3A_104 = tpu.memref_squeeze %dma_start3A_103 : memref<1x16x64xi32, #tpu.memory_space<vmem>> -> memref<16x64xi32, #tpu.memory_space<vmem>>
        %dma_start3A_105 = arith.constant 0 : i32
        %dma_start3A_106 = tpu.memref_slice %dma_start3A_104[%add3A_100, %dma_start3A_105] : memref<16x64xi32, #tpu.memory_space<vmem>> -> memref<1x64xi32, #tpu.memory_space<vmem>>
        %dma_start3A_107 = tpu.memref_squeeze %dma_start3A_106 : memref<1x64xi32, #tpu.memory_space<vmem>> -> memref<64xi32, #tpu.memory_space<vmem>>
        %dma_start3A_108 = arith.constant 0 : i32
        %dma_start3A_109 = arith.constant 0 : i32
        %dma_start3A_110 = tpu.memref_slice %arg2[%dma_start3A_108, %dma_start3A_109] : memref<10000x128xf32, #tpu.memory_space<hbm>> -> memref<10000x128xf32, #tpu.memory_space<hbm>>
        tpu.enqueue_indirect_dma source(%dma_start3A_110 : memref<10000x128xf32, #tpu.memory_space<hbm>>) target(%arg11 : memref<64x128xf32, #tpu.memory_space<vmem>>) offsets(%dma_start3A_107 : memref<64xi32, #tpu.memory_space<vmem>>) semaphore(%arg16 : memref<!tpu.dma_semaphore, #tpu.memory_space<semaphore_mem>>)
        %dma_wait3A = arith.constant 0 : i32
        %dma_wait3A_111 = arith.constant 0 : i32
        %dma_wait3A_112 = tpu.memref_slice %arg6[%rem3A_42, %dma_wait3A, %dma_wait3A_111] : memref<2x16x64xi32, #tpu.memory_space<vmem>> -> memref<1x16x64xi32, #tpu.memory_space<vmem>>
        %dma_wait3A_113 = tpu.memref_squeeze %dma_wait3A_112 : memref<1x16x64xi32, #tpu.memory_space<vmem>> -> memref<16x64xi32, #tpu.memory_space<vmem>>
        %dma_wait3A_114 = arith.constant 0 : i32
        %dma_wait3A_115 = tpu.memref_slice %dma_wait3A_113[%mul3A_98, %dma_wait3A_114] : memref<16x64xi32, #tpu.memory_space<vmem>> -> memref<1x64xi32, #tpu.memory_space<vmem>>
        %dma_wait3A_116 = tpu.memref_squeeze %dma_wait3A_115 : memref<1x64xi32, #tpu.memory_space<vmem>> -> memref<64xi32, #tpu.memory_space<vmem>>
        %dma_wait3A_117 = arith.constant 0 : i32
        %dma_wait3A_118 = arith.constant 0 : i32
        %dma_wait3A_119 = tpu.memref_slice %arg2[%dma_wait3A_117, %dma_wait3A_118] : memref<10000x128xf32, #tpu.memory_space<hbm>> -> memref<10000x128xf32, #tpu.memory_space<hbm>>
        tpu.wait_indirect_dma semaphore(%arg13 : memref<!tpu.dma_semaphore, #tpu.memory_space<semaphore_mem>>) src(%dma_wait3A_119 : memref<10000x128xf32, #tpu.memory_space<hbm>>) dst(%arg8 : memref<64x128xf32, #tpu.memory_space<vmem>>)
        "tpu.region"() ({
          %run_scoped3A_183 = tpu.sem_alloc : memref<!tpu.dma_semaphore, #tpu.memory_space<semaphore_mem>>
          %dma_start3A_184 = arith.constant 0 : i32
          %dma_start3A_185 = arith.constant 0 : i32
          %dma_start3A_186 = tpu.memref_slice %arg7[%rem3A_42, %dma_start3A_184, %dma_start3A_185] : memref<2x16x64xi32, #tpu.memory_space<vmem>> -> memref<1x16x64xi32, #tpu.memory_space<vmem>>
          %dma_start3A_187 = tpu.memref_squeeze %dma_start3A_186 : memref<1x16x64xi32, #tpu.memory_space<vmem>> -> memref<16x64xi32, #tpu.memory_space<vmem>>
          %dma_start3A_188 = arith.constant 0 : i32
          %dma_start3A_189 = tpu.memref_slice %dma_start3A_187[%mul3A_98, %dma_start3A_188] : memref<16x64xi32, #tpu.memory_space<vmem>> -> memref<1x64xi32, #tpu.memory_space<vmem>>
          %dma_start3A_190 = tpu.memref_squeeze %dma_start3A_189 : memref<1x64xi32, #tpu.memory_space<vmem>> -> memref<64xi32, #tpu.memory_space<vmem>>
          %dma_start3A_191 = arith.constant 0 : i32
          %dma_start3A_192 = arith.constant 0 : i32
          %dma_start3A_193 = tpu.memref_slice %arg12[%dma_start3A_191, %dma_start3A_192] : memref<10112x128xf32, #tpu.memory_space<vmem_shared>> -> memref<10112x128xf32, #tpu.memory_space<vmem_shared>>
          tpu.enqueue_indirect_dma source(%arg8 : memref<64x128xf32, #tpu.memory_space<vmem>>) target(%dma_start3A_193 : memref<10112x128xf32, #tpu.memory_space<vmem_shared>>) offsets(%dma_start3A_190 : memref<64xi32, #tpu.memory_space<vmem>>) semaphore(%run_scoped3A_183 : memref<!tpu.dma_semaphore, #tpu.memory_space<semaphore_mem>>) {add = true}
          %dma_wait3A_194 = arith.constant 0 : i32
          %dma_wait3A_195 = arith.constant 0 : i32
          %dma_wait3A_196 = tpu.memref_slice %arg7[%rem3A_42, %dma_wait3A_194, %dma_wait3A_195] : memref<2x16x64xi32, #tpu.memory_space<vmem>> -> memref<1x16x64xi32, #tpu.memory_space<vmem>>
          %dma_wait3A_197 = tpu.memref_squeeze %dma_wait3A_196 : memref<1x16x64xi32, #tpu.memory_space<vmem>> -> memref<16x64xi32, #tpu.memory_space<vmem>>
          %dma_wait3A_198 = arith.constant 0 : i32
          %dma_wait3A_199 = tpu.memref_slice %dma_wait3A_197[%mul3A_98, %dma_wait3A_198] : memref<16x64xi32, #tpu.memory_space<vmem>> -> memref<1x64xi32, #tpu.memory_space<vmem>>
          %dma_wait3A_200 = tpu.memref_squeeze %dma_wait3A_199 : memref<1x64xi32, #tpu.memory_space<vmem>> -> memref<64xi32, #tpu.memory_space<vmem>>
          %dma_wait3A_201 = arith.constant 0 : i32
          %dma_wait3A_202 = arith.constant 0 : i32
          %dma_wait3A_203 = tpu.memref_slice %arg12[%dma_wait3A_201, %dma_wait3A_202] : memref<10112x128xf32, #tpu.memory_space<vmem_shared>> -> memref<10112x128xf32, #tpu.memory_space<vmem_shared>>
          tpu.wait_indirect_dma semaphore(%run_scoped3A_183 : memref<!tpu.dma_semaphore, #tpu.memory_space<semaphore_mem>>) src(%arg8 : memref<64x128xf32, #tpu.memory_space<vmem>>) dst(%dma_wait3A_203 : memref<10112x128xf32, #tpu.memory_space<vmem_shared>>)
          tpu.yield
        }) : () -> ()
        %add3A_120 = arith.constant 4 : i32
        %add3A_121 = arith.addi %mul3A_98, %add3A_120 : i32
        %lt3A_122 = arith.constant 16 : i32
        %lt3A_123 = arith.cmpi slt, %add3A_121, %lt3A_122 : i32
        %convert_element_type3A_124 = arith.extui %lt3A_123 : i1 to i32
        %cond3A_125 = arith.constant 0 : i32
        %cond3A_126 = arith.cmpi ne, %convert_element_type3A_124, %cond3A_125 : i32
        scf.if %cond3A_126 {
          %add3A_183 = arith.constant 4 : i32
          %add3A_184 = arith.addi %mul3A_98, %add3A_183 : i32
          %dma_start3A_185 = arith.constant 0 : i32
          %dma_start3A_186 = arith.constant 0 : i32
          %dma_start3A_187 = tpu.memref_slice %arg6[%rem3A_42, %dma_start3A_185, %dma_start3A_186] : memref<2x16x64xi32, #tpu.memory_space<vmem>> -> memref<1x16x64xi32, #tpu.memory_space<vmem>>
          %dma_start3A_188 = tpu.memref_squeeze %dma_start3A_187 : memref<1x16x64xi32, #tpu.memory_space<vmem>> -> memref<16x64xi32, #tpu.memory_space<vmem>>
          %dma_start3A_189 = arith.constant 0 : i32
          %dma_start3A_190 = tpu.memref_slice %dma_start3A_188[%add3A_184, %dma_start3A_189] : memref<16x64xi32, #tpu.memory_space<vmem>> -> memref<1x64xi32, #tpu.memory_space<vmem>>
          %dma_start3A_191 = tpu.memref_squeeze %dma_start3A_190 : memref<1x64xi32, #tpu.memory_space<vmem>> -> memref<64xi32, #tpu.memory_space<vmem>>
          %dma_start3A_192 = arith.constant 0 : i32
          %dma_start3A_193 = arith.constant 0 : i32
          %dma_start3A_194 = tpu.memref_slice %arg2[%dma_start3A_192, %dma_start3A_193] : memref<10000x128xf32, #tpu.memory_space<hbm>> -> memref<10000x128xf32, #tpu.memory_space<hbm>>
          tpu.enqueue_indirect_dma source(%dma_start3A_194 : memref<10000x128xf32, #tpu.memory_space<hbm>>) target(%arg8 : memref<64x128xf32, #tpu.memory_space<vmem>>) offsets(%dma_start3A_191 : memref<64xi32, #tpu.memory_space<vmem>>) semaphore(%arg13 : memref<!tpu.dma_semaphore, #tpu.memory_space<semaphore_mem>>)
        } else {
        }
        %add3A_127 = arith.constant 1 : i32
        %add3A_128 = arith.addi %mul3A_98, %add3A_127 : i32
        %dma_wait3A_129 = arith.constant 0 : i32
        %dma_wait3A_130 = arith.constant 0 : i32
        %dma_wait3A_131 = tpu.memref_slice %arg6[%rem3A_42, %dma_wait3A_129, %dma_wait3A_130] : memref<2x16x64xi32, #tpu.memory_space<vmem>> -> memref<1x16x64xi32, #tpu.memory_space<vmem>>
        %dma_wait3A_132 = tpu.memref_squeeze %dma_wait3A_131 : memref<1x16x64xi32, #tpu.memory_space<vmem>> -> memref<16x64xi32, #tpu.memory_space<vmem>>
        %dma_wait3A_133 = arith.constant 0 : i32
        %dma_wait3A_134 = tpu.memref_slice %dma_wait3A_132[%add3A_128, %dma_wait3A_133] : memref<16x64xi32, #tpu.memory_space<vmem>> -> memref<1x64xi32, #tpu.memory_space<vmem>>
        %dma_wait3A_135 = tpu.memref_squeeze %dma_wait3A_134 : memref<1x64xi32, #tpu.memory_space<vmem>> -> memref<64xi32, #tpu.memory_space<vmem>>
        %dma_wait3A_136 = arith.constant 0 : i32
        %dma_wait3A_137 = arith.constant 0 : i32
        %dma_wait3A_138 = tpu.memref_slice %arg2[%dma_wait3A_136, %dma_wait3A_137] : memref<10000x128xf32, #tpu.memory_space<hbm>> -> memref<10000x128xf32, #tpu.memory_space<hbm>>
        tpu.wait_indirect_dma semaphore(%arg14 : memref<!tpu.dma_semaphore, #tpu.memory_space<semaphore_mem>>) src(%dma_wait3A_138 : memref<10000x128xf32, #tpu.memory_space<hbm>>) dst(%arg9 : memref<64x128xf32, #tpu.memory_space<vmem>>)
        %add3A_139 = arith.constant 1 : i32
        %add3A_140 = arith.addi %mul3A_98, %add3A_139 : i32
        "tpu.region"() ({
          %run_scoped3A_183 = tpu.sem_alloc : memref<!tpu.dma_semaphore, #tpu.memory_space<semaphore_mem>>
          %dma_start3A_184 = arith.constant 0 : i32
          %dma_start3A_185 = arith.constant 0 : i32
          %dma_start3A_186 = tpu.memref_slice %arg7[%rem3A_42, %dma_start3A_184, %dma_start3A_185] : memref<2x16x64xi32, #tpu.memory_space<vmem>> -> memref<1x16x64xi32, #tpu.memory_space<vmem>>
          %dma_start3A_187 = tpu.memref_squeeze %dma_start3A_186 : memref<1x16x64xi32, #tpu.memory_space<vmem>> -> memref<16x64xi32, #tpu.memory_space<vmem>>
          %dma_start3A_188 = arith.constant 0 : i32
          %dma_start3A_189 = tpu.memref_slice %dma_start3A_187[%add3A_140, %dma_start3A_188] : memref<16x64xi32, #tpu.memory_space<vmem>> -> memref<1x64xi32, #tpu.memory_space<vmem>>
          %dma_start3A_190 = tpu.memref_squeeze %dma_start3A_189 : memref<1x64xi32, #tpu.memory_space<vmem>> -> memref<64xi32, #tpu.memory_space<vmem>>
          %dma_start3A_191 = arith.constant 0 : i32
          %dma_start3A_192 = arith.constant 0 : i32
          %dma_start3A_193 = tpu.memref_slice %arg12[%dma_start3A_191, %dma_start3A_192] : memref<10112x128xf32, #tpu.memory_space<vmem_shared>> -> memref<10112x128xf32, #tpu.memory_space<vmem_shared>>
          tpu.enqueue_indirect_dma source(%arg9 : memref<64x128xf32, #tpu.memory_space<vmem>>) target(%dma_start3A_193 : memref<10112x128xf32, #tpu.memory_space<vmem_shared>>) offsets(%dma_start3A_190 : memref<64xi32, #tpu.memory_space<vmem>>) semaphore(%run_scoped3A_183 : memref<!tpu.dma_semaphore, #tpu.memory_space<semaphore_mem>>) {add = true}
          %dma_wait3A_194 = arith.constant 0 : i32
          %dma_wait3A_195 = arith.constant 0 : i32
          %dma_wait3A_196 = tpu.memref_slice %arg7[%rem3A_42, %dma_wait3A_194, %dma_wait3A_195] : memref<2x16x64xi32, #tpu.memory_space<vmem>> -> memref<1x16x64xi32, #tpu.memory_space<vmem>>
          %dma_wait3A_197 = tpu.memref_squeeze %dma_wait3A_196 : memref<1x16x64xi32, #tpu.memory_space<vmem>> -> memref<16x64xi32, #tpu.memory_space<vmem>>
          %dma_wait3A_198 = arith.constant 0 : i32
          %dma_wait3A_199 = tpu.memref_slice %dma_wait3A_197[%add3A_140, %dma_wait3A_198] : memref<16x64xi32, #tpu.memory_space<vmem>> -> memref<1x64xi32, #tpu.memory_space<vmem>>
          %dma_wait3A_200 = tpu.memref_squeeze %dma_wait3A_199 : memref<1x64xi32, #tpu.memory_space<vmem>> -> memref<64xi32, #tpu.memory_space<vmem>>
          %dma_wait3A_201 = arith.constant 0 : i32
          %dma_wait3A_202 = arith.constant 0 : i32
          %dma_wait3A_203 = tpu.memref_slice %arg12[%dma_wait3A_201, %dma_wait3A_202] : memref<10112x128xf32, #tpu.memory_space<vmem_shared>> -> memref<10112x128xf32, #tpu.memory_space<vmem_shared>>
          tpu.wait_indirect_dma semaphore(%run_scoped3A_183 : memref<!tpu.dma_semaphore, #tpu.memory_space<semaphore_mem>>) src(%arg9 : memref<64x128xf32, #tpu.memory_space<vmem>>) dst(%dma_wait3A_203 : memref<10112x128xf32, #tpu.memory_space<vmem_shared>>)
          tpu.yield
        }) : () -> ()
        %add3A_141 = arith.constant 5 : i32
        %add3A_142 = arith.addi %mul3A_98, %add3A_141 : i32
        %lt3A_143 = arith.constant 16 : i32
        %lt3A_144 = arith.cmpi slt, %add3A_142, %lt3A_143 : i32
        %convert_element_type3A_145 = arith.extui %lt3A_144 : i1 to i32
        %cond3A_146 = arith.constant 0 : i32
        %cond3A_147 = arith.cmpi ne, %convert_element_type3A_145, %cond3A_146 : i32
        scf.if %cond3A_147 {
          %add3A_183 = arith.constant 5 : i32
          %add3A_184 = arith.addi %mul3A_98, %add3A_183 : i32
          %dma_start3A_185 = arith.constant 0 : i32
          %dma_start3A_186 = arith.constant 0 : i32
          %dma_start3A_187 = tpu.memref_slice %arg6[%rem3A_42, %dma_start3A_185, %dma_start3A_186] : memref<2x16x64xi32, #tpu.memory_space<vmem>> -> memref<1x16x64xi32, #tpu.memory_space<vmem>>
          %dma_start3A_188 = tpu.memref_squeeze %dma_start3A_187 : memref<1x16x64xi32, #tpu.memory_space<vmem>> -> memref<16x64xi32, #tpu.memory_space<vmem>>
          %dma_start3A_189 = arith.constant 0 : i32
          %dma_start3A_190 = tpu.memref_slice %dma_start3A_188[%add3A_184, %dma_start3A_189] : memref<16x64xi32, #tpu.memory_space<vmem>> -> memref<1x64xi32, #tpu.memory_space<vmem>>
          %dma_start3A_191 = tpu.memref_squeeze %dma_start3A_190 : memref<1x64xi32, #tpu.memory_space<vmem>> -> memref<64xi32, #tpu.memory_space<vmem>>
          %dma_start3A_192 = arith.constant 0 : i32
          %dma_start3A_193 = arith.constant 0 : i32
          %dma_start3A_194 = tpu.memref_slice %arg2[%dma_start3A_192, %dma_start3A_193] : memref<10000x128xf32, #tpu.memory_space<hbm>> -> memref<10000x128xf32, #tpu.memory_space<hbm>>
          tpu.enqueue_indirect_dma source(%dma_start3A_194 : memref<10000x128xf32, #tpu.memory_space<hbm>>) target(%arg9 : memref<64x128xf32, #tpu.memory_space<vmem>>) offsets(%dma_start3A_191 : memref<64xi32, #tpu.memory_space<vmem>>) semaphore(%arg14 : memref<!tpu.dma_semaphore, #tpu.memory_space<semaphore_mem>>)
        } else {
        }
        %add3A_148 = arith.constant 2 : i32
        %add3A_149 = arith.addi %mul3A_98, %add3A_148 : i32
        %dma_wait3A_150 = arith.constant 0 : i32
        %dma_wait3A_151 = arith.constant 0 : i32
        %dma_wait3A_152 = tpu.memref_slice %arg6[%rem3A_42, %dma_wait3A_150, %dma_wait3A_151] : memref<2x16x64xi32, #tpu.memory_space<vmem>> -> memref<1x16x64xi32, #tpu.memory_space<vmem>>
        %dma_wait3A_153 = tpu.memref_squeeze %dma_wait3A_152 : memref<1x16x64xi32, #tpu.memory_space<vmem>> -> memref<16x64xi32, #tpu.memory_space<vmem>>
        %dma_wait3A_154 = arith.constant 0 : i32
        %dma_wait3A_155 = tpu.memref_slice %dma_wait3A_153[%add3A_149, %dma_wait3A_154] : memref<16x64xi32, #tpu.memory_space<vmem>> -> memref<1x64xi32, #tpu.memory_space<vmem>>
        %dma_wait3A_156 = tpu.memref_squeeze %dma_wait3A_155 : memref<1x64xi32, #tpu.memory_space<vmem>> -> memref<64xi32, #tpu.memory_space<vmem>>
        %dma_wait3A_157 = arith.constant 0 : i32
        %dma_wait3A_158 = arith.constant 0 : i32
        %dma_wait3A_159 = tpu.memref_slice %arg2[%dma_wait3A_157, %dma_wait3A_158] : memref<10000x128xf32, #tpu.memory_space<hbm>> -> memref<10000x128xf32, #tpu.memory_space<hbm>>
        tpu.wait_indirect_dma semaphore(%arg15 : memref<!tpu.dma_semaphore, #tpu.memory_space<semaphore_mem>>) src(%dma_wait3A_159 : memref<10000x128xf32, #tpu.memory_space<hbm>>) dst(%arg10 : memref<64x128xf32, #tpu.memory_space<vmem>>)
        %add3A_160 = arith.constant 2 : i32
        %add3A_161 = arith.addi %mul3A_98, %add3A_160 : i32
        "tpu.region"() ({
          %run_scoped3A_183 = tpu.sem_alloc : memref<!tpu.dma_semaphore, #tpu.memory_space<semaphore_mem>>
          %dma_start3A_184 = arith.constant 0 : i32
          %dma_start3A_185 = arith.constant 0 : i32
          %dma_start3A_186 = tpu.memref_slice %arg7[%rem3A_42, %dma_start3A_184, %dma_start3A_185] : memref<2x16x64xi32, #tpu.memory_space<vmem>> -> memref<1x16x64xi32, #tpu.memory_space<vmem>>
          %dma_start3A_187 = tpu.memref_squeeze %dma_start3A_186 : memref<1x16x64xi32, #tpu.memory_space<vmem>> -> memref<16x64xi32, #tpu.memory_space<vmem>>
          %dma_start3A_188 = arith.constant 0 : i32
          %dma_start3A_189 = tpu.memref_slice %dma_start3A_187[%add3A_161, %dma_start3A_188] : memref<16x64xi32, #tpu.memory_space<vmem>> -> memref<1x64xi32, #tpu.memory_space<vmem>>
          %dma_start3A_190 = tpu.memref_squeeze %dma_start3A_189 : memref<1x64xi32, #tpu.memory_space<vmem>> -> memref<64xi32, #tpu.memory_space<vmem>>
          %dma_start3A_191 = arith.constant 0 : i32
          %dma_start3A_192 = arith.constant 0 : i32
          %dma_start3A_193 = tpu.memref_slice %arg12[%dma_start3A_191, %dma_start3A_192] : memref<10112x128xf32, #tpu.memory_space<vmem_shared>> -> memref<10112x128xf32, #tpu.memory_space<vmem_shared>>
          tpu.enqueue_indirect_dma source(%arg10 : memref<64x128xf32, #tpu.memory_space<vmem>>) target(%dma_start3A_193 : memref<10112x128xf32, #tpu.memory_space<vmem_shared>>) offsets(%dma_start3A_190 : memref<64xi32, #tpu.memory_space<vmem>>) semaphore(%run_scoped3A_183 : memref<!tpu.dma_semaphore, #tpu.memory_space<semaphore_mem>>) {add = true}
          %dma_wait3A_194 = arith.constant 0 : i32
          %dma_wait3A_195 = arith.constant 0 : i32
          %dma_wait3A_196 = tpu.memref_slice %arg7[%rem3A_42, %dma_wait3A_194, %dma_wait3A_195] : memref<2x16x64xi32, #tpu.memory_space<vmem>> -> memref<1x16x64xi32, #tpu.memory_space<vmem>>
          %dma_wait3A_197 = tpu.memref_squeeze %dma_wait3A_196 : memref<1x16x64xi32, #tpu.memory_space<vmem>> -> memref<16x64xi32, #tpu.memory_space<vmem>>
          %dma_wait3A_198 = arith.constant 0 : i32
          %dma_wait3A_199 = tpu.memref_slice %dma_wait3A_197[%add3A_161, %dma_wait3A_198] : memref<16x64xi32, #tpu.memory_space<vmem>> -> memref<1x64xi32, #tpu.memory_space<vmem>>
          %dma_wait3A_200 = tpu.memref_squeeze %dma_wait3A_199 : memref<1x64xi32, #tpu.memory_space<vmem>> -> memref<64xi32, #tpu.memory_space<vmem>>
          %dma_wait3A_201 = arith.constant 0 : i32
          %dma_wait3A_202 = arith.constant 0 : i32
          %dma_wait3A_203 = tpu.memref_slice %arg12[%dma_wait3A_201, %dma_wait3A_202] : memref<10112x128xf32, #tpu.memory_space<vmem_shared>> -> memref<10112x128xf32, #tpu.memory_space<vmem_shared>>
          tpu.wait_indirect_dma semaphore(%run_scoped3A_183 : memref<!tpu.dma_semaphore, #tpu.memory_space<semaphore_mem>>) src(%arg10 : memref<64x128xf32, #tpu.memory_space<vmem>>) dst(%dma_wait3A_203 : memref<10112x128xf32, #tpu.memory_space<vmem_shared>>)
          tpu.yield
        }) : () -> ()
        %add3A_162 = arith.constant 6 : i32
        %add3A_163 = arith.addi %mul3A_98, %add3A_162 : i32
        %lt3A_164 = arith.constant 16 : i32
        %lt3A_165 = arith.cmpi slt, %add3A_163, %lt3A_164 : i32
        %convert_element_type3A_166 = arith.extui %lt3A_165 : i1 to i32
        %cond3A_167 = arith.constant 0 : i32
        %cond3A_168 = arith.cmpi ne, %convert_element_type3A_166, %cond3A_167 : i32
        scf.if %cond3A_168 {
          %add3A_183 = arith.constant 6 : i32
          %add3A_184 = arith.addi %mul3A_98, %add3A_183 : i32
          %dma_start3A_185 = arith.constant 0 : i32
          %dma_start3A_186 = arith.constant 0 : i32
          %dma_start3A_187 = tpu.memref_slice %arg6[%rem3A_42, %dma_start3A_185, %dma_start3A_186] : memref<2x16x64xi32, #tpu.memory_space<vmem>> -> memref<1x16x64xi32, #tpu.memory_space<vmem>>
          %dma_start3A_188 = tpu.memref_squeeze %dma_start3A_187 : memref<1x16x64xi32, #tpu.memory_space<vmem>> -> memref<16x64xi32, #tpu.memory_space<vmem>>
          %dma_start3A_189 = arith.constant 0 : i32
          %dma_start3A_190 = tpu.memref_slice %dma_start3A_188[%add3A_184, %dma_start3A_189] : memref<16x64xi32, #tpu.memory_space<vmem>> -> memref<1x64xi32, #tpu.memory_space<vmem>>
          %dma_start3A_191 = tpu.memref_squeeze %dma_start3A_190 : memref<1x64xi32, #tpu.memory_space<vmem>> -> memref<64xi32, #tpu.memory_space<vmem>>
          %dma_start3A_192 = arith.constant 0 : i32
          %dma_start3A_193 = arith.constant 0 : i32
          %dma_start3A_194 = tpu.memref_slice %arg2[%dma_start3A_192, %dma_start3A_193] : memref<10000x128xf32, #tpu.memory_space<hbm>> -> memref<10000x128xf32, #tpu.memory_space<hbm>>
          tpu.enqueue_indirect_dma source(%dma_start3A_194 : memref<10000x128xf32, #tpu.memory_space<hbm>>) target(%arg10 : memref<64x128xf32, #tpu.memory_space<vmem>>) offsets(%dma_start3A_191 : memref<64xi32, #tpu.memory_space<vmem>>) semaphore(%arg15 : memref<!tpu.dma_semaphore, #tpu.memory_space<semaphore_mem>>)
        } else {
        }
        %add3A_169 = arith.constant 3 : i32
        %add3A_170 = arith.addi %mul3A_98, %add3A_169 : i32
        %dma_wait3A_171 = arith.constant 0 : i32
        %dma_wait3A_172 = arith.constant 0 : i32
        %dma_wait3A_173 = tpu.memref_slice %arg6[%rem3A_42, %dma_wait3A_171, %dma_wait3A_172] : memref<2x16x64xi32, #tpu.memory_space<vmem>> -> memref<1x16x64xi32, #tpu.memory_space<vmem>>
        %dma_wait3A_174 = tpu.memref_squeeze %dma_wait3A_173 : memref<1x16x64xi32, #tpu.memory_space<vmem>> -> memref<16x64xi32, #tpu.memory_space<vmem>>
        %dma_wait3A_175 = arith.constant 0 : i32
        %dma_wait3A_176 = tpu.memref_slice %dma_wait3A_174[%add3A_170, %dma_wait3A_175] : memref<16x64xi32, #tpu.memory_space<vmem>> -> memref<1x64xi32, #tpu.memory_space<vmem>>
        %dma_wait3A_177 = tpu.memref_squeeze %dma_wait3A_176 : memref<1x64xi32, #tpu.memory_space<vmem>> -> memref<64xi32, #tpu.memory_space<vmem>>
        %dma_wait3A_178 = arith.constant 0 : i32
        %dma_wait3A_179 = arith.constant 0 : i32
        %dma_wait3A_180 = tpu.memref_slice %arg2[%dma_wait3A_178, %dma_wait3A_179] : memref<10000x128xf32, #tpu.memory_space<hbm>> -> memref<10000x128xf32, #tpu.memory_space<hbm>>
        tpu.wait_indirect_dma semaphore(%arg16 : memref<!tpu.dma_semaphore, #tpu.memory_space<semaphore_mem>>) src(%dma_wait3A_180 : memref<10000x128xf32, #tpu.memory_space<hbm>>) dst(%arg11 : memref<64x128xf32, #tpu.memory_space<vmem>>)
        %add3A_181 = arith.constant 3 : i32
        %add3A_182 = arith.addi %mul3A_98, %add3A_181 : i32
        "tpu.region"() ({
          %run_scoped3A_183 = tpu.sem_alloc : memref<!tpu.dma_semaphore, #tpu.memory_space<semaphore_mem>>
          %dma_start3A_184 = arith.constant 0 : i32
          %dma_start3A_185 = arith.constant 0 : i32
          %dma_start3A_186 = tpu.memref_slice %arg7[%rem3A_42, %dma_start3A_184, %dma_start3A_185] : memref<2x16x64xi32, #tpu.memory_space<vmem>> -> memref<1x16x64xi32, #tpu.memory_space<vmem>>
          %dma_start3A_187 = tpu.memref_squeeze %dma_start3A_186 : memref<1x16x64xi32, #tpu.memory_space<vmem>> -> memref<16x64xi32, #tpu.memory_space<vmem>>
          %dma_start3A_188 = arith.constant 0 : i32
          %dma_start3A_189 = tpu.memref_slice %dma_start3A_187[%add3A_182, %dma_start3A_188] : memref<16x64xi32, #tpu.memory_space<vmem>> -> memref<1x64xi32, #tpu.memory_space<vmem>>
          %dma_start3A_190 = tpu.memref_squeeze %dma_start3A_189 : memref<1x64xi32, #tpu.memory_space<vmem>> -> memref<64xi32, #tpu.memory_space<vmem>>
          %dma_start3A_191 = arith.constant 0 : i32
          %dma_start3A_192 = arith.constant 0 : i32
          %dma_start3A_193 = tpu.memref_slice %arg12[%dma_start3A_191, %dma_start3A_192] : memref<10112x128xf32, #tpu.memory_space<vmem_shared>> -> memref<10112x128xf32, #tpu.memory_space<vmem_shared>>
          tpu.enqueue_indirect_dma source(%arg11 : memref<64x128xf32, #tpu.memory_space<vmem>>) target(%dma_start3A_193 : memref<10112x128xf32, #tpu.memory_space<vmem_shared>>) offsets(%dma_start3A_190 : memref<64xi32, #tpu.memory_space<vmem>>) semaphore(%run_scoped3A_183 : memref<!tpu.dma_semaphore, #tpu.memory_space<semaphore_mem>>) {add = true}
          %dma_wait3A_194 = arith.constant 0 : i32
          %dma_wait3A_195 = arith.constant 0 : i32
          %dma_wait3A_196 = tpu.memref_slice %arg7[%rem3A_42, %dma_wait3A_194, %dma_wait3A_195] : memref<2x16x64xi32, #tpu.memory_space<vmem>> -> memref<1x16x64xi32, #tpu.memory_space<vmem>>
          %dma_wait3A_197 = tpu.memref_squeeze %dma_wait3A_196 : memref<1x16x64xi32, #tpu.memory_space<vmem>> -> memref<16x64xi32, #tpu.memory_space<vmem>>
          %dma_wait3A_198 = arith.constant 0 : i32
          %dma_wait3A_199 = tpu.memref_slice %dma_wait3A_197[%add3A_182, %dma_wait3A_198] : memref<16x64xi32, #tpu.memory_space<vmem>> -> memref<1x64xi32, #tpu.memory_space<vmem>>
          %dma_wait3A_200 = tpu.memref_squeeze %dma_wait3A_199 : memref<1x64xi32, #tpu.memory_space<vmem>> -> memref<64xi32, #tpu.memory_space<vmem>>
          %dma_wait3A_201 = arith.constant 0 : i32
          %dma_wait3A_202 = arith.constant 0 : i32
          %dma_wait3A_203 = tpu.memref_slice %arg12[%dma_wait3A_201, %dma_wait3A_202] : memref<10112x128xf32, #tpu.memory_space<vmem_shared>> -> memref<10112x128xf32, #tpu.memory_space<vmem_shared>>
          tpu.wait_indirect_dma semaphore(%run_scoped3A_183 : memref<!tpu.dma_semaphore, #tpu.memory_space<semaphore_mem>>) src(%arg11 : memref<64x128xf32, #tpu.memory_space<vmem>>) dst(%dma_wait3A_203 : memref<10112x128xf32, #tpu.memory_space<vmem_shared>>)
          tpu.yield
        }) : () -> ()
      }
      %scan3A_91 = arith.constant 4 : i32
    }
    %scan3A_35 = arith.constant 10 : i32
    %barrier3A_36 = arith.constant 0 : index
    tpu.barrier barrier_id(%barrier3A_36)
    "tpu.region"() ({
      %run_scoped3A_37 = tpu.sem_alloc : memref<!tpu.dma_semaphore, #tpu.memory_space<semaphore_mem>>
      %dma_start3A = arith.constant 0 : i32
      %dma_start3A_38 = arith.constant 0 : i32
      %dma_start3A_39 = tpu.memref_slice %arg5[%arg0, %dma_start3A, %dma_start3A_38] : memref<2x10112x128xf32, #tpu.memory_space<hbm>> -> memref<1x10112x128xf32, #tpu.memory_space<hbm>>
      %dma_start3A_40 = tpu.memref_squeeze %dma_start3A_39 : memref<1x10112x128xf32, #tpu.memory_space<hbm>> -> memref<10112x128xf32, #tpu.memory_space<hbm>>
      %dma_start3A_41 = arith.constant 0 : i32
      %dma_start3A_42 = tpu.memref_slice %dma_start3A_40[%mul3A_4, %dma_start3A_41] : memref<10112x128xf32, #tpu.memory_space<hbm>> -> memref<632x128xf32, #tpu.memory_space<hbm>>
      %dma_start3A_43 = arith.constant 0 : i32
      %dma_start3A_44 = tpu.memref_slice %arg12[%mul3A_4, %dma_start3A_43] : memref<10112x128xf32, #tpu.memory_space<vmem_shared>> -> memref<632x128xf32, #tpu.memory_space<vmem_shared>>
      tpu.enqueue_dma source(%dma_start3A_44 : memref<632x128xf32, #tpu.memory_space<vmem_shared>>) target(%dma_start3A_42 : memref<632x128xf32, #tpu.memory_space<hbm>>) target_semaphore(%run_scoped3A_37 : memref<!tpu.dma_semaphore, #tpu.memory_space<semaphore_mem>>)
      %dma_wait3A = arith.constant 0 : i32
      %dma_wait3A_45 = arith.constant 0 : i32
      %dma_wait3A_46 = tpu.memref_slice %arg5[%arg0, %dma_wait3A, %dma_wait3A_45] : memref<2x10112x128xf32, #tpu.memory_space<hbm>> -> memref<1x10112x128xf32, #tpu.memory_space<hbm>>
      %dma_wait3A_47 = tpu.memref_squeeze %dma_wait3A_46 : memref<1x10112x128xf32, #tpu.memory_space<hbm>> -> memref<10112x128xf32, #tpu.memory_space<hbm>>
      %dma_wait3A_48 = arith.constant 0 : i32
      %dma_wait3A_49 = tpu.memref_slice %dma_wait3A_47[%mul3A_4, %dma_wait3A_48] : memref<10112x128xf32, #tpu.memory_space<hbm>> -> memref<632x128xf32, #tpu.memory_space<hbm>>
      %dma_wait3A_50 = arith.constant 0 : i32
      %dma_wait3A_51 = tpu.memref_slice %arg12[%mul3A_4, %dma_wait3A_50] : memref<10112x128xf32, #tpu.memory_space<vmem_shared>> -> memref<632x128xf32, #tpu.memory_space<vmem_shared>>
      tpu.wait_dma2 semaphore(%run_scoped3A_37 : memref<!tpu.dma_semaphore, #tpu.memory_space<semaphore_mem>>) src(%dma_wait3A_51 : memref<632x128xf32, #tpu.memory_space<vmem_shared>>) dst(%dma_wait3A_49 : memref<632x128xf32, #tpu.memory_space<hbm>>)
      tpu.yield
    }) : () -> ()
    return
  }
}

#map = affine_map<(d0, d1) -> (0, 0)>
#map1 = affine_map<(d0, d1) -> (0, 0, 0)>
module attributes {stable_mosaic.version = 14 : i64} {
  func.func @k(%arg0: i32, %arg1: i32, %arg2: memref<10000x128xf32, #tpu.memory_space<hbm>>, %arg3: memref<5120x64xi32, #tpu.memory_space<hbm>>, %arg4: memref<5120x64xi32, #tpu.memory_space<hbm>>, %arg5: memref<2x10112x128xf32, #tpu.memory_space<hbm>>, %arg6: memref<2x16x64xi32, #tpu.memory_space<vmem>>, %arg7: memref<2x16x64xi32, #tpu.memory_space<vmem>>, %arg8: memref<64x128xf32, #tpu.memory_space<vmem>>, %arg9: memref<64x128xf32, #tpu.memory_space<vmem>>, %arg10: memref<64x128xf32, #tpu.memory_space<vmem>>, %arg11: memref<64x128xf32, #tpu.memory_space<vmem>>, %arg12: memref<10112x128xf32, #tpu.memory_space<vmem_shared>>, %arg13: memref<!tpu.dma_semaphore, #tpu.memory_space<semaphore_mem>>, %arg14: memref<!tpu.dma_semaphore, #tpu.memory_space<semaphore_mem>>, %arg15: memref<!tpu.dma_semaphore, #tpu.memory_space<semaphore_mem>>, %arg16: memref<!tpu.dma_semaphore, #tpu.memory_space<semaphore_mem>>, %arg17: memref<!tpu.dma_semaphore, #tpu.memory_space<semaphore_mem>>) attributes {dimension_semantics = [#tpu.dimension_semantics<core_parallel>, #tpu.dimension_semantics<subcore_parallel>], iteration_bounds = array<i64: 2, 16>, scalar_prefetch = 0 : i64, scratch_operands = 12 : i64, tpu.core_type = #tpu.core_type<sc_vector_subcore>, window_params = [{transform_indices = #map}, {transform_indices = #map}, {transform_indices = #map}, {transform_indices = #map1}]} {
    %scan3A = arith.constant 0 : i32
    %scan3A_0 = arith.constant 64 : i32
    %scan3A_1 = arith.addi %scan3A, %scan3A_0 : i32
    %scan3A_2 = arith.constant 1 : i32
    scf.for %scan3A_37 = %scan3A to %scan3A_1 step %scan3A_2  : i32 {
      %mul3A_38 = arith.constant 1 : i32
      %mul3A_39 = arith.muli %scan3A_37, %mul3A_38 : i32
      %add3A_40 = arith.constant 0 : i32
      %add3A_41 = arith.addi %add3A_40, %mul3A_39 : i32
      %scan3A_42 = arith.constant 0 : i32
      %scan3A_43 = arith.constant 8 : i32
      %scan3A_44 = arith.addi %scan3A_42, %scan3A_43 : i32
      %scan3A_45 = arith.constant 1 : i32
      scf.for %scan3A_47 = %scan3A_42 to %scan3A_44 step %scan3A_45  : i32 {
        %mul3A_48 = arith.constant 1 : i32
        %mul3A_49 = arith.muli %scan3A_47, %mul3A_48 : i32
        %add3A_50 = arith.constant 0 : i32
        %add3A_51 = arith.addi %add3A_50, %mul3A_49 : i32
        %broadcast_in_dim3A = arith.constant 0.000000e+00 : f32
        %broadcast_in_dim3A_52 = vector.broadcast %broadcast_in_dim3A : f32 to vector<16xf32>
        %mul3A_53 = arith.constant 16 : i32
        %mul3A_54 = arith.muli %add3A_51, %mul3A_53 : i32
        %swap3A = arith.index_cast %add3A_41 : i32 to index
        %swap3A_55 = arith.index_cast %mul3A_54 : i32 to index
        %swap3A_56 = tpu.vector_load %arg8[%swap3A, %swap3A_55] {strides = array<i32>} : memref<64x128xf32, #tpu.memory_space<vmem>>, vector<1x16xf32>,
        %swap3A_57 = vector.shape_cast %swap3A_56 : vector<1x16xf32> to vector<16xf32>
        %swap3A_58 = vector.shape_cast %broadcast_in_dim3A_52 : vector<16xf32> to vector<1x16xf32>
        tpu.vector_store %arg8[%swap3A, %swap3A_55], %swap3A_58 {strides = array<i32>} : memref<64x128xf32, #tpu.memory_space<vmem>>, vector<1x16xf32>,
      }
      %scan3A_46 = arith.constant 8 : i32
    }
    %scan3A_3 = arith.constant 64 : i32
    %mul3A = arith.constant 632 : i32
    %mul3A_4 = arith.muli %arg1, %mul3A : i32
    %add3A = arith.constant 0 : i32
    %add3A_5 = arith.addi %mul3A_4, %add3A : i32
    "tpu.region"() ({
      %run_scoped3A_37 = tpu.sem_alloc : memref<!tpu.dma_semaphore, #tpu.memory_space<semaphore_mem>>
      %dma_start3A = arith.constant 0 : i32
      %dma_start3A_38 = tpu.memref_slice %arg12[%add3A_5, %dma_start3A] : memref<10112x128xf32, #tpu.memory_space<vmem_shared>> -> memref<64x128xf32, #tpu.memory_space<vmem_shared>>
      %dma_start3A_39 = arith.constant 0 : i32
      %dma_start3A_40 = tpu.memref_slice %arg12[%add3A_5, %dma_start3A_39] : memref<10112x128xf32, #tpu.memory_space<vmem_shared>> -> memref<64x128xf32, #tpu.memory_space<vmem_shared>>
      tpu.enqueue_dma source(%arg8 : memref<64x128xf32, #tpu.memory_space<vmem>>) target(%dma_start3A_40 : memref<64x128xf32, #tpu.memory_space<vmem_shared>>) target_semaphore(%run_scoped3A_37 : memref<!tpu.dma_semaphore, #tpu.memory_space<semaphore_mem>>)
      %dma_wait3A = arith.constant 0 : i32
      %dma_wait3A_41 = tpu.memref_slice %arg12[%add3A_5, %dma_wait3A] : memref<10112x128xf32, #tpu.memory_space<vmem_shared>> -> memref<64x128xf32, #tpu.memory_space<vmem_shared>>
      %dma_wait3A_42 = arith.constant 0 : i32
      %dma_wait3A_43 = tpu.memref_slice %arg12[%add3A_5, %dma_wait3A_42] : memref<10112x128xf32, #tpu.memory_space<vmem_shared>> -> memref<64x128xf32, #tpu.memory_space<vmem_shared>>
      tpu.wait_dma2 semaphore(%run_scoped3A_37 : memref<!tpu.dma_semaphore, #tpu.memory_space<semaphore_mem>>) src(%arg8 : memref<64x128xf32, #tpu.memory_space<vmem>>) dst(%dma_wait3A_43 : memref<64x128xf32, #tpu.memory_space<vmem_shared>>)
      tpu.yield
    }) : () -> ()
    %add3A_6 = arith.constant 64 : i32
    %add3A_7 = arith.addi %mul3A_4, %add3A_6 : i32
    "tpu.region"() ({
      %run_scoped3A_37 = tpu.sem_alloc : memref<!tpu.dma_semaphore, #tpu.memory_space<semaphore_mem>>
      %dma_start3A = arith.constant 0 : i32
      %dma_start3A_38 = tpu.memref_slice %arg12[%add3A_7, %dma_start3A] : memref<10112x128xf32, #tpu.memory_space<vmem_shared>> -> memref<64x128xf32, #tpu.memory_space<vmem_shared>>
      %dma_start3A_39 = arith.constant 0 : i32
      %dma_start3A_40 = tpu.memref_slice %arg12[%add3A_7, %dma_start3A_39] : memref<10112x128xf32, #tpu.memory_space<vmem_shared>> -> memref<64x128xf32, #tpu.memory_space<vmem_shared>>
      tpu.enqueue_dma source(%arg8 : memref<64x128xf32, #tpu.memory_space<vmem>>) target(%dma_start3A_40 : memref<64x128xf32, #tpu.memory_space<vmem_shared>>) target_semaphore(%run_scoped3A_37 : memref<!tpu.dma_semaphore, #tpu.memory_space<semaphore_mem>>)
      %dma_wait3A = arith.constant 0 : i32
      %dma_wait3A_41 = tpu.memref_slice %arg12[%add3A_7, %dma_wait3A] : memref<10112x128xf32, #tpu.memory_space<vmem_shared>> -> memref<64x128xf32, #tpu.memory_space<vmem_shared>>
      %dma_wait3A_42 = arith.constant 0 : i32
      %dma_wait3A_43 = tpu.memref_slice %arg12[%add3A_7, %dma_wait3A_42] : memref<10112x128xf32, #tpu.memory_space<vmem_shared>> -> memref<64x128xf32, #tpu.memory_space<vmem_shared>>
      tpu.wait_dma2 semaphore(%run_scoped3A_37 : memref<!tpu.dma_semaphore, #tpu.memory_space<semaphore_mem>>) src(%arg8 : memref<64x128xf32, #tpu.memory_space<vmem>>) dst(%dma_wait3A_43 : memref<64x128xf32, #tpu.memory_space<vmem_shared>>)
      tpu.yield
    }) : () -> ()
    %add3A_8 = arith.constant 128 : i32
    %add3A_9 = arith.addi %mul3A_4, %add3A_8 : i32
    "tpu.region"() ({
      %run_scoped3A_37 = tpu.sem_alloc : memref<!tpu.dma_semaphore, #tpu.memory_space<semaphore_mem>>
      %dma_start3A = arith.constant 0 : i32
      %dma_start3A_38 = tpu.memref_slice %arg12[%add3A_9, %dma_start3A] : memref<10112x128xf32, #tpu.memory_space<vmem_shared>> -> memref<64x128xf32, #tpu.memory_space<vmem_shared>>
      %dma_start3A_39 = arith.constant 0 : i32
      %dma_start3A_40 = tpu.memref_slice %arg12[%add3A_9, %dma_start3A_39] : memref<10112x128xf32, #tpu.memory_space<vmem_shared>> -> memref<64x128xf32, #tpu.memory_space<vmem_shared>>
      tpu.enqueue_dma source(%arg8 : memref<64x128xf32, #tpu.memory_space<vmem>>) target(%dma_start3A_40 : memref<64x128xf32, #tpu.memory_space<vmem_shared>>) target_semaphore(%run_scoped3A_37 : memref<!tpu.dma_semaphore, #tpu.memory_space<semaphore_mem>>)
      %dma_wait3A = arith.constant 0 : i32
      %dma_wait3A_41 = tpu.memref_slice %arg12[%add3A_9, %dma_wait3A] : memref<10112x128xf32, #tpu.memory_space<vmem_shared>> -> memref<64x128xf32, #tpu.memory_space<vmem_shared>>
      %dma_wait3A_42 = arith.constant 0 : i32
      %dma_wait3A_43 = tpu.memref_slice %arg12[%add3A_9, %dma_wait3A_42] : memref<10112x128xf32, #tpu.memory_space<vmem_shared>> -> memref<64x128xf32, #tpu.memory_space<vmem_shared>>
      tpu.wait_dma2 semaphore(%run_scoped3A_37 : memref<!tpu.dma_semaphore, #tpu.memory_space<semaphore_mem>>) src(%arg8 : memref<64x128xf32, #tpu.memory_space<vmem>>) dst(%dma_wait3A_43 : memref<64x128xf32, #tpu.memory_space<vmem_shared>>)
      tpu.yield
    }) : () -> ()
    %add3A_10 = arith.constant 192 : i32
    %add3A_11 = arith.addi %mul3A_4, %add3A_10 : i32
    "tpu.region"() ({
      %run_scoped3A_37 = tpu.sem_alloc : memref<!tpu.dma_semaphore, #tpu.memory_space<semaphore_mem>>
      %dma_start3A = arith.constant 0 : i32
      %dma_start3A_38 = tpu.memref_slice %arg12[%add3A_11, %dma_start3A] : memref<10112x128xf32, #tpu.memory_space<vmem_shared>> -> memref<64x128xf32, #tpu.memory_space<vmem_shared>>
      %dma_start3A_39 = arith.constant 0 : i32
      %dma_start3A_40 = tpu.memref_slice %arg12[%add3A_11, %dma_start3A_39] : memref<10112x128xf32, #tpu.memory_space<vmem_shared>> -> memref<64x128xf32, #tpu.memory_space<vmem_shared>>
      tpu.enqueue_dma source(%arg8 : memref<64x128xf32, #tpu.memory_space<vmem>>) target(%dma_start3A_40 : memref<64x128xf32, #tpu.memory_space<vmem_shared>>) target_semaphore(%run_scoped3A_37 : memref<!tpu.dma_semaphore, #tpu.memory_space<semaphore_mem>>)
      %dma_wait3A = arith.constant 0 : i32
      %dma_wait3A_41 = tpu.memref_slice %arg12[%add3A_11, %dma_wait3A] : memref<10112x128xf32, #tpu.memory_space<vmem_shared>> -> memref<64x128xf32, #tpu.memory_space<vmem_shared>>
      %dma_wait3A_42 = arith.constant 0 : i32
      %dma_wait3A_43 = tpu.memref_slice %arg12[%add3A_11, %dma_wait3A_42] : memref<10112x128xf32, #tpu.memory_space<vmem_shared>> -> memref<64x128xf32, #tpu.memory_space<vmem_shared>>
      tpu.wait_dma2 semaphore(%run_scoped3A_37 : memref<!tpu.dma_semaphore, #tpu.memory_space<semaphore_mem>>) src(%arg8 : memref<64x128xf32, #tpu.memory_space<vmem>>) dst(%dma_wait3A_43 : memref<64x128xf32, #tpu.memory_space<vmem_shared>>)
      tpu.yield
    }) : () -> ()
    %add3A_12 = arith.constant 256 : i32
    %add3A_13 = arith.addi %mul3A_4, %add3A_12 : i32
    "tpu.region"() ({
      %run_scoped3A_37 = tpu.sem_alloc : memref<!tpu.dma_semaphore, #tpu.memory_space<semaphore_mem>>
      %dma_start3A = arith.constant 0 : i32
      %dma_start3A_38 = tpu.memref_slice %arg12[%add3A_13, %dma_start3A] : memref<10112x128xf32, #tpu.memory_space<vmem_shared>> -> memref<64x128xf32, #tpu.memory_space<vmem_shared>>
      %dma_start3A_39 = arith.constant 0 : i32
      %dma_start3A_40 = tpu.memref_slice %arg12[%add3A_13, %dma_start3A_39] : memref<10112x128xf32, #tpu.memory_space<vmem_shared>> -> memref<64x128xf32, #tpu.memory_space<vmem_shared>>
      tpu.enqueue_dma source(%arg8 : memref<64x128xf32, #tpu.memory_space<vmem>>) target(%dma_start3A_40 : memref<64x128xf32, #tpu.memory_space<vmem_shared>>) target_semaphore(%run_scoped3A_37 : memref<!tpu.dma_semaphore, #tpu.memory_space<semaphore_mem>>)
      %dma_wait3A = arith.constant 0 : i32
      %dma_wait3A_41 = tpu.memref_slice %arg12[%add3A_13, %dma_wait3A] : memref<10112x128xf32, #tpu.memory_space<vmem_shared>> -> memref<64x128xf32, #tpu.memory_space<vmem_shared>>
      %dma_wait3A_42 = arith.constant 0 : i32
      %dma_wait3A_43 = tpu.memref_slice %arg12[%add3A_13, %dma_wait3A_42] : memref<10112x128xf32, #tpu.memory_space<vmem_shared>> -> memref<64x128xf32, #tpu.memory_space<vmem_shared>>
      tpu.wait_dma2 semaphore(%run_scoped3A_37 : memref<!tpu.dma_semaphore, #tpu.memory_space<semaphore_mem>>) src(%arg8 : memref<64x128xf32, #tpu.memory_space<vmem>>) dst(%dma_wait3A_43 : memref<64x128xf32, #tpu.memory_space<vmem_shared>>)
      tpu.yield
    }) : () -> ()
    %add3A_14 = arith.constant 320 : i32
    %add3A_15 = arith.addi %mul3A_4, %add3A_14 : i32
    "tpu.region"() ({
      %run_scoped3A_37 = tpu.sem_alloc : memref<!tpu.dma_semaphore, #tpu.memory_space<semaphore_mem>>
      %dma_start3A = arith.constant 0 : i32
      %dma_start3A_38 = tpu.memref_slice %arg12[%add3A_15, %dma_start3A] : memref<10112x128xf32, #tpu.memory_space<vmem_shared>> -> memref<64x128xf32, #tpu.memory_space<vmem_shared>>
      %dma_start3A_39 = arith.constant 0 : i32
      %dma_start3A_40 = tpu.memref_slice %arg12[%add3A_15, %dma_start3A_39] : memref<10112x128xf32, #tpu.memory_space<vmem_shared>> -> memref<64x128xf32, #tpu.memory_space<vmem_shared>>
      tpu.enqueue_dma source(%arg8 : memref<64x128xf32, #tpu.memory_space<vmem>>) target(%dma_start3A_40 : memref<64x128xf32, #tpu.memory_space<vmem_shared>>) target_semaphore(%run_scoped3A_37 : memref<!tpu.dma_semaphore, #tpu.memory_space<semaphore_mem>>)
      %dma_wait3A = arith.constant 0 : i32
      %dma_wait3A_41 = tpu.memref_slice %arg12[%add3A_15, %dma_wait3A] : memref<10112x128xf32, #tpu.memory_space<vmem_shared>> -> memref<64x128xf32, #tpu.memory_space<vmem_shared>>
      %dma_wait3A_42 = arith.constant 0 : i32
      %dma_wait3A_43 = tpu.memref_slice %arg12[%add3A_15, %dma_wait3A_42] : memref<10112x128xf32, #tpu.memory_space<vmem_shared>> -> memref<64x128xf32, #tpu.memory_space<vmem_shared>>
      tpu.wait_dma2 semaphore(%run_scoped3A_37 : memref<!tpu.dma_semaphore, #tpu.memory_space<semaphore_mem>>) src(%arg8 : memref<64x128xf32, #tpu.memory_space<vmem>>) dst(%dma_wait3A_43 : memref<64x128xf32, #tpu.memory_space<vmem_shared>>)
      tpu.yield
    }) : () -> ()
    %add3A_16 = arith.constant 384 : i32
    %add3A_17 = arith.addi %mul3A_4, %add3A_16 : i32
    "tpu.region"() ({
      %run_scoped3A_37 = tpu.sem_alloc : memref<!tpu.dma_semaphore, #tpu.memory_space<semaphore_mem>>
      %dma_start3A = arith.constant 0 : i32
      %dma_start3A_38 = tpu.memref_slice %arg12[%add3A_17, %dma_start3A] : memref<10112x128xf32, #tpu.memory_space<vmem_shared>> -> memref<64x128xf32, #tpu.memory_space<vmem_shared>>
      %dma_start3A_39 = arith.constant 0 : i32
      %dma_start3A_40 = tpu.memref_slice %arg12[%add3A_17, %dma_start3A_39] : memref<10112x128xf32, #tpu.memory_space<vmem_shared>> -> memref<64x128xf32, #tpu.memory_space<vmem_shared>>
      tpu.enqueue_dma source(%arg8 : memref<64x128xf32, #tpu.memory_space<vmem>>) target(%dma_start3A_40 : memref<64x128xf32, #tpu.memory_space<vmem_shared>>) target_semaphore(%run_scoped3A_37 : memref<!tpu.dma_semaphore, #tpu.memory_space<semaphore_mem>>)
      %dma_wait3A = arith.constant 0 : i32
      %dma_wait3A_41 = tpu.memref_slice %arg12[%add3A_17, %dma_wait3A] : memref<10112x128xf32, #tpu.memory_space<vmem_shared>> -> memref<64x128xf32, #tpu.memory_space<vmem_shared>>
      %dma_wait3A_42 = arith.constant 0 : i32
      %dma_wait3A_43 = tpu.memref_slice %arg12[%add3A_17, %dma_wait3A_42] : memref<10112x128xf32, #tpu.memory_space<vmem_shared>> -> memref<64x128xf32, #tpu.memory_space<vmem_shared>>
      tpu.wait_dma2 semaphore(%run_scoped3A_37 : memref<!tpu.dma_semaphore, #tpu.memory_space<semaphore_mem>>) src(%arg8 : memref<64x128xf32, #tpu.memory_space<vmem>>) dst(%dma_wait3A_43 : memref<64x128xf32, #tpu.memory_space<vmem_shared>>)
      tpu.yield
    }) : () -> ()
    %add3A_18 = arith.constant 448 : i32
    %add3A_19 = arith.addi %mul3A_4, %add3A_18 : i32
    "tpu.region"() ({
      %run_scoped3A_37 = tpu.sem_alloc : memref<!tpu.dma_semaphore, #tpu.memory_space<semaphore_mem>>
      %dma_start3A = arith.constant 0 : i32
      %dma_start3A_38 = tpu.memref_slice %arg12[%add3A_19, %dma_start3A] : memref<10112x128xf32, #tpu.memory_space<vmem_shared>> -> memref<64x128xf32, #tpu.memory_space<vmem_shared>>
      %dma_start3A_39 = arith.constant 0 : i32
      %dma_start3A_40 = tpu.memref_slice %arg12[%add3A_19, %dma_start3A_39] : memref<10112x128xf32, #tpu.memory_space<vmem_shared>> -> memref<64x128xf32, #tpu.memory_space<vmem_shared>>
      tpu.enqueue_dma source(%arg8 : memref<64x128xf32, #tpu.memory_space<vmem>>) target(%dma_start3A_40 : memref<64x128xf32, #tpu.memory_space<vmem_shared>>) target_semaphore(%run_scoped3A_37 : memref<!tpu.dma_semaphore, #tpu.memory_space<semaphore_mem>>)
      %dma_wait3A = arith.constant 0 : i32
      %dma_wait3A_41 = tpu.memref_slice %arg12[%add3A_19, %dma_wait3A] : memref<10112x128xf32, #tpu.memory_space<vmem_shared>> -> memref<64x128xf32, #tpu.memory_space<vmem_shared>>
      %dma_wait3A_42 = arith.constant 0 : i32
      %dma_wait3A_43 = tpu.memref_slice %arg12[%add3A_19, %dma_wait3A_42] : memref<10112x128xf32, #tpu.memory_space<vmem_shared>> -> memref<64x128xf32, #tpu.memory_space<vmem_shared>>
      tpu.wait_dma2 semaphore(%run_scoped3A_37 : memref<!tpu.dma_semaphore, #tpu.memory_space<semaphore_mem>>) src(%arg8 : memref<64x128xf32, #tpu.memory_space<vmem>>) dst(%dma_wait3A_43 : memref<64x128xf32, #tpu.memory_space<vmem_shared>>)
      tpu.yield
    }) : () -> ()
    %add3A_20 = arith.constant 512 : i32
    %add3A_21 = arith.addi %mul3A_4, %add3A_20 : i32
    "tpu.region"() ({
      %run_scoped3A_37 = tpu.sem_alloc : memref<!tpu.dma_semaphore, #tpu.memory_space<semaphore_mem>>
      %dma_start3A = arith.constant 0 : i32
      %dma_start3A_38 = tpu.memref_slice %arg12[%add3A_21, %dma_start3A] : memref<10112x128xf32, #tpu.memory_space<vmem_shared>> -> memref<64x128xf32, #tpu.memory_space<vmem_shared>>
      %dma_start3A_39 = arith.constant 0 : i32
      %dma_start3A_40 = tpu.memref_slice %arg12[%add3A_21, %dma_start3A_39] : memref<10112x128xf32, #tpu.memory_space<vmem_shared>> -> memref<64x128xf32, #tpu.memory_space<vmem_shared>>
      tpu.enqueue_dma source(%arg8 : memref<64x128xf32, #tpu.memory_space<vmem>>) target(%dma_start3A_40 : memref<64x128xf32, #tpu.memory_space<vmem_shared>>) target_semaphore(%run_scoped3A_37 : memref<!tpu.dma_semaphore, #tpu.memory_space<semaphore_mem>>)
      %dma_wait3A = arith.constant 0 : i32
      %dma_wait3A_41 = tpu.memref_slice %arg12[%add3A_21, %dma_wait3A] : memref<10112x128xf32, #tpu.memory_space<vmem_shared>> -> memref<64x128xf32, #tpu.memory_space<vmem_shared>>
      %dma_wait3A_42 = arith.constant 0 : i32
      %dma_wait3A_43 = tpu.memref_slice %arg12[%add3A_21, %dma_wait3A_42] : memref<10112x128xf32, #tpu.memory_space<vmem_shared>> -> memref<64x128xf32, #tpu.memory_space<vmem_shared>>
      tpu.wait_dma2 semaphore(%run_scoped3A_37 : memref<!tpu.dma_semaphore, #tpu.memory_space<semaphore_mem>>) src(%arg8 : memref<64x128xf32, #tpu.memory_space<vmem>>) dst(%dma_wait3A_43 : memref<64x128xf32, #tpu.memory_space<vmem_shared>>)
      tpu.yield
    }) : () -> ()
    %add3A_22 = arith.constant 632 : i32
    %add3A_23 = arith.addi %mul3A_4, %add3A_22 : i32
    %sub3A = arith.constant 56 : i32
    %sub3A_24 = arith.subi %add3A_23, %sub3A : i32
    "tpu.region"() ({
      %run_scoped3A_37 = tpu.sem_alloc : memref<!tpu.dma_semaphore, #tpu.memory_space<semaphore_mem>>
      %dma_start3A = arith.constant 0 : i32
      %dma_start3A_38 = arith.constant 0 : i32
      %dma_start3A_39 = tpu.memref_slice %arg8[%dma_start3A, %dma_start3A_38] : memref<64x128xf32, #tpu.memory_space<vmem>> -> memref<56x128xf32, #tpu.memory_space<vmem>>
      %dma_start3A_40 = arith.constant 0 : i32
      %dma_start3A_41 = tpu.memref_slice %arg12[%sub3A_24, %dma_start3A_40] : memref<10112x128xf32, #tpu.memory_space<vmem_shared>> -> memref<56x128xf32, #tpu.memory_space<vmem_shared>>
      %dma_start3A_42 = arith.constant 0 : i32
      %dma_start3A_43 = tpu.memref_slice %arg12[%sub3A_24, %dma_start3A_42] : memref<10112x128xf32, #tpu.memory_space<vmem_shared>> -> memref<56x128xf32, #tpu.memory_space<vmem_shared>>
      %dma_start3A_44 = arith.constant 0 : i32
      %dma_start3A_45 = arith.constant 0 : i32
      %dma_start3A_46 = tpu.memref_slice %arg8[%dma_start3A_44, %dma_start3A_45] : memref<64x128xf32, #tpu.memory_space<vmem>> -> memref<56x128xf32, #tpu.memory_space<vmem>>
      tpu.enqueue_dma source(%dma_start3A_46 : memref<56x128xf32, #tpu.memory_space<vmem>>) target(%dma_start3A_43 : memref<56x128xf32, #tpu.memory_space<vmem_shared>>) target_semaphore(%run_scoped3A_37 : memref<!tpu.dma_semaphore, #tpu.memory_space<semaphore_mem>>)
      %dma_wait3A = arith.constant 0 : i32
      %dma_wait3A_47 = arith.constant 0 : i32
      %dma_wait3A_48 = tpu.memref_slice %arg8[%dma_wait3A, %dma_wait3A_47] : memref<64x128xf32, #tpu.memory_space<vmem>> -> memref<56x128xf32, #tpu.memory_space<vmem>>
      %dma_wait3A_49 = arith.constant 0 : i32
      %dma_wait3A_50 = tpu.memref_slice %arg12[%sub3A_24, %dma_wait3A_49] : memref<10112x128xf32, #tpu.memory_space<vmem_shared>> -> memref<56x128xf32, #tpu.memory_space<vmem_shared>>
      %dma_wait3A_51 = arith.constant 0 : i32
      %dma_wait3A_52 = tpu.memref_slice %arg12[%sub3A_24, %dma_wait3A_51] : memref<10112x128xf32, #tpu.memory_space<vmem_shared>> -> memref<56x128xf32, #tpu.memory_space<vmem_shared>>
      %dma_wait3A_53 = arith.constant 0 : i32
      %dma_wait3A_54 = arith.constant 0 : i32
      %dma_wait3A_55 = tpu.memref_slice %arg8[%dma_wait3A_53, %dma_wait3A_54] : memref<64x128xf32, #tpu.memory_space<vmem>> -> memref<56x128xf32, #tpu.memory_space<vmem>>
      tpu.wait_dma2 semaphore(%run_scoped3A_37 : memref<!tpu.dma_semaphore, #tpu.memory_space<semaphore_mem>>) src(%dma_wait3A_55 : memref<56x128xf32, #tpu.memory_space<vmem>>) dst(%dma_wait3A_52 : memref<56x128xf32, #tpu.memory_space<vmem_shared>>)
      tpu.yield
    }) : () -> ()
    %barrier3A = arith.constant 0 : index
    tpu.barrier barrier_id(%barrier3A)
    %mul3A_25 = arith.constant 2 : i32
    %mul3A_26 = arith.muli %arg1, %mul3A_25 : i32
    %add3A_27 = arith.addi %mul3A_26, %arg0 : i32
    %mul3A_28 = arith.constant 160 : i32
    %mul3A_29 = arith.muli %add3A_27, %mul3A_28 : i32
    %run_scoped3A = arith.constant 0 : i32
    "tpu.region"() ({
      %run_scoped3A_37 = tpu.sem_alloc : memref<!tpu.dma_semaphore, #tpu.memory_space<semaphore_mem>>
      %dma_start3A = arith.constant 0 : i32
      %dma_start3A_38 = arith.constant 0 : i32
      %dma_start3A_39 = tpu.memref_slice %arg6[%run_scoped3A, %dma_start3A, %dma_start3A_38] : memref<2x16x64xi32, #tpu.memory_space<vmem>> -> memref<1x16x64xi32, #tpu.memory_space<vmem>>
      %dma_start3A_40 = tpu.memref_squeeze %dma_start3A_39 : memref<1x16x64xi32, #tpu.memory_space<vmem>> -> memref<16x64xi32, #tpu.memory_space<vmem>>
      %dma_start3A_41 = arith.constant 0 : i32
      %dma_start3A_42 = tpu.memref_slice %arg3[%mul3A_29, %dma_start3A_41] : memref<5120x64xi32, #tpu.memory_space<hbm>> -> memref<16x64xi32, #tpu.memory_space<hbm>>
      %dma_start3A_43 = arith.constant 0 : i32
      %dma_start3A_44 = arith.constant 0 : i32
      %dma_start3A_45 = tpu.memref_slice %arg6[%run_scoped3A, %dma_start3A_43, %dma_start3A_44] : memref<2x16x64xi32, #tpu.memory_space<vmem>> -> memref<1x16x64xi32, #tpu.memory_space<vmem>>
      %dma_start3A_46 = tpu.memref_squeeze %dma_start3A_45 : memref<1x16x64xi32, #tpu.memory_space<vmem>> -> memref<16x64xi32, #tpu.memory_space<vmem>>
      %dma_start3A_47 = arith.constant 0 : i32
      %dma_start3A_48 = tpu.memref_slice %arg3[%mul3A_29, %dma_start3A_47] : memref<5120x64xi32, #tpu.memory_space<hbm>> -> memref<16x64xi32, #tpu.memory_space<hbm>>
      tpu.enqueue_dma source(%dma_start3A_48 : memref<16x64xi32, #tpu.memory_space<hbm>>) target(%dma_start3A_46 : memref<16x64xi32, #tpu.memory_space<vmem>>) target_semaphore(%run_scoped3A_37 : memref<!tpu.dma_semaphore, #tpu.memory_space<semaphore_mem>>)
      %dma_wait3A = arith.constant 0 : i32
      %dma_wait3A_49 = arith.constant 0 : i32
      %dma_wait3A_50 = tpu.memref_slice %arg6[%run_scoped3A, %dma_wait3A, %dma_wait3A_49] : memref<2x16x64xi32, #tpu.memory_space<vmem>> -> memref<1x16x64xi32, #tpu.memory_space<vmem>>
      %dma_wait3A_51 = tpu.memref_squeeze %dma_wait3A_50 : memref<1x16x64xi32, #tpu.memory_space<vmem>> -> memref<16x64xi32, #tpu.memory_space<vmem>>
      %dma_wait3A_52 = arith.constant 0 : i32
      %dma_wait3A_53 = tpu.memref_slice %arg3[%mul3A_29, %dma_wait3A_52] : memref<5120x64xi32, #tpu.memory_space<hbm>> -> memref<16x64xi32, #tpu.memory_space<hbm>>
      %dma_wait3A_54 = arith.constant 0 : i32
      %dma_wait3A_55 = arith.constant 0 : i32
      %dma_wait3A_56 = tpu.memref_slice %arg6[%run_scoped3A, %dma_wait3A_54, %dma_wait3A_55] : memref<2x16x64xi32, #tpu.memory_space<vmem>> -> memref<1x16x64xi32, #tpu.memory_space<vmem>>
      %dma_wait3A_57 = tpu.memref_squeeze %dma_wait3A_56 : memref<1x16x64xi32, #tpu.memory_space<vmem>> -> memref<16x64xi32, #tpu.memory_space<vmem>>
      %dma_wait3A_58 = arith.constant 0 : i32
      %dma_wait3A_59 = tpu.memref_slice %arg3[%mul3A_29, %dma_wait3A_58] : memref<5120x64xi32, #tpu.memory_space<hbm>> -> memref<16x64xi32, #tpu.memory_space<hbm>>
      tpu.wait_dma2 semaphore(%run_scoped3A_37 : memref<!tpu.dma_semaphore, #tpu.memory_space<semaphore_mem>>) src(%dma_wait3A_59 : memref<16x64xi32, #tpu.memory_space<hbm>>) dst(%dma_wait3A_57 : memref<16x64xi32, #tpu.memory_space<vmem>>)
      tpu.yield
    }) : () -> ()
    %run_scoped3A_30 = arith.constant 0 : i32
    "tpu.region"() ({
      %run_scoped3A_37 = tpu.sem_alloc : memref<!tpu.dma_semaphore, #tpu.memory_space<semaphore_mem>>
      %dma_start3A = arith.constant 0 : i32
      %dma_start3A_38 = arith.constant 0 : i32
      %dma_start3A_39 = tpu.memref_slice %arg7[%run_scoped3A_30, %dma_start3A, %dma_start3A_38] : memref<2x16x64xi32, #tpu.memory_space<vmem>> -> memref<1x16x64xi32, #tpu.memory_space<vmem>>
      %dma_start3A_40 = tpu.memref_squeeze %dma_start3A_39 : memref<1x16x64xi32, #tpu.memory_space<vmem>> -> memref<16x64xi32, #tpu.memory_space<vmem>>
      %dma_start3A_41 = arith.constant 0 : i32
      %dma_start3A_42 = tpu.memref_slice %arg4[%mul3A_29, %dma_start3A_41] : memref<5120x64xi32, #tpu.memory_space<hbm>> -> memref<16x64xi32, #tpu.memory_space<hbm>>
      %dma_start3A_43 = arith.constant 0 : i32
      %dma_start3A_44 = arith.constant 0 : i32
      %dma_start3A_45 = tpu.memref_slice %arg7[%run_scoped3A_30, %dma_start3A_43, %dma_start3A_44] : memref<2x16x64xi32, #tpu.memory_space<vmem>> -> memref<1x16x64xi32, #tpu.memory_space<vmem>>
      %dma_start3A_46 = tpu.memref_squeeze %dma_start3A_45 : memref<1x16x64xi32, #tpu.memory_space<vmem>> -> memref<16x64xi32, #tpu.memory_space<vmem>>
      %dma_start3A_47 = arith.constant 0 : i32
      %dma_start3A_48 = tpu.memref_slice %arg4[%mul3A_29, %dma_start3A_47] : memref<5120x64xi32, #tpu.memory_space<hbm>> -> memref<16x64xi32, #tpu.memory_space<hbm>>
      tpu.enqueue_dma source(%dma_start3A_48 : memref<16x64xi32, #tpu.memory_space<hbm>>) target(%dma_start3A_46 : memref<16x64xi32, #tpu.memory_space<vmem>>) target_semaphore(%run_scoped3A_37 : memref<!tpu.dma_semaphore, #tpu.memory_space<semaphore_mem>>)
      %dma_wait3A = arith.constant 0 : i32
      %dma_wait3A_49 = arith.constant 0 : i32
      %dma_wait3A_50 = tpu.memref_slice %arg7[%run_scoped3A_30, %dma_wait3A, %dma_wait3A_49] : memref<2x16x64xi32, #tpu.memory_space<vmem>> -> memref<1x16x64xi32, #tpu.memory_space<vmem>>
      %dma_wait3A_51 = tpu.memref_squeeze %dma_wait3A_50 : memref<1x16x64xi32, #tpu.memory_space<vmem>> -> memref<16x64xi32, #tpu.memory_space<vmem>>
      %dma_wait3A_52 = arith.constant 0 : i32
      %dma_wait3A_53 = tpu.memref_slice %arg4[%mul3A_29, %dma_wait3A_52] : memref<5120x64xi32, #tpu.memory_space<hbm>> -> memref<16x64xi32, #tpu.memory_space<hbm>>
      %dma_wait3A_54 = arith.constant 0 : i32
      %dma_wait3A_55 = arith.constant 0 : i32
      %dma_wait3A_56 = tpu.memref_slice %arg7[%run_scoped3A_30, %dma_wait3A_54, %dma_wait3A_55] : memref<2x16x64xi32, #tpu.memory_space<vmem>> -> memref<1x16x64xi32, #tpu.memory_space<vmem>>
      %dma_wait3A_57 = tpu.memref_squeeze %dma_wait3A_56 : memref<1x16x64xi32, #tpu.memory_space<vmem>> -> memref<16x64xi32, #tpu.memory_space<vmem>>
      %dma_wait3A_58 = arith.constant 0 : i32
      %dma_wait3A_59 = tpu.memref_slice %arg4[%mul3A_29, %dma_wait3A_58] : memref<5120x64xi32, #tpu.memory_space<hbm>> -> memref<16x64xi32, #tpu.memory_space<hbm>>
      tpu.wait_dma2 semaphore(%run_scoped3A_37 : memref<!tpu.dma_semaphore, #tpu.memory_space<semaphore_mem>>) src(%dma_wait3A_59 : memref<16x64xi32, #tpu.memory_space<hbm>>) dst(%dma_wait3A_57 : memref<16x64xi32, #tpu.memory_space<vmem>>)
      tpu.yield
    }) : () -> ()
    %scan3A_31 = arith.constant 0 : i32
    %scan3A_32 = arith.constant 10 : i32
    %scan3A_33 = arith.addi %scan3A_31, %scan3A_32 : i32
    %scan3A_34 = arith.constant 1 : i32
    scf.for %scan3A_37 = %scan3A_31 to %scan3A_33 step %scan3A_34  : i32 {
      %mul3A_38 = arith.constant 1 : i32
      %mul3A_39 = arith.muli %scan3A_37, %mul3A_38 : i32
      %add3A_40 = arith.constant 0 : i32
      %add3A_41 = arith.addi %add3A_40, %mul3A_39 : i32
      %rem3A = arith.constant 2 : i32
      %rem3A_42 = arith.remsi %add3A_41, %rem3A : i32
      %add3A_43 = arith.constant 1 : i32
      %add3A_44 = arith.addi %add3A_41, %add3A_43 : i32
      %rem3A_45 = arith.constant 2 : i32
      %rem3A_46 = arith.remsi %add3A_44, %rem3A_45 : i32
      %gt3A = arith.constant 0 : i32
      %gt3A_47 = arith.cmpi sgt, %add3A_41, %gt3A : i32
      %convert_element_type3A = arith.extui %gt3A_47 : i1 to i32
      %cond3A = arith.constant 0 : i32
      %cond3A_48 = arith.cmpi ne, %convert_element_type3A, %cond3A : i32
      scf.if %cond3A_48 {
        %mul3A_92 = arith.constant 16 : i32
        %mul3A_93 = arith.muli %add3A_41, %mul3A_92 : i32
        %add3A_94 = arith.addi %mul3A_29, %mul3A_93 : i32
        %dma_wait3A = arith.constant 0 : i32
        %dma_wait3A_95 = arith.constant 0 : i32
        %dma_wait3A_96 = tpu.memref_slice %arg6[%rem3A_42, %dma_wait3A, %dma_wait3A_95] : memref<2x16x64xi32, #tpu.memory_space<vmem>> -> memref<1x16x64xi32, #tpu.memory_space<vmem>>
        %dma_wait3A_97 = tpu.memref_squeeze %dma_wait3A_96 : memref<1x16x64xi32, #tpu.memory_space<vmem>> -> memref<16x64xi32, #tpu.memory_space<vmem>>
        %dma_wait3A_98 = arith.constant 0 : i32
        %dma_wait3A_99 = tpu.memref_slice %arg3[%add3A_94, %dma_wait3A_98] : memref<5120x64xi32, #tpu.memory_space<hbm>> -> memref<16x64xi32, #tpu.memory_space<hbm>>
        %dma_wait3A_100 = arith.constant 0 : i32
        %dma_wait3A_101 = arith.constant 0 : i32
        %dma_wait3A_102 = tpu.memref_slice %arg6[%rem3A_42, %dma_wait3A_100, %dma_wait3A_101] : memref<2x16x64xi32, #tpu.memory_space<vmem>> -> memref<1x16x64xi32, #tpu.memory_space<vmem>>
        %dma_wait3A_103 = tpu.memref_squeeze %dma_wait3A_102 : memref<1x16x64xi32, #tpu.memory_space<vmem>> -> memref<16x64xi32, #tpu.memory_space<vmem>>
        %dma_wait3A_104 = arith.constant 0 : i32
        %dma_wait3A_105 = tpu.memref_slice %arg3[%add3A_94, %dma_wait3A_104] : memref<5120x64xi32, #tpu.memory_space<hbm>> -> memref<16x64xi32, #tpu.memory_space<hbm>>
        tpu.wait_dma2 semaphore(%arg17 : memref<!tpu.dma_semaphore, #tpu.memory_space<semaphore_mem>>) src(%dma_wait3A_105 : memref<16x64xi32, #tpu.memory_space<hbm>>) dst(%dma_wait3A_103 : memref<16x64xi32, #tpu.memory_space<vmem>>)
        %mul3A_106 = arith.constant 16 : i32
        %mul3A_107 = arith.muli %add3A_41, %mul3A_106 : i32
        %add3A_108 = arith.addi %mul3A_29, %mul3A_107 : i32
        %dma_wait3A_109 = arith.constant 0 : i32
        %dma_wait3A_110 = arith.constant 0 : i32
        %dma_wait3A_111 = tpu.memref_slice %arg7[%rem3A_42, %dma_wait3A_109, %dma_wait3A_110] : memref<2x16x64xi32, #tpu.memory_space<vmem>> -> memref<1x16x64xi32, #tpu.memory_space<vmem>>
        %dma_wait3A_112 = tpu.memref_squeeze %dma_wait3A_111 : memref<1x16x64xi32, #tpu.memory_space<vmem>> -> memref<16x64xi32, #tpu.memory_space<vmem>>
        %dma_wait3A_113 = arith.constant 0 : i32
        %dma_wait3A_114 = tpu.memref_slice %arg4[%add3A_108, %dma_wait3A_113] : memref<5120x64xi32, #tpu.memory_space<hbm>> -> memref<16x64xi32, #tpu.memory_space<hbm>>
        %dma_wait3A_115 = arith.constant 0 : i32
        %dma_wait3A_116 = arith.constant 0 : i32
        %dma_wait3A_117 = tpu.memref_slice %arg7[%rem3A_42, %dma_wait3A_115, %dma_wait3A_116] : memref<2x16x64xi32, #tpu.memory_space<vmem>> -> memref<1x16x64xi32, #tpu.memory_space<vmem>>
        %dma_wait3A_118 = tpu.memref_squeeze %dma_wait3A_117 : memref<1x16x64xi32, #tpu.memory_space<vmem>> -> memref<16x64xi32, #tpu.memory_space<vmem>>
        %dma_wait3A_119 = arith.constant 0 : i32
        %dma_wait3A_120 = tpu.memref_slice %arg4[%add3A_108, %dma_wait3A_119] : memref<5120x64xi32, #tpu.memory_space<hbm>> -> memref<16x64xi32, #tpu.memory_space<hbm>>
        tpu.wait_dma2 semaphore(%arg17 : memref<!tpu.dma_semaphore, #tpu.memory_space<semaphore_mem>>) src(%dma_wait3A_120 : memref<16x64xi32, #tpu.memory_space<hbm>>) dst(%dma_wait3A_118 : memref<16x64xi32, #tpu.memory_space<vmem>>)
      } else {
      }
      %add3A_49 = arith.constant 1 : i32
      %add3A_50 = arith.addi %add3A_41, %add3A_49 : i32
      %lt3A = arith.constant 10 : i32
      %lt3A_51 = arith.cmpi slt, %add3A_50, %lt3A : i32
      %convert_element_type3A_52 = arith.extui %lt3A_51 : i1 to i32
      %cond3A_53 = arith.constant 0 : i32
      %cond3A_54 = arith.cmpi ne, %convert_element_type3A_52, %cond3A_53 : i32
      scf.if %cond3A_54 {
        %add3A_92 = arith.constant 1 : i32
        %add3A_93 = arith.addi %add3A_41, %add3A_92 : i32
        %mul3A_94 = arith.constant 16 : i32
        %mul3A_95 = arith.muli %add3A_93, %mul3A_94 : i32
        %add3A_96 = arith.addi %mul3A_29, %mul3A_95 : i32
        %dma_start3A_97 = arith.constant 0 : i32
        %dma_start3A_98 = arith.constant 0 : i32
        %dma_start3A_99 = tpu.memref_slice %arg6[%rem3A_46, %dma_start3A_97, %dma_start3A_98] : memref<2x16x64xi32, #tpu.memory_space<vmem>> -> memref<1x16x64xi32, #tpu.memory_space<vmem>>
        %dma_start3A_100 = tpu.memref_squeeze %dma_start3A_99 : memref<1x16x64xi32, #tpu.memory_space<vmem>> -> memref<16x64xi32, #tpu.memory_space<vmem>>
        %dma_start3A_101 = arith.constant 0 : i32
        %dma_start3A_102 = tpu.memref_slice %arg3[%add3A_96, %dma_start3A_101] : memref<5120x64xi32, #tpu.memory_space<hbm>> -> memref<16x64xi32, #tpu.memory_space<hbm>>
        %dma_start3A_103 = arith.constant 0 : i32
        %dma_start3A_104 = arith.constant 0 : i32
        %dma_start3A_105 = tpu.memref_slice %arg6[%rem3A_46, %dma_start3A_103, %dma_start3A_104] : memref<2x16x64xi32, #tpu.memory_space<vmem>> -> memref<1x16x64xi32, #tpu.memory_space<vmem>>
        %dma_start3A_106 = tpu.memref_squeeze %dma_start3A_105 : memref<1x16x64xi32, #tpu.memory_space<vmem>> -> memref<16x64xi32, #tpu.memory_space<vmem>>
        %dma_start3A_107 = arith.constant 0 : i32
        %dma_start3A_108 = tpu.memref_slice %arg3[%add3A_96, %dma_start3A_107] : memref<5120x64xi32, #tpu.memory_space<hbm>> -> memref<16x64xi32, #tpu.memory_space<hbm>>
        tpu.enqueue_dma source(%dma_start3A_108 : memref<16x64xi32, #tpu.memory_space<hbm>>) target(%dma_start3A_106 : memref<16x64xi32, #tpu.memory_space<vmem>>) target_semaphore(%arg17 : memref<!tpu.dma_semaphore, #tpu.memory_space<semaphore_mem>>)
        %add3A_109 = arith.constant 1 : i32
        %add3A_110 = arith.addi %add3A_41, %add3A_109 : i32
        %mul3A_111 = arith.constant 16 : i32
        %mul3A_112 = arith.muli %add3A_110, %mul3A_111 : i32
        %add3A_113 = arith.addi %mul3A_29, %mul3A_112 : i32
        %dma_start3A_114 = arith.constant 0 : i32
        %dma_start3A_115 = arith.constant 0 : i32
        %dma_start3A_116 = tpu.memref_slice %arg7[%rem3A_46, %dma_start3A_114, %dma_start3A_115] : memref<2x16x64xi32, #tpu.memory_space<vmem>> -> memref<1x16x64xi32, #tpu.memory_space<vmem>>
        %dma_start3A_117 = tpu.memref_squeeze %dma_start3A_116 : memref<1x16x64xi32, #tpu.memory_space<vmem>> -> memref<16x64xi32, #tpu.memory_space<vmem>>
        %dma_start3A_118 = arith.constant 0 : i32
        %dma_start3A_119 = tpu.memref_slice %arg4[%add3A_113, %dma_start3A_118] : memref<5120x64xi32, #tpu.memory_space<hbm>> -> memref<16x64xi32, #tpu.memory_space<hbm>>
        %dma_start3A_120 = arith.constant 0 : i32
        %dma_start3A_121 = arith.constant 0 : i32
        %dma_start3A_122 = tpu.memref_slice %arg7[%rem3A_46, %dma_start3A_120, %dma_start3A_121] : memref<2x16x64xi32, #tpu.memory_space<vmem>> -> memref<1x16x64xi32, #tpu.memory_space<vmem>>
        %dma_start3A_123 = tpu.memref_squeeze %dma_start3A_122 : memref<1x16x64xi32, #tpu.memory_space<vmem>> -> memref<16x64xi32, #tpu.memory_space<vmem>>
        %dma_start3A_124 = arith.constant 0 : i32
        %dma_start3A_125 = tpu.memref_slice %arg4[%add3A_113, %dma_start3A_124] : memref<5120x64xi32, #tpu.memory_space<hbm>> -> memref<16x64xi32, #tpu.memory_space<hbm>>
        tpu.enqueue_dma source(%dma_start3A_125 : memref<16x64xi32, #tpu.memory_space<hbm>>) target(%dma_start3A_123 : memref<16x64xi32, #tpu.memory_space<vmem>>) target_semaphore(%arg17 : memref<!tpu.dma_semaphore, #tpu.memory_space<semaphore_mem>>)
      } else {
      }
      %dma_start3A = arith.constant 0 : i32
      %dma_start3A_55 = arith.constant 0 : i32
      %dma_start3A_56 = arith.constant 0 : i32
      %dma_start3A_57 = tpu.memref_slice %arg6[%rem3A_42, %dma_start3A_55, %dma_start3A_56] : memref<2x16x64xi32, #tpu.memory_space<vmem>> -> memref<1x16x64xi32, #tpu.memory_space<vmem>>
      %dma_start3A_58 = tpu.memref_squeeze %dma_start3A_57 : memref<1x16x64xi32, #tpu.memory_space<vmem>> -> memref<16x64xi32, #tpu.memory_space<vmem>>
      %dma_start3A_59 = arith.constant 0 : i32
      %dma_start3A_60 = tpu.memref_slice %dma_start3A_58[%dma_start3A, %dma_start3A_59] : memref<16x64xi32, #tpu.memory_space<vmem>> -> memref<1x64xi32, #tpu.memory_space<vmem>>
      %dma_start3A_61 = tpu.memref_squeeze %dma_start3A_60 : memref<1x64xi32, #tpu.memory_space<vmem>> -> memref<64xi32, #tpu.memory_space<vmem>>
      %dma_start3A_62 = arith.constant 0 : i32
      %dma_start3A_63 = arith.constant 0 : i32
      %dma_start3A_64 = tpu.memref_slice %arg2[%dma_start3A_62, %dma_start3A_63] : memref<10000x128xf32, #tpu.memory_space<hbm>> -> memref<10000x128xf32, #tpu.memory_space<hbm>>
      tpu.enqueue_indirect_dma source(%dma_start3A_64 : memref<10000x128xf32, #tpu.memory_space<hbm>>) target(%arg8 : memref<64x128xf32, #tpu.memory_space<vmem>>) offsets(%dma_start3A_61 : memref<64xi32, #tpu.memory_space<vmem>>) semaphore(%arg13 : memref<!tpu.dma_semaphore, #tpu.memory_space<semaphore_mem>>)
      %dma_start3A_65 = arith.constant 1 : i32
      %dma_start3A_66 = arith.constant 0 : i32
      %dma_start3A_67 = arith.constant 0 : i32
      %dma_start3A_68 = tpu.memref_slice %arg6[%rem3A_42, %dma_start3A_66, %dma_start3A_67] : memref<2x16x64xi32, #tpu.memory_space<vmem>> -> memref<1x16x64xi32, #tpu.memory_space<vmem>>
      %dma_start3A_69 = tpu.memref_squeeze %dma_start3A_68 : memref<1x16x64xi32, #tpu.memory_space<vmem>> -> memref<16x64xi32, #tpu.memory_space<vmem>>
      %dma_start3A_70 = arith.constant 0 : i32
      %dma_start3A_71 = tpu.memref_slice %dma_start3A_69[%dma_start3A_65, %dma_start3A_70] : memref<16x64xi32, #tpu.memory_space<vmem>> -> memref<1x64xi32, #tpu.memory_space<vmem>>
      %dma_start3A_72 = tpu.memref_squeeze %dma_start3A_71 : memref<1x64xi32, #tpu.memory_space<vmem>> -> memref<64xi32, #tpu.memory_space<vmem>>
      %dma_start3A_73 = arith.constant 0 : i32
      %dma_start3A_74 = arith.constant 0 : i32
      %dma_start3A_75 = tpu.memref_slice %arg2[%dma_start3A_73, %dma_start3A_74] : memref<10000x128xf32, #tpu.memory_space<hbm>> -> memref<10000x128xf32, #tpu.memory_space<hbm>>
      tpu.enqueue_indirect_dma source(%dma_start3A_75 : memref<10000x128xf32, #tpu.memory_space<hbm>>) target(%arg9 : memref<64x128xf32, #tpu.memory_space<vmem>>) offsets(%dma_start3A_72 : memref<64xi32, #tpu.memory_space<vmem>>) semaphore(%arg14 : memref<!tpu.dma_semaphore, #tpu.memory_space<semaphore_mem>>)
      %dma_start3A_76 = arith.constant 2 : i32
      %dma_start3A_77 = arith.constant 0 : i32
      %dma_start3A_78 = arith.constant 0 : i32
      %dma_start3A_79 = tpu.memref_slice %arg6[%rem3A_42, %dma_start3A_77, %dma_start3A_78] : memref<2x16x64xi32, #tpu.memory_space<vmem>> -> memref<1x16x64xi32, #tpu.memory_space<vmem>>
      %dma_start3A_80 = tpu.memref_squeeze %dma_start3A_79 : memref<1x16x64xi32, #tpu.memory_space<vmem>> -> memref<16x64xi32, #tpu.memory_space<vmem>>
      %dma_start3A_81 = arith.constant 0 : i32
      %dma_start3A_82 = tpu.memref_slice %dma_start3A_80[%dma_start3A_76, %dma_start3A_81] : memref<16x64xi32, #tpu.memory_space<vmem>> -> memref<1x64xi32, #tpu.memory_space<vmem>>
      %dma_start3A_83 = tpu.memref_squeeze %dma_start3A_82 : memref<1x64xi32, #tpu.memory_space<vmem>> -> memref<64xi32, #tpu.memory_space<vmem>>
      %dma_start3A_84 = arith.constant 0 : i32
      %dma_start3A_85 = arith.constant 0 : i32
      %dma_start3A_86 = tpu.memref_slice %arg2[%dma_start3A_84, %dma_start3A_85] : memref<10000x128xf32, #tpu.memory_space<hbm>> -> memref<10000x128xf32, #tpu.memory_space<hbm>>
      tpu.enqueue_indirect_dma source(%dma_start3A_86 : memref<10000x128xf32, #tpu.memory_space<hbm>>) target(%arg10 : memref<64x128xf32, #tpu.memory_space<vmem>>) offsets(%dma_start3A_83 : memref<64xi32, #tpu.memory_space<vmem>>) semaphore(%arg15 : memref<!tpu.dma_semaphore, #tpu.memory_space<semaphore_mem>>)
      %scan3A_87 = arith.constant 0 : i32
      %scan3A_88 = arith.constant 4 : i32
      %scan3A_89 = arith.addi %scan3A_87, %scan3A_88 : i32
      %scan3A_90 = arith.constant 1 : i32
      scf.for %scan3A_92 = %scan3A_87 to %scan3A_89 step %scan3A_90  : i32 {
        %mul3A_93 = arith.constant 1 : i32
        %mul3A_94 = arith.muli %scan3A_92, %mul3A_93 : i32
        %add3A_95 = arith.constant 0 : i32
        %add3A_96 = arith.addi %add3A_95, %mul3A_94 : i32
        %mul3A_97 = arith.constant 4 : i32
        %mul3A_98 = arith.muli %add3A_96, %mul3A_97 : i32
        %add3A_99 = arith.constant 3 : i32
        %add3A_100 = arith.addi %mul3A_98, %add3A_99 : i32
        %dma_start3A_101 = arith.constant 0 : i32
        %dma_start3A_102 = arith.constant 0 : i32
        %dma_start3A_103 = tpu.memref_slice %arg6[%rem3A_42, %dma_start3A_101, %dma_start3A_102] : memref<2x16x64xi32, #tpu.memory_space<vmem>> -> memref<1x16x64xi32, #tpu.memory_space<vmem>>
        %dma_start3A_104 = tpu.memref_squeeze %dma_start3A_103 : memref<1x16x64xi32, #tpu.memory_space<vmem>> -> memref<16x64xi32, #tpu.memory_space<vmem>>
        %dma_start3A_105 = arith.constant 0 : i32
        %dma_start3A_106 = tpu.memref_slice %dma_start3A_104[%add3A_100, %dma_start3A_105] : memref<16x64xi32, #tpu.memory_space<vmem>> -> memref<1x64xi32, #tpu.memory_space<vmem>>
        %dma_start3A_107 = tpu.memref_squeeze %dma_start3A_106 : memref<1x64xi32, #tpu.memory_space<vmem>> -> memref<64xi32, #tpu.memory_space<vmem>>
        %dma_start3A_108 = arith.constant 0 : i32
        %dma_start3A_109 = arith.constant 0 : i32
        %dma_start3A_110 = tpu.memref_slice %arg2[%dma_start3A_108, %dma_start3A_109] : memref<10000x128xf32, #tpu.memory_space<hbm>> -> memref<10000x128xf32, #tpu.memory_space<hbm>>
        tpu.enqueue_indirect_dma source(%dma_start3A_110 : memref<10000x128xf32, #tpu.memory_space<hbm>>) target(%arg11 : memref<64x128xf32, #tpu.memory_space<vmem>>) offsets(%dma_start3A_107 : memref<64xi32, #tpu.memory_space<vmem>>) semaphore(%arg16 : memref<!tpu.dma_semaphore, #tpu.memory_space<semaphore_mem>>)
        %dma_wait3A = arith.constant 0 : i32
        %dma_wait3A_111 = arith.constant 0 : i32
        %dma_wait3A_112 = tpu.memref_slice %arg6[%rem3A_42, %dma_wait3A, %dma_wait3A_111] : memref<2x16x64xi32, #tpu.memory_space<vmem>> -> memref<1x16x64xi32, #tpu.memory_space<vmem>>
        %dma_wait3A_113 = tpu.memref_squeeze %dma_wait3A_112 : memref<1x16x64xi32, #tpu.memory_space<vmem>> -> memref<16x64xi32, #tpu.memory_space<vmem>>
        %dma_wait3A_114 = arith.constant 0 : i32
        %dma_wait3A_115 = tpu.memref_slice %dma_wait3A_113[%mul3A_98, %dma_wait3A_114] : memref<16x64xi32, #tpu.memory_space<vmem>> -> memref<1x64xi32, #tpu.memory_space<vmem>>
        %dma_wait3A_116 = tpu.memref_squeeze %dma_wait3A_115 : memref<1x64xi32, #tpu.memory_space<vmem>> -> memref<64xi32, #tpu.memory_space<vmem>>
        %dma_wait3A_117 = arith.constant 0 : i32
        %dma_wait3A_118 = arith.constant 0 : i32
        %dma_wait3A_119 = tpu.memref_slice %arg2[%dma_wait3A_117, %dma_wait3A_118] : memref<10000x128xf32, #tpu.memory_space<hbm>> -> memref<10000x128xf32, #tpu.memory_space<hbm>>
        tpu.wait_indirect_dma semaphore(%arg13 : memref<!tpu.dma_semaphore, #tpu.memory_space<semaphore_mem>>) src(%dma_wait3A_119 : memref<10000x128xf32, #tpu.memory_space<hbm>>) dst(%arg8 : memref<64x128xf32, #tpu.memory_space<vmem>>)
        "tpu.region"() ({
          %run_scoped3A_183 = tpu.sem_alloc : memref<!tpu.dma_semaphore, #tpu.memory_space<semaphore_mem>>
          %dma_start3A_184 = arith.constant 0 : i32
          %dma_start3A_185 = arith.constant 0 : i32
          %dma_start3A_186 = tpu.memref_slice %arg7[%rem3A_42, %dma_start3A_184, %dma_start3A_185] : memref<2x16x64xi32, #tpu.memory_space<vmem>> -> memref<1x16x64xi32, #tpu.memory_space<vmem>>
          %dma_start3A_187 = tpu.memref_squeeze %dma_start3A_186 : memref<1x16x64xi32, #tpu.memory_space<vmem>> -> memref<16x64xi32, #tpu.memory_space<vmem>>
          %dma_start3A_188 = arith.constant 0 : i32
          %dma_start3A_189 = tpu.memref_slice %dma_start3A_187[%mul3A_98, %dma_start3A_188] : memref<16x64xi32, #tpu.memory_space<vmem>> -> memref<1x64xi32, #tpu.memory_space<vmem>>
          %dma_start3A_190 = tpu.memref_squeeze %dma_start3A_189 : memref<1x64xi32, #tpu.memory_space<vmem>> -> memref<64xi32, #tpu.memory_space<vmem>>
          %dma_start3A_191 = arith.constant 0 : i32
          %dma_start3A_192 = arith.constant 0 : i32
          %dma_start3A_193 = tpu.memref_slice %arg12[%dma_start3A_191, %dma_start3A_192] : memref<10112x128xf32, #tpu.memory_space<vmem_shared>> -> memref<10112x128xf32, #tpu.memory_space<vmem_shared>>
          tpu.enqueue_indirect_dma source(%arg8 : memref<64x128xf32, #tpu.memory_space<vmem>>) target(%dma_start3A_193 : memref<10112x128xf32, #tpu.memory_space<vmem_shared>>) offsets(%dma_start3A_190 : memref<64xi32, #tpu.memory_space<vmem>>) semaphore(%run_scoped3A_183 : memref<!tpu.dma_semaphore, #tpu.memory_space<semaphore_mem>>) {add = true}
          %dma_wait3A_194 = arith.constant 0 : i32
          %dma_wait3A_195 = arith.constant 0 : i32
          %dma_wait3A_196 = tpu.memref_slice %arg7[%rem3A_42, %dma_wait3A_194, %dma_wait3A_195] : memref<2x16x64xi32, #tpu.memory_space<vmem>> -> memref<1x16x64xi32, #tpu.memory_space<vmem>>
          %dma_wait3A_197 = tpu.memref_squeeze %dma_wait3A_196 : memref<1x16x64xi32, #tpu.memory_space<vmem>> -> memref<16x64xi32, #tpu.memory_space<vmem>>
          %dma_wait3A_198 = arith.constant 0 : i32
          %dma_wait3A_199 = tpu.memref_slice %dma_wait3A_197[%mul3A_98, %dma_wait3A_198] : memref<16x64xi32, #tpu.memory_space<vmem>> -> memref<1x64xi32, #tpu.memory_space<vmem>>
          %dma_wait3A_200 = tpu.memref_squeeze %dma_wait3A_199 : memref<1x64xi32, #tpu.memory_space<vmem>> -> memref<64xi32, #tpu.memory_space<vmem>>
          %dma_wait3A_201 = arith.constant 0 : i32
          %dma_wait3A_202 = arith.constant 0 : i32
          %dma_wait3A_203 = tpu.memref_slice %arg12[%dma_wait3A_201, %dma_wait3A_202] : memref<10112x128xf32, #tpu.memory_space<vmem_shared>> -> memref<10112x128xf32, #tpu.memory_space<vmem_shared>>
          tpu.wait_indirect_dma semaphore(%run_scoped3A_183 : memref<!tpu.dma_semaphore, #tpu.memory_space<semaphore_mem>>) src(%arg8 : memref<64x128xf32, #tpu.memory_space<vmem>>) dst(%dma_wait3A_203 : memref<10112x128xf32, #tpu.memory_space<vmem_shared>>)
          tpu.yield
        }) : () -> ()
        %add3A_120 = arith.constant 4 : i32
        %add3A_121 = arith.addi %mul3A_98, %add3A_120 : i32
        %lt3A_122 = arith.constant 16 : i32
        %lt3A_123 = arith.cmpi slt, %add3A_121, %lt3A_122 : i32
        %convert_element_type3A_124 = arith.extui %lt3A_123 : i1 to i32
        %cond3A_125 = arith.constant 0 : i32
        %cond3A_126 = arith.cmpi ne, %convert_element_type3A_124, %cond3A_125 : i32
        scf.if %cond3A_126 {
          %add3A_183 = arith.constant 4 : i32
          %add3A_184 = arith.addi %mul3A_98, %add3A_183 : i32
          %dma_start3A_185 = arith.constant 0 : i32
          %dma_start3A_186 = arith.constant 0 : i32
          %dma_start3A_187 = tpu.memref_slice %arg6[%rem3A_42, %dma_start3A_185, %dma_start3A_186] : memref<2x16x64xi32, #tpu.memory_space<vmem>> -> memref<1x16x64xi32, #tpu.memory_space<vmem>>
          %dma_start3A_188 = tpu.memref_squeeze %dma_start3A_187 : memref<1x16x64xi32, #tpu.memory_space<vmem>> -> memref<16x64xi32, #tpu.memory_space<vmem>>
          %dma_start3A_189 = arith.constant 0 : i32
          %dma_start3A_190 = tpu.memref_slice %dma_start3A_188[%add3A_184, %dma_start3A_189] : memref<16x64xi32, #tpu.memory_space<vmem>> -> memref<1x64xi32, #tpu.memory_space<vmem>>
          %dma_start3A_191 = tpu.memref_squeeze %dma_start3A_190 : memref<1x64xi32, #tpu.memory_space<vmem>> -> memref<64xi32, #tpu.memory_space<vmem>>
          %dma_start3A_192 = arith.constant 0 : i32
          %dma_start3A_193 = arith.constant 0 : i32
          %dma_start3A_194 = tpu.memref_slice %arg2[%dma_start3A_192, %dma_start3A_193] : memref<10000x128xf32, #tpu.memory_space<hbm>> -> memref<10000x128xf32, #tpu.memory_space<hbm>>
          tpu.enqueue_indirect_dma source(%dma_start3A_194 : memref<10000x128xf32, #tpu.memory_space<hbm>>) target(%arg8 : memref<64x128xf32, #tpu.memory_space<vmem>>) offsets(%dma_start3A_191 : memref<64xi32, #tpu.memory_space<vmem>>) semaphore(%arg13 : memref<!tpu.dma_semaphore, #tpu.memory_space<semaphore_mem>>)
        } else {
        }
        %add3A_127 = arith.constant 1 : i32
        %add3A_128 = arith.addi %mul3A_98, %add3A_127 : i32
        %dma_wait3A_129 = arith.constant 0 : i32
        %dma_wait3A_130 = arith.constant 0 : i32
        %dma_wait3A_131 = tpu.memref_slice %arg6[%rem3A_42, %dma_wait3A_129, %dma_wait3A_130] : memref<2x16x64xi32, #tpu.memory_space<vmem>> -> memref<1x16x64xi32, #tpu.memory_space<vmem>>
        %dma_wait3A_132 = tpu.memref_squeeze %dma_wait3A_131 : memref<1x16x64xi32, #tpu.memory_space<vmem>> -> memref<16x64xi32, #tpu.memory_space<vmem>>
        %dma_wait3A_133 = arith.constant 0 : i32
        %dma_wait3A_134 = tpu.memref_slice %dma_wait3A_132[%add3A_128, %dma_wait3A_133] : memref<16x64xi32, #tpu.memory_space<vmem>> -> memref<1x64xi32, #tpu.memory_space<vmem>>
        %dma_wait3A_135 = tpu.memref_squeeze %dma_wait3A_134 : memref<1x64xi32, #tpu.memory_space<vmem>> -> memref<64xi32, #tpu.memory_space<vmem>>
        %dma_wait3A_136 = arith.constant 0 : i32
        %dma_wait3A_137 = arith.constant 0 : i32
        %dma_wait3A_138 = tpu.memref_slice %arg2[%dma_wait3A_136, %dma_wait3A_137] : memref<10000x128xf32, #tpu.memory_space<hbm>> -> memref<10000x128xf32, #tpu.memory_space<hbm>>
        tpu.wait_indirect_dma semaphore(%arg14 : memref<!tpu.dma_semaphore, #tpu.memory_space<semaphore_mem>>) src(%dma_wait3A_138 : memref<10000x128xf32, #tpu.memory_space<hbm>>) dst(%arg9 : memref<64x128xf32, #tpu.memory_space<vmem>>)
        %add3A_139 = arith.constant 1 : i32
        %add3A_140 = arith.addi %mul3A_98, %add3A_139 : i32
        "tpu.region"() ({
          %run_scoped3A_183 = tpu.sem_alloc : memref<!tpu.dma_semaphore, #tpu.memory_space<semaphore_mem>>
          %dma_start3A_184 = arith.constant 0 : i32
          %dma_start3A_185 = arith.constant 0 : i32
          %dma_start3A_186 = tpu.memref_slice %arg7[%rem3A_42, %dma_start3A_184, %dma_start3A_185] : memref<2x16x64xi32, #tpu.memory_space<vmem>> -> memref<1x16x64xi32, #tpu.memory_space<vmem>>
          %dma_start3A_187 = tpu.memref_squeeze %dma_start3A_186 : memref<1x16x64xi32, #tpu.memory_space<vmem>> -> memref<16x64xi32, #tpu.memory_space<vmem>>
          %dma_start3A_188 = arith.constant 0 : i32
          %dma_start3A_189 = tpu.memref_slice %dma_start3A_187[%add3A_140, %dma_start3A_188] : memref<16x64xi32, #tpu.memory_space<vmem>> -> memref<1x64xi32, #tpu.memory_space<vmem>>
          %dma_start3A_190 = tpu.memref_squeeze %dma_start3A_189 : memref<1x64xi32, #tpu.memory_space<vmem>> -> memref<64xi32, #tpu.memory_space<vmem>>
          %dma_start3A_191 = arith.constant 0 : i32
          %dma_start3A_192 = arith.constant 0 : i32
          %dma_start3A_193 = tpu.memref_slice %arg12[%dma_start3A_191, %dma_start3A_192] : memref<10112x128xf32, #tpu.memory_space<vmem_shared>> -> memref<10112x128xf32, #tpu.memory_space<vmem_shared>>
          tpu.enqueue_indirect_dma source(%arg9 : memref<64x128xf32, #tpu.memory_space<vmem>>) target(%dma_start3A_193 : memref<10112x128xf32, #tpu.memory_space<vmem_shared>>) offsets(%dma_start3A_190 : memref<64xi32, #tpu.memory_space<vmem>>) semaphore(%run_scoped3A_183 : memref<!tpu.dma_semaphore, #tpu.memory_space<semaphore_mem>>) {add = true}
          %dma_wait3A_194 = arith.constant 0 : i32
          %dma_wait3A_195 = arith.constant 0 : i32
          %dma_wait3A_196 = tpu.memref_slice %arg7[%rem3A_42, %dma_wait3A_194, %dma_wait3A_195] : memref<2x16x64xi32, #tpu.memory_space<vmem>> -> memref<1x16x64xi32, #tpu.memory_space<vmem>>
          %dma_wait3A_197 = tpu.memref_squeeze %dma_wait3A_196 : memref<1x16x64xi32, #tpu.memory_space<vmem>> -> memref<16x64xi32, #tpu.memory_space<vmem>>
          %dma_wait3A_198 = arith.constant 0 : i32
          %dma_wait3A_199 = tpu.memref_slice %dma_wait3A_197[%add3A_140, %dma_wait3A_198] : memref<16x64xi32, #tpu.memory_space<vmem>> -> memref<1x64xi32, #tpu.memory_space<vmem>>
          %dma_wait3A_200 = tpu.memref_squeeze %dma_wait3A_199 : memref<1x64xi32, #tpu.memory_space<vmem>> -> memref<64xi32, #tpu.memory_space<vmem>>
          %dma_wait3A_201 = arith.constant 0 : i32
          %dma_wait3A_202 = arith.constant 0 : i32
          %dma_wait3A_203 = tpu.memref_slice %arg12[%dma_wait3A_201, %dma_wait3A_202] : memref<10112x128xf32, #tpu.memory_space<vmem_shared>> -> memref<10112x128xf32, #tpu.memory_space<vmem_shared>>
          tpu.wait_indirect_dma semaphore(%run_scoped3A_183 : memref<!tpu.dma_semaphore, #tpu.memory_space<semaphore_mem>>) src(%arg9 : memref<64x128xf32, #tpu.memory_space<vmem>>) dst(%dma_wait3A_203 : memref<10112x128xf32, #tpu.memory_space<vmem_shared>>)
          tpu.yield
        }) : () -> ()
        %add3A_141 = arith.constant 5 : i32
        %add3A_142 = arith.addi %mul3A_98, %add3A_141 : i32
        %lt3A_143 = arith.constant 16 : i32
        %lt3A_144 = arith.cmpi slt, %add3A_142, %lt3A_143 : i32
        %convert_element_type3A_145 = arith.extui %lt3A_144 : i1 to i32
        %cond3A_146 = arith.constant 0 : i32
        %cond3A_147 = arith.cmpi ne, %convert_element_type3A_145, %cond3A_146 : i32
        scf.if %cond3A_147 {
          %add3A_183 = arith.constant 5 : i32
          %add3A_184 = arith.addi %mul3A_98, %add3A_183 : i32
          %dma_start3A_185 = arith.constant 0 : i32
          %dma_start3A_186 = arith.constant 0 : i32
          %dma_start3A_187 = tpu.memref_slice %arg6[%rem3A_42, %dma_start3A_185, %dma_start3A_186] : memref<2x16x64xi32, #tpu.memory_space<vmem>> -> memref<1x16x64xi32, #tpu.memory_space<vmem>>
          %dma_start3A_188 = tpu.memref_squeeze %dma_start3A_187 : memref<1x16x64xi32, #tpu.memory_space<vmem>> -> memref<16x64xi32, #tpu.memory_space<vmem>>
          %dma_start3A_189 = arith.constant 0 : i32
          %dma_start3A_190 = tpu.memref_slice %dma_start3A_188[%add3A_184, %dma_start3A_189] : memref<16x64xi32, #tpu.memory_space<vmem>> -> memref<1x64xi32, #tpu.memory_space<vmem>>
          %dma_start3A_191 = tpu.memref_squeeze %dma_start3A_190 : memref<1x64xi32, #tpu.memory_space<vmem>> -> memref<64xi32, #tpu.memory_space<vmem>>
          %dma_start3A_192 = arith.constant 0 : i32
          %dma_start3A_193 = arith.constant 0 : i32
          %dma_start3A_194 = tpu.memref_slice %arg2[%dma_start3A_192, %dma_start3A_193] : memref<10000x128xf32, #tpu.memory_space<hbm>> -> memref<10000x128xf32, #tpu.memory_space<hbm>>
          tpu.enqueue_indirect_dma source(%dma_start3A_194 : memref<10000x128xf32, #tpu.memory_space<hbm>>) target(%arg9 : memref<64x128xf32, #tpu.memory_space<vmem>>) offsets(%dma_start3A_191 : memref<64xi32, #tpu.memory_space<vmem>>) semaphore(%arg14 : memref<!tpu.dma_semaphore, #tpu.memory_space<semaphore_mem>>)
        } else {
        }
        %add3A_148 = arith.constant 2 : i32
        %add3A_149 = arith.addi %mul3A_98, %add3A_148 : i32
        %dma_wait3A_150 = arith.constant 0 : i32
        %dma_wait3A_151 = arith.constant 0 : i32
        %dma_wait3A_152 = tpu.memref_slice %arg6[%rem3A_42, %dma_wait3A_150, %dma_wait3A_151] : memref<2x16x64xi32, #tpu.memory_space<vmem>> -> memref<1x16x64xi32, #tpu.memory_space<vmem>>
        %dma_wait3A_153 = tpu.memref_squeeze %dma_wait3A_152 : memref<1x16x64xi32, #tpu.memory_space<vmem>> -> memref<16x64xi32, #tpu.memory_space<vmem>>
        %dma_wait3A_154 = arith.constant 0 : i32
        %dma_wait3A_155 = tpu.memref_slice %dma_wait3A_153[%add3A_149, %dma_wait3A_154] : memref<16x64xi32, #tpu.memory_space<vmem>> -> memref<1x64xi32, #tpu.memory_space<vmem>>
        %dma_wait3A_156 = tpu.memref_squeeze %dma_wait3A_155 : memref<1x64xi32, #tpu.memory_space<vmem>> -> memref<64xi32, #tpu.memory_space<vmem>>
        %dma_wait3A_157 = arith.constant 0 : i32
        %dma_wait3A_158 = arith.constant 0 : i32
        %dma_wait3A_159 = tpu.memref_slice %arg2[%dma_wait3A_157, %dma_wait3A_158] : memref<10000x128xf32, #tpu.memory_space<hbm>> -> memref<10000x128xf32, #tpu.memory_space<hbm>>
        tpu.wait_indirect_dma semaphore(%arg15 : memref<!tpu.dma_semaphore, #tpu.memory_space<semaphore_mem>>) src(%dma_wait3A_159 : memref<10000x128xf32, #tpu.memory_space<hbm>>) dst(%arg10 : memref<64x128xf32, #tpu.memory_space<vmem>>)
        %add3A_160 = arith.constant 2 : i32
        %add3A_161 = arith.addi %mul3A_98, %add3A_160 : i32
        "tpu.region"() ({
          %run_scoped3A_183 = tpu.sem_alloc : memref<!tpu.dma_semaphore, #tpu.memory_space<semaphore_mem>>
          %dma_start3A_184 = arith.constant 0 : i32
          %dma_start3A_185 = arith.constant 0 : i32
          %dma_start3A_186 = tpu.memref_slice %arg7[%rem3A_42, %dma_start3A_184, %dma_start3A_185] : memref<2x16x64xi32, #tpu.memory_space<vmem>> -> memref<1x16x64xi32, #tpu.memory_space<vmem>>
          %dma_start3A_187 = tpu.memref_squeeze %dma_start3A_186 : memref<1x16x64xi32, #tpu.memory_space<vmem>> -> memref<16x64xi32, #tpu.memory_space<vmem>>
          %dma_start3A_188 = arith.constant 0 : i32
          %dma_start3A_189 = tpu.memref_slice %dma_start3A_187[%add3A_161, %dma_start3A_188] : memref<16x64xi32, #tpu.memory_space<vmem>> -> memref<1x64xi32, #tpu.memory_space<vmem>>
          %dma_start3A_190 = tpu.memref_squeeze %dma_start3A_189 : memref<1x64xi32, #tpu.memory_space<vmem>> -> memref<64xi32, #tpu.memory_space<vmem>>
          %dma_start3A_191 = arith.constant 0 : i32
          %dma_start3A_192 = arith.constant 0 : i32
          %dma_start3A_193 = tpu.memref_slice %arg12[%dma_start3A_191, %dma_start3A_192] : memref<10112x128xf32, #tpu.memory_space<vmem_shared>> -> memref<10112x128xf32, #tpu.memory_space<vmem_shared>>
          tpu.enqueue_indirect_dma source(%arg10 : memref<64x128xf32, #tpu.memory_space<vmem>>) target(%dma_start3A_193 : memref<10112x128xf32, #tpu.memory_space<vmem_shared>>) offsets(%dma_start3A_190 : memref<64xi32, #tpu.memory_space<vmem>>) semaphore(%run_scoped3A_183 : memref<!tpu.dma_semaphore, #tpu.memory_space<semaphore_mem>>) {add = true}
          %dma_wait3A_194 = arith.constant 0 : i32
          %dma_wait3A_195 = arith.constant 0 : i32
          %dma_wait3A_196 = tpu.memref_slice %arg7[%rem3A_42, %dma_wait3A_194, %dma_wait3A_195] : memref<2x16x64xi32, #tpu.memory_space<vmem>> -> memref<1x16x64xi32, #tpu.memory_space<vmem>>
          %dma_wait3A_197 = tpu.memref_squeeze %dma_wait3A_196 : memref<1x16x64xi32, #tpu.memory_space<vmem>> -> memref<16x64xi32, #tpu.memory_space<vmem>>
          %dma_wait3A_198 = arith.constant 0 : i32
          %dma_wait3A_199 = tpu.memref_slice %dma_wait3A_197[%add3A_161, %dma_wait3A_198] : memref<16x64xi32, #tpu.memory_space<vmem>> -> memref<1x64xi32, #tpu.memory_space<vmem>>
          %dma_wait3A_200 = tpu.memref_squeeze %dma_wait3A_199 : memref<1x64xi32, #tpu.memory_space<vmem>> -> memref<64xi32, #tpu.memory_space<vmem>>
          %dma_wait3A_201 = arith.constant 0 : i32
          %dma_wait3A_202 = arith.constant 0 : i32
          %dma_wait3A_203 = tpu.memref_slice %arg12[%dma_wait3A_201, %dma_wait3A_202] : memref<10112x128xf32, #tpu.memory_space<vmem_shared>> -> memref<10112x128xf32, #tpu.memory_space<vmem_shared>>
          tpu.wait_indirect_dma semaphore(%run_scoped3A_183 : memref<!tpu.dma_semaphore, #tpu.memory_space<semaphore_mem>>) src(%arg10 : memref<64x128xf32, #tpu.memory_space<vmem>>) dst(%dma_wait3A_203 : memref<10112x128xf32, #tpu.memory_space<vmem_shared>>)
          tpu.yield
        }) : () -> ()
        %add3A_162 = arith.constant 6 : i32
        %add3A_163 = arith.addi %mul3A_98, %add3A_162 : i32
        %lt3A_164 = arith.constant 16 : i32
        %lt3A_165 = arith.cmpi slt, %add3A_163, %lt3A_164 : i32
        %convert_element_type3A_166 = arith.extui %lt3A_165 : i1 to i32
        %cond3A_167 = arith.constant 0 : i32
        %cond3A_168 = arith.cmpi ne, %convert_element_type3A_166, %cond3A_167 : i32
        scf.if %cond3A_168 {
          %add3A_183 = arith.constant 6 : i32
          %add3A_184 = arith.addi %mul3A_98, %add3A_183 : i32
          %dma_start3A_185 = arith.constant 0 : i32
          %dma_start3A_186 = arith.constant 0 : i32
          %dma_start3A_187 = tpu.memref_slice %arg6[%rem3A_42, %dma_start3A_185, %dma_start3A_186] : memref<2x16x64xi32, #tpu.memory_space<vmem>> -> memref<1x16x64xi32, #tpu.memory_space<vmem>>
          %dma_start3A_188 = tpu.memref_squeeze %dma_start3A_187 : memref<1x16x64xi32, #tpu.memory_space<vmem>> -> memref<16x64xi32, #tpu.memory_space<vmem>>
          %dma_start3A_189 = arith.constant 0 : i32
          %dma_start3A_190 = tpu.memref_slice %dma_start3A_188[%add3A_184, %dma_start3A_189] : memref<16x64xi32, #tpu.memory_space<vmem>> -> memref<1x64xi32, #tpu.memory_space<vmem>>
          %dma_start3A_191 = tpu.memref_squeeze %dma_start3A_190 : memref<1x64xi32, #tpu.memory_space<vmem>> -> memref<64xi32, #tpu.memory_space<vmem>>
          %dma_start3A_192 = arith.constant 0 : i32
          %dma_start3A_193 = arith.constant 0 : i32
          %dma_start3A_194 = tpu.memref_slice %arg2[%dma_start3A_192, %dma_start3A_193] : memref<10000x128xf32, #tpu.memory_space<hbm>> -> memref<10000x128xf32, #tpu.memory_space<hbm>>
          tpu.enqueue_indirect_dma source(%dma_start3A_194 : memref<10000x128xf32, #tpu.memory_space<hbm>>) target(%arg10 : memref<64x128xf32, #tpu.memory_space<vmem>>) offsets(%dma_start3A_191 : memref<64xi32, #tpu.memory_space<vmem>>) semaphore(%arg15 : memref<!tpu.dma_semaphore, #tpu.memory_space<semaphore_mem>>)
        } else {
        }
        %add3A_169 = arith.constant 3 : i32
        %add3A_170 = arith.addi %mul3A_98, %add3A_169 : i32
        %dma_wait3A_171 = arith.constant 0 : i32
        %dma_wait3A_172 = arith.constant 0 : i32
        %dma_wait3A_173 = tpu.memref_slice %arg6[%rem3A_42, %dma_wait3A_171, %dma_wait3A_172] : memref<2x16x64xi32, #tpu.memory_space<vmem>> -> memref<1x16x64xi32, #tpu.memory_space<vmem>>
        %dma_wait3A_174 = tpu.memref_squeeze %dma_wait3A_173 : memref<1x16x64xi32, #tpu.memory_space<vmem>> -> memref<16x64xi32, #tpu.memory_space<vmem>>
        %dma_wait3A_175 = arith.constant 0 : i32
        %dma_wait3A_176 = tpu.memref_slice %dma_wait3A_174[%add3A_170, %dma_wait3A_175] : memref<16x64xi32, #tpu.memory_space<vmem>> -> memref<1x64xi32, #tpu.memory_space<vmem>>
        %dma_wait3A_177 = tpu.memref_squeeze %dma_wait3A_176 : memref<1x64xi32, #tpu.memory_space<vmem>> -> memref<64xi32, #tpu.memory_space<vmem>>
        %dma_wait3A_178 = arith.constant 0 : i32
        %dma_wait3A_179 = arith.constant 0 : i32
        %dma_wait3A_180 = tpu.memref_slice %arg2[%dma_wait3A_178, %dma_wait3A_179] : memref<10000x128xf32, #tpu.memory_space<hbm>> -> memref<10000x128xf32, #tpu.memory_space<hbm>>
        tpu.wait_indirect_dma semaphore(%arg16 : memref<!tpu.dma_semaphore, #tpu.memory_space<semaphore_mem>>) src(%dma_wait3A_180 : memref<10000x128xf32, #tpu.memory_space<hbm>>) dst(%arg11 : memref<64x128xf32, #tpu.memory_space<vmem>>)
        %add3A_181 = arith.constant 3 : i32
        %add3A_182 = arith.addi %mul3A_98, %add3A_181 : i32
        "tpu.region"() ({
          %run_scoped3A_183 = tpu.sem_alloc : memref<!tpu.dma_semaphore, #tpu.memory_space<semaphore_mem>>
          %dma_start3A_184 = arith.constant 0 : i32
          %dma_start3A_185 = arith.constant 0 : i32
          %dma_start3A_186 = tpu.memref_slice %arg7[%rem3A_42, %dma_start3A_184, %dma_start3A_185] : memref<2x16x64xi32, #tpu.memory_space<vmem>> -> memref<1x16x64xi32, #tpu.memory_space<vmem>>
          %dma_start3A_187 = tpu.memref_squeeze %dma_start3A_186 : memref<1x16x64xi32, #tpu.memory_space<vmem>> -> memref<16x64xi32, #tpu.memory_space<vmem>>
          %dma_start3A_188 = arith.constant 0 : i32
          %dma_start3A_189 = tpu.memref_slice %dma_start3A_187[%add3A_182, %dma_start3A_188] : memref<16x64xi32, #tpu.memory_space<vmem>> -> memref<1x64xi32, #tpu.memory_space<vmem>>
          %dma_start3A_190 = tpu.memref_squeeze %dma_start3A_189 : memref<1x64xi32, #tpu.memory_space<vmem>> -> memref<64xi32, #tpu.memory_space<vmem>>
          %dma_start3A_191 = arith.constant 0 : i32
          %dma_start3A_192 = arith.constant 0 : i32
          %dma_start3A_193 = tpu.memref_slice %arg12[%dma_start3A_191, %dma_start3A_192] : memref<10112x128xf32, #tpu.memory_space<vmem_shared>> -> memref<10112x128xf32, #tpu.memory_space<vmem_shared>>
          tpu.enqueue_indirect_dma source(%arg11 : memref<64x128xf32, #tpu.memory_space<vmem>>) target(%dma_start3A_193 : memref<10112x128xf32, #tpu.memory_space<vmem_shared>>) offsets(%dma_start3A_190 : memref<64xi32, #tpu.memory_space<vmem>>) semaphore(%run_scoped3A_183 : memref<!tpu.dma_semaphore, #tpu.memory_space<semaphore_mem>>) {add = true}
          %dma_wait3A_194 = arith.constant 0 : i32
          %dma_wait3A_195 = arith.constant 0 : i32
          %dma_wait3A_196 = tpu.memref_slice %arg7[%rem3A_42, %dma_wait3A_194, %dma_wait3A_195] : memref<2x16x64xi32, #tpu.memory_space<vmem>> -> memref<1x16x64xi32, #tpu.memory_space<vmem>>
          %dma_wait3A_197 = tpu.memref_squeeze %dma_wait3A_196 : memref<1x16x64xi32, #tpu.memory_space<vmem>> -> memref<16x64xi32, #tpu.memory_space<vmem>>
          %dma_wait3A_198 = arith.constant 0 : i32
          %dma_wait3A_199 = tpu.memref_slice %dma_wait3A_197[%add3A_182, %dma_wait3A_198] : memref<16x64xi32, #tpu.memory_space<vmem>> -> memref<1x64xi32, #tpu.memory_space<vmem>>
          %dma_wait3A_200 = tpu.memref_squeeze %dma_wait3A_199 : memref<1x64xi32, #tpu.memory_space<vmem>> -> memref<64xi32, #tpu.memory_space<vmem>>
          %dma_wait3A_201 = arith.constant 0 : i32
          %dma_wait3A_202 = arith.constant 0 : i32
          %dma_wait3A_203 = tpu.memref_slice %arg12[%dma_wait3A_201, %dma_wait3A_202] : memref<10112x128xf32, #tpu.memory_space<vmem_shared>> -> memref<10112x128xf32, #tpu.memory_space<vmem_shared>>
          tpu.wait_indirect_dma semaphore(%run_scoped3A_183 : memref<!tpu.dma_semaphore, #tpu.memory_space<semaphore_mem>>) src(%arg11 : memref<64x128xf32, #tpu.memory_space<vmem>>) dst(%dma_wait3A_203 : memref<10112x128xf32, #tpu.memory_space<vmem_shared>>)
          tpu.yield
        }) : () -> ()
      }
      %scan3A_91 = arith.constant 4 : i32
    }
    %scan3A_35 = arith.constant 10 : i32
    %barrier3A_36 = arith.constant 0 : index
    tpu.barrier barrier_id(%barrier3A_36)
    "tpu.region"() ({
      %run_scoped3A_37 = tpu.sem_alloc : memref<!tpu.dma_semaphore, #tpu.memory_space<semaphore_mem>>
      %dma_start3A = arith.constant 0 : i32
      %dma_start3A_38 = arith.constant 0 : i32
      %dma_start3A_39 = tpu.memref_slice %arg5[%arg0, %dma_start3A, %dma_start3A_38] : memref<2x10112x128xf32, #tpu.memory_space<hbm>> -> memref<1x10112x128xf32, #tpu.memory_space<hbm>>
      %dma_start3A_40 = tpu.memref_squeeze %dma_start3A_39 : memref<1x10112x128xf32, #tpu.memory_space<hbm>> -> memref<10112x128xf32, #tpu.memory_space<hbm>>
      %dma_start3A_41 = arith.constant 0 : i32
      %dma_start3A_42 = tpu.memref_slice %dma_start3A_40[%mul3A_4, %dma_start3A_41] : memref<10112x128xf32, #tpu.memory_space<hbm>> -> memref<632x128xf32, #tpu.memory_space<hbm>>
      %dma_start3A_43 = arith.constant 0 : i32
      %dma_start3A_44 = tpu.memref_slice %arg12[%mul3A_4, %dma_start3A_43] : memref<10112x128xf32, #tpu.memory_space<vmem_shared>> -> memref<632x128xf32, #tpu.memory_space<vmem_shared>>
      tpu.enqueue_dma source(%dma_start3A_44 : memref<632x128xf32, #tpu.memory_space<vmem_shared>>) target(%dma_start3A_42 : memref<632x128xf32, #tpu.memory_space<hbm>>) target_semaphore(%run_scoped3A_37 : memref<!tpu.dma_semaphore, #tpu.memory_space<semaphore_mem>>)
      %dma_wait3A = arith.constant 0 : i32
      %dma_wait3A_45 = arith.constant 0 : i32
      %dma_wait3A_46 = tpu.memref_slice %arg5[%arg0, %dma_wait3A, %dma_wait3A_45] : memref<2x10112x128xf32, #tpu.memory_space<hbm>> -> memref<1x10112x128xf32, #tpu.memory_space<hbm>>
      %dma_wait3A_47 = tpu.memref_squeeze %dma_wait3A_46 : memref<1x10112x128xf32, #tpu.memory_space<hbm>> -> memref<10112x128xf32, #tpu.memory_space<hbm>>
      %dma_wait3A_48 = arith.constant 0 : i32
      %dma_wait3A_49 = tpu.memref_slice %dma_wait3A_47[%mul3A_4, %dma_wait3A_48] : memref<10112x128xf32, #tpu.memory_space<hbm>> -> memref<632x128xf32, #tpu.memory_space<hbm>>
      %dma_wait3A_50 = arith.constant 0 : i32
      %dma_wait3A_51 = tpu.memref_slice %arg12[%mul3A_4, %dma_wait3A_50] : memref<10112x128xf32, #tpu.memory_space<vmem_shared>> -> memref<632x128xf32, #tpu.memory_space<vmem_shared>>
      tpu.wait_dma2 semaphore(%run_scoped3A_37 : memref<!tpu.dma_semaphore, #tpu.memory_space<semaphore_mem>>) src(%dma_wait3A_51 : memref<632x128xf32, #tpu.memory_space<vmem_shared>>) dst(%dma_wait3A_49 : memref<632x128xf32, #tpu.memory_space<hbm>>)
      tpu.yield
    }) : () -> ()
    return
  }
}

module attributes {stable_mosaic.version = 14 : i64} {
  func.func @_gin_ln_body(%arg0: i32, %arg1: memref<400x128xf32, #tpu.memory_space<vmem>>, %arg2: memref<1x400x128xf32, #tpu.memory_space<vmem>>, %arg3: memref<1x400x128xf32, #tpu.memory_space<vmem>>, %arg4: memref<128x128xf32, #tpu.memory_space<vmem>>, %arg5: memref<1x128xf32, #tpu.memory_space<vmem>>, %arg6: memref<128x128xf32, #tpu.memory_space<vmem>>, %arg7: memref<1x128xf32, #tpu.memory_space<vmem>>, %arg8: memref<1x128xf32, #tpu.memory_space<vmem>>, %arg9: memref<1x128xf32, #tpu.memory_space<vmem>>, %arg10: memref<400x128xf32, #tpu.memory_space<vmem>>) attributes {dimension_semantics = [#tpu.dimension_semantics<arbitrary>], iteration_bounds = array<i64: 25>, scalar_prefetch = 0 : i64, scratch_operands = 0 : i64, tpu.core_type = #tpu.core_type<tc>, window_params = [{transform_indices = @transform_0, window_bounds = array<i64: 400, 128>}, {transform_indices = @transform_1, window_bounds = array<i64: 1, 400, 128>}, {transform_indices = @transform_2, window_bounds = array<i64: 1, 400, 128>}, {pipeline_mode = #tpu.pipeline_mode<synchronous>, transform_indices = @transform_3, window_bounds = array<i64: 128, 128>}, {pipeline_mode = #tpu.pipeline_mode<synchronous>, transform_indices = @transform_4, window_bounds = array<i64: 1, 128>}, {pipeline_mode = #tpu.pipeline_mode<synchronous>, transform_indices = @transform_5, window_bounds = array<i64: 128, 128>}, {pipeline_mode = #tpu.pipeline_mode<synchronous>, transform_indices = @transform_6, window_bounds = array<i64: 1, 128>}, {pipeline_mode = #tpu.pipeline_mode<synchronous>, transform_indices = @transform_7, window_bounds = array<i64: 1, 128>}, {pipeline_mode = #tpu.pipeline_mode<synchronous>, transform_indices = @transform_8, window_bounds = array<i64: 1, 128>}, {transform_indices = @transform_9, window_bounds = array<i64: 400, 128>}]} {
    %get3A = arith.constant 0 : index
    %get3A_0 = arith.constant 0 : index
    %get3A_1 = vector.load %arg1[%get3A, %get3A_0] : memref<400x128xf32, #tpu.memory_space<vmem>>, vector<400x128xf32>
    %get3A_2 = arith.constant 0 : index
    %get3A_3 = arith.constant 0 : index
    %get3A_4 = arith.constant 0 : index
    %get3A_5 = vector.load %arg2[%get3A_2, %get3A_3, %get3A_4] : memref<1x400x128xf32, #tpu.memory_space<vmem>>, vector<1x400x128xf32>
    %get3A_6 = vector.shape_cast %get3A_5 : vector<1x400x128xf32> to vector<400x128xf32>
    %add3A = arith.addf %get3A_1, %get3A_6 : vector<400x128xf32>
    %get3A_7 = arith.constant 0 : index
    %get3A_8 = arith.constant 0 : index
    %get3A_9 = arith.constant 0 : index
    %get3A_10 = vector.load %arg3[%get3A_7, %get3A_8, %get3A_9] : memref<1x400x128xf32, #tpu.memory_space<vmem>>, vector<1x400x128xf32>
    %get3A_11 = vector.shape_cast %get3A_10 : vector<1x400x128xf32> to vector<400x128xf32>
    %add3A_12 = arith.addf %add3A, %get3A_11 : vector<400x128xf32>
    %get3A_13 = arith.constant 0 : index
    %get3A_14 = arith.constant 0 : index
    %get3A_15 = vector.load %arg4[%get3A_13, %get3A_14] : memref<128x128xf32, #tpu.memory_space<vmem>>, vector<128x128xf32>
    %dot_general3A = arith.constant dense<0.000000e+00> : vector<400x128xf32>
    %dot_general3A_16 = tpu.matmul %add3A_12, %get3A_15, %dot_general3A {dimension_numbers = #tpu.dot_dimension_numbers<[1], [0], [0], [1], [0, 0, 1, 1], [], []>, precision = #tpu.contract_precision<fp32>, transpose_lhs_hint = false} : vector<400x128xf32>, vector<128x128xf32>, vector<400x128xf32> -> vector<400x128xf32>
    %get3A_17 = arith.constant 0 : index
    %get3A_18 = arith.constant 0 : index
    %get3A_19 = vector.load %arg5[%get3A_17, %get3A_18] : memref<1x128xf32, #tpu.memory_space<vmem>>, vector<1x128xf32>
    %add3A_20 = vector.broadcast %get3A_19 : vector<1x128xf32> to vector<400x128xf32>
    %add3A_21 = arith.addf %dot_general3A_16, %add3A_20 : vector<400x128xf32>
    %max3A = arith.constant 0.000000e+00 : f32
    %max3A_22 = vector.broadcast %max3A : f32 to vector<400x128xf32>
    %max3A_23 = arith.maximumf %add3A_21, %max3A_22 : vector<400x128xf32>
    %get3A_24 = arith.constant 0 : index
    %get3A_25 = arith.constant 0 : index
    %get3A_26 = vector.load %arg6[%get3A_24, %get3A_25] : memref<128x128xf32, #tpu.memory_space<vmem>>, vector<128x128xf32>
    %dot_general3A_27 = arith.constant dense<0.000000e+00> : vector<400x128xf32>
    %dot_general3A_28 = tpu.matmul %max3A_23, %get3A_26, %dot_general3A_27 {dimension_numbers = #tpu.dot_dimension_numbers<[1], [0], [0], [1], [0, 0, 1, 1], [], []>, precision = #tpu.contract_precision<fp32>, transpose_lhs_hint = false} : vector<400x128xf32>, vector<128x128xf32>, vector<400x128xf32> -> vector<400x128xf32>
    %get3A_29 = arith.constant 0 : index
    %get3A_30 = arith.constant 0 : index
    %get3A_31 = vector.load %arg7[%get3A_29, %get3A_30] : memref<1x128xf32, #tpu.memory_space<vmem>>, vector<1x128xf32>
    %add3A_32 = vector.broadcast %get3A_31 : vector<1x128xf32> to vector<400x128xf32>
    %add3A_33 = arith.addf %dot_general3A_28, %add3A_32 : vector<400x128xf32>
    %max3A_34 = arith.constant 0.000000e+00 : f32
    %max3A_35 = vector.broadcast %max3A_34 : f32 to vector<400x128xf32>
    %max3A_36 = arith.maximumf %add3A_33, %max3A_35 : vector<400x128xf32>
    %reduce_sum3A = arith.constant dense<0.000000e+00> : vector<400xf32>
    %reduce_sum3A_37 = vector.multi_reduction <add>, %max3A_36, %reduce_sum3A [1] : vector<400x128xf32> to vector<400xf32>
    %broadcast_in_dim3A = vector.shape_cast %reduce_sum3A_37 : vector<400xf32> to vector<400x1xf32>
    %div3A = arith.constant 1.280000e+02 : f32
    %div3A_38 = vector.broadcast %div3A : f32 to vector<400x1xf32>
    %div3A_39 = arith.divf %broadcast_in_dim3A, %div3A_38 : vector<400x1xf32>
    %sub3A = vector.broadcast %div3A_39 : vector<400x1xf32> to vector<400x128xf32>
    %sub3A_40 = arith.subf %max3A_36, %sub3A : vector<400x128xf32>
    %integer_pow3A = arith.mulf %sub3A_40, %sub3A_40 : vector<400x128xf32>
    %reduce_sum3A_41 = arith.constant dense<0.000000e+00> : vector<400xf32>
    %reduce_sum3A_42 = vector.multi_reduction <add>, %integer_pow3A, %reduce_sum3A_41 [1] : vector<400x128xf32> to vector<400xf32>
    %broadcast_in_dim3A_43 = vector.shape_cast %reduce_sum3A_42 : vector<400xf32> to vector<400x1xf32>
    %div3A_44 = arith.constant 1.280000e+02 : f32
    %div3A_45 = vector.broadcast %div3A_44 : f32 to vector<400x1xf32>
    %div3A_46 = arith.divf %broadcast_in_dim3A_43, %div3A_45 : vector<400x1xf32>
    %sub3A_47 = vector.broadcast %div3A_39 : vector<400x1xf32> to vector<400x128xf32>
    %sub3A_48 = arith.subf %max3A_36, %sub3A_47 : vector<400x128xf32>
    %add3A_49 = arith.constant 9.99999974E-6 : f32
    %add3A_50 = vector.broadcast %add3A_49 : f32 to vector<400x1xf32>
    %add3A_51 = arith.addf %div3A_46, %add3A_50 : vector<400x1xf32>
    %rsqrt3A = math.rsqrt %add3A_51 : vector<400x1xf32>
    %mul3A = vector.broadcast %rsqrt3A : vector<400x1xf32> to vector<400x128xf32>
    %mul3A_52 = arith.mulf %sub3A_48, %mul3A : vector<400x128xf32>
    %get3A_53 = arith.constant 0 : index
    %get3A_54 = arith.constant 0 : index
    %get3A_55 = vector.load %arg8[%get3A_53, %get3A_54] : memref<1x128xf32, #tpu.memory_space<vmem>>, vector<1x128xf32>
    %mul3A_56 = vector.broadcast %get3A_55 : vector<1x128xf32> to vector<400x128xf32>
    %mul3A_57 = arith.mulf %mul3A_52, %mul3A_56 : vector<400x128xf32>
    %get3A_58 = arith.constant 0 : index
    %get3A_59 = arith.constant 0 : index
    %get3A_60 = vector.load %arg9[%get3A_58, %get3A_59] : memref<1x128xf32, #tpu.memory_space<vmem>>, vector<1x128xf32>
    %add3A_61 = vector.broadcast %get3A_60 : vector<1x128xf32> to vector<400x128xf32>
    %add3A_62 = arith.addf %mul3A_57, %add3A_61 : vector<400x128xf32>
    %swap3A = arith.constant 0 : index
    %swap3A_63 = arith.constant 0 : index
    %swap3A_64 = vector.load %arg10[%swap3A, %swap3A_63] : memref<400x128xf32, #tpu.memory_space<vmem>>, vector<400x128xf32>
    tpu.vector_store %arg10[%swap3A, %swap3A_63], %add3A_62 {strides = array<i32>} : memref<400x128xf32, #tpu.memory_space<vmem>>, vector<400x128xf32>,
    return
  }
  func.func @transform_0(%arg0: i32) -> (i32, i32) {
    %c0_i32 = arith.constant 0 : i32
    %c0_i32_0 = arith.constant 0 : i32
    return %arg0, %c0_i32 : i32, i32
  }
  func.func @transform_1(%arg0: i32) -> (i32, i32, i32) {
    %c0_i32 = arith.constant 0 : i32
    %c0_i32_0 = arith.constant 0 : i32
    %c0_i32_1 = arith.constant 0 : i32
    return %c0_i32, %arg0, %c0_i32_0 : i32, i32, i32
  }
  func.func @transform_2(%arg0: i32) -> (i32, i32, i32) {
    %c1_i32 = arith.constant 1 : i32
    %c0_i32 = arith.constant 0 : i32
    %c0_i32_0 = arith.constant 0 : i32
    return %c1_i32, %arg0, %c0_i32 : i32, i32, i32
  }
  func.func @transform_3(%arg0: i32) -> (i32, i32) {
    %c0_i32 = arith.constant 0 : i32
    %c0_i32_0 = arith.constant 0 : i32
    %c0_i32_1 = arith.constant 0 : i32
    return %c0_i32, %c0_i32_0 : i32, i32
  }
  func.func @transform_4(%arg0: i32) -> (i32, i32) {
    %c0_i32 = arith.constant 0 : i32
    %c0_i32_0 = arith.constant 0 : i32
    %c0_i32_1 = arith.constant 0 : i32
    return %c0_i32, %c0_i32_0 : i32, i32
  }
  func.func @transform_5(%arg0: i32) -> (i32, i32) {
    %c0_i32 = arith.constant 0 : i32
    %c0_i32_0 = arith.constant 0 : i32
    %c0_i32_1 = arith.constant 0 : i32
    return %c0_i32, %c0_i32_0 : i32, i32
  }
  func.func @transform_6(%arg0: i32) -> (i32, i32) {
    %c0_i32 = arith.constant 0 : i32
    %c0_i32_0 = arith.constant 0 : i32
    %c0_i32_1 = arith.constant 0 : i32
    return %c0_i32, %c0_i32_0 : i32, i32
  }
  func.func @transform_7(%arg0: i32) -> (i32, i32) {
    %c0_i32 = arith.constant 0 : i32
    %c0_i32_0 = arith.constant 0 : i32
    %c0_i32_1 = arith.constant 0 : i32
    return %c0_i32, %c0_i32_0 : i32, i32
  }
  func.func @transform_8(%arg0: i32) -> (i32, i32) {
    %c0_i32 = arith.constant 0 : i32
    %c0_i32_0 = arith.constant 0 : i32
    %c0_i32_1 = arith.constant 0 : i32
    return %c0_i32, %c0_i32_0 : i32, i32
  }
  func.func @transform_9(%arg0: i32) -> (i32, i32) {
    %c0_i32 = arith.constant 0 : i32
    %c0_i32_0 = arith.constant 0 : i32
    return %arg0, %c0_i32 : i32, i32
  }
}

module attributes {stable_mosaic.version = 14 : i64} {
  func.func @_final_body(%arg0: i32, %arg1: memref<400x128xf32, #tpu.memory_space<vmem>>, %arg2: memref<1x400x128xf32, #tpu.memory_space<vmem>>, %arg3: memref<1x400x128xf32, #tpu.memory_space<vmem>>, %arg4: memref<128x128xf32, #tpu.memory_space<vmem>>, %arg5: memref<1x128xf32, #tpu.memory_space<vmem>>, %arg6: memref<128x128xf32, #tpu.memory_space<vmem>>, %arg7: memref<1x128xf32, #tpu.memory_space<vmem>>, %arg8: memref<400x1xi32, #tpu.memory_space<vmem>>, %arg9: memref<128x128xf32, #tpu.memory_space<vmem>>, %arg10: memref<1x128xf32, #tpu.memory_space<vmem>>, %arg11: memref<128x10xf32, #tpu.memory_space<vmem>>, %arg12: memref<1x10xf32, #tpu.memory_space<vmem>>, %arg13: memref<400x128xf32, #tpu.memory_space<vmem>>, %arg14: memref<128x10xf32, #tpu.memory_space<vmem>>, %arg15: memref<128x128xf32, #tpu.memory_space<vmem>>, %arg16: memref<128x1xf32, #tpu.memory_space<vmem>>) attributes {dimension_semantics = [#tpu.dimension_semantics<arbitrary>], iteration_bounds = array<i64: 25>, scalar_prefetch = 0 : i64, scratch_operands = 2 : i64, tpu.core_type = #tpu.core_type<tc>, window_params = [{transform_indices = @transform_0, window_bounds = array<i64: 400, 128>}, {transform_indices = @transform_1, window_bounds = array<i64: 1, 400, 128>}, {transform_indices = @transform_2, window_bounds = array<i64: 1, 400, 128>}, {pipeline_mode = #tpu.pipeline_mode<synchronous>, transform_indices = @transform_3, window_bounds = array<i64: 128, 128>}, {pipeline_mode = #tpu.pipeline_mode<synchronous>, transform_indices = @transform_4, window_bounds = array<i64: 1, 128>}, {pipeline_mode = #tpu.pipeline_mode<synchronous>, transform_indices = @transform_5, window_bounds = array<i64: 128, 128>}, {pipeline_mode = #tpu.pipeline_mode<synchronous>, transform_indices = @transform_6, window_bounds = array<i64: 1, 128>}, {transform_indices = @transform_7, window_bounds = array<i64: 400, 1>}, {pipeline_mode = #tpu.pipeline_mode<synchronous>, transform_indices = @transform_8, window_bounds = array<i64: 128, 128>}, {pipeline_mode = #tpu.pipeline_mode<synchronous>, transform_indices = @transform_9, window_bounds = array<i64: 1, 128>}, {pipeline_mode = #tpu.pipeline_mode<synchronous>, transform_indices = @transform_10, window_bounds = array<i64: 128, 10>}, {pipeline_mode = #tpu.pipeline_mode<synchronous>, transform_indices = @transform_11, window_bounds = array<i64: 1, 10>}, {transform_indices = @transform_12, window_bounds = array<i64: 400, 128>}, {pipeline_mode = #tpu.pipeline_mode<synchronous>, transform_indices = @transform_13, window_bounds = array<i64: 128, 10>}]} {
    %get3A = arith.constant 0 : index
    %get3A_0 = arith.constant 0 : index
    %get3A_1 = vector.load %arg1[%get3A, %get3A_0] : memref<400x128xf32, #tpu.memory_space<vmem>>, vector<400x128xf32>
    %get3A_2 = arith.constant 0 : index
    %get3A_3 = arith.constant 0 : index
    %get3A_4 = arith.constant 0 : index
    %get3A_5 = vector.load %arg2[%get3A_2, %get3A_3, %get3A_4] : memref<1x400x128xf32, #tpu.memory_space<vmem>>, vector<1x400x128xf32>
    %get3A_6 = vector.shape_cast %get3A_5 : vector<1x400x128xf32> to vector<400x128xf32>
    %add3A = arith.addf %get3A_1, %get3A_6 : vector<400x128xf32>
    %get3A_7 = arith.constant 0 : index
    %get3A_8 = arith.constant 0 : index
    %get3A_9 = arith.constant 0 : index
    %get3A_10 = vector.load %arg3[%get3A_7, %get3A_8, %get3A_9] : memref<1x400x128xf32, #tpu.memory_space<vmem>>, vector<1x400x128xf32>
    %get3A_11 = vector.shape_cast %get3A_10 : vector<1x400x128xf32> to vector<400x128xf32>
    %add3A_12 = arith.addf %add3A, %get3A_11 : vector<400x128xf32>
    %get3A_13 = arith.constant 0 : index
    %get3A_14 = arith.constant 0 : index
    %get3A_15 = vector.load %arg4[%get3A_13, %get3A_14] : memref<128x128xf32, #tpu.memory_space<vmem>>, vector<128x128xf32>
    %dot_general3A = arith.constant dense<0.000000e+00> : vector<400x128xf32>
    %dot_general3A_16 = tpu.matmul %add3A_12, %get3A_15, %dot_general3A {dimension_numbers = #tpu.dot_dimension_numbers<[1], [0], [0], [1], [0, 0, 1, 1], [], []>, precision = #tpu.contract_precision<fp32>, transpose_lhs_hint = false} : vector<400x128xf32>, vector<128x128xf32>, vector<400x128xf32> -> vector<400x128xf32>
    %get3A_17 = arith.constant 0 : index
    %get3A_18 = arith.constant 0 : index
    %get3A_19 = vector.load %arg5[%get3A_17, %get3A_18] : memref<1x128xf32, #tpu.memory_space<vmem>>, vector<1x128xf32>
    %add3A_20 = vector.broadcast %get3A_19 : vector<1x128xf32> to vector<400x128xf32>
    %add3A_21 = arith.addf %dot_general3A_16, %add3A_20 : vector<400x128xf32>
    %max3A = arith.constant 0.000000e+00 : f32
    %max3A_22 = vector.broadcast %max3A : f32 to vector<400x128xf32>
    %max3A_23 = arith.maximumf %add3A_21, %max3A_22 : vector<400x128xf32>
    %get3A_24 = arith.constant 0 : index
    %get3A_25 = arith.constant 0 : index
    %get3A_26 = vector.load %arg6[%get3A_24, %get3A_25] : memref<128x128xf32, #tpu.memory_space<vmem>>, vector<128x128xf32>
    %dot_general3A_27 = arith.constant dense<0.000000e+00> : vector<400x128xf32>
    %dot_general3A_28 = tpu.matmul %max3A_23, %get3A_26, %dot_general3A_27 {dimension_numbers = #tpu.dot_dimension_numbers<[1], [0], [0], [1], [0, 0, 1, 1], [], []>, precision = #tpu.contract_precision<fp32>, transpose_lhs_hint = false} : vector<400x128xf32>, vector<128x128xf32>, vector<400x128xf32> -> vector<400x128xf32>
    %get3A_29 = arith.constant 0 : index
    %get3A_30 = arith.constant 0 : index
    %get3A_31 = vector.load %arg7[%get3A_29, %get3A_30] : memref<1x128xf32, #tpu.memory_space<vmem>>, vector<1x128xf32>
    %add3A_32 = vector.broadcast %get3A_31 : vector<1x128xf32> to vector<400x128xf32>
    %add3A_33 = arith.addf %dot_general3A_28, %add3A_32 : vector<400x128xf32>
    %swap3A = arith.constant 0 : index
    %swap3A_34 = arith.constant 0 : index
    %swap3A_35 = vector.load %arg13[%swap3A, %swap3A_34] : memref<400x128xf32, #tpu.memory_space<vmem>>, vector<400x128xf32>
    tpu.vector_store %arg13[%swap3A, %swap3A_34], %add3A_33 {strides = array<i32>} : memref<400x128xf32, #tpu.memory_space<vmem>>, vector<400x128xf32>,
    %max3A_36 = arith.constant 0.000000e+00 : f32
    %max3A_37 = vector.broadcast %max3A_36 : f32 to vector<400x128xf32>
    %max3A_38 = arith.maximumf %add3A_33, %max3A_37 : vector<400x128xf32>
    %iota3A = tpu.iota {dimensions = array<i32: 1>} : vector<400x128xi32>
    %get3A_39 = arith.constant 0 : index
    %get3A_40 = arith.constant 0 : index
    %get3A_41 = vector.load %arg8[%get3A_39, %get3A_40] : memref<400x1xi32, #tpu.memory_space<vmem>>, vector<400x1xi32>
    %eq3A = vector.broadcast %get3A_41 : vector<400x1xi32> to vector<400x128xi32>
    %eq3A_42 = arith.cmpi eq, %eq3A, %iota3A : vector<400x128xi32>
    %convert_element_type3A = arith.extui %eq3A_42 : vector<400x128xi1> to vector<400x128xi32>
    %convert_element_type3A_43 = arith.sitofp %convert_element_type3A : vector<400x128xi32> to vector<400x128xf32>
    %dot_general3A_44 = arith.constant dense<0.000000e+00> : vector<128x128xf32>
    %dot_general3A_45 = tpu.matmul %convert_element_type3A_43, %max3A_38, %dot_general3A_44 {dimension_numbers = #tpu.dot_dimension_numbers<[0], [0], [1], [1], [0, 1, 1, 1], [], []>, precision = #tpu.contract_precision<fp32>, transpose_lhs_hint = false} : vector<400x128xf32>, vector<400x128xf32>, vector<128x128xf32> -> vector<128x128xf32>
    %broadcast_in_dim3A = arith.constant 1.000000e+00 : f32
    %broadcast_in_dim3A_46 = vector.broadcast %broadcast_in_dim3A : f32 to vector<400x1xf32>
    %dot_general3A_47 = arith.constant dense<0.000000e+00> : vector<128x1xf32>
    %dot_general3A_48 = tpu.matmul %convert_element_type3A_43, %broadcast_in_dim3A_46, %dot_general3A_47 {dimension_numbers = #tpu.dot_dimension_numbers<[0], [0], [1], [1], [0, 1, 1, 1], [], []>, precision = #tpu.contract_precision<fp32>, transpose_lhs_hint = false} : vector<400x128xf32>, vector<400x1xf32>, vector<128x1xf32> -> vector<128x1xf32>
    %eq3A_49 = arith.constant 0 : i32
    %eq3A_50 = arith.cmpi eq, %arg0, %eq3A_49 : i32
    %convert_element_type3A_51 = arith.extui %eq3A_50 : i1 to i32
    %cond3A = arith.constant 0 : i32
    %cond3A_52 = arith.cmpi ne, %convert_element_type3A_51, %cond3A : i32
    scf.if %cond3A_52 {
      %broadcast_in_dim3A_72 = arith.constant 0.000000e+00 : f32
      %broadcast_in_dim3A_73 = vector.broadcast %broadcast_in_dim3A_72 : f32 to vector<128x128xf32>
      %swap3A_74 = arith.constant 0 : index
      %swap3A_75 = arith.constant 0 : index
      %swap3A_76 = vector.load %arg15[%swap3A_74, %swap3A_75] : memref<128x128xf32, #tpu.memory_space<vmem>>, vector<128x128xf32>
      tpu.vector_store %arg15[%swap3A_74, %swap3A_75], %broadcast_in_dim3A_73 {strides = array<i32>} : memref<128x128xf32, #tpu.memory_space<vmem>>, vector<128x128xf32>,
      %broadcast_in_dim3A_77 = arith.constant 0.000000e+00 : f32
      %broadcast_in_dim3A_78 = vector.broadcast %broadcast_in_dim3A_77 : f32 to vector<128x1xf32>
      %swap3A_79 = arith.constant 0 : index
      %swap3A_80 = arith.constant 0 : index
      %swap3A_81 = vector.load %arg16[%swap3A_79, %swap3A_80] : memref<128x1xf32, #tpu.memory_space<vmem>>, vector<128x1xf32>
      tpu.vector_store %arg16[%swap3A_79, %swap3A_80], %broadcast_in_dim3A_78 {strides = array<i32>} : memref<128x1xf32, #tpu.memory_space<vmem>>, vector<128x1xf32>,
    } else {
    }
    %get3A_53 = arith.constant 0 : index
    %get3A_54 = arith.constant 0 : index
    %get3A_55 = vector.load %arg15[%get3A_53, %get3A_54] : memref<128x128xf32, #tpu.memory_space<vmem>>, vector<128x128xf32>
    %add3A_56 = arith.addf %get3A_55, %dot_general3A_45 : vector<128x128xf32>
    %swap3A_57 = arith.constant 0 : index
    %swap3A_58 = arith.constant 0 : index
    %swap3A_59 = vector.load %arg15[%swap3A_57, %swap3A_58] : memref<128x128xf32, #tpu.memory_space<vmem>>, vector<128x128xf32>
    tpu.vector_store %arg15[%swap3A_57, %swap3A_58], %add3A_56 {strides = array<i32>} : memref<128x128xf32, #tpu.memory_space<vmem>>, vector<128x128xf32>,
    %get3A_60 = arith.constant 0 : index
    %get3A_61 = arith.constant 0 : index
    %get3A_62 = vector.load %arg16[%get3A_60, %get3A_61] : memref<128x1xf32, #tpu.memory_space<vmem>>, vector<128x1xf32>
    %add3A_63 = arith.addf %get3A_62, %dot_general3A_48 : vector<128x1xf32>
    %swap3A_64 = arith.constant 0 : index
    %swap3A_65 = arith.constant 0 : index
    %swap3A_66 = vector.load %arg16[%swap3A_64, %swap3A_65] : memref<128x1xf32, #tpu.memory_space<vmem>>, vector<128x1xf32>
    tpu.vector_store %arg16[%swap3A_64, %swap3A_65], %add3A_63 {strides = array<i32>} : memref<128x1xf32, #tpu.memory_space<vmem>>, vector<128x1xf32>,
    %eq3A_67 = arith.constant 24 : i32
    %eq3A_68 = arith.cmpi eq, %arg0, %eq3A_67 : i32
    %convert_element_type3A_69 = arith.extui %eq3A_68 : i1 to i32
    %cond3A_70 = arith.constant 0 : i32
    %cond3A_71 = arith.cmpi ne, %convert_element_type3A_69, %cond3A_70 : i32
    scf.if %cond3A_71 {
      %get3A_72 = arith.constant 0 : index
      %get3A_73 = arith.constant 0 : index
      %get3A_74 = vector.load %arg15[%get3A_72, %get3A_73] : memref<128x128xf32, #tpu.memory_space<vmem>>, vector<128x128xf32>
      %get3A_75 = arith.constant 0 : index
      %get3A_76 = arith.constant 0 : index
      %get3A_77 = vector.load %arg16[%get3A_75, %get3A_76] : memref<128x1xf32, #tpu.memory_space<vmem>>, vector<128x1xf32>
      %max3A_78 = arith.constant 1.000000e+00 : f32
      %max3A_79 = vector.broadcast %max3A_78 : f32 to vector<128x1xf32>
      %max3A_80 = arith.maximumf %get3A_77, %max3A_79 : vector<128x1xf32>
      %div3A = vector.broadcast %max3A_80 : vector<128x1xf32> to vector<128x128xf32>
      %div3A_81 = arith.divf %get3A_74, %div3A : vector<128x128xf32>
      %get3A_82 = arith.constant 0 : index
      %get3A_83 = arith.constant 0 : index
      %get3A_84 = vector.load %arg9[%get3A_82, %get3A_83] : memref<128x128xf32, #tpu.memory_space<vmem>>, vector<128x128xf32>
      %dot_general3A_85 = arith.constant dense<0.000000e+00> : vector<128x128xf32>
      %dot_general3A_86 = tpu.matmul %div3A_81, %get3A_84, %dot_general3A_85 {dimension_numbers = #tpu.dot_dimension_numbers<[1], [0], [0], [1], [0, 0, 1, 1], [], []>, precision = #tpu.contract_precision<fp32>, transpose_lhs_hint = false} : vector<128x128xf32>, vector<128x128xf32>, vector<128x128xf32> -> vector<128x128xf32>
      %get3A_87 = arith.constant 0 : index
      %get3A_88 = arith.constant 0 : index
      %get3A_89 = vector.load %arg10[%get3A_87, %get3A_88] : memref<1x128xf32, #tpu.memory_space<vmem>>, vector<1x128xf32>
      %add3A_90 = vector.broadcast %get3A_89 : vector<1x128xf32> to vector<128x128xf32>
      %add3A_91 = arith.addf %dot_general3A_86, %add3A_90 : vector<128x128xf32>
      %get3A_92 = arith.constant 0 : index
      %get3A_93 = arith.constant 0 : index
      %get3A_94 = vector.load %arg11[%get3A_92, %get3A_93] : memref<128x10xf32, #tpu.memory_space<vmem>>, vector<128x10xf32>
      %dot_general3A_95 = arith.constant dense<0.000000e+00> : vector<128x10xf32>
      %dot_general3A_96 = tpu.matmul %add3A_91, %get3A_94, %dot_general3A_95 {dimension_numbers = #tpu.dot_dimension_numbers<[1], [0], [0], [1], [0, 0, 1, 1], [], []>, precision = #tpu.contract_precision<fp32>, transpose_lhs_hint = false} : vector<128x128xf32>, vector<128x10xf32>, vector<128x10xf32> -> vector<128x10xf32>
      %get3A_97 = arith.constant 0 : index
      %get3A_98 = arith.constant 0 : index
      %get3A_99 = vector.load %arg12[%get3A_97, %get3A_98] : memref<1x10xf32, #tpu.memory_space<vmem>>, vector<1x10xf32>
      %add3A_100 = vector.broadcast %get3A_99 : vector<1x10xf32> to vector<128x10xf32>
      %add3A_101 = arith.addf %dot_general3A_96, %add3A_100 : vector<128x10xf32>
      %reduce_max3A = arith.constant dense<0xFF800000> : vector<128xf32>
      %reduce_max3A_102 = vector.multi_reduction <maximumf>, %add3A_101, %reduce_max3A [1] : vector<128x10xf32> to vector<128xf32>
      %broadcast_in_dim3A_103 = vector.shape_cast %reduce_max3A_102 : vector<128xf32> to vector<128x1xf32>
      %sub3A = vector.broadcast %broadcast_in_dim3A_103 : vector<128x1xf32> to vector<128x10xf32>
      %sub3A_104 = arith.subf %add3A_101, %sub3A : vector<128x10xf32>
      %exp3A = math.exp %sub3A_104 : vector<128x10xf32>
      %reduce_sum3A = arith.constant dense<0.000000e+00> : vector<128xf32>
      %reduce_sum3A_105 = vector.multi_reduction <add>, %exp3A, %reduce_sum3A [1] : vector<128x10xf32> to vector<128xf32>
      %broadcast_in_dim3A_106 = vector.shape_cast %reduce_sum3A_105 : vector<128xf32> to vector<128x1xf32>
      %log3A = math.log %broadcast_in_dim3A_106 : vector<128x1xf32>
      %add3A_107 = arith.addf %log3A, %broadcast_in_dim3A_103 : vector<128x1xf32>
      %sub3A_108 = vector.broadcast %add3A_107 : vector<128x1xf32> to vector<128x10xf32>
      %sub3A_109 = arith.subf %add3A_101, %sub3A_108 : vector<128x10xf32>
      %swap3A_110 = arith.constant 0 : index
      %swap3A_111 = arith.constant 0 : index
      %swap3A_112 = vector.load %arg14[%swap3A_110, %swap3A_111] : memref<128x10xf32, #tpu.memory_space<vmem>>, vector<128x10xf32>
      tpu.vector_store %arg14[%swap3A_110, %swap3A_111], %sub3A_109 {strides = array<i32>} : memref<128x10xf32, #tpu.memory_space<vmem>>, vector<128x10xf32>,
    } else {
    }
    return
  }
  func.func @transform_0(%arg0: i32) -> (i32, i32) {
    %c0_i32 = arith.constant 0 : i32
    %c0_i32_0 = arith.constant 0 : i32
    return %arg0, %c0_i32 : i32, i32
  }
  func.func @transform_1(%arg0: i32) -> (i32, i32, i32) {
    %c0_i32 = arith.constant 0 : i32
    %c0_i32_0 = arith.constant 0 : i32
    %c0_i32_1 = arith.constant 0 : i32
    return %c0_i32, %arg0, %c0_i32_0 : i32, i32, i32
  }
  func.func @transform_2(%arg0: i32) -> (i32, i32, i32) {
    %c1_i32 = arith.constant 1 : i32
    %c0_i32 = arith.constant 0 : i32
    %c0_i32_0 = arith.constant 0 : i32
    return %c1_i32, %arg0, %c0_i32 : i32, i32, i32
  }
  func.func @transform_3(%arg0: i32) -> (i32, i32) {
    %c0_i32 = arith.constant 0 : i32
    %c0_i32_0 = arith.constant 0 : i32
    %c0_i32_1 = arith.constant 0 : i32
    return %c0_i32, %c0_i32_0 : i32, i32
  }
  func.func @transform_4(%arg0: i32) -> (i32, i32) {
    %c0_i32 = arith.constant 0 : i32
    %c0_i32_0 = arith.constant 0 : i32
    %c0_i32_1 = arith.constant 0 : i32
    return %c0_i32, %c0_i32_0 : i32, i32
  }
  func.func @transform_5(%arg0: i32) -> (i32, i32) {
    %c0_i32 = arith.constant 0 : i32
    %c0_i32_0 = arith.constant 0 : i32
    %c0_i32_1 = arith.constant 0 : i32
    return %c0_i32, %c0_i32_0 : i32, i32
  }
  func.func @transform_6(%arg0: i32) -> (i32, i32) {
    %c0_i32 = arith.constant 0 : i32
    %c0_i32_0 = arith.constant 0 : i32
    %c0_i32_1 = arith.constant 0 : i32
    return %c0_i32, %c0_i32_0 : i32, i32
  }
  func.func @transform_7(%arg0: i32) -> (i32, i32) {
    %c0_i32 = arith.constant 0 : i32
    %c0_i32_0 = arith.constant 0 : i32
    return %arg0, %c0_i32 : i32, i32
  }
  func.func @transform_8(%arg0: i32) -> (i32, i32) {
    %c0_i32 = arith.constant 0 : i32
    %c0_i32_0 = arith.constant 0 : i32
    %c0_i32_1 = arith.constant 0 : i32
    return %c0_i32, %c0_i32_0 : i32, i32
  }
  func.func @transform_9(%arg0: i32) -> (i32, i32) {
    %c0_i32 = arith.constant 0 : i32
    %c0_i32_0 = arith.constant 0 : i32
    %c0_i32_1 = arith.constant 0 : i32
    return %c0_i32, %c0_i32_0 : i32, i32
  }
  func.func @transform_10(%arg0: i32) -> (i32, i32) {
    %c0_i32 = arith.constant 0 : i32
    %c0_i32_0 = arith.constant 0 : i32
    %c0_i32_1 = arith.constant 0 : i32
    return %c0_i32, %c0_i32_0 : i32, i32
  }
  func.func @transform_11(%arg0: i32) -> (i32, i32) {
    %c0_i32 = arith.constant 0 : i32
    %c0_i32_0 = arith.constant 0 : i32
    %c0_i32_1 = arith.constant 0 : i32
    return %c0_i32, %c0_i32_0 : i32, i32
  }
  func.func @transform_12(%arg0: i32) -> (i32, i32) {
    %c0_i32 = arith.constant 0 : i32
    %c0_i32_0 = arith.constant 0 : i32
    return %arg0, %c0_i32 : i32, i32
  }
  func.func @transform_13(%arg0: i32) -> (i32, i32) {
    %c0_i32 = arith.constant 0 : i32
    %c0_i32_0 = arith.constant 0 : i32
    %c0_i32_1 = arith.constant 0 : i32
    return %c0_i32, %c0_i32_0 : i32, i32
  }
}

</mosaic_0001>

<sc_bundles>
// kernel: kernel.11.cloned.1.call-start
scs
__scs_entry_jumppad:
0x0: {  	(pc) =	sbr.rel $0x88, $3  }
0x1: {  	(tag) =	ssettag $0x0;
	lr =	simm.s32 $0x1  }
0x2: {  	[smem:$0x3F8A] =	sst lr;
	_ =	strace $0xD0000000  }
0x3: {  	_ = 	snop  }
0x4: {  	_ = 	snop  }
0x5: {  	_ = 	snop  }
0x6: {  	_ = 	snop  }
0x7: {  	_ = 	snop  }
__scs_overlays_trampoline_lowered:
0x8: {  	[smem:$0x3F99] =	sst s0  }
0x9: {  	[smem:$0x3F9A] =	sst s1  }
0xa: {  	[smem:$0x3F9B] =	sst s2  }
0xb: {  	[smem:$0x3F9C] =	sst s3  }
0xc: {  	[smem:$0x3F9D] =	sst s4  }
0xd: {  	[smem:$0x3F9E] =	sst s5  }
0xe: {  	[smem:$0x3F9F] =	sst s6  }
0xf: {  	[smem:$0x3FA0] =	sst s7  }
0x10: {  	[smem:$0x3FA1] =	sst s8  }
0x11: {  	[smem:$0x3FA2] =	sst s9;
	s0 =	simm.s32 @!p0 $0x0  }
0x12: {  	s1 =	sld [smem:$0x3F88];
	s0 =	simm.s32 @p0 $0x1  }
0x13: {  	[smem:$0x3FA3] =	sst s0;
	s0 =	simm.s32 @!p1 $0x0  }
0x14: {  	s2 =	sld [smem:$0x3F87];
	s0 =	simm.s32 @p1 $0x1  }
0x15: {  	[smem:$0x3FA4] =	sst s0;
	s0 =	simm.s32 @!p2 $0x0  }
0x16: {  	s3 =	sld [smem:$0x3FDB];
	s0 =	simm.s32 @p2 $0x1  }
0x17: {  	s4 =	simm.s32 $0x1BF5;
	[smem:$0x3FA6] =	sst s0  }
0x18: {  	s0 =	sld [smem:$0x3F89];
	_ =	swait.ge [sflag:s4], $0x0  }
0x19: {  	s7 =	sld [smem:$0x3F8A]  }
0x1a: {  	s8 =	sadd.s32 $0xFFFFE003, lr  }
0x1b: {  	s9 =	sadd.s32 $0xFFFFFEF7, lr;
	s5 =	simm.s32 $0xFFFFFFFF;
	p2 =	slt.u32 s8, $0xFFFFF086  }
0x1c: {  	p1 =	slt.u32 s9, $0xF7A;
	s5 =	simm.s32 @!p2 $0x0  }
0x1d: {  	s5 =	simm.s32 @p1 $0x1;
	p0 =	seq.s32 s7, s2  }
0x1e: {  	s7 =	smul.u32 @!p0 $0xF7A, s2;
	p2 =	seq.s32 @!p0 s5, $0x0  }
0x1f: {  	s9 =	smul.u32 $0xF7A, s1;
	s8 =	simm.s32 @!p0 $0x1BF5;
	p2 =	por !p2, p0  }
0x20: {  	[sflag:s8] =	ssyncset.s32 @!p0 $0xFFFFF086;
	s6 =	sadd.s32 @!p0 s3, s7;
	s7 =	simm.s32 @!p0 $0x108  }
0x21: {  	s3 =	sadd.s32 s3, s9;
	s6 =	sadd.s32 @!p0 $0x88, s6;
	s7 =	simm.s32 @p2 $0x1082  }
0x22: {  	[simem:s7], [sflag:s8] =	dma.local @!p0 [hbm:s6], $0xF7A  }
0x23: {  	s9 =	sor.u32 $0xD0000000, s2;
	s6 =	simm.s32 $0x108;
	_ =	swait.ge @!p0 [sflag:s8], $0x0  }
0x24: {  	s3 =	sadd.s32 $0x88, s3;
	s6 =	simm.s32 @!p1 $0x1082;
	[sflag:s4] =	ssyncset.s32 $0xFFFFF086  }
0x25: {  	[simem:s6], [sflag:s4] =	dma.local [hbm:s3], $0xF7A  }
0x26: {  	[smem:$0x3F8A] =	sst s1;
	(tag) =	ssettag s2;
	_ =	strace s9  }
0x27: {  	s1 =	sld [smem:$0x3F9A]  }
0x28: {  	s2 =	sld [smem:$0x3F9B]  }
0x29: {  	s4 =	sld [smem:$0x3F9D]  }
0x2a: {  	p0 =	seq.s32 s5, $0x0;
	s5 =	sld [smem:$0x3F9E]  }
0x2b: {  	s6 =	sld [smem:$0x3F9F]  }
0x2c: {  	s7 =	sld [smem:$0x3FA0]  }
0x2d: {  	s3 =	simm.s32 $0x108;
	s8 =	sld [smem:$0x3FA1]  }
0x2e: {  	s3 =	simm.s32 @!p0 $0x1082;
	s9 =	sld [smem:$0x3FA2]  }
0x2f: {  	lr =	sadd.s32 s0, s3;
	s0 =	sld [smem:$0x3F99]  }
0x30: {  	s3 =	sld [smem:$0x3F9C]  }
0x31: {  	[smem:$0x3FA5] =	sst s10  }
0x32: {  	s10 =	sld [smem:$0x3FA3];
	_ =	sdelay $0x3  }
0x33: {  	p0 =	seq.s32 s10, $0x1;
	s10 =	sld [smem:$0x3FA5];
	_ =	sdelay $0x3  }
0x34: {  	[smem:$0x3FA5] =	sst s10  }
0x35: {  	s10 =	sld [smem:$0x3FA4];
	_ =	sdelay $0x3  }
0x36: {  	p1 =	seq.s32 s10, $0x1;
	s10 =	sld [smem:$0x3FA5];
	_ =	sdelay $0x3  }
0x37: {  	[smem:$0x3FA5] =	sst s10  }
0x38: {  	s10 =	sld [smem:$0x3FA6]  }
0x39: {  	_ = 	snop;
	(pc) =	sbr.ind lr, $3  }
0x3a: {  	_ = 	snop  }
0x3b: {  	_ = 	snop  }
0x3c: {  	p2 =	seq.s32 s10, $0x1;
	s10 =	sld [smem:$0x3FA5]  }
0x3d: {  	_ =	shalt  }
0x3e: {  	_ =	shalt  }
0x3f: {  	_ =	shalt  }
0x40: {  	_ =	shalt  }
0x41: {  	_ =	shalt  }
0x42: {  	_ =	shalt  }
0x43: {  	_ =	shalt  }
0x44: {  	_ =	shalt  }
0x45: {  	_ =	shalt  }
0x46: {  	_ =	shalt  }
0x47: {  	_ =	shalt  }
0x48: {  	_ =	shalt  }
0x49: {  	_ =	shalt  }
0x4a: {  	_ =	shalt  }
0x4b: {  	_ =	shalt  }
0x4c: {  	_ =	shalt  }
0x4d: {  	_ =	shalt  }
0x4e: {  	_ =	shalt  }
0x4f: {  	_ =	shalt  }
0x50: {  	_ =	shalt  }
0x51: {  	_ =	shalt  }
0x52: {  	_ =	shalt  }
0x53: {  	_ =	shalt  }
0x54: {  	_ =	shalt  }
0x55: {  	_ =	shalt  }
0x56: {  	_ =	shalt  }
0x57: {  	_ =	shalt  }
0x58: {  	_ =	shalt  }
0x59: {  	_ =	shalt  }
0x5a: {  	_ =	shalt  }
0x5b: {  	_ =	shalt  }
0x5c: {  	_ =	shalt  }
0x5d: {  	_ =	shalt  }
0x5e: {  	_ =	shalt  }
0x5f: {  	_ =	shalt  }
0x60: {  	_ =	shalt  }
0x61: {  	_ =	shalt  }
0x62: {  	_ =	shalt  }
0x63: {  	_ =	shalt  }
0x64: {  	_ =	shalt  }
0x65: {  	_ =	shalt  }
0x66: {  	_ =	shalt  }
0x67: {  	_ =	shalt  }
0x68: {  	_ =	shalt  }
0x69: {  	_ =	shalt  }
0x6a: {  	_ =	shalt  }
0x6b: {  	_ =	shalt  }
0x6c: {  	_ =	shalt  }
0x6d: {  	_ =	shalt  }
0x6e: {  	_ =	shalt  }
0x6f: {  	_ =	shalt  }
0x70: {  	_ =	shalt  }
0x71: {  	_ =	shalt  }
0x72: {  	_ =	shalt  }
0x73: {  	_ =	shalt  }
0x74: {  	_ =	shalt  }
0x75: {  	_ =	shalt  }
0x76: {  	_ =	shalt  }
0x77: {  	_ =	shalt  }
0x78: {  	_ =	shalt  }
0x79: {  	_ =	shalt  }
0x7a: {  	_ =	shalt  }
0x7b: {  	_ =	shalt  }
0x7c: {  	_ =	shalt  }
0x7d: {  	_ =	shalt  }
0x7e: {  	_ =	shalt  }
0x7f: {  	_ =	shalt  }
0x80: {  	_ =	shalt  }
0x81: {  	_ =	shalt  }
0x82: {  	_ =	shalt  }
0x83: {  	_ =	shalt  }
0x84: {  	_ =	shalt  }
0x85: {  	_ =	shalt  }
0x86: {  	_ =	shalt  }
0x87: {  	_ =	shalt  }
.Lfunc_end0:
.L_simem_size_0:
called_computation.1_lowered:
.L_overlay_start_0:
0x88: {  	s2 =	sld [smem:$0x3FD9]  }
0x89: {  	s3 =	sld [smem:$0x3FFE];
	_ =	sdelay $0x1  }
0x8a: {  	s1 =	srdreg.scid  }
0x8b: {  	s0 =	sand.u32 $0x1, s1  }
0x8c: {  	s14 =	sshll.u32 s0, $0xA;
	s2 =	sadd.s32 s3, s2  }
0x8d: {  	s2 =	sadd.s32 s2, s14  }
0x8e: {  	[smem:$0x3FB1] =	sst s2  }
0x8f: {  	_ = 	snop  }
0x90: {  	s2 =	sld [smem:$0x3FD0];
	_ =	sdelay $0x2  }
0x91: {  	s15 =	simm.s32 $0xA;
	s4 =	simm.s32 $0x10  }
0x92: {  	[smem:s4], [sflag:s15] =	dma.local [hbm:s2], $0x1  }
0x93: {  	_ =	swait.eq [sflag:s15], $0x1  }
0x94: {  	[sflag:s15] =	ssyncset.done $0x0  }
0x95: {  	[sflag:s15] =	ssyncadd.s32 $0xFFFFFFFF  }
0x96: {  	s16 =	sld [smem:$0x10];
	(tm) =	ssettm $0x1  }
0x97: {  	s17 =	sld [smem:$0x3FFB];
	_ =	sdelay $0x3  }
0x98: {  	_ =	strace s17  }
0x99: {  	s3 =	sld [smem:$0x3FFC];
	_ =	sdelay $0x3  }
0x9a: {  	_ =	strace s3  }
0x9b: {  	s3 =	sld [smem:$0x3FFD];
	_ =	sdelay $0x3  }
0x9c: {  	_ =	strace s3  }
0x9d: {  	_ =	strace $0x8FFFFFFF  }
0x9e: {  	s18 =	sld [smem:$0x3FDB];
	_ =	sdelay $0x1  }
0x9f: {  	s19 =	simm.s32 $_scs_section_size  }
0xa0: {  	s5 =	simm.s32 $_size__tile_overlayer_lowered;
	s6 =	simm.s32 $_tile_overlayer_lowered  }
0xa1: {  	s22 =	simm.s32 $0x1BFF;
	s21 =	sshll.u32 s6, $0x1;
	s3 =	sadd.s32 s19, s18  }
0xa2: {  	s7 =	simm.s32 $0x0;
	s20 =	sshll.u32 s5, $0x1;
	s5 =	sadd.s32 s21, s3  }
0xa3: {  	[timem:s7], [sflag:s22] =	dma.local [hbm:s5], s20  }
0xa4: {  	_ =	swait.ge [sflag:s22], s20  }
0xa5: {  	s4 =	ssub.s32 $0x0, s20;
	[sflag:s22] =	ssyncset.done $0x0  }
0xa6: {  	[sflag:s22] =	ssyncadd.s32 s4;
	_ =	sdelay $0x1  }
0xa7: {  	s23 =	simm.s32 $0x1B8B  }
0xa8: {  	_ =	swait.ge [sflag:s23], $0x1  }
0xa9: {  	[sflag:s23] =	ssyncset.done $0x0  }
0xaa: {  	s25 =	simm.s32 $0x1B8E;
	s24 =	sld [smem:$0x3FFE];
	[sflag:s23] =	ssyncadd.s32 $0xFFFFFFFF  }
0xab: {  	s26 =	simm.s32 $execute0_lowered;
	[smem:$0x3FD2] =	sst s25  }
0xac: {  	s5 =	sshll.u32 s26, $0x1;
	_ =	strace $0x80000049;
	[dreg:$0x1] =	wrdreg $0xFFFFFFFF  }
0xad: {  	s28 =	simm.s32 $_size_execute0_lowered;
	s3 =	sadd.s32 s3, s5;
	[dreg:$0x0] =	wrdreg $0x0  }
0xae: {  	s5 =	sshll.u32 s28, $0x1;
	[dreg:$0x2] =	wrdreg s3  }
0xaf: {  	[dreg:$0x3] =	wrdreg s5  }
0xb0: {  	[dreg:$0x4] =	wrdreg $0xC0  }
0xb1: {  	_ =	task [dreg:s7], $0x5FFFF  }
0xb2: {  	[dreg:$0x1] =	wrdreg $0xFFFFFFFF  }
0xb3: {  	[dreg:$0x0] =	wrdreg $0x60  }
0xb4: {  	[dreg:$0x2] =	wrdreg s16  }
0xb5: {  	[dreg:$0x3] =	wrdreg s24  }
0xb6: {  	[dreg:$0x4] =	wrdreg $0xA0000  }
0xb7: {  	[dreg:$0x5] =	wrdreg $0x9  }
0xb8: {  	_ =	task.clear_ibuf [dreg:s7], $0x6FFFF;
	_ =	strace $0x90000049  }
0xb9: {  	s29 =	simm.s32 $0x9;
	_ =	strace $0x8000004B  }
0xba: {  	_ =	swait.ge [sflag:s29], $0x1  }
0xbb: {  	[sflag:s29] =	ssyncadd.s32 $0xFFFFFFFF  }
0xbc: {  	_ =	strace $0x9000004B  }
0xbd: {  	_ =	sfence  }
0xbe: {  	s30 =	sld [smem:$0x0];
	_ =	sdelay $0x2  }
0xbf: {  	s31 =	sshll.u32 s1, $0xD;
	s1 =	sshrl.u32 s1, $0x2  }
0xc0: {  	s3 =	sand.u32 $0x4000, s31;
	s1 =	sadd.s32 s1, s30  }
0xc1: {  	s0 =	sor.u32 s3, s0;
	s1 =	sshll.u32 s1, $0x11  }
0xc2: {  	s0 =	sor.u32 s1, s0  }
0xc3: {  	s0 =	sadd.s32 $0x8F2B, s0  }
0xc4: {  	[sflag:s0] =	ssyncadd.remote.s32 $0x1  }
0xc5: {  	_ =	sfence.sel $0xFFFF  }
0xc6: {  	[dreg:$0x0] =	wrdreg $0xFFFFFFFF;
	(pc) =	sbr.abs _section_cstart, $3  }
0xc7: {  	[dreg:$0x1] =	wrdreg $0xFFFFFFFF  }
0xc8: {  	_ =	task.clear_ibuf [dreg:s7], $0x2FFFF;
	_ =	strace $0x9FFFFFFF  }
0xc9: {  	(tm) =	ssettm $0x7FFFFFFF  }
tec
execute0_lowered:
.L_overlay_start_1:
0x0: {  	(tag) =	ssettag $0x1  }
0x1: {  	s1 =	rddreg [dreg:$0x0]  }
0x2: {  	s0 =	rddreg [dreg:$0x1]  }
0x3: {  	s2 =	rddreg [dreg:$0x2];
	s3 =	simm.s32 $0x0;
	s4 =	srdreg.scid  }
0x4: {  	s18 =	stileid.u32;
	s20 =	simm.s32 $0x2000;
	s28 =	simm.s32 $0x8000  }
0x5: {  	s29 =	simm.s32 $0x1;
	s30 =	simm.s32 $0x2;
	s6 =	smul.u32 $0x4F000, s18  }
0x6: {  	s31 =	simm.s32 $0x3;
	[smem:$0x7FF] =	sst s3;
	s16 =	smul.u32 $0xA000, s18  }
0x7: {  	s4 =	sand.u32 $0x1, s4;
	s22 =	sshll.u32 s18, $0x1;
	s18 =	smul.u32 $0x2780, s18  }
0x8: {  	s8 =	sadd.s32 $0x4800, s0;
	s7 =	sadd.s32 $0x18800, s0;
	s5 =	smul.u32 $0x27800, s4  }
0x9: {  	_ =	strace $0x8000004A;
	s9 =	ssub.s32 $0x2, s4;
	s21 =	sshrl.u32 s6, $0x2  }
0xa: {  	s10 =	sshrl.u32 s9, $0x1;
	s6 =	sor.u32 s4, s22;
	s4 =	smul.u32 $0x5000, s4  }
0xb: {  	s22 =	simm.s32 $0x0;
	s0 =	sadd.s32 s5, s0;
	s5 =	sadd.s32 s21, s2  }
0xc: {  	s17 =	ssub.s32 s9, s10;
	s6 =	smul.u32 $0xA00, s6;
	s21 =	simm.s32 $0x6  }
0xd: {  	s23 =	sadd.s32 $0x2000, s5;
	s24 =	sadd.s32 $0x4000, s5;
	s25 =	sadd.s32 $0x6000, s5  }
0xe: {  	s26 =	sadd.s32 $0x8000, s5;
	s10 =	sadd.s32 $0xA000, s5;
	s11 =	sadd.s32 $0xC000, s5  }
0xf: {  	s12 =	sadd.s32 $0xE000, s5;
	s13 =	sadd.s32 $0x10000, s5;
	[dreg:$0x4] =	wrdreg s23  }
0x10: {  	s14 =	sadd.s32 $0x12000, s5;
	s4 =	sadd.s32 s4, s16;
	[dreg:$0x5] =	wrdreg s24  }
0x11: {  	s0 =	sadd.s32 $0x2C800, s0;
	s17 =	smax.u32 s17, $0x1;
	[dreg:$0x6] =	wrdreg s25  }
0x12: {  	[dreg:$0x7] =	wrdreg s26;
	s15 =	sadd.s32 s8, s6;
	s16 =	sadd.s32 s7, s6  }
0x13: {  	s4 =	sor.u32 $0x800, s4;
	s23 =	simm.s32 $0x40;
	s24 =	sadd.s32 s18, s0  }
0x14: {  	s25 =	simm.s32 $0x4000;
	s26 =	simm.s32 $0x6000;
	s4 =	sshrl.u32 s4, $0x3  }
0x15: {  	v0 =	vimm.f32 $0.0e+00;
	s0 =	simm.s32 $0x4;
	s7 =	sadd.s32 s4, s7;
	s6 =	sadd.s32 s4, s8  }
.LBB2_1:
0x16: {  	s4 =	simm.s32 $0x0;
	s8 =	simm.s32 $0x200  }
.LBB2_2:
0x17: {  	p0 =	sne.s32 s8, $0x7E00;
	[tilespmem:s4+$0x2070] =	vst v0  }
0x18: {  	[tilespmem:s4+$0x2000] =	vst v0  }
0x19: {  	[tilespmem:s4+$0x2010] =	vst v0  }
.Ltmp0:
0x1a: {  	[tilespmem:s4+$0x2020] =	vst v0;
	(pc) =	sbr.rel @p0 .LBB2_2-.Ltmp0, $4  }
0x1b: {  	[tilespmem:s4+$0x2030] =	vst v0  }
0x1c: {  	[tilespmem:s4+$0x2040] =	vst v0  }
0x1d: {  	[tilespmem:s4+$0x2050] =	vst v0  }
0x1e: {  	[tilespmem:s4+$0x2060] =	vst v0;
	s4 =	sshra.s32 s8, $0x2;
	s8 =	sadd.s32 $0x200, s8  }
0x1f: {  	[tilespmem:s4+$0x2070] =	vst v0  }
0x20: {  	[tilespmem:s4+$0x2000] =	vst v0  }
0x21: {  	[tilespmem:s4+$0x2010] =	vst v0  }
0x22: {  	[tilespmem:s4+$0x2020] =	vst v0  }
0x23: {  	[tilespmem:s4+$0x2030] =	vst v0  }
0x24: {  	[tilespmem:s4+$0x2040] =	vst v0  }
0x25: {  	[tilespmem:s4+$0x2050] =	vst v0  }
0x26: {  	[tilespmem:s4+$0x2060] =	vst v0  }
0x27: {  	[spmem:s5] =	stream.linear.scatter [tilespmem:s20], [sflag:$0x6], $0x2000, $0x38;
	[tilespmem:$0x1DC00] =	vst v63  }
0x28: {  	_ =	swait.ge [sflag:s21], $0x2000  }
0x29: {  	[sflag:s21] =	ssyncset.done $0x0  }
0x2a: {  	s19 =	rddreg [dreg:$0x4];
	[sflag:s21] =	ssyncadd.s32 $0xFFFFE000  }
0x2b: {  	[spmem:s19] =	stream.linear.scatter [tilespmem:s20], [sflag:$0x6], $0x2000, $0x38;
	[tilespmem:$0x1DC00] =	vst v63  }
0x2c: {  	_ =	swait.ge [sflag:s21], $0x2000  }
0x2d: {  	[sflag:s21] =	ssyncset.done $0x0  }
0x2e: {  	s8 =	rddreg [dreg:$0x5];
	[sflag:s21] =	ssyncadd.s32 $0xFFFFE000  }
0x2f: {  	[spmem:s8] =	stream.linear.scatter [tilespmem:s20], [sflag:$0x6], $0x2000, $0x38;
	[tilespmem:$0x1DC00] =	vst v63  }
0x30: {  	_ =	swait.ge [sflag:s21], $0x2000  }
0x31: {  	[sflag:s21] =	ssyncset.done $0x0  }
0x32: {  	s9 =	rddreg [dreg:$0x6];
	[sflag:s21] =	ssyncadd.s32 $0xFFFFE000  }
0x33: {  	[spmem:s9] =	stream.linear.scatter [tilespmem:s20], [sflag:$0x6], $0x2000, $0x38;
	[tilespmem:$0x1DC00] =	vst v63  }
0x34: {  	_ =	swait.ge [sflag:s21], $0x2000  }
0x35: {  	[sflag:s21] =	ssyncset.done $0x0  }
0x36: {  	s18 =	rddreg [dreg:$0x7];
	[sflag:s21] =	ssyncadd.s32 $0xFFFFE000  }
0x37: {  	[spmem:s18] =	stream.linear.scatter [tilespmem:s20], [sflag:$0x6], $0x2000, $0x38;
	[tilespmem:$0x1DC00] =	vst v63  }
0x38: {  	_ =	swait.ge [sflag:s21], $0x2000  }
0x39: {  	[sflag:s21] =	ssyncset.done $0x0  }
0x3a: {  	[sflag:s21] =	ssyncadd.s32 $0xFFFFE000  }
0x3b: {  	[spmem:s10] =	stream.linear.scatter [tilespmem:s20], [sflag:$0x6], $0x2000, $0x38;
	[tilespmem:$0x1DC00] =	vst v63  }
0x3c: {  	_ =	swait.ge [sflag:s21], $0x2000  }
0x3d: {  	[sflag:s21] =	ssyncset.done $0x0  }
0x3e: {  	[sflag:s21] =	ssyncadd.s32 $0xFFFFE000  }
0x3f: {  	[spmem:s11] =	stream.linear.scatter [tilespmem:s20], [sflag:$0x6], $0x2000, $0x38;
	[tilespmem:$0x1DC00] =	vst v63  }
0x40: {  	_ =	swait.ge [sflag:s21], $0x2000  }
0x41: {  	[sflag:s21] =	ssyncset.done $0x0  }
0x42: {  	[sflag:s21] =	ssyncadd.s32 $0xFFFFE000  }
0x43: {  	[spmem:s12] =	stream.linear.scatter [tilespmem:s20], [sflag:$0x6], $0x2000, $0x38;
	[tilespmem:$0x1DC00] =	vst v63  }
0x44: {  	_ =	swait.ge [sflag:s21], $0x2000  }
0x45: {  	[sflag:s21] =	ssyncset.done $0x0  }
0x46: {  	[sflag:s21] =	ssyncadd.s32 $0xFFFFE000  }
0x47: {  	[spmem:s13] =	stream.linear.scatter [tilespmem:s20], [sflag:$0x6], $0x2000, $0x38;
	[tilespmem:$0x1DC00] =	vst v63  }
0x48: {  	_ =	swait.ge [sflag:s21], $0x2000  }
0x49: {  	[sflag:s21] =	ssyncset.done $0x0  }
0x4a: {  	[sflag:s21] =	ssyncadd.s32 $0xFFFFE000  }
0x4b: {  	[spmem:s14] =	stream.linear.scatter [tilespmem:s20], [sflag:$0x6], $0x1C00, $0x38;
	[tilespmem:$0x1DC00] =	vst v63  }
0x4c: {  	_ =	swait.ge [sflag:s21], $0x1C00  }
0x4d: {  	[sflag:s21] =	ssyncset.done $0x0  }
0x4e: {  	[sflag:s21] =	ssyncadd.s32 $0xFFFFE400  }
0x4f: {  	[bflag:$0x0] =	sbarrier.arrive $0xFFFF  }
0x50: {  	[tilespmem:s3], [sflag:$0x6] =	stream.linear.gather [hbm4b:s15+s3], $0x800, $0x38;
	[tilespmem:$0x1DC00] =	vst v63  }
0x51: {  	_ =	swait.ge [sflag:s21], $0x800  }
0x52: {  	[sflag:s21] =	ssyncset.done $0x0  }
0x53: {  	s19 =	simm.s32 $0x1000;
	[sflag:s21] =	ssyncadd.s32 $0xFFFFF800  }
0x54: {  	[tilespmem:s19], [sflag:$0x6] =	stream.linear.gather [hbm4b:s16+s3], $0x800, $0x38;
	[tilespmem:$0x1DC00] =	vst v63  }
0x55: {  	_ =	swait.ge [sflag:s21], $0x800  }
0x56: {  	s4 =	simm.s32 $0x800;
	[sflag:s21] =	ssyncset.done $0x0  }
0x57: {  	s18 =	smov.u32 s7;
	s19 =	smov.u32 s6;
	[sflag:s21] =	ssyncadd.s32 $0xFFFFF800  }
.LBB2_4:
0x58: {  	p0 =	seq.s32 s4, $0x800  }
0x59: {  	s8 =	simm.s32 @!p0 $0x5  }
0x5a: {  	_ =	swait.ge @!p0 [sflag:s8], $0x800  }
0x5b: {  	[sflag:s8] =	ssyncset.done @!p0 $0x0  }
0x5c: {  	[sflag:s8] =	ssyncadd.s32 @!p0 $0xFFFFF800  }
0x5d: {  	p1 =	seq.s32 @!p0 s4, $0x5000;
	_ =	swait.ge @!p0 [sflag:s8], $0x800  }
0x5e: {  	p1 =	por p0, !p1;
	[sflag:s8] =	ssyncset.done @!p0 $0x0  }
0x5f: {  	[sflag:s8] =	ssyncadd.s32 @!p0 $0xFFFFF800;
	s8 =	sand.u32 @p1 $0x800, s4  }
0x60: {  	[tilespmem:s8], [sflag:$0x5] =	stream.linear.gather @p1 [hbm4b:s19+s3], $0x800, $0x38;
	[tilespmem:$0x1DC00] =	vst v63  }
0x61: {  	s9 =	sadd.s32 $0xFFFFF800, s4;
	s8 =	sor.u32 @p1 $0x1000, s8  }
0x62: {  	[tilespmem:s8], [sflag:$0x5] =	stream.linear.gather @p1 [hbm4b:s18+s3], $0x800, $0x38;
	[tilespmem:$0x1DC00] =	vst v63  }
0x63: {  	s8 =	sand.u32 $0x800, s9  }
0x64: {  	[tilespmem:s20], [sflag:$0x1] =	stream.indirect.gather [hbm4b:s1+s23], $0x80, s8, s23, $0xb8;
	[tilespmem:$0x1DC00] =	vst v63  }
0x65: {  	s9 =	sor.u32 $0x80, s8  }
0x66: {  	[tilespmem:s25], [sflag:$0x2] =	stream.indirect.gather [hbm4b:s1+s23], $0x80, s9, s23, $0xb8;
	[tilespmem:$0x1DC00] =	vst v63  }
0x67: {  	s9 =	sor.u32 $0x100, s8  }
0x68: {  	[tilespmem:s26], [sflag:$0x3] =	stream.indirect.gather [hbm4b:s1+s23], $0x80, s9, s23, $0xb8;
	[tilespmem:$0x1DC00] =	vst v63  }
0x69: {  	s9 =	sor.u32 $0x180, s8  }
0x6a: {  	[tilespmem:s28], [sflag:$0x4] =	stream.indirect.gather [hbm4b:s1+s23], $0x80, s9, s23, $0xb8;
	[tilespmem:$0x1DC00] =	vst v63  }
0x6b: {  	_ =	swait.ge [sflag:s29], $0x2000  }
0x6c: {  	[sflag:s29] =	ssyncset.done $0x0  }
0x6d: {  	s9 =	sor.u32 $0x1000, s8;
	[sflag:s29] =	ssyncadd.s32 $0xFFFFE000  }
0x6e: {  	[spmem:s2] =	stream.indirect.scatter.add.f32 [tilespmem:s20], [sflag:$0x6], $0x80, s9, s23, $0xb8;
	[tilespmem:$0x1DC00] =	vst v63  }
0x6f: {  	_ =	swait.ge [sflag:s21], $0x2000  }
0x70: {  	[sflag:s21] =	ssyncset.done $0x0  }
0x71: {  	s9 =	sor.u32 $0x200, s8;
	[sflag:s21] =	ssyncadd.s32 $0xFFFFE000  }
0x72: {  	[tilespmem:s20], [sflag:$0x1] =	stream.indirect.gather [hbm4b:s1+s23], $0x80, s9, s23, $0xb8;
	[tilespmem:$0x1DC00] =	vst v63  }
0x73: {  	_ =	swait.ge [sflag:s30], $0x2000  }
0x74: {  	[sflag:s30] =	ssyncset.done $0x0  }
0x75: {  	s9 =	sor.u32 $0x1080, s8;
	[sflag:s30] =	ssyncadd.s32 $0xFFFFE000  }
0x76: {  	[spmem:s2] =	stream.indirect.scatter.add.f32 [tilespmem:s25], [sflag:$0x6], $0x80, s9, s23, $0xb8;
	[tilespmem:$0x1DC00] =	vst v63  }
0x77: {  	_ =	swait.ge [sflag:s21], $0x2000  }
0x78: {  	[sflag:s21] =	ssyncset.done $0x0  }
0x79: {  	s9 =	sor.u32 $0x280, s8;
	[sflag:s21] =	ssyncadd.s32 $0xFFFFE000  }
0x7a: {  	[tilespmem:s25], [sflag:$0x2] =	stream.indirect.gather [hbm4b:s1+s23], $0x80, s9, s23, $0xb8;
	[tilespmem:$0x1DC00] =	vst v63  }
0x7b: {  	_ =	swait.ge [sflag:s31], $0x2000  }
0x7c: {  	[sflag:s31] =	ssyncset.done $0x0  }
0x7d: {  	s9 =	sor.u32 $0x1100, s8;
	[sflag:s31] =	ssyncadd.s32 $0xFFFFE000  }
0x7e: {  	[spmem:s2] =	stream.indirect.scatter.add.f32 [tilespmem:s26], [sflag:$0x6], $0x80, s9, s23, $0xb8;
	[tilespmem:$0x1DC00] =	vst v63  }
0x7f: {  	_ =	swait.ge [sflag:s21], $0x2000  }
0x80: {  	[sflag:s21] =	ssyncset.done $0x0  }
0x81: {  	s9 =	sor.u32 $0x300, s8;
	[sflag:s21] =	ssyncadd.s32 $0xFFFFE000  }
0x82: {  	[tilespmem:s26], [sflag:$0x3] =	stream.indirect.gather [hbm4b:s1+s23], $0x80, s9, s23, $0xb8;
	[tilespmem:$0x1DC00] =	vst v63  }
0x83: {  	_ =	swait.ge [sflag:s0], $0x2000  }
0x84: {  	[sflag:s0] =	ssyncset.done $0x0  }
0x85: {  	s9 =	sor.u32 $0x1180, s8;
	[sflag:s0] =	ssyncadd.s32 $0xFFFFE000  }
0x86: {  	[spmem:s2] =	stream.indirect.scatter.add.f32 [tilespmem:s28], [sflag:$0x6], $0x80, s9, s23, $0xb8;
	[tilespmem:$0x1DC00] =	vst v63  }
0x87: {  	_ =	swait.ge [sflag:s21], $0x2000  }
0x88: {  	[sflag:s21] =	ssyncset.done $0x0  }
0x89: {  	s9 =	sor.u32 $0x380, s8;
	[sflag:s21] =	ssyncadd.s32 $0xFFFFE000  }
0x8a: {  	[tilespmem:s28], [sflag:$0x4] =	stream.indirect.gather [hbm4b:s1+s23], $0x80, s9, s23, $0xb8;
	[tilespmem:$0x1DC00] =	vst v63  }
0x8b: {  	_ =	swait.ge [sflag:s29], $0x2000  }
0x8c: {  	[sflag:s29] =	ssyncset.done $0x0  }
0x8d: {  	s9 =	sor.u32 $0x1200, s8;
	[sflag:s29] =	ssyncadd.s32 $0xFFFFE000  }
0x8e: {  	[spmem:s2] =	stream.indirect.scatter.add.f32 [tilespmem:s20], [sflag:$0x6], $0x80, s9, s23, $0xb8;
	[tilespmem:$0x1DC00] =	vst v63  }
0x8f: {  	_ =	swait.ge [sflag:s21], $0x2000  }
0x90: {  	[sflag:s21] =	ssyncset.done $0x0  }
0x91: {  	s9 =	sor.u32 $0x400, s8;
	[sflag:s21] =	ssyncadd.s32 $0xFFFFE000  }
0x92: {  	[tilespmem:s20], [sflag:$0x1] =	stream.indirect.gather [hbm4b:s1+s23], $0x80, s9, s23, $0xb8;
	[tilespmem:$0x1DC00] =	vst v63  }
0x93: {  	_ =	swait.ge [sflag:s30], $0x2000  }
0x94: {  	[sflag:s30] =	ssyncset.done $0x0  }
0x95: {  	s9 =	sor.u32 $0x1280, s8;
	[sflag:s30] =	ssyncadd.s32 $0xFFFFE000  }
0x96: {  	[spmem:s2] =	stream.indirect.scatter.add.f32 [tilespmem:s25], [sflag:$0x6], $0x80, s9, s23, $0xb8;
	[tilespmem:$0x1DC00] =	vst v63  }
0x97: {  	_ =	swait.ge [sflag:s21], $0x2000  }
0x98: {  	[sflag:s21] =	ssyncset.done $0x0  }
0x99: {  	s9 =	sor.u32 $0x480, s8;
	[sflag:s21] =	ssyncadd.s32 $0xFFFFE000  }
0x9a: {  	[tilespmem:s25], [sflag:$0x2] =	stream.indirect.gather [hbm4b:s1+s23], $0x80, s9, s23, $0xb8;
	[tilespmem:$0x1DC00] =	vst v63  }
0x9b: {  	_ =	swait.ge [sflag:s31], $0x2000  }
0x9c: {  	[sflag:s31] =	ssyncset.done $0x0  }
0x9d: {  	s9 =	sor.u32 $0x1300, s8;
	[sflag:s31] =	ssyncadd.s32 $0xFFFFE000  }
0x9e: {  	[spmem:s2] =	stream.indirect.scatter.add.f32 [tilespmem:s26], [sflag:$0x6], $0x80, s9, s23, $0xb8;
	[tilespmem:$0x1DC00] =	vst v63  }
0x9f: {  	_ =	swait.ge [sflag:s21], $0x2000  }
0xa0: {  	[sflag:s21] =	ssyncset.done $0x0  }
0xa1: {  	s9 =	sor.u32 $0x500, s8;
	[sflag:s21] =	ssyncadd.s32 $0xFFFFE000  }
0xa2: {  	[tilespmem:s26], [sflag:$0x3] =	stream.indirect.gather [hbm4b:s1+s23], $0x80, s9, s23, $0xb8;
	[tilespmem:$0x1DC00] =	vst v63  }
0xa3: {  	_ =	swait.ge [sflag:s0], $0x2000  }
0xa4: {  	[sflag:s0] =	ssyncset.done $0x0  }
0xa5: {  	s9 =	sor.u32 $0x1380, s8;
	[sflag:s0] =	ssyncadd.s32 $0xFFFFE000  }
0xa6: {  	[spmem:s2] =	stream.indirect.scatter.add.f32 [tilespmem:s28], [sflag:$0x6], $0x80, s9, s23, $0xb8;
	[tilespmem:$0x1DC00] =	vst v63  }
0xa7: {  	_ =	swait.ge [sflag:s21], $0x2000  }
0xa8: {  	[sflag:s21] =	ssyncset.done $0x0  }
0xa9: {  	s9 =	sor.u32 $0x580, s8;
	[sflag:s21] =	ssyncadd.s32 $0xFFFFE000  }
0xaa: {  	[tilespmem:s28], [sflag:$0x4] =	stream.indirect.gather [hbm4b:s1+s23], $0x80, s9, s23, $0xb8;
	[tilespmem:$0x1DC00] =	vst v63  }
0xab: {  	_ =	swait.ge [sflag:s29], $0x2000  }
0xac: {  	[sflag:s29] =	ssyncset.done $0x0  }
0xad: {  	s9 =	sor.u32 $0x1400, s8;
	[sflag:s29] =	ssyncadd.s32 $0xFFFFE000  }
0xae: {  	[spmem:s2] =	stream.indirect.scatter.add.f32 [tilespmem:s20], [sflag:$0x6], $0x80, s9, s23, $0xb8;
	[tilespmem:$0x1DC00] =	vst v63  }
0xaf: {  	_ =	swait.ge [sflag:s21], $0x2000  }
0xb0: {  	[sflag:s21] =	ssyncset.done $0x0  }
0xb1: {  	s9 =	sor.u32 $0x600, s8;
	[sflag:s21] =	ssyncadd.s32 $0xFFFFE000  }
0xb2: {  	[tilespmem:s20], [sflag:$0x1] =	stream.indirect.gather [hbm4b:s1+s23], $0x80, s9, s23, $0xb8;
	[tilespmem:$0x1DC00] =	vst v63  }
0xb3: {  	_ =	swait.ge [sflag:s30], $0x2000  }
0xb4: {  	[sflag:s30] =	ssyncset.done $0x0  }
0xb5: {  	s9 =	sor.u32 $0x1480, s8;
	[sflag:s30] =	ssyncadd.s32 $0xFFFFE000  }
0xb6: {  	[spmem:s2] =	stream.indirect.scatter.add.f32 [tilespmem:s25], [sflag:$0x6], $0x80, s9, s23, $0xb8;
	[tilespmem:$0x1DC00] =	vst v63  }
0xb7: {  	_ =	swait.ge [sflag:s21], $0x2000  }
0xb8: {  	[sflag:s21] =	ssyncset.done $0x0  }
0xb9: {  	s9 =	sor.u32 $0x680, s8;
	[sflag:s21] =	ssyncadd.s32 $0xFFFFE000  }
0xba: {  	[tilespmem:s25], [sflag:$0x2] =	stream.indirect.gather [hbm4b:s1+s23], $0x80, s9, s23, $0xb8;
	[tilespmem:$0x1DC00] =	vst v63  }
0xbb: {  	_ =	swait.ge [sflag:s31], $0x2000  }
0xbc: {  	[sflag:s31] =	ssyncset.done $0x0  }
0xbd: {  	s9 =	sor.u32 $0x1500, s8;
	[sflag:s31] =	ssyncadd.s32 $0xFFFFE000  }
0xbe: {  	[spmem:s2] =	stream.indirect.scatter.add.f32 [tilespmem:s26], [sflag:$0x6], $0x80, s9, s23, $0xb8;
	[tilespmem:$0x1DC00] =	vst v63  }
0xbf: {  	_ =	swait.ge [sflag:s21], $0x2000  }
0xc0: {  	[sflag:s21] =	ssyncset.done $0x0  }
0xc1: {  	s9 =	sor.u32 $0x700, s8;
	[sflag:s21] =	ssyncadd.s32 $0xFFFFE000  }
0xc2: {  	[tilespmem:s26], [sflag:$0x3] =	stream.indirect.gather [hbm4b:s1+s23], $0x80, s9, s23, $0xb8;
	[tilespmem:$0x1DC00] =	vst v63  }
0xc3: {  	_ =	swait.ge [sflag:s0], $0x2000  }
0xc4: {  	[sflag:s0] =	ssyncset.done $0x0  }
0xc5: {  	s9 =	sor.u32 $0x1580, s8;
	[sflag:s0] =	ssyncadd.s32 $0xFFFFE000  }
0xc6: {  	[spmem:s2] =	stream.indirect.scatter.add.f32 [tilespmem:s28], [sflag:$0x6], $0x80, s9, s23, $0xb8;
	[tilespmem:$0x1DC00] =	vst v63  }
0xc7: {  	_ =	swait.ge [sflag:s21], $0x2000  }
0xc8: {  	[sflag:s21] =	ssyncset.done $0x0  }
0xc9: {  	s9 =	sor.u32 $0x780, s8;
	[sflag:s21] =	ssyncadd.s32 $0xFFFFE000  }
0xca: {  	[tilespmem:s28], [sflag:$0x4] =	stream.indirect.gather [hbm4b:s1+s23], $0x80, s9, s23, $0xb8;
	[tilespmem:$0x1DC00] =	vst v63  }
0xcb: {  	_ =	swait.ge [sflag:s29], $0x2000  }
0xcc: {  	[sflag:s29] =	ssyncset.done $0x0  }
0xcd: {  	s9 =	sor.u32 $0x1600, s8;
	[sflag:s29] =	ssyncadd.s32 $0xFFFFE000  }
0xce: {  	[spmem:s2] =	stream.indirect.scatter.add.f32 [tilespmem:s20], [sflag:$0x6], $0x80, s9, s23, $0xb8;
	[tilespmem:$0x1DC00] =	vst v63  }
0xcf: {  	_ =	swait.ge [sflag:s21], $0x2000  }
0xd0: {  	[sflag:s21] =	ssyncset.done $0x0  }
0xd1: {  	[sflag:s21] =	ssyncadd.s32 $0xFFFFE000  }
0xd2: {  	_ =	swait.ge [sflag:s30], $0x2000  }
0xd3: {  	[sflag:s30] =	ssyncset.done $0x0  }
0xd4: {  	s9 =	sor.u32 $0x1680, s8;
	[sflag:s30] =	ssyncadd.s32 $0xFFFFE000  }
0xd5: {  	[spmem:s2] =	stream.indirect.scatter.add.f32 [tilespmem:s25], [sflag:$0x6], $0x80, s9, s23, $0xb8;
	[tilespmem:$0x1DC00] =	vst v63  }
0xd6: {  	_ =	swait.ge [sflag:s21], $0x2000  }
0xd7: {  	[sflag:s21] =	ssyncset.done $0x0  }
0xd8: {  	[sflag:s21] =	ssyncadd.s32 $0xFFFFE000  }
0xd9: {  	_ =	swait.ge [sflag:s31], $0x2000  }
0xda: {  	[sflag:s31] =	ssyncset.done $0x0  }
0xdb: {  	s9 =	sor.u32 $0x1700, s8;
	[sflag:s31] =	ssyncadd.s32 $0xFFFFE000  }
0xdc: {  	[spmem:s2] =	stream.indirect.scatter.add.f32 [tilespmem:s26], [sflag:$0x6], $0x80, s9, s23, $0xb8;
	[tilespmem:$0x1DC00] =	vst v63  }
0xdd: {  	_ =	swait.ge [sflag:s21], $0x2000  }
0xde: {  	[sflag:s21] =	ssyncset.done $0x0  }
0xdf: {  	[sflag:s21] =	ssyncadd.s32 $0xFFFFE000  }
0xe0: {  	s4 =	sadd.s32 $0x800, s4;
	_ =	swait.ge [sflag:s0], $0x2000  }
0xe1: {  	p0 =	sne.s32 s4, $0x5800;
	[sflag:s0] =	ssyncset.done $0x0  }
.Ltmp1:
0xe2: {  	s8 =	sor.u32 $0x1780, s8;
	[sflag:s0] =	ssyncadd.s32 $0xFFFFE000;
	(pc) =	sbr.rel @p0 .LBB2_4-.Ltmp1, $4  }
0xe3: {  	[spmem:s2] =	stream.indirect.scatter.add.f32 [tilespmem:s28], [sflag:$0x6], $0x80, s8, s23, $0xb8;
	[tilespmem:$0x1DC00] =	vst v63  }
0xe4: {  	_ =	swait.ge [sflag:s21], $0x2000  }
0xe5: {  	[sflag:s21] =	ssyncset.done $0x0  }
0xe6: {  	s19 =	sadd.s32 $0x100, s19;
	s18 =	sadd.s32 $0x100, s18;
	[sflag:s21] =	ssyncadd.s32 $0xFFFFE000  }
0xe7: {  	s4 =	stileid.u32;
	s22 =	sadd.s32 $0x1, s22  }
0xe8: {  	[bflag:$0x0] =	sbarrier.arrive $0xFFFF;
	s4 =	sshll.u32 s4, $0x6;
	p0 =	sne.s32 s22, s17  }
.Ltmp2:
0xe9: {  	s8 =	sshrl.u32 s5, $0x3;
	s4 =	sor.u32 $0x1C06, s4;
	(pc) =	sbr.rel @p0 .LBB2_1-.Ltmp2, $4  }
0xea: {  	[hbm:s24], [sflag:s4] =	dma.local [spmem:s8], $0x2780  }
0xeb: {  	_ =	swait.ge [sflag:s21], $0x2780  }
0xec: {  	[sflag:s21] =	ssyncset.done $0x0  }
0xed: {  	[sflag:s21] =	ssyncadd.s32 $0xFFFFD880  }
0xee: {  	_ =	sfence.sel $0x180000  }
0xef: {  	[bflag:$0x0] =	sbarrier.arrive $0xFFFF  }
0xf0: {  	_ =	strace $0x9000004A  }
0xf1: {  	s0 =	stileid.u32;
	[bflag:$0x2] =	sbarrier.arrive $0xFFFF  }
0xf2: {  	p0 =	sne.s32 s0, $0x0;
	s0 =	rddreg [dreg:$0x3]  }
0xf3: {  	s0 =	sadd.s32 @!p0 $0x100000, s0  }
0xf4: {  	[sflag:s0] =	ssyncadd.tile.s32 @!p0 $0x1;
	_ =	shalt  }
.Lfunc_end2:
_tile_overlayer_lowered:
.L_overlay_start_2:
0xf5: {  	(tag) =	ssettag $0x2  }
0xf6: {  	s0 =	rddreg [dreg:$0x0];
	s2 =	stileid.u32  }
0xf7: {  	s1 =	rddreg [dreg:$0x1];
	p0 =	sne.s32 s2, $0x0  }
0xf8: {  	s3 =	rddreg [dreg:$0x2];
	[bflag:$0x3] =	sbarrier.arrive $0xFFFF;
	s2 =	simm.s32 @!p0 $0x1C06  }
0xf9: {  	[timem:s3], [sflag:s2] =	dma.local @!p0 [hbm:s0], s1  }
0xfa: {  	s0 =	simm.s32 @!p0 $0x6  }
0xfb: {  	_ =	swait.ge @!p0 [sflag:s0], s1  }
0xfc: {  	s1 =	ssub.s32 @!p0 $0x0, s1;
	[sflag:s0] =	ssyncset.done @!p0 $0x0  }
0xfd: {  	[sflag:s0] =	ssyncadd.s32 @!p0 s1  }
0xfe: {  	[bflag:$0x3] =	sbarrier.arrive $0xFFFF  }
0xff: {  	_ =	shalt  }

// kernel: kernel.14.cloned.1.call-start
scs
__scs_entry_jumppad:
0x0: {  	(pc) =	sbr.rel $0x88, $3  }
0x1: {  	(tag) =	ssettag $0x0;
	lr =	simm.s32 $0x1  }
0x2: {  	[smem:$0x3F8A] =	sst lr;
	_ =	strace $0xD0000000  }
0x3: {  	_ = 	snop  }
0x4: {  	_ = 	snop  }
0x5: {  	_ = 	snop  }
0x6: {  	_ = 	snop  }
0x7: {  	_ = 	snop  }
__scs_overlays_trampoline_lowered:
0x8: {  	[smem:$0x3F99] =	sst s0  }
0x9: {  	[smem:$0x3F9A] =	sst s1  }
0xa: {  	[smem:$0x3F9B] =	sst s2  }
0xb: {  	[smem:$0x3F9C] =	sst s3  }
0xc: {  	[smem:$0x3F9D] =	sst s4  }
0xd: {  	[smem:$0x3F9E] =	sst s5  }
0xe: {  	[smem:$0x3F9F] =	sst s6  }
0xf: {  	[smem:$0x3FA0] =	sst s7  }
0x10: {  	[smem:$0x3FA1] =	sst s8  }
0x11: {  	[smem:$0x3FA2] =	sst s9;
	s0 =	simm.s32 @!p0 $0x0  }
0x12: {  	s1 =	sld [smem:$0x3F88];
	s0 =	simm.s32 @p0 $0x1  }
0x13: {  	[smem:$0x3FA3] =	sst s0;
	s0 =	simm.s32 @!p1 $0x0  }
0x14: {  	s2 =	sld [smem:$0x3F87];
	s0 =	simm.s32 @p1 $0x1  }
0x15: {  	[smem:$0x3FA4] =	sst s0;
	s0 =	simm.s32 @!p2 $0x0  }
0x16: {  	s3 =	sld [smem:$0x3FDB];
	s0 =	simm.s32 @p2 $0x1  }
0x17: {  	s4 =	simm.s32 $0x1BF5;
	[smem:$0x3FA6] =	sst s0  }
0x18: {  	s0 =	sld [smem:$0x3F89];
	_ =	swait.ge [sflag:s4], $0x0  }
0x19: {  	s7 =	sld [smem:$0x3F8A]  }
0x1a: {  	s8 =	sadd.s32 $0xFFFFE003, lr  }
0x1b: {  	s9 =	sadd.s32 $0xFFFFFEF7, lr;
	s5 =	simm.s32 $0xFFFFFFFF;
	p2 =	slt.u32 s8, $0xFFFFF086  }
0x1c: {  	p1 =	slt.u32 s9, $0xF7A;
	s5 =	simm.s32 @!p2 $0x0  }
0x1d: {  	s5 =	simm.s32 @p1 $0x1;
	p0 =	seq.s32 s7, s2  }
0x1e: {  	s7 =	smul.u32 @!p0 $0xF7A, s2;
	p2 =	seq.s32 @!p0 s5, $0x0  }
0x1f: {  	s9 =	smul.u32 $0xF7A, s1;
	s8 =	simm.s32 @!p0 $0x1BF5;
	p2 =	por !p2, p0  }
0x20: {  	[sflag:s8] =	ssyncset.s32 @!p0 $0xFFFFF086;
	s6 =	sadd.s32 @!p0 s3, s7;
	s7 =	simm.s32 @!p0 $0x108  }
0x21: {  	s3 =	sadd.s32 s3, s9;
	s6 =	sadd.s32 @!p0 $0x88, s6;
	s7 =	simm.s32 @p2 $0x1082  }
0x22: {  	[simem:s7], [sflag:s8] =	dma.local @!p0 [hbm:s6], $0xF7A  }
0x23: {  	s9 =	sor.u32 $0xD0000000, s2;
	s6 =	simm.s32 $0x108;
	_ =	swait.ge @!p0 [sflag:s8], $0x0  }
0x24: {  	s3 =	sadd.s32 $0x88, s3;
	s6 =	simm.s32 @!p1 $0x1082;
	[sflag:s4] =	ssyncset.s32 $0xFFFFF086  }
0x25: {  	[simem:s6], [sflag:s4] =	dma.local [hbm:s3], $0xF7A  }
0x26: {  	[smem:$0x3F8A] =	sst s1;
	(tag) =	ssettag s2;
	_ =	strace s9  }
0x27: {  	s1 =	sld [smem:$0x3F9A]  }
0x28: {  	s2 =	sld [smem:$0x3F9B]  }
0x29: {  	s4 =	sld [smem:$0x3F9D]  }
0x2a: {  	p0 =	seq.s32 s5, $0x0;
	s5 =	sld [smem:$0x3F9E]  }
0x2b: {  	s6 =	sld [smem:$0x3F9F]  }
0x2c: {  	s7 =	sld [smem:$0x3FA0]  }
0x2d: {  	s3 =	simm.s32 $0x108;
	s8 =	sld [smem:$0x3FA1]  }
0x2e: {  	s3 =	simm.s32 @!p0 $0x1082;
	s9 =	sld [smem:$0x3FA2]  }
0x2f: {  	lr =	sadd.s32 s0, s3;
	s0 =	sld [smem:$0x3F99]  }
0x30: {  	s3 =	sld [smem:$0x3F9C]  }
0x31: {  	[smem:$0x3FA5] =	sst s10  }
0x32: {  	s10 =	sld [smem:$0x3FA3];
	_ =	sdelay $0x3  }
0x33: {  	p0 =	seq.s32 s10, $0x1;
	s10 =	sld [smem:$0x3FA5];
	_ =	sdelay $0x3  }
0x34: {  	[smem:$0x3FA5] =	sst s10  }
0x35: {  	s10 =	sld [smem:$0x3FA4];
	_ =	sdelay $0x3  }
0x36: {  	p1 =	seq.s32 s10, $0x1;
	s10 =	sld [smem:$0x3FA5];
	_ =	sdelay $0x3  }
0x37: {  	[smem:$0x3FA5] =	sst s10  }
0x38: {  	s10 =	sld [smem:$0x3FA6]  }
0x39: {  	_ = 	snop;
	(pc) =	sbr.ind lr, $3  }
0x3a: {  	_ = 	snop  }
0x3b: {  	_ = 	snop  }
0x3c: {  	p2 =	seq.s32 s10, $0x1;
	s10 =	sld [smem:$0x3FA5]  }
0x3d: {  	_ =	shalt  }
0x3e: {  	_ =	shalt  }
0x3f: {  	_ =	shalt  }
0x40: {  	_ =	shalt  }
0x41: {  	_ =	shalt  }
0x42: {  	_ =	shalt  }
0x43: {  	_ =	shalt  }
0x44: {  	_ =	shalt  }
0x45: {  	_ =	shalt  }
0x46: {  	_ =	shalt  }
0x47: {  	_ =	shalt  }
0x48: {  	_ =	shalt  }
0x49: {  	_ =	shalt  }
0x4a: {  	_ =	shalt  }
0x4b: {  	_ =	shalt  }
0x4c: {  	_ =	shalt  }
0x4d: {  	_ =	shalt  }
0x4e: {  	_ =	shalt  }
0x4f: {  	_ =	shalt  }
0x50: {  	_ =	shalt  }
0x51: {  	_ =	shalt  }
0x52: {  	_ =	shalt  }
0x53: {  	_ =	shalt  }
0x54: {  	_ =	shalt  }
0x55: {  	_ =	shalt  }
0x56: {  	_ =	shalt  }
0x57: {  	_ =	shalt  }
0x58: {  	_ =	shalt  }
0x59: {  	_ =	shalt  }
0x5a: {  	_ =	shalt  }
0x5b: {  	_ =	shalt  }
0x5c: {  	_ =	shalt  }
0x5d: {  	_ =	shalt  }
0x5e: {  	_ =	shalt  }
0x5f: {  	_ =	shalt  }
0x60: {  	_ =	shalt  }
0x61: {  	_ =	shalt  }
0x62: {  	_ =	shalt  }
0x63: {  	_ =	shalt  }
0x64: {  	_ =	shalt  }
0x65: {  	_ =	shalt  }
0x66: {  	_ =	shalt  }
0x67: {  	_ =	shalt  }
0x68: {  	_ =	shalt  }
0x69: {  	_ =	shalt  }
0x6a: {  	_ =	shalt  }
0x6b: {  	_ =	shalt  }
0x6c: {  	_ =	shalt  }
0x6d: {  	_ =	shalt  }
0x6e: {  	_ =	shalt  }
0x6f: {  	_ =	shalt  }
0x70: {  	_ =	shalt  }
0x71: {  	_ =	shalt  }
0x72: {  	_ =	shalt  }
0x73: {  	_ =	shalt  }
0x74: {  	_ =	shalt  }
0x75: {  	_ =	shalt  }
0x76: {  	_ =	shalt  }
0x77: {  	_ =	shalt  }
0x78: {  	_ =	shalt  }
0x79: {  	_ =	shalt  }
0x7a: {  	_ =	shalt  }
0x7b: {  	_ =	shalt  }
0x7c: {  	_ =	shalt  }
0x7d: {  	_ =	shalt  }
0x7e: {  	_ =	shalt  }
0x7f: {  	_ =	shalt  }
0x80: {  	_ =	shalt  }
0x81: {  	_ =	shalt  }
0x82: {  	_ =	shalt  }
0x83: {  	_ =	shalt  }
0x84: {  	_ =	shalt  }
0x85: {  	_ =	shalt  }
0x86: {  	_ =	shalt  }
0x87: {  	_ =	shalt  }
.Lfunc_end0:
.L_simem_size_0:
called_computation.2_lowered:
.L_overlay_start_0:
0x88: {  	s2 =	sld [smem:$0x3FD9]  }
0x89: {  	s3 =	sld [smem:$0x3FFE];
	_ =	sdelay $0x1  }
0x8a: {  	s1 =	srdreg.scid  }
0x8b: {  	s0 =	sand.u32 $0x1, s1  }
0x8c: {  	s14 =	sshll.u32 s0, $0xA;
	s2 =	sadd.s32 s3, s2  }
0x8d: {  	s2 =	sadd.s32 s2, s14  }
0x8e: {  	[smem:$0x3FB1] =	sst s2  }
0x8f: {  	_ = 	snop  }
0x90: {  	s2 =	sld [smem:$0x3FD0];
	_ =	sdelay $0x2  }
0x91: {  	s15 =	simm.s32 $0xA;
	s4 =	simm.s32 $0x10  }
0x92: {  	[smem:s4], [sflag:s15] =	dma.local [hbm:s2], $0x1  }
0x93: {  	_ =	swait.eq [sflag:s15], $0x1  }
0x94: {  	[sflag:s15] =	ssyncset.done $0x0  }
0x95: {  	[sflag:s15] =	ssyncadd.s32 $0xFFFFFFFF  }
0x96: {  	s16 =	sld [smem:$0x10];
	(tm) =	ssettm $0x1  }
0x97: {  	s17 =	sld [smem:$0x3FFB];
	_ =	sdelay $0x3  }
0x98: {  	_ =	strace s17  }
0x99: {  	s3 =	sld [smem:$0x3FFC];
	_ =	sdelay $0x3  }
0x9a: {  	_ =	strace s3  }
0x9b: {  	s3 =	sld [smem:$0x3FFD];
	_ =	sdelay $0x3  }
0x9c: {  	_ =	strace s3  }
0x9d: {  	_ =	strace $0x8FFFFFFF  }
0x9e: {  	s18 =	sld [smem:$0x3FDB];
	_ =	sdelay $0x1  }
0x9f: {  	s19 =	simm.s32 $_scs_section_size  }
0xa0: {  	s5 =	simm.s32 $_size__tile_overlayer_lowered;
	s6 =	simm.s32 $_tile_overlayer_lowered  }
0xa1: {  	s22 =	simm.s32 $0x1BFF;
	s21 =	sshll.u32 s6, $0x1;
	s3 =	sadd.s32 s19, s18  }
0xa2: {  	s7 =	simm.s32 $0x0;
	s20 =	sshll.u32 s5, $0x1;
	s5 =	sadd.s32 s21, s3  }
0xa3: {  	[timem:s7], [sflag:s22] =	dma.local [hbm:s5], s20  }
0xa4: {  	_ =	swait.ge [sflag:s22], s20  }
0xa5: {  	s4 =	ssub.s32 $0x0, s20;
	[sflag:s22] =	ssyncset.done $0x0  }
0xa6: {  	[sflag:s22] =	ssyncadd.s32 s4;
	_ =	sdelay $0x1  }
0xa7: {  	s23 =	simm.s32 $0x1B8B  }
0xa8: {  	_ =	swait.ge [sflag:s23], $0x1  }
0xa9: {  	[sflag:s23] =	ssyncset.done $0x0  }
0xaa: {  	s25 =	simm.s32 $0x1B8E;
	s24 =	sld [smem:$0x3FFE];
	[sflag:s23] =	ssyncadd.s32 $0xFFFFFFFF  }
0xab: {  	s26 =	simm.s32 $execute0_lowered;
	[smem:$0x3FD2] =	sst s25  }
0xac: {  	s5 =	sshll.u32 s26, $0x1;
	_ =	strace $0x8000004C;
	[dreg:$0x1] =	wrdreg $0xFFFFFFFF  }
0xad: {  	s28 =	simm.s32 $_size_execute0_lowered;
	s3 =	sadd.s32 s3, s5;
	[dreg:$0x0] =	wrdreg $0x0  }
0xae: {  	s5 =	sshll.u32 s28, $0x1;
	[dreg:$0x2] =	wrdreg s3  }
0xaf: {  	[dreg:$0x3] =	wrdreg s5  }
0xb0: {  	[dreg:$0x4] =	wrdreg $0xC0  }
0xb1: {  	_ =	task [dreg:s7], $0x5FFFF  }
0xb2: {  	[dreg:$0x1] =	wrdreg $0xFFFFFFFF  }
0xb3: {  	[dreg:$0x0] =	wrdreg $0x60  }
0xb4: {  	[dreg:$0x2] =	wrdreg s16  }
0xb5: {  	[dreg:$0x3] =	wrdreg s24  }
0xb6: {  	[dreg:$0x4] =	wrdreg $0xA0000  }
0xb7: {  	[dreg:$0x5] =	wrdreg $0x9  }
0xb8: {  	_ =	task.clear_ibuf [dreg:s7], $0x6FFFF;
	_ =	strace $0x9000004C  }
0xb9: {  	s29 =	simm.s32 $0x9;
	_ =	strace $0x8000004E  }
0xba: {  	_ =	swait.ge [sflag:s29], $0x1  }
0xbb: {  	[sflag:s29] =	ssyncadd.s32 $0xFFFFFFFF  }
0xbc: {  	_ =	strace $0x9000004E  }
0xbd: {  	_ =	sfence  }
0xbe: {  	s30 =	sld [smem:$0x0];
	_ =	sdelay $0x2  }
0xbf: {  	s31 =	sshll.u32 s1, $0xD;
	s1 =	sshrl.u32 s1, $0x2  }
0xc0: {  	s3 =	sand.u32 $0x4000, s31;
	s1 =	sadd.s32 s1, s30  }
0xc1: {  	s0 =	sor.u32 s3, s0;
	s1 =	sshll.u32 s1, $0x11  }
0xc2: {  	s0 =	sor.u32 s1, s0  }
0xc3: {  	s0 =	sadd.s32 $0x8F2B, s0  }
0xc4: {  	[sflag:s0] =	ssyncadd.remote.s32 $0x1  }
0xc5: {  	_ =	sfence.sel $0xFFFF  }
0xc6: {  	[dreg:$0x0] =	wrdreg $0xFFFFFFFF;
	(pc) =	sbr.abs _section_cstart, $3  }
0xc7: {  	[dreg:$0x1] =	wrdreg $0xFFFFFFFF  }
0xc8: {  	_ =	task.clear_ibuf [dreg:s7], $0x2FFFF;
	_ =	strace $0x9FFFFFFF  }
0xc9: {  	(tm) =	ssettm $0x7FFFFFFF  }
tec
execute0_lowered:
.L_overlay_start_1:
0x0: {  	(tag) =	ssettag $0x1  }
0x1: {  	s1 =	rddreg [dreg:$0x0]  }
0x2: {  	s0 =	rddreg [dreg:$0x1]  }
0x3: {  	s2 =	rddreg [dreg:$0x2];
	s3 =	simm.s32 $0x0;
	s4 =	srdreg.scid  }
0x4: {  	s18 =	stileid.u32;
	s20 =	simm.s32 $0x2000;
	s28 =	simm.s32 $0x8000  }
0x5: {  	s29 =	simm.s32 $0x1;
	s30 =	simm.s32 $0x2;
	s6 =	smul.u32 $0x4F000, s18  }
0x6: {  	s31 =	simm.s32 $0x3;
	[smem:$0x7FF] =	sst s3;
	s16 =	smul.u32 $0xA000, s18  }
0x7: {  	s4 =	sand.u32 $0x1, s4;
	s22 =	sshll.u32 s18, $0x1;
	s18 =	smul.u32 $0x2780, s18  }
0x8: {  	s8 =	sadd.s32 $0x4800, s0;
	s7 =	sadd.s32 $0x18800, s0;
	s5 =	smul.u32 $0x27800, s4  }
0x9: {  	_ =	strace $0x8000004D;
	s9 =	ssub.s32 $0x2, s4;
	s21 =	sshrl.u32 s6, $0x2  }
0xa: {  	s10 =	sshrl.u32 s9, $0x1;
	s6 =	sor.u32 s4, s22;
	s4 =	smul.u32 $0x5000, s4  }
0xb: {  	s22 =	simm.s32 $0x0;
	s0 =	sadd.s32 s5, s0;
	s5 =	sadd.s32 s21, s2  }
0xc: {  	s17 =	ssub.s32 s9, s10;
	s6 =	smul.u32 $0xA00, s6;
	s21 =	simm.s32 $0x6  }
0xd: {  	s23 =	sadd.s32 $0x2000, s5;
	s24 =	sadd.s32 $0x4000, s5;
	s25 =	sadd.s32 $0x6000, s5  }
0xe: {  	s26 =	sadd.s32 $0x8000, s5;
	s10 =	sadd.s32 $0xA000, s5;
	s11 =	sadd.s32 $0xC000, s5  }
0xf: {  	s12 =	sadd.s32 $0xE000, s5;
	s13 =	sadd.s32 $0x10000, s5;
	[dreg:$0x4] =	wrdreg s23  }
0x10: {  	s14 =	sadd.s32 $0x12000, s5;
	s4 =	sadd.s32 s4, s16;
	[dreg:$0x5] =	wrdreg s24  }
0x11: {  	s0 =	sadd.s32 $0x2C800, s0;
	s17 =	smax.u32 s17, $0x1;
	[dreg:$0x6] =	wrdreg s25  }
0x12: {  	[dreg:$0x7] =	wrdreg s26;
	s15 =	sadd.s32 s8, s6;
	s16 =	sadd.s32 s7, s6  }
0x13: {  	s4 =	sor.u32 $0x800, s4;
	s23 =	simm.s32 $0x40;
	s24 =	sadd.s32 s18, s0  }
0x14: {  	s25 =	simm.s32 $0x4000;
	s26 =	simm.s32 $0x6000;
	s4 =	sshrl.u32 s4, $0x3  }
0x15: {  	v0 =	vimm.f32 $0.0e+00;
	s0 =	simm.s32 $0x4;
	s7 =	sadd.s32 s4, s7;
	s6 =	sadd.s32 s4, s8  }
.LBB2_1:
0x16: {  	s4 =	simm.s32 $0x0;
	s8 =	simm.s32 $0x200  }
.LBB2_2:
0x17: {  	p0 =	sne.s32 s8, $0x7E00;
	[tilespmem:s4+$0x2070] =	vst v0  }
0x18: {  	[tilespmem:s4+$0x2000] =	vst v0  }
0x19: {  	[tilespmem:s4+$0x2010] =	vst v0  }
.Ltmp0:
0x1a: {  	[tilespmem:s4+$0x2020] =	vst v0;
	(pc) =	sbr.rel @p0 .LBB2_2-.Ltmp0, $4  }
0x1b: {  	[tilespmem:s4+$0x2030] =	vst v0  }
0x1c: {  	[tilespmem:s4+$0x2040] =	vst v0  }
0x1d: {  	[tilespmem:s4+$0x2050] =	vst v0  }
0x1e: {  	[tilespmem:s4+$0x2060] =	vst v0;
	s4 =	sshra.s32 s8, $0x2;
	s8 =	sadd.s32 $0x200, s8  }
0x1f: {  	[tilespmem:s4+$0x2070] =	vst v0  }
0x20: {  	[tilespmem:s4+$0x2000] =	vst v0  }
0x21: {  	[tilespmem:s4+$0x2010] =	vst v0  }
0x22: {  	[tilespmem:s4+$0x2020] =	vst v0  }
0x23: {  	[tilespmem:s4+$0x2030] =	vst v0  }
0x24: {  	[tilespmem:s4+$0x2040] =	vst v0  }
0x25: {  	[tilespmem:s4+$0x2050] =	vst v0  }
0x26: {  	[tilespmem:s4+$0x2060] =	vst v0  }
0x27: {  	[spmem:s5] =	stream.linear.scatter [tilespmem:s20], [sflag:$0x6], $0x2000, $0x38;
	[tilespmem:$0x1DC00] =	vst v63  }
0x28: {  	_ =	swait.ge [sflag:s21], $0x2000  }
0x29: {  	[sflag:s21] =	ssyncset.done $0x0  }
0x2a: {  	s19 =	rddreg [dreg:$0x4];
	[sflag:s21] =	ssyncadd.s32 $0xFFFFE000  }
0x2b: {  	[spmem:s19] =	stream.linear.scatter [tilespmem:s20], [sflag:$0x6], $0x2000, $0x38;
	[tilespmem:$0x1DC00] =	vst v63  }
0x2c: {  	_ =	swait.ge [sflag:s21], $0x2000  }
0x2d: {  	[sflag:s21] =	ssyncset.done $0x0  }
0x2e: {  	s8 =	rddreg [dreg:$0x5];
	[sflag:s21] =	ssyncadd.s32 $0xFFFFE000  }
0x2f: {  	[spmem:s8] =	stream.linear.scatter [tilespmem:s20], [sflag:$0x6], $0x2000, $0x38;
	[tilespmem:$0x1DC00] =	vst v63  }
0x30: {  	_ =	swait.ge [sflag:s21], $0x2000  }
0x31: {  	[sflag:s21] =	ssyncset.done $0x0  }
0x32: {  	s9 =	rddreg [dreg:$0x6];
	[sflag:s21] =	ssyncadd.s32 $0xFFFFE000  }
0x33: {  	[spmem:s9] =	stream.linear.scatter [tilespmem:s20], [sflag:$0x6], $0x2000, $0x38;
	[tilespmem:$0x1DC00] =	vst v63  }
0x34: {  	_ =	swait.ge [sflag:s21], $0x2000  }
0x35: {  	[sflag:s21] =	ssyncset.done $0x0  }
0x36: {  	s18 =	rddreg [dreg:$0x7];
	[sflag:s21] =	ssyncadd.s32 $0xFFFFE000  }
0x37: {  	[spmem:s18] =	stream.linear.scatter [tilespmem:s20], [sflag:$0x6], $0x2000, $0x38;
	[tilespmem:$0x1DC00] =	vst v63  }
0x38: {  	_ =	swait.ge [sflag:s21], $0x2000  }
0x39: {  	[sflag:s21] =	ssyncset.done $0x0  }
0x3a: {  	[sflag:s21] =	ssyncadd.s32 $0xFFFFE000  }
0x3b: {  	[spmem:s10] =	stream.linear.scatter [tilespmem:s20], [sflag:$0x6], $0x2000, $0x38;
	[tilespmem:$0x1DC00] =	vst v63  }
0x3c: {  	_ =	swait.ge [sflag:s21], $0x2000  }
0x3d: {  	[sflag:s21] =	ssyncset.done $0x0  }
0x3e: {  	[sflag:s21] =	ssyncadd.s32 $0xFFFFE000  }
0x3f: {  	[spmem:s11] =	stream.linear.scatter [tilespmem:s20], [sflag:$0x6], $0x2000, $0x38;
	[tilespmem:$0x1DC00] =	vst v63  }
0x40: {  	_ =	swait.ge [sflag:s21], $0x2000  }
0x41: {  	[sflag:s21] =	ssyncset.done $0x0  }
0x42: {  	[sflag:s21] =	ssyncadd.s32 $0xFFFFE000  }
0x43: {  	[spmem:s12] =	stream.linear.scatter [tilespmem:s20], [sflag:$0x6], $0x2000, $0x38;
	[tilespmem:$0x1DC00] =	vst v63  }
0x44: {  	_ =	swait.ge [sflag:s21], $0x2000  }
0x45: {  	[sflag:s21] =	ssyncset.done $0x0  }
0x46: {  	[sflag:s21] =	ssyncadd.s32 $0xFFFFE000  }
0x47: {  	[spmem:s13] =	stream.linear.scatter [tilespmem:s20], [sflag:$0x6], $0x2000, $0x38;
	[tilespmem:$0x1DC00] =	vst v63  }
0x48: {  	_ =	swait.ge [sflag:s21], $0x2000  }
0x49: {  	[sflag:s21] =	ssyncset.done $0x0  }
0x4a: {  	[sflag:s21] =	ssyncadd.s32 $0xFFFFE000  }
0x4b: {  	[spmem:s14] =	stream.linear.scatter [tilespmem:s20], [sflag:$0x6], $0x1C00, $0x38;
	[tilespmem:$0x1DC00] =	vst v63  }
0x4c: {  	_ =	swait.ge [sflag:s21], $0x1C00  }
0x4d: {  	[sflag:s21] =	ssyncset.done $0x0  }
0x4e: {  	[sflag:s21] =	ssyncadd.s32 $0xFFFFE400  }
0x4f: {  	[bflag:$0x0] =	sbarrier.arrive $0xFFFF  }
0x50: {  	[tilespmem:s3], [sflag:$0x6] =	stream.linear.gather [hbm4b:s15+s3], $0x800, $0x38;
	[tilespmem:$0x1DC00] =	vst v63  }
0x51: {  	_ =	swait.ge [sflag:s21], $0x800  }
0x52: {  	[sflag:s21] =	ssyncset.done $0x0  }
0x53: {  	s19 =	simm.s32 $0x1000;
	[sflag:s21] =	ssyncadd.s32 $0xFFFFF800  }
0x54: {  	[tilespmem:s19], [sflag:$0x6] =	stream.linear.gather [hbm4b:s16+s3], $0x800, $0x38;
	[tilespmem:$0x1DC00] =	vst v63  }
0x55: {  	_ =	swait.ge [sflag:s21], $0x800  }
0x56: {  	s4 =	simm.s32 $0x800;
	[sflag:s21] =	ssyncset.done $0x0  }
0x57: {  	s18 =	smov.u32 s7;
	s19 =	smov.u32 s6;
	[sflag:s21] =	ssyncadd.s32 $0xFFFFF800  }
.LBB2_4:
0x58: {  	p0 =	seq.s32 s4, $0x800  }
0x59: {  	s8 =	simm.s32 @!p0 $0x5  }
0x5a: {  	_ =	swait.ge @!p0 [sflag:s8], $0x800  }
0x5b: {  	[sflag:s8] =	ssyncset.done @!p0 $0x0  }
0x5c: {  	[sflag:s8] =	ssyncadd.s32 @!p0 $0xFFFFF800  }
0x5d: {  	p1 =	seq.s32 @!p0 s4, $0x5000;
	_ =	swait.ge @!p0 [sflag:s8], $0x800  }
0x5e: {  	p1 =	por p0, !p1;
	[sflag:s8] =	ssyncset.done @!p0 $0x0  }
0x5f: {  	[sflag:s8] =	ssyncadd.s32 @!p0 $0xFFFFF800;
	s8 =	sand.u32 @p1 $0x800, s4  }
0x60: {  	[tilespmem:s8], [sflag:$0x5] =	stream.linear.gather @p1 [hbm4b:s19+s3], $0x800, $0x38;
	[tilespmem:$0x1DC00] =	vst v63  }
0x61: {  	s9 =	sadd.s32 $0xFFFFF800, s4;
	s8 =	sor.u32 @p1 $0x1000, s8  }
0x62: {  	[tilespmem:s8], [sflag:$0x5] =	stream.linear.gather @p1 [hbm4b:s18+s3], $0x800, $0x38;
	[tilespmem:$0x1DC00] =	vst v63  }
0x63: {  	s8 =	sand.u32 $0x800, s9  }
0x64: {  	[tilespmem:s20], [sflag:$0x1] =	stream.indirect.gather [hbm4b:s1+s23], $0x80, s8, s23, $0xb8;
	[tilespmem:$0x1DC00] =	vst v63  }
0x65: {  	s9 =	sor.u32 $0x80, s8  }
0x66: {  	[tilespmem:s25], [sflag:$0x2] =	stream.indirect.gather [hbm4b:s1+s23], $0x80, s9, s23, $0xb8;
	[tilespmem:$0x1DC00] =	vst v63  }
0x67: {  	s9 =	sor.u32 $0x100, s8  }
0x68: {  	[tilespmem:s26], [sflag:$0x3] =	stream.indirect.gather [hbm4b:s1+s23], $0x80, s9, s23, $0xb8;
	[tilespmem:$0x1DC00] =	vst v63  }
0x69: {  	s9 =	sor.u32 $0x180, s8  }
0x6a: {  	[tilespmem:s28], [sflag:$0x4] =	stream.indirect.gather [hbm4b:s1+s23], $0x80, s9, s23, $0xb8;
	[tilespmem:$0x1DC00] =	vst v63  }
0x6b: {  	_ =	swait.ge [sflag:s29], $0x2000  }
0x6c: {  	[sflag:s29] =	ssyncset.done $0x0  }
0x6d: {  	s9 =	sor.u32 $0x1000, s8;
	[sflag:s29] =	ssyncadd.s32 $0xFFFFE000  }
0x6e: {  	[spmem:s2] =	stream.indirect.scatter.add.f32 [tilespmem:s20], [sflag:$0x6], $0x80, s9, s23, $0xb8;
	[tilespmem:$0x1DC00] =	vst v63  }
0x6f: {  	_ =	swait.ge [sflag:s21], $0x2000  }
0x70: {  	[sflag:s21] =	ssyncset.done $0x0  }
0x71: {  	s9 =	sor.u32 $0x200, s8;
	[sflag:s21] =	ssyncadd.s32 $0xFFFFE000  }
0x72: {  	[tilespmem:s20], [sflag:$0x1] =	stream.indirect.gather [hbm4b:s1+s23], $0x80, s9, s23, $0xb8;
	[tilespmem:$0x1DC00] =	vst v63  }
0x73: {  	_ =	swait.ge [sflag:s30], $0x2000  }
0x74: {  	[sflag:s30] =	ssyncset.done $0x0  }
0x75: {  	s9 =	sor.u32 $0x1080, s8;
	[sflag:s30] =	ssyncadd.s32 $0xFFFFE000  }
0x76: {  	[spmem:s2] =	stream.indirect.scatter.add.f32 [tilespmem:s25], [sflag:$0x6], $0x80, s9, s23, $0xb8;
	[tilespmem:$0x1DC00] =	vst v63  }
0x77: {  	_ =	swait.ge [sflag:s21], $0x2000  }
0x78: {  	[sflag:s21] =	ssyncset.done $0x0  }
0x79: {  	s9 =	sor.u32 $0x280, s8;
	[sflag:s21] =	ssyncadd.s32 $0xFFFFE000  }
0x7a: {  	[tilespmem:s25], [sflag:$0x2] =	stream.indirect.gather [hbm4b:s1+s23], $0x80, s9, s23, $0xb8;
	[tilespmem:$0x1DC00] =	vst v63  }
0x7b: {  	_ =	swait.ge [sflag:s31], $0x2000  }
0x7c: {  	[sflag:s31] =	ssyncset.done $0x0  }
0x7d: {  	s9 =	sor.u32 $0x1100, s8;
	[sflag:s31] =	ssyncadd.s32 $0xFFFFE000  }
0x7e: {  	[spmem:s2] =	stream.indirect.scatter.add.f32 [tilespmem:s26], [sflag:$0x6], $0x80, s9, s23, $0xb8;
	[tilespmem:$0x1DC00] =	vst v63  }
0x7f: {  	_ =	swait.ge [sflag:s21], $0x2000  }
0x80: {  	[sflag:s21] =	ssyncset.done $0x0  }
0x81: {  	s9 =	sor.u32 $0x300, s8;
	[sflag:s21] =	ssyncadd.s32 $0xFFFFE000  }
0x82: {  	[tilespmem:s26], [sflag:$0x3] =	stream.indirect.gather [hbm4b:s1+s23], $0x80, s9, s23, $0xb8;
	[tilespmem:$0x1DC00] =	vst v63  }
0x83: {  	_ =	swait.ge [sflag:s0], $0x2000  }
0x84: {  	[sflag:s0] =	ssyncset.done $0x0  }
0x85: {  	s9 =	sor.u32 $0x1180, s8;
	[sflag:s0] =	ssyncadd.s32 $0xFFFFE000  }
0x86: {  	[spmem:s2] =	stream.indirect.scatter.add.f32 [tilespmem:s28], [sflag:$0x6], $0x80, s9, s23, $0xb8;
	[tilespmem:$0x1DC00] =	vst v63  }
0x87: {  	_ =	swait.ge [sflag:s21], $0x2000  }
0x88: {  	[sflag:s21] =	ssyncset.done $0x0  }
0x89: {  	s9 =	sor.u32 $0x380, s8;
	[sflag:s21] =	ssyncadd.s32 $0xFFFFE000  }
0x8a: {  	[tilespmem:s28], [sflag:$0x4] =	stream.indirect.gather [hbm4b:s1+s23], $0x80, s9, s23, $0xb8;
	[tilespmem:$0x1DC00] =	vst v63  }
0x8b: {  	_ =	swait.ge [sflag:s29], $0x2000  }
0x8c: {  	[sflag:s29] =	ssyncset.done $0x0  }
0x8d: {  	s9 =	sor.u32 $0x1200, s8;
	[sflag:s29] =	ssyncadd.s32 $0xFFFFE000  }
0x8e: {  	[spmem:s2] =	stream.indirect.scatter.add.f32 [tilespmem:s20], [sflag:$0x6], $0x80, s9, s23, $0xb8;
	[tilespmem:$0x1DC00] =	vst v63  }
0x8f: {  	_ =	swait.ge [sflag:s21], $0x2000  }
0x90: {  	[sflag:s21] =	ssyncset.done $0x0  }
0x91: {  	s9 =	sor.u32 $0x400, s8;
	[sflag:s21] =	ssyncadd.s32 $0xFFFFE000  }
0x92: {  	[tilespmem:s20], [sflag:$0x1] =	stream.indirect.gather [hbm4b:s1+s23], $0x80, s9, s23, $0xb8;
	[tilespmem:$0x1DC00] =	vst v63  }
0x93: {  	_ =	swait.ge [sflag:s30], $0x2000  }
0x94: {  	[sflag:s30] =	ssyncset.done $0x0  }
0x95: {  	s9 =	sor.u32 $0x1280, s8;
	[sflag:s30] =	ssyncadd.s32 $0xFFFFE000  }
0x96: {  	[spmem:s2] =	stream.indirect.scatter.add.f32 [tilespmem:s25], [sflag:$0x6], $0x80, s9, s23, $0xb8;
	[tilespmem:$0x1DC00] =	vst v63  }
0x97: {  	_ =	swait.ge [sflag:s21], $0x2000  }
0x98: {  	[sflag:s21] =	ssyncset.done $0x0  }
0x99: {  	s9 =	sor.u32 $0x480, s8;
	[sflag:s21] =	ssyncadd.s32 $0xFFFFE000  }
0x9a: {  	[tilespmem:s25], [sflag:$0x2] =	stream.indirect.gather [hbm4b:s1+s23], $0x80, s9, s23, $0xb8;
	[tilespmem:$0x1DC00] =	vst v63  }
0x9b: {  	_ =	swait.ge [sflag:s31], $0x2000  }
0x9c: {  	[sflag:s31] =	ssyncset.done $0x0  }
0x9d: {  	s9 =	sor.u32 $0x1300, s8;
	[sflag:s31] =	ssyncadd.s32 $0xFFFFE000  }
0x9e: {  	[spmem:s2] =	stream.indirect.scatter.add.f32 [tilespmem:s26], [sflag:$0x6], $0x80, s9, s23, $0xb8;
	[tilespmem:$0x1DC00] =	vst v63  }
0x9f: {  	_ =	swait.ge [sflag:s21], $0x2000  }
0xa0: {  	[sflag:s21] =	ssyncset.done $0x0  }
0xa1: {  	s9 =	sor.u32 $0x500, s8;
	[sflag:s21] =	ssyncadd.s32 $0xFFFFE000  }
0xa2: {  	[tilespmem:s26], [sflag:$0x3] =	stream.indirect.gather [hbm4b:s1+s23], $0x80, s9, s23, $0xb8;
	[tilespmem:$0x1DC00] =	vst v63  }
0xa3: {  	_ =	swait.ge [sflag:s0], $0x2000  }
0xa4: {  	[sflag:s0] =	ssyncset.done $0x0  }
0xa5: {  	s9 =	sor.u32 $0x1380, s8;
	[sflag:s0] =	ssyncadd.s32 $0xFFFFE000  }
0xa6: {  	[spmem:s2] =	stream.indirect.scatter.add.f32 [tilespmem:s28], [sflag:$0x6], $0x80, s9, s23, $0xb8;
	[tilespmem:$0x1DC00] =	vst v63  }
0xa7: {  	_ =	swait.ge [sflag:s21], $0x2000  }
0xa8: {  	[sflag:s21] =	ssyncset.done $0x0  }
0xa9: {  	s9 =	sor.u32 $0x580, s8;
	[sflag:s21] =	ssyncadd.s32 $0xFFFFE000  }
0xaa: {  	[tilespmem:s28], [sflag:$0x4] =	stream.indirect.gather [hbm4b:s1+s23], $0x80, s9, s23, $0xb8;
	[tilespmem:$0x1DC00] =	vst v63  }
0xab: {  	_ =	swait.ge [sflag:s29], $0x2000  }
0xac: {  	[sflag:s29] =	ssyncset.done $0x0  }
0xad: {  	s9 =	sor.u32 $0x1400, s8;
	[sflag:s29] =	ssyncadd.s32 $0xFFFFE000  }
0xae: {  	[spmem:s2] =	stream.indirect.scatter.add.f32 [tilespmem:s20], [sflag:$0x6], $0x80, s9, s23, $0xb8;
	[tilespmem:$0x1DC00] =	vst v63  }
0xaf: {  	_ =	swait.ge [sflag:s21], $0x2000  }
0xb0: {  	[sflag:s21] =	ssyncset.done $0x0  }
0xb1: {  	s9 =	sor.u32 $0x600, s8;
	[sflag:s21] =	ssyncadd.s32 $0xFFFFE000  }
0xb2: {  	[tilespmem:s20], [sflag:$0x1] =	stream.indirect.gather [hbm4b:s1+s23], $0x80, s9, s23, $0xb8;
	[tilespmem:$0x1DC00] =	vst v63  }
0xb3: {  	_ =	swait.ge [sflag:s30], $0x2000  }
0xb4: {  	[sflag:s30] =	ssyncset.done $0x0  }
0xb5: {  	s9 =	sor.u32 $0x1480, s8;
	[sflag:s30] =	ssyncadd.s32 $0xFFFFE000  }
0xb6: {  	[spmem:s2] =	stream.indirect.scatter.add.f32 [tilespmem:s25], [sflag:$0x6], $0x80, s9, s23, $0xb8;
	[tilespmem:$0x1DC00] =	vst v63  }
0xb7: {  	_ =	swait.ge [sflag:s21], $0x2000  }
0xb8: {  	[sflag:s21] =	ssyncset.done $0x0  }
0xb9: {  	s9 =	sor.u32 $0x680, s8;
	[sflag:s21] =	ssyncadd.s32 $0xFFFFE000  }
0xba: {  	[tilespmem:s25], [sflag:$0x2] =	stream.indirect.gather [hbm4b:s1+s23], $0x80, s9, s23, $0xb8;
	[tilespmem:$0x1DC00] =	vst v63  }
0xbb: {  	_ =	swait.ge [sflag:s31], $0x2000  }
0xbc: {  	[sflag:s31] =	ssyncset.done $0x0  }
0xbd: {  	s9 =	sor.u32 $0x1500, s8;
	[sflag:s31] =	ssyncadd.s32 $0xFFFFE000  }
0xbe: {  	[spmem:s2] =	stream.indirect.scatter.add.f32 [tilespmem:s26], [sflag:$0x6], $0x80, s9, s23, $0xb8;
	[tilespmem:$0x1DC00] =	vst v63  }
0xbf: {  	_ =	swait.ge [sflag:s21], $0x2000  }
0xc0: {  	[sflag:s21] =	ssyncset.done $0x0  }
0xc1: {  	s9 =	sor.u32 $0x700, s8;
	[sflag:s21] =	ssyncadd.s32 $0xFFFFE000  }
0xc2: {  	[tilespmem:s26], [sflag:$0x3] =	stream.indirect.gather [hbm4b:s1+s23], $0x80, s9, s23, $0xb8;
	[tilespmem:$0x1DC00] =	vst v63  }
0xc3: {  	_ =	swait.ge [sflag:s0], $0x2000  }
0xc4: {  	[sflag:s0] =	ssyncset.done $0x0  }
0xc5: {  	s9 =	sor.u32 $0x1580, s8;
	[sflag:s0] =	ssyncadd.s32 $0xFFFFE000  }
0xc6: {  	[spmem:s2] =	stream.indirect.scatter.add.f32 [tilespmem:s28], [sflag:$0x6], $0x80, s9, s23, $0xb8;
	[tilespmem:$0x1DC00] =	vst v63  }
0xc7: {  	_ =	swait.ge [sflag:s21], $0x2000  }
0xc8: {  	[sflag:s21] =	ssyncset.done $0x0  }
0xc9: {  	s9 =	sor.u32 $0x780, s8;
	[sflag:s21] =	ssyncadd.s32 $0xFFFFE000  }
0xca: {  	[tilespmem:s28], [sflag:$0x4] =	stream.indirect.gather [hbm4b:s1+s23], $0x80, s9, s23, $0xb8;
	[tilespmem:$0x1DC00] =	vst v63  }
0xcb: {  	_ =	swait.ge [sflag:s29], $0x2000  }
0xcc: {  	[sflag:s29] =	ssyncset.done $0x0  }
0xcd: {  	s9 =	sor.u32 $0x1600, s8;
	[sflag:s29] =	ssyncadd.s32 $0xFFFFE000  }
0xce: {  	[spmem:s2] =	stream.indirect.scatter.add.f32 [tilespmem:s20], [sflag:$0x6], $0x80, s9, s23, $0xb8;
	[tilespmem:$0x1DC00] =	vst v63  }
0xcf: {  	_ =	swait.ge [sflag:s21], $0x2000  }
0xd0: {  	[sflag:s21] =	ssyncset.done $0x0  }
0xd1: {  	[sflag:s21] =	ssyncadd.s32 $0xFFFFE000  }
0xd2: {  	_ =	swait.ge [sflag:s30], $0x2000  }
0xd3: {  	[sflag:s30] =	ssyncset.done $0x0  }
0xd4: {  	s9 =	sor.u32 $0x1680, s8;
	[sflag:s30] =	ssyncadd.s32 $0xFFFFE000  }
0xd5: {  	[spmem:s2] =	stream.indirect.scatter.add.f32 [tilespmem:s25], [sflag:$0x6], $0x80, s9, s23, $0xb8;
	[tilespmem:$0x1DC00] =	vst v63  }
0xd6: {  	_ =	swait.ge [sflag:s21], $0x2000  }
0xd7: {  	[sflag:s21] =	ssyncset.done $0x0  }
0xd8: {  	[sflag:s21] =	ssyncadd.s32 $0xFFFFE000  }
0xd9: {  	_ =	swait.ge [sflag:s31], $0x2000  }
0xda: {  	[sflag:s31] =	ssyncset.done $0x0  }
0xdb: {  	s9 =	sor.u32 $0x1700, s8;
	[sflag:s31] =	ssyncadd.s32 $0xFFFFE000  }
0xdc: {  	[spmem:s2] =	stream.indirect.scatter.add.f32 [tilespmem:s26], [sflag:$0x6], $0x80, s9, s23, $0xb8;
	[tilespmem:$0x1DC00] =	vst v63  }
0xdd: {  	_ =	swait.ge [sflag:s21], $0x2000  }
0xde: {  	[sflag:s21] =	ssyncset.done $0x0  }
0xdf: {  	[sflag:s21] =	ssyncadd.s32 $0xFFFFE000  }
0xe0: {  	s4 =	sadd.s32 $0x800, s4;
	_ =	swait.ge [sflag:s0], $0x2000  }
0xe1: {  	p0 =	sne.s32 s4, $0x5800;
	[sflag:s0] =	ssyncset.done $0x0  }
.Ltmp1:
0xe2: {  	s8 =	sor.u32 $0x1780, s8;
	[sflag:s0] =	ssyncadd.s32 $0xFFFFE000;
	(pc) =	sbr.rel @p0 .LBB2_4-.Ltmp1, $4  }
0xe3: {  	[spmem:s2] =	stream.indirect.scatter.add.f32 [tilespmem:s28], [sflag:$0x6], $0x80, s8, s23, $0xb8;
	[tilespmem:$0x1DC00] =	vst v63  }
0xe4: {  	_ =	swait.ge [sflag:s21], $0x2000  }
0xe5: {  	[sflag:s21] =	ssyncset.done $0x0  }
0xe6: {  	s19 =	sadd.s32 $0x100, s19;
	s18 =	sadd.s32 $0x100, s18;
	[sflag:s21] =	ssyncadd.s32 $0xFFFFE000  }
0xe7: {  	s4 =	stileid.u32;
	s22 =	sadd.s32 $0x1, s22  }
0xe8: {  	[bflag:$0x0] =	sbarrier.arrive $0xFFFF;
	s4 =	sshll.u32 s4, $0x6;
	p0 =	sne.s32 s22, s17  }
.Ltmp2:
0xe9: {  	s8 =	sshrl.u32 s5, $0x3;
	s4 =	sor.u32 $0x1C06, s4;
	(pc) =	sbr.rel @p0 .LBB2_1-.Ltmp2, $4  }
0xea: {  	[hbm:s24], [sflag:s4] =	dma.local [spmem:s8], $0x2780  }
0xeb: {  	_ =	swait.ge [sflag:s21], $0x2780  }
0xec: {  	[sflag:s21] =	ssyncset.done $0x0  }
0xed: {  	[sflag:s21] =	ssyncadd.s32 $0xFFFFD880  }
0xee: {  	_ =	sfence.sel $0x180000  }
0xef: {  	[bflag:$0x0] =	sbarrier.arrive $0xFFFF  }
0xf0: {  	_ =	strace $0x9000004D  }
0xf1: {  	s0 =	stileid.u32;
	[bflag:$0x2] =	sbarrier.arrive $0xFFFF  }
0xf2: {  	p0 =	sne.s32 s0, $0x0;
	s0 =	rddreg [dreg:$0x3]  }
0xf3: {  	s0 =	sadd.s32 @!p0 $0x100000, s0  }
0xf4: {  	[sflag:s0] =	ssyncadd.tile.s32 @!p0 $0x1;
	_ =	shalt  }
.Lfunc_end2:
_tile_overlayer_lowered:
.L_overlay_start_2:
0xf5: {  	(tag) =	ssettag $0x2  }
0xf6: {  	s0 =	rddreg [dreg:$0x0];
	s2 =	stileid.u32  }
0xf7: {  	s1 =	rddreg [dreg:$0x1];
	p0 =	sne.s32 s2, $0x0  }
0xf8: {  	s3 =	rddreg [dreg:$0x2];
	[bflag:$0x3] =	sbarrier.arrive $0xFFFF;
	s2 =	simm.s32 @!p0 $0x1C06  }
0xf9: {  	[timem:s3], [sflag:s2] =	dma.local @!p0 [hbm:s0], s1  }
0xfa: {  	s0 =	simm.s32 @!p0 $0x6  }
0xfb: {  	_ =	swait.ge @!p0 [sflag:s0], s1  }
0xfc: {  	s1 =	ssub.s32 @!p0 $0x0, s1;
	[sflag:s0] =	ssyncset.done @!p0 $0x0  }
0xfd: {  	[sflag:s0] =	ssyncadd.s32 @!p0 s1  }
0xfe: {  	[bflag:$0x3] =	sbarrier.arrive $0xFFFF  }
0xff: {  	_ =	shalt  }

// kernel: kernel.8.cloned.1.call-start
scs
__scs_entry_jumppad:
0x0: {  	(pc) =	sbr.rel $0x88, $3  }
0x1: {  	(tag) =	ssettag $0x0;
	lr =	simm.s32 $0x1  }
0x2: {  	[smem:$0x3F8A] =	sst lr;
	_ =	strace $0xD0000000  }
0x3: {  	_ = 	snop  }
0x4: {  	_ = 	snop  }
0x5: {  	_ = 	snop  }
0x6: {  	_ = 	snop  }
0x7: {  	_ = 	snop  }
__scs_overlays_trampoline_lowered:
0x8: {  	[smem:$0x3F99] =	sst s0  }
0x9: {  	[smem:$0x3F9A] =	sst s1  }
0xa: {  	[smem:$0x3F9B] =	sst s2  }
0xb: {  	[smem:$0x3F9C] =	sst s3  }
0xc: {  	[smem:$0x3F9D] =	sst s4  }
0xd: {  	[smem:$0x3F9E] =	sst s5  }
0xe: {  	[smem:$0x3F9F] =	sst s6  }
0xf: {  	[smem:$0x3FA0] =	sst s7  }
0x10: {  	[smem:$0x3FA1] =	sst s8  }
0x11: {  	[smem:$0x3FA2] =	sst s9;
	s0 =	simm.s32 @!p0 $0x0  }
0x12: {  	s1 =	sld [smem:$0x3F88];
	s0 =	simm.s32 @p0 $0x1  }
0x13: {  	[smem:$0x3FA3] =	sst s0;
	s0 =	simm.s32 @!p1 $0x0  }
0x14: {  	s2 =	sld [smem:$0x3F87];
	s0 =	simm.s32 @p1 $0x1  }
0x15: {  	[smem:$0x3FA4] =	sst s0;
	s0 =	simm.s32 @!p2 $0x0  }
0x16: {  	s3 =	sld [smem:$0x3FDB];
	s0 =	simm.s32 @p2 $0x1  }
0x17: {  	s4 =	simm.s32 $0x1BF5;
	[smem:$0x3FA6] =	sst s0  }
0x18: {  	s0 =	sld [smem:$0x3F89];
	_ =	swait.ge [sflag:s4], $0x0  }
0x19: {  	s7 =	sld [smem:$0x3F8A]  }
0x1a: {  	s8 =	sadd.s32 $0xFFFFE003, lr  }
0x1b: {  	s9 =	sadd.s32 $0xFFFFFEF7, lr;
	s5 =	simm.s32 $0xFFFFFFFF;
	p2 =	slt.u32 s8, $0xFFFFF086  }
0x1c: {  	p1 =	slt.u32 s9, $0xF7A;
	s5 =	simm.s32 @!p2 $0x0  }
0x1d: {  	s5 =	simm.s32 @p1 $0x1;
	p0 =	seq.s32 s7, s2  }
0x1e: {  	s7 =	smul.u32 @!p0 $0xF7A, s2;
	p2 =	seq.s32 @!p0 s5, $0x0  }
0x1f: {  	s9 =	smul.u32 $0xF7A, s1;
	s8 =	simm.s32 @!p0 $0x1BF5;
	p2 =	por !p2, p0  }
0x20: {  	[sflag:s8] =	ssyncset.s32 @!p0 $0xFFFFF086;
	s6 =	sadd.s32 @!p0 s3, s7;
	s7 =	simm.s32 @!p0 $0x108  }
0x21: {  	s3 =	sadd.s32 s3, s9;
	s6 =	sadd.s32 @!p0 $0x88, s6;
	s7 =	simm.s32 @p2 $0x1082  }
0x22: {  	[simem:s7], [sflag:s8] =	dma.local @!p0 [hbm:s6], $0xF7A  }
0x23: {  	s9 =	sor.u32 $0xD0000000, s2;
	s6 =	simm.s32 $0x108;
	_ =	swait.ge @!p0 [sflag:s8], $0x0  }
0x24: {  	s3 =	sadd.s32 $0x88, s3;
	s6 =	simm.s32 @!p1 $0x1082;
	[sflag:s4] =	ssyncset.s32 $0xFFFFF086  }
0x25: {  	[simem:s6], [sflag:s4] =	dma.local [hbm:s3], $0xF7A  }
0x26: {  	[smem:$0x3F8A] =	sst s1;
	(tag) =	ssettag s2;
	_ =	strace s9  }
0x27: {  	s1 =	sld [smem:$0x3F9A]  }
0x28: {  	s2 =	sld [smem:$0x3F9B]  }
0x29: {  	s4 =	sld [smem:$0x3F9D]  }
0x2a: {  	p0 =	seq.s32 s5, $0x0;
	s5 =	sld [smem:$0x3F9E]  }
0x2b: {  	s6 =	sld [smem:$0x3F9F]  }
0x2c: {  	s7 =	sld [smem:$0x3FA0]  }
0x2d: {  	s3 =	simm.s32 $0x108;
	s8 =	sld [smem:$0x3FA1]  }
0x2e: {  	s3 =	simm.s32 @!p0 $0x1082;
	s9 =	sld [smem:$0x3FA2]  }
0x2f: {  	lr =	sadd.s32 s0, s3;
	s0 =	sld [smem:$0x3F99]  }
0x30: {  	s3 =	sld [smem:$0x3F9C]  }
0x31: {  	[smem:$0x3FA5] =	sst s10  }
0x32: {  	s10 =	sld [smem:$0x3FA3];
	_ =	sdelay $0x3  }
0x33: {  	p0 =	seq.s32 s10, $0x1;
	s10 =	sld [smem:$0x3FA5];
	_ =	sdelay $0x3  }
0x34: {  	[smem:$0x3FA5] =	sst s10  }
0x35: {  	s10 =	sld [smem:$0x3FA4];
	_ =	sdelay $0x3  }
0x36: {  	p1 =	seq.s32 s10, $0x1;
	s10 =	sld [smem:$0x3FA5];
	_ =	sdelay $0x3  }
0x37: {  	[smem:$0x3FA5] =	sst s10  }
0x38: {  	s10 =	sld [smem:$0x3FA6]  }
0x39: {  	_ = 	snop;
	(pc) =	sbr.ind lr, $3  }
0x3a: {  	_ = 	snop  }
0x3b: {  	_ = 	snop  }
0x3c: {  	p2 =	seq.s32 s10, $0x1;
	s10 =	sld [smem:$0x3FA5]  }
0x3d: {  	_ =	shalt  }
0x3e: {  	_ =	shalt  }
0x3f: {  	_ =	shalt  }
0x40: {  	_ =	shalt  }
0x41: {  	_ =	shalt  }
0x42: {  	_ =	shalt  }
0x43: {  	_ =	shalt  }
0x44: {  	_ =	shalt  }
0x45: {  	_ =	shalt  }
0x46: {  	_ =	shalt  }
0x47: {  	_ =	shalt  }
0x48: {  	_ =	shalt  }
0x49: {  	_ =	shalt  }
0x4a: {  	_ =	shalt  }
0x4b: {  	_ =	shalt  }
0x4c: {  	_ =	shalt  }
0x4d: {  	_ =	shalt  }
0x4e: {  	_ =	shalt  }
0x4f: {  	_ =	shalt  }
0x50: {  	_ =	shalt  }
0x51: {  	_ =	shalt  }
0x52: {  	_ =	shalt  }
0x53: {  	_ =	shalt  }
0x54: {  	_ =	shalt  }
0x55: {  	_ =	shalt  }
0x56: {  	_ =	shalt  }
0x57: {  	_ =	shalt  }
0x58: {  	_ =	shalt  }
0x59: {  	_ =	shalt  }
0x5a: {  	_ =	shalt  }
0x5b: {  	_ =	shalt  }
0x5c: {  	_ =	shalt  }
0x5d: {  	_ =	shalt  }
0x5e: {  	_ =	shalt  }
0x5f: {  	_ =	shalt  }
0x60: {  	_ =	shalt  }
0x61: {  	_ =	shalt  }
0x62: {  	_ =	shalt  }
0x63: {  	_ =	shalt  }
0x64: {  	_ =	shalt  }
0x65: {  	_ =	shalt  }
0x66: {  	_ =	shalt  }
0x67: {  	_ =	shalt  }
0x68: {  	_ =	shalt  }
0x69: {  	_ =	shalt  }
0x6a: {  	_ =	shalt  }
0x6b: {  	_ =	shalt  }
0x6c: {  	_ =	shalt  }
0x6d: {  	_ =	shalt  }
0x6e: {  	_ =	shalt  }
0x6f: {  	_ =	shalt  }
0x70: {  	_ =	shalt  }
0x71: {  	_ =	shalt  }
0x72: {  	_ =	shalt  }
0x73: {  	_ =	shalt  }
0x74: {  	_ =	shalt  }
0x75: {  	_ =	shalt  }
0x76: {  	_ =	shalt  }
0x77: {  	_ =	shalt  }
0x78: {  	_ =	shalt  }
0x79: {  	_ =	shalt  }
0x7a: {  	_ =	shalt  }
0x7b: {  	_ =	shalt  }
0x7c: {  	_ =	shalt  }
0x7d: {  	_ =	shalt  }
0x7e: {  	_ =	shalt  }
0x7f: {  	_ =	shalt  }
0x80: {  	_ =	shalt  }
0x81: {  	_ =	shalt  }
0x82: {  	_ =	shalt  }
0x83: {  	_ =	shalt  }
0x84: {  	_ =	shalt  }
0x85: {  	_ =	shalt  }
0x86: {  	_ =	shalt  }
0x87: {  	_ =	shalt  }
.Lfunc_end0:
.L_simem_size_0:
called_computation_lowered:
.L_overlay_start_0:
0x88: {  	s2 =	sld [smem:$0x3FD9]  }
0x89: {  	s3 =	sld [smem:$0x3FFE];
	_ =	sdelay $0x1  }
0x8a: {  	s1 =	srdreg.scid  }
0x8b: {  	s0 =	sand.u32 $0x1, s1  }
0x8c: {  	s17 =	sshll.u32 s0, $0xA;
	s2 =	sadd.s32 s3, s2  }
0x8d: {  	s2 =	sadd.s32 s2, s17  }
0x8e: {  	[smem:$0x3FB1] =	sst s2  }
0x8f: {  	_ = 	snop  }
0x90: {  	s2 =	sld [smem:$0x3FC9];
	(tm) =	ssettm $0x1  }
0x91: {  	s18 =	sld [smem:$0x3FFB];
	_ =	sdelay $0x3  }
0x92: {  	_ =	strace s18  }
0x93: {  	s3 =	sld [smem:$0x3FFC];
	_ =	sdelay $0x3  }
0x94: {  	_ =	strace s3  }
0x95: {  	s3 =	sld [smem:$0x3FFD];
	_ =	sdelay $0x3  }
0x96: {  	_ =	strace s3  }
0x97: {  	_ =	strace $0x8FFFFFFF  }
0x98: {  	s19 =	sld [smem:$0x3FDB];
	_ =	sdelay $0x1  }
0x99: {  	s4 =	simm.s32 $_scs_section_size  }
0x9a: {  	s5 =	simm.s32 $_size__tile_overlayer_lowered;
	s6 =	simm.s32 $_tile_overlayer_lowered  }
0x9b: {  	s22 =	simm.s32 $0x1BFF;
	s21 =	sshll.u32 s6, $0x1;
	s3 =	sadd.s32 s4, s19  }
0x9c: {  	s7 =	simm.s32 $0x0;
	s20 =	sshll.u32 s5, $0x1;
	s5 =	sadd.s32 s21, s3  }
0x9d: {  	[timem:s7], [sflag:s22] =	dma.local [hbm:s5], s20  }
0x9e: {  	_ =	swait.ge [sflag:s22], s20  }
0x9f: {  	s4 =	ssub.s32 $0x0, s20;
	[sflag:s22] =	ssyncset.done $0x0  }
0xa0: {  	[sflag:s22] =	ssyncadd.s32 s4;
	_ =	sdelay $0x1  }
0xa1: {  	s23 =	simm.s32 $0x1B8B  }
0xa2: {  	_ =	swait.ge [sflag:s23], $0x1  }
0xa3: {  	[sflag:s23] =	ssyncset.done $0x0  }
0xa4: {  	s25 =	simm.s32 $0x1B8E;
	s24 =	sld [smem:$0x3FFE];
	[sflag:s23] =	ssyncadd.s32 $0xFFFFFFFF  }
0xa5: {  	s26 =	simm.s32 $execute0_lowered;
	[smem:$0x3FD2] =	sst s25  }
0xa6: {  	s5 =	sshll.u32 s26, $0x1;
	_ =	strace $0x80000046;
	[dreg:$0x1] =	wrdreg $0xFFFFFFFF  }
0xa7: {  	s28 =	simm.s32 $_size_execute0_lowered;
	s3 =	sadd.s32 s3, s5;
	[dreg:$0x0] =	wrdreg $0x0  }
0xa8: {  	s5 =	sshll.u32 s28, $0x1;
	[dreg:$0x2] =	wrdreg s3  }
0xa9: {  	[dreg:$0x3] =	wrdreg s5  }
0xaa: {  	[dreg:$0x4] =	wrdreg $0xC0  }
0xab: {  	_ =	task [dreg:s7], $0x5FFFF  }
0xac: {  	[dreg:$0x1] =	wrdreg $0xFFFFFFFF  }
0xad: {  	[dreg:$0x0] =	wrdreg $0x60  }
0xae: {  	[dreg:$0x2] =	wrdreg s2  }
0xaf: {  	[dreg:$0x3] =	wrdreg s24  }
0xb0: {  	[dreg:$0x4] =	wrdreg $0xA0000  }
0xb1: {  	[dreg:$0x5] =	wrdreg $0x9  }
0xb2: {  	_ =	task.clear_ibuf [dreg:s7], $0x6FFFF;
	_ =	strace $0x90000046  }
0xb3: {  	s29 =	simm.s32 $0x9;
	_ =	strace $0x80000048  }
0xb4: {  	_ =	swait.ge [sflag:s29], $0x1  }
0xb5: {  	[sflag:s29] =	ssyncadd.s32 $0xFFFFFFFF  }
0xb6: {  	_ =	strace $0x90000048  }
0xb7: {  	_ =	sfence  }
0xb8: {  	s30 =	sld [smem:$0x0];
	_ =	sdelay $0x2  }
0xb9: {  	s31 =	sshll.u32 s1, $0xD;
	s1 =	sshrl.u32 s1, $0x2  }
0xba: {  	s3 =	sand.u32 $0x4000, s31;
	s1 =	sadd.s32 s1, s30  }
0xbb: {  	s0 =	sor.u32 s3, s0;
	s1 =	sshll.u32 s1, $0x11  }
0xbc: {  	s0 =	sor.u32 s1, s0  }
0xbd: {  	s0 =	sadd.s32 $0x8F2B, s0  }
0xbe: {  	[sflag:s0] =	ssyncadd.remote.s32 $0x1  }
0xbf: {  	_ =	sfence.sel $0xFFFF  }
0xc0: {  	[dreg:$0x0] =	wrdreg $0xFFFFFFFF;
	(pc) =	sbr.abs _section_cstart, $3  }
0xc1: {  	[dreg:$0x1] =	wrdreg $0xFFFFFFFF  }
0xc2: {  	_ =	task.clear_ibuf [dreg:s7], $0x2FFFF;
	_ =	strace $0x9FFFFFFF  }
0xc3: {  	(tm) =	ssettm $0x7FFFFFFF  }
tec
execute0_lowered:
.L_overlay_start_1:
0x0: {  	(tag) =	ssettag $0x1  }
0x1: {  	s1 =	rddreg [dreg:$0x0]  }
0x2: {  	s0 =	rddreg [dreg:$0x1]  }
0x3: {  	s2 =	rddreg [dreg:$0x2];
	s3 =	simm.s32 $0x0;
	s4 =	srdreg.scid  }
0x4: {  	s18 =	stileid.u32;
	s20 =	simm.s32 $0x2000;
	s28 =	simm.s32 $0x8000  }
0x5: {  	s29 =	simm.s32 $0x1;
	s30 =	simm.s32 $0x2;
	s6 =	smul.u32 $0x4F000, s18  }
0x6: {  	s31 =	simm.s32 $0x3;
	[smem:$0x7FF] =	sst s3;
	s16 =	smul.u32 $0xA000, s18  }
0x7: {  	s4 =	sand.u32 $0x1, s4;
	s22 =	sshll.u32 s18, $0x1;
	s18 =	smul.u32 $0x2780, s18  }
0x8: {  	s8 =	sadd.s32 $0x4800, s0;
	s7 =	sadd.s32 $0x18800, s0;
	s5 =	smul.u32 $0x27800, s4  }
0x9: {  	_ =	strace $0x80000047;
	s9 =	ssub.s32 $0x2, s4;
	s21 =	sshrl.u32 s6, $0x2  }
0xa: {  	s10 =	sshrl.u32 s9, $0x1;
	s6 =	sor.u32 s4, s22;
	s4 =	smul.u32 $0x5000, s4  }
0xb: {  	s22 =	simm.s32 $0x0;
	s0 =	sadd.s32 s5, s0;
	s5 =	sadd.s32 s21, s2  }
0xc: {  	s17 =	ssub.s32 s9, s10;
	s6 =	smul.u32 $0xA00, s6;
	s21 =	simm.s32 $0x6  }
0xd: {  	s23 =	sadd.s32 $0x2000, s5;
	s24 =	sadd.s32 $0x4000, s5;
	s25 =	sadd.s32 $0x6000, s5  }
0xe: {  	s26 =	sadd.s32 $0x8000, s5;
	s10 =	sadd.s32 $0xA000, s5;
	s11 =	sadd.s32 $0xC000, s5  }
0xf: {  	s12 =	sadd.s32 $0xE000, s5;
	s13 =	sadd.s32 $0x10000, s5;
	[dreg:$0x4] =	wrdreg s23  }
0x10: {  	s14 =	sadd.s32 $0x12000, s5;
	s4 =	sadd.s32 s4, s16;
	[dreg:$0x5] =	wrdreg s24  }
0x11: {  	s0 =	sadd.s32 $0x2C800, s0;
	s17 =	smax.u32 s17, $0x1;
	[dreg:$0x6] =	wrdreg s25  }
0x12: {  	[dreg:$0x7] =	wrdreg s26;
	s15 =	sadd.s32 s8, s6;
	s16 =	sadd.s32 s7, s6  }
0x13: {  	s4 =	sor.u32 $0x800, s4;
	s23 =	simm.s32 $0x40;
	s24 =	sadd.s32 s18, s0  }
0x14: {  	s25 =	simm.s32 $0x4000;
	s26 =	simm.s32 $0x6000;
	s4 =	sshrl.u32 s4, $0x3  }
0x15: {  	v0 =	vimm.f32 $0.0e+00;
	s0 =	simm.s32 $0x4;
	s7 =	sadd.s32 s4, s7;
	s6 =	sadd.s32 s4, s8  }
.LBB2_1:
0x16: {  	s4 =	simm.s32 $0x0;
	s8 =	simm.s32 $0x200  }
.LBB2_2:
0x17: {  	p0 =	sne.s32 s8, $0x7E00;
	[tilespmem:s4+$0x2070] =	vst v0  }
0x18: {  	[tilespmem:s4+$0x2000] =	vst v0  }
0x19: {  	[tilespmem:s4+$0x2010] =	vst v0  }
.Ltmp0:
0x1a: {  	[tilespmem:s4+$0x2020] =	vst v0;
	(pc) =	sbr.rel @p0 .LBB2_2-.Ltmp0, $4  }
0x1b: {  	[tilespmem:s4+$0x2030] =	vst v0  }
0x1c: {  	[tilespmem:s4+$0x2040] =	vst v0  }
0x1d: {  	[tilespmem:s4+$0x2050] =	vst v0  }
0x1e: {  	[tilespmem:s4+$0x2060] =	vst v0;
	s4 =	sshra.s32 s8, $0x2;
	s8 =	sadd.s32 $0x200, s8  }
0x1f: {  	[tilespmem:s4+$0x2070] =	vst v0  }
0x20: {  	[tilespmem:s4+$0x2000] =	vst v0  }
0x21: {  	[tilespmem:s4+$0x2010] =	vst v0  }
0x22: {  	[tilespmem:s4+$0x2020] =	vst v0  }
0x23: {  	[tilespmem:s4+$0x2030] =	vst v0  }
0x24: {  	[tilespmem:s4+$0x2040] =	vst v0  }
0x25: {  	[tilespmem:s4+$0x2050] =	vst v0  }
0x26: {  	[tilespmem:s4+$0x2060] =	vst v0  }
0x27: {  	[spmem:s5] =	stream.linear.scatter [tilespmem:s20], [sflag:$0x6], $0x2000, $0x38;
	[tilespmem:$0x1DC00] =	vst v63  }
0x28: {  	_ =	swait.ge [sflag:s21], $0x2000  }
0x29: {  	[sflag:s21] =	ssyncset.done $0x0  }
0x2a: {  	s19 =	rddreg [dreg:$0x4];
	[sflag:s21] =	ssyncadd.s32 $0xFFFFE000  }
0x2b: {  	[spmem:s19] =	stream.linear.scatter [tilespmem:s20], [sflag:$0x6], $0x2000, $0x38;
	[tilespmem:$0x1DC00] =	vst v63  }
0x2c: {  	_ =	swait.ge [sflag:s21], $0x2000  }
0x2d: {  	[sflag:s21] =	ssyncset.done $0x0  }
0x2e: {  	s8 =	rddreg [dreg:$0x5];
	[sflag:s21] =	ssyncadd.s32 $0xFFFFE000  }
0x2f: {  	[spmem:s8] =	stream.linear.scatter [tilespmem:s20], [sflag:$0x6], $0x2000, $0x38;
	[tilespmem:$0x1DC00] =	vst v63  }
0x30: {  	_ =	swait.ge [sflag:s21], $0x2000  }
0x31: {  	[sflag:s21] =	ssyncset.done $0x0  }
0x32: {  	s9 =	rddreg [dreg:$0x6];
	[sflag:s21] =	ssyncadd.s32 $0xFFFFE000  }
0x33: {  	[spmem:s9] =	stream.linear.scatter [tilespmem:s20], [sflag:$0x6], $0x2000, $0x38;
	[tilespmem:$0x1DC00] =	vst v63  }
0x34: {  	_ =	swait.ge [sflag:s21], $0x2000  }
0x35: {  	[sflag:s21] =	ssyncset.done $0x0  }
0x36: {  	s18 =	rddreg [dreg:$0x7];
	[sflag:s21] =	ssyncadd.s32 $0xFFFFE000  }
0x37: {  	[spmem:s18] =	stream.linear.scatter [tilespmem:s20], [sflag:$0x6], $0x2000, $0x38;
	[tilespmem:$0x1DC00] =	vst v63  }
0x38: {  	_ =	swait.ge [sflag:s21], $0x2000  }
0x39: {  	[sflag:s21] =	ssyncset.done $0x0  }
0x3a: {  	[sflag:s21] =	ssyncadd.s32 $0xFFFFE000  }
0x3b: {  	[spmem:s10] =	stream.linear.scatter [tilespmem:s20], [sflag:$0x6], $0x2000, $0x38;
	[tilespmem:$0x1DC00] =	vst v63  }
0x3c: {  	_ =	swait.ge [sflag:s21], $0x2000  }
0x3d: {  	[sflag:s21] =	ssyncset.done $0x0  }
0x3e: {  	[sflag:s21] =	ssyncadd.s32 $0xFFFFE000  }
0x3f: {  	[spmem:s11] =	stream.linear.scatter [tilespmem:s20], [sflag:$0x6], $0x2000, $0x38;
	[tilespmem:$0x1DC00] =	vst v63  }
0x40: {  	_ =	swait.ge [sflag:s21], $0x2000  }
0x41: {  	[sflag:s21] =	ssyncset.done $0x0  }
0x42: {  	[sflag:s21] =	ssyncadd.s32 $0xFFFFE000  }
0x43: {  	[spmem:s12] =	stream.linear.scatter [tilespmem:s20], [sflag:$0x6], $0x2000, $0x38;
	[tilespmem:$0x1DC00] =	vst v63  }
0x44: {  	_ =	swait.ge [sflag:s21], $0x2000  }
0x45: {  	[sflag:s21] =	ssyncset.done $0x0  }
0x46: {  	[sflag:s21] =	ssyncadd.s32 $0xFFFFE000  }
0x47: {  	[spmem:s13] =	stream.linear.scatter [tilespmem:s20], [sflag:$0x6], $0x2000, $0x38;
	[tilespmem:$0x1DC00] =	vst v63  }
0x48: {  	_ =	swait.ge [sflag:s21], $0x2000  }
0x49: {  	[sflag:s21] =	ssyncset.done $0x0  }
0x4a: {  	[sflag:s21] =	ssyncadd.s32 $0xFFFFE000  }
0x4b: {  	[spmem:s14] =	stream.linear.scatter [tilespmem:s20], [sflag:$0x6], $0x1C00, $0x38;
	[tilespmem:$0x1DC00] =	vst v63  }
0x4c: {  	_ =	swait.ge [sflag:s21], $0x1C00  }
0x4d: {  	[sflag:s21] =	ssyncset.done $0x0  }
0x4e: {  	[sflag:s21] =	ssyncadd.s32 $0xFFFFE400  }
0x4f: {  	[bflag:$0x0] =	sbarrier.arrive $0xFFFF  }
0x50: {  	[tilespmem:s3], [sflag:$0x6] =	stream.linear.gather [hbm4b:s15+s3], $0x800, $0x38;
	[tilespmem:$0x1DC00] =	vst v63  }
0x51: {  	_ =	swait.ge [sflag:s21], $0x800  }
0x52: {  	[sflag:s21] =	ssyncset.done $0x0  }
0x53: {  	s19 =	simm.s32 $0x1000;
	[sflag:s21] =	ssyncadd.s32 $0xFFFFF800  }
0x54: {  	[tilespmem:s19], [sflag:$0x6] =	stream.linear.gather [hbm4b:s16+s3], $0x800, $0x38;
	[tilespmem:$0x1DC00] =	vst v63  }
0x55: {  	_ =	swait.ge [sflag:s21], $0x800  }
0x56: {  	s4 =	simm.s32 $0x800;
	[sflag:s21] =	ssyncset.done $0x0  }
0x57: {  	s18 =	smov.u32 s7;
	s19 =	smov.u32 s6;
	[sflag:s21] =	ssyncadd.s32 $0xFFFFF800  }
.LBB2_4:
0x58: {  	p0 =	seq.s32 s4, $0x800  }
0x59: {  	s8 =	simm.s32 @!p0 $0x5  }
0x5a: {  	_ =	swait.ge @!p0 [sflag:s8], $0x800  }
0x5b: {  	[sflag:s8] =	ssyncset.done @!p0 $0x0  }
0x5c: {  	[sflag:s8] =	ssyncadd.s32 @!p0 $0xFFFFF800  }
0x5d: {  	p1 =	seq.s32 @!p0 s4, $0x5000;
	_ =	swait.ge @!p0 [sflag:s8], $0x800  }
0x5e: {  	p1 =	por p0, !p1;
	[sflag:s8] =	ssyncset.done @!p0 $0x0  }
0x5f: {  	[sflag:s8] =	ssyncadd.s32 @!p0 $0xFFFFF800;
	s8 =	sand.u32 @p1 $0x800, s4  }
0x60: {  	[tilespmem:s8], [sflag:$0x5] =	stream.linear.gather @p1 [hbm4b:s19+s3], $0x800, $0x38;
	[tilespmem:$0x1DC00] =	vst v63  }
0x61: {  	s9 =	sadd.s32 $0xFFFFF800, s4;
	s8 =	sor.u32 @p1 $0x1000, s8  }
0x62: {  	[tilespmem:s8], [sflag:$0x5] =	stream.linear.gather @p1 [hbm4b:s18+s3], $0x800, $0x38;
	[tilespmem:$0x1DC00] =	vst v63  }
0x63: {  	s8 =	sand.u32 $0x800, s9  }
0x64: {  	[tilespmem:s20], [sflag:$0x1] =	stream.indirect.gather [hbm4b:s1+s23], $0x80, s8, s23, $0xb8;
	[tilespmem:$0x1DC00] =	vst v63  }
0x65: {  	s9 =	sor.u32 $0x80, s8  }
0x66: {  	[tilespmem:s25], [sflag:$0x2] =	stream.indirect.gather [hbm4b:s1+s23], $0x80, s9, s23, $0xb8;
	[tilespmem:$0x1DC00] =	vst v63  }
0x67: {  	s9 =	sor.u32 $0x100, s8  }
0x68: {  	[tilespmem:s26], [sflag:$0x3] =	stream.indirect.gather [hbm4b:s1+s23], $0x80, s9, s23, $0xb8;
	[tilespmem:$0x1DC00] =	vst v63  }
0x69: {  	s9 =	sor.u32 $0x180, s8  }
0x6a: {  	[tilespmem:s28], [sflag:$0x4] =	stream.indirect.gather [hbm4b:s1+s23], $0x80, s9, s23, $0xb8;
	[tilespmem:$0x1DC00] =	vst v63  }
0x6b: {  	_ =	swait.ge [sflag:s29], $0x2000  }
0x6c: {  	[sflag:s29] =	ssyncset.done $0x0  }
0x6d: {  	s9 =	sor.u32 $0x1000, s8;
	[sflag:s29] =	ssyncadd.s32 $0xFFFFE000  }
0x6e: {  	[spmem:s2] =	stream.indirect.scatter.add.f32 [tilespmem:s20], [sflag:$0x6], $0x80, s9, s23, $0xb8;
	[tilespmem:$0x1DC00] =	vst v63  }
0x6f: {  	_ =	swait.ge [sflag:s21], $0x2000  }
0x70: {  	[sflag:s21] =	ssyncset.done $0x0  }
0x71: {  	s9 =	sor.u32 $0x200, s8;
	[sflag:s21] =	ssyncadd.s32 $0xFFFFE000  }
0x72: {  	[tilespmem:s20], [sflag:$0x1] =	stream.indirect.gather [hbm4b:s1+s23], $0x80, s9, s23, $0xb8;
	[tilespmem:$0x1DC00] =	vst v63  }
0x73: {  	_ =	swait.ge [sflag:s30], $0x2000  }
0x74: {  	[sflag:s30] =	ssyncset.done $0x0  }
0x75: {  	s9 =	sor.u32 $0x1080, s8;
	[sflag:s30] =	ssyncadd.s32 $0xFFFFE000  }
0x76: {  	[spmem:s2] =	stream.indirect.scatter.add.f32 [tilespmem:s25], [sflag:$0x6], $0x80, s9, s23, $0xb8;
	[tilespmem:$0x1DC00] =	vst v63  }
0x77: {  	_ =	swait.ge [sflag:s21], $0x2000  }
0x78: {  	[sflag:s21] =	ssyncset.done $0x0  }
0x79: {  	s9 =	sor.u32 $0x280, s8;
	[sflag:s21] =	ssyncadd.s32 $0xFFFFE000  }
0x7a: {  	[tilespmem:s25], [sflag:$0x2] =	stream.indirect.gather [hbm4b:s1+s23], $0x80, s9, s23, $0xb8;
	[tilespmem:$0x1DC00] =	vst v63  }
0x7b: {  	_ =	swait.ge [sflag:s31], $0x2000  }
0x7c: {  	[sflag:s31] =	ssyncset.done $0x0  }
0x7d: {  	s9 =	sor.u32 $0x1100, s8;
	[sflag:s31] =	ssyncadd.s32 $0xFFFFE000  }
0x7e: {  	[spmem:s2] =	stream.indirect.scatter.add.f32 [tilespmem:s26], [sflag:$0x6], $0x80, s9, s23, $0xb8;
	[tilespmem:$0x1DC00] =	vst v63  }
0x7f: {  	_ =	swait.ge [sflag:s21], $0x2000  }
0x80: {  	[sflag:s21] =	ssyncset.done $0x0  }
0x81: {  	s9 =	sor.u32 $0x300, s8;
	[sflag:s21] =	ssyncadd.s32 $0xFFFFE000  }
0x82: {  	[tilespmem:s26], [sflag:$0x3] =	stream.indirect.gather [hbm4b:s1+s23], $0x80, s9, s23, $0xb8;
	[tilespmem:$0x1DC00] =	vst v63  }
0x83: {  	_ =	swait.ge [sflag:s0], $0x2000  }
0x84: {  	[sflag:s0] =	ssyncset.done $0x0  }
0x85: {  	s9 =	sor.u32 $0x1180, s8;
	[sflag:s0] =	ssyncadd.s32 $0xFFFFE000  }
0x86: {  	[spmem:s2] =	stream.indirect.scatter.add.f32 [tilespmem:s28], [sflag:$0x6], $0x80, s9, s23, $0xb8;
	[tilespmem:$0x1DC00] =	vst v63  }
0x87: {  	_ =	swait.ge [sflag:s21], $0x2000  }
0x88: {  	[sflag:s21] =	ssyncset.done $0x0  }
0x89: {  	s9 =	sor.u32 $0x380, s8;
	[sflag:s21] =	ssyncadd.s32 $0xFFFFE000  }
0x8a: {  	[tilespmem:s28], [sflag:$0x4] =	stream.indirect.gather [hbm4b:s1+s23], $0x80, s9, s23, $0xb8;
	[tilespmem:$0x1DC00] =	vst v63  }
0x8b: {  	_ =	swait.ge [sflag:s29], $0x2000  }
0x8c: {  	[sflag:s29] =	ssyncset.done $0x0  }
0x8d: {  	s9 =	sor.u32 $0x1200, s8;
	[sflag:s29] =	ssyncadd.s32 $0xFFFFE000  }
0x8e: {  	[spmem:s2] =	stream.indirect.scatter.add.f32 [tilespmem:s20], [sflag:$0x6], $0x80, s9, s23, $0xb8;
	[tilespmem:$0x1DC00] =	vst v63  }
0x8f: {  	_ =	swait.ge [sflag:s21], $0x2000  }
0x90: {  	[sflag:s21] =	ssyncset.done $0x0  }
0x91: {  	s9 =	sor.u32 $0x400, s8;
	[sflag:s21] =	ssyncadd.s32 $0xFFFFE000  }
0x92: {  	[tilespmem:s20], [sflag:$0x1] =	stream.indirect.gather [hbm4b:s1+s23], $0x80, s9, s23, $0xb8;
	[tilespmem:$0x1DC00] =	vst v63  }
0x93: {  	_ =	swait.ge [sflag:s30], $0x2000  }
0x94: {  	[sflag:s30] =	ssyncset.done $0x0  }
0x95: {  	s9 =	sor.u32 $0x1280, s8;
	[sflag:s30] =	ssyncadd.s32 $0xFFFFE000  }
0x96: {  	[spmem:s2] =	stream.indirect.scatter.add.f32 [tilespmem:s25], [sflag:$0x6], $0x80, s9, s23, $0xb8;
	[tilespmem:$0x1DC00] =	vst v63  }
0x97: {  	_ =	swait.ge [sflag:s21], $0x2000  }
0x98: {  	[sflag:s21] =	ssyncset.done $0x0  }
0x99: {  	s9 =	sor.u32 $0x480, s8;
	[sflag:s21] =	ssyncadd.s32 $0xFFFFE000  }
0x9a: {  	[tilespmem:s25], [sflag:$0x2] =	stream.indirect.gather [hbm4b:s1+s23], $0x80, s9, s23, $0xb8;
	[tilespmem:$0x1DC00] =	vst v63  }
0x9b: {  	_ =	swait.ge [sflag:s31], $0x2000  }
0x9c: {  	[sflag:s31] =	ssyncset.done $0x0  }
0x9d: {  	s9 =	sor.u32 $0x1300, s8;
	[sflag:s31] =	ssyncadd.s32 $0xFFFFE000  }
0x9e: {  	[spmem:s2] =	stream.indirect.scatter.add.f32 [tilespmem:s26], [sflag:$0x6], $0x80, s9, s23, $0xb8;
	[tilespmem:$0x1DC00] =	vst v63  }
0x9f: {  	_ =	swait.ge [sflag:s21], $0x2000  }
0xa0: {  	[sflag:s21] =	ssyncset.done $0x0  }
0xa1: {  	s9 =	sor.u32 $0x500, s8;
	[sflag:s21] =	ssyncadd.s32 $0xFFFFE000  }
0xa2: {  	[tilespmem:s26], [sflag:$0x3] =	stream.indirect.gather [hbm4b:s1+s23], $0x80, s9, s23, $0xb8;
	[tilespmem:$0x1DC00] =	vst v63  }
0xa3: {  	_ =	swait.ge [sflag:s0], $0x2000  }
0xa4: {  	[sflag:s0] =	ssyncset.done $0x0  }
0xa5: {  	s9 =	sor.u32 $0x1380, s8;
	[sflag:s0] =	ssyncadd.s32 $0xFFFFE000  }
0xa6: {  	[spmem:s2] =	stream.indirect.scatter.add.f32 [tilespmem:s28], [sflag:$0x6], $0x80, s9, s23, $0xb8;
	[tilespmem:$0x1DC00] =	vst v63  }
0xa7: {  	_ =	swait.ge [sflag:s21], $0x2000  }
0xa8: {  	[sflag:s21] =	ssyncset.done $0x0  }
0xa9: {  	s9 =	sor.u32 $0x580, s8;
	[sflag:s21] =	ssyncadd.s32 $0xFFFFE000  }
0xaa: {  	[tilespmem:s28], [sflag:$0x4] =	stream.indirect.gather [hbm4b:s1+s23], $0x80, s9, s23, $0xb8;
	[tilespmem:$0x1DC00] =	vst v63  }
0xab: {  	_ =	swait.ge [sflag:s29], $0x2000  }
0xac: {  	[sflag:s29] =	ssyncset.done $0x0  }
0xad: {  	s9 =	sor.u32 $0x1400, s8;
	[sflag:s29] =	ssyncadd.s32 $0xFFFFE000  }
0xae: {  	[spmem:s2] =	stream.indirect.scatter.add.f32 [tilespmem:s20], [sflag:$0x6], $0x80, s9, s23, $0xb8;
	[tilespmem:$0x1DC00] =	vst v63  }
0xaf: {  	_ =	swait.ge [sflag:s21], $0x2000  }
0xb0: {  	[sflag:s21] =	ssyncset.done $0x0  }
0xb1: {  	s9 =	sor.u32 $0x600, s8;
	[sflag:s21] =	ssyncadd.s32 $0xFFFFE000  }
0xb2: {  	[tilespmem:s20], [sflag:$0x1] =	stream.indirect.gather [hbm4b:s1+s23], $0x80, s9, s23, $0xb8;
	[tilespmem:$0x1DC00] =	vst v63  }
0xb3: {  	_ =	swait.ge [sflag:s30], $0x2000  }
0xb4: {  	[sflag:s30] =	ssyncset.done $0x0  }
0xb5: {  	s9 =	sor.u32 $0x1480, s8;
	[sflag:s30] =	ssyncadd.s32 $0xFFFFE000  }
0xb6: {  	[spmem:s2] =	stream.indirect.scatter.add.f32 [tilespmem:s25], [sflag:$0x6], $0x80, s9, s23, $0xb8;
	[tilespmem:$0x1DC00] =	vst v63  }
0xb7: {  	_ =	swait.ge [sflag:s21], $0x2000  }
0xb8: {  	[sflag:s21] =	ssyncset.done $0x0  }
0xb9: {  	s9 =	sor.u32 $0x680, s8;
	[sflag:s21] =	ssyncadd.s32 $0xFFFFE000  }
0xba: {  	[tilespmem:s25], [sflag:$0x2] =	stream.indirect.gather [hbm4b:s1+s23], $0x80, s9, s23, $0xb8;
	[tilespmem:$0x1DC00] =	vst v63  }
0xbb: {  	_ =	swait.ge [sflag:s31], $0x2000  }
0xbc: {  	[sflag:s31] =	ssyncset.done $0x0  }
0xbd: {  	s9 =	sor.u32 $0x1500, s8;
	[sflag:s31] =	ssyncadd.s32 $0xFFFFE000  }
0xbe: {  	[spmem:s2] =	stream.indirect.scatter.add.f32 [tilespmem:s26], [sflag:$0x6], $0x80, s9, s23, $0xb8;
	[tilespmem:$0x1DC00] =	vst v63  }
0xbf: {  	_ =	swait.ge [sflag:s21], $0x2000  }
0xc0: {  	[sflag:s21] =	ssyncset.done $0x0  }
0xc1: {  	s9 =	sor.u32 $0x700, s8;
	[sflag:s21] =	ssyncadd.s32 $0xFFFFE000  }
0xc2: {  	[tilespmem:s26], [sflag:$0x3] =	stream.indirect.gather [hbm4b:s1+s23], $0x80, s9, s23, $0xb8;
	[tilespmem:$0x1DC00] =	vst v63  }
0xc3: {  	_ =	swait.ge [sflag:s0], $0x2000  }
0xc4: {  	[sflag:s0] =	ssyncset.done $0x0  }
0xc5: {  	s9 =	sor.u32 $0x1580, s8;
	[sflag:s0] =	ssyncadd.s32 $0xFFFFE000  }
0xc6: {  	[spmem:s2] =	stream.indirect.scatter.add.f32 [tilespmem:s28], [sflag:$0x6], $0x80, s9, s23, $0xb8;
	[tilespmem:$0x1DC00] =	vst v63  }
0xc7: {  	_ =	swait.ge [sflag:s21], $0x2000  }
0xc8: {  	[sflag:s21] =	ssyncset.done $0x0  }
0xc9: {  	s9 =	sor.u32 $0x780, s8;
	[sflag:s21] =	ssyncadd.s32 $0xFFFFE000  }
0xca: {  	[tilespmem:s28], [sflag:$0x4] =	stream.indirect.gather [hbm4b:s1+s23], $0x80, s9, s23, $0xb8;
	[tilespmem:$0x1DC00] =	vst v63  }
0xcb: {  	_ =	swait.ge [sflag:s29], $0x2000  }
0xcc: {  	[sflag:s29] =	ssyncset.done $0x0  }
0xcd: {  	s9 =	sor.u32 $0x1600, s8;
	[sflag:s29] =	ssyncadd.s32 $0xFFFFE000  }
0xce: {  	[spmem:s2] =	stream.indirect.scatter.add.f32 [tilespmem:s20], [sflag:$0x6], $0x80, s9, s23, $0xb8;
	[tilespmem:$0x1DC00] =	vst v63  }
0xcf: {  	_ =	swait.ge [sflag:s21], $0x2000  }
0xd0: {  	[sflag:s21] =	ssyncset.done $0x0  }
0xd1: {  	[sflag:s21] =	ssyncadd.s32 $0xFFFFE000  }
0xd2: {  	_ =	swait.ge [sflag:s30], $0x2000  }
0xd3: {  	[sflag:s30] =	ssyncset.done $0x0  }
0xd4: {  	s9 =	sor.u32 $0x1680, s8;
	[sflag:s30] =	ssyncadd.s32 $0xFFFFE000  }
0xd5: {  	[spmem:s2] =	stream.indirect.scatter.add.f32 [tilespmem:s25], [sflag:$0x6], $0x80, s9, s23, $0xb8;
	[tilespmem:$0x1DC00] =	vst v63  }
0xd6: {  	_ =	swait.ge [sflag:s21], $0x2000  }
0xd7: {  	[sflag:s21] =	ssyncset.done $0x0  }
0xd8: {  	[sflag:s21] =	ssyncadd.s32 $0xFFFFE000  }
0xd9: {  	_ =	swait.ge [sflag:s31], $0x2000  }
0xda: {  	[sflag:s31] =	ssyncset.done $0x0  }
0xdb: {  	s9 =	sor.u32 $0x1700, s8;
	[sflag:s31] =	ssyncadd.s32 $0xFFFFE000  }
0xdc: {  	[spmem:s2] =	stream.indirect.scatter.add.f32 [tilespmem:s26], [sflag:$0x6], $0x80, s9, s23, $0xb8;
	[tilespmem:$0x1DC00] =	vst v63  }
0xdd: {  	_ =	swait.ge [sflag:s21], $0x2000  }
0xde: {  	[sflag:s21] =	ssyncset.done $0x0  }
0xdf: {  	[sflag:s21] =	ssyncadd.s32 $0xFFFFE000  }
0xe0: {  	s4 =	sadd.s32 $0x800, s4;
	_ =	swait.ge [sflag:s0], $0x2000  }
0xe1: {  	p0 =	sne.s32 s4, $0x5800;
	[sflag:s0] =	ssyncset.done $0x0  }
.Ltmp1:
0xe2: {  	s8 =	sor.u32 $0x1780, s8;
	[sflag:s0] =	ssyncadd.s32 $0xFFFFE000;
	(pc) =	sbr.rel @p0 .LBB2_4-.Ltmp1, $4  }
0xe3: {  	[spmem:s2] =	stream.indirect.scatter.add.f32 [tilespmem:s28], [sflag:$0x6], $0x80, s8, s23, $0xb8;
	[tilespmem:$0x1DC00] =	vst v63  }
0xe4: {  	_ =	swait.ge [sflag:s21], $0x2000  }
0xe5: {  	[sflag:s21] =	ssyncset.done $0x0  }
0xe6: {  	s19 =	sadd.s32 $0x100, s19;
	s18 =	sadd.s32 $0x100, s18;
	[sflag:s21] =	ssyncadd.s32 $0xFFFFE000  }
0xe7: {  	s4 =	stileid.u32;
	s22 =	sadd.s32 $0x1, s22  }
0xe8: {  	[bflag:$0x0] =	sbarrier.arrive $0xFFFF;
	s4 =	sshll.u32 s4, $0x6;
	p0 =	sne.s32 s22, s17  }
.Ltmp2:
0xe9: {  	s8 =	sshrl.u32 s5, $0x3;
	s4 =	sor.u32 $0x1C06, s4;
	(pc) =	sbr.rel @p0 .LBB2_1-.Ltmp2, $4  }
0xea: {  	[hbm:s24], [sflag:s4] =	dma.local [spmem:s8], $0x2780  }
0xeb: {  	_ =	swait.ge [sflag:s21], $0x2780  }
0xec: {  	[sflag:s21] =	ssyncset.done $0x0  }
0xed: {  	[sflag:s21] =	ssyncadd.s32 $0xFFFFD880  }
0xee: {  	_ =	sfence.sel $0x180000  }
0xef: {  	[bflag:$0x0] =	sbarrier.arrive $0xFFFF  }
0xf0: {  	_ =	strace $0x90000047  }
0xf1: {  	s0 =	stileid.u32;
	[bflag:$0x2] =	sbarrier.arrive $0xFFFF  }
0xf2: {  	p0 =	sne.s32 s0, $0x0;
	s0 =	rddreg [dreg:$0x3]  }
0xf3: {  	s0 =	sadd.s32 @!p0 $0x100000, s0  }
0xf4: {  	[sflag:s0] =	ssyncadd.tile.s32 @!p0 $0x1;
	_ =	shalt  }
.Lfunc_end2:
_tile_overlayer_lowered:
.L_overlay_start_2:
0xf5: {  	(tag) =	ssettag $0x2  }
0xf6: {  	s0 =	rddreg [dreg:$0x0];
	s2 =	stileid.u32  }
0xf7: {  	s1 =	rddreg [dreg:$0x1];
	p0 =	sne.s32 s2, $0x0  }
0xf8: {  	s3 =	rddreg [dreg:$0x2];
	[bflag:$0x3] =	sbarrier.arrive $0xFFFF;
	s2 =	simm.s32 @!p0 $0x1C06  }
0xf9: {  	[timem:s3], [sflag:s2] =	dma.local @!p0 [hbm:s0], s1  }
0xfa: {  	s0 =	simm.s32 @!p0 $0x6  }
0xfb: {  	_ =	swait.ge @!p0 [sflag:s0], s1  }
0xfc: {  	s1 =	ssub.s32 @!p0 $0x0, s1;
	[sflag:s0] =	ssyncset.done @!p0 $0x0  }
0xfd: {  	[sflag:s0] =	ssyncadd.s32 @!p0 s1  }
0xfe: {  	[bflag:$0x3] =	sbarrier.arrive $0xFFFF  }
0xff: {  	_ =	shalt  }

</sc_bundles>
